<compile_context>
chip_gen: v7x
topology: tpu7x:2x2x1
jax: 0.10.2.dev20260603
libtpu: 0.0.44.dev20260713+nightly
codegen_flags: <defaults>
</compile_context>

<pallas_src>
import functools

import jax
import jax.numpy as jnp
from jax import lax
from jax.experimental import pallas as pl
from jax.experimental.pallas import tpu as pltpu
from jax.experimental.pallas import tpu_sc as plsc

NC = 2
NS = 16
LANES = 16



def _tc_body(pred_ref, target_ref, s_ref, e_ref, out_ref, *, X, D, G):
    p = pred_ref[0]
    t = target_ref[0]
    d = p - t
    err = d * d
    ones_d = jnp.ones((D, 1), jnp.float32)
    tok = jax.lax.dot_general(
        err, ones_d, (((1,), (0,)), ((), ())),
        preferred_element_type=jnp.float32,
        precision=jax.lax.Precision.HIGHEST) * (1.0 / D)

    s = s_ref[0]
    e = e_ref[0]
    n_iota = jax.lax.broadcasted_iota(jnp.int32, (G, X), 1)
    mask = ((n_iota >= s) & (n_iota < e)).astype(jnp.float32)
    gsum = jax.lax.dot_general(
        mask, tok, (((1,), (0,)), ((), ())),
        preferred_element_type=jnp.float32,
        precision=jax.lax.Precision.HIGHEST)
    out_ref[0] = gsum



def _sc_main(pred_hbm, target_hbm, idx_hbm, out_hbm,
             pbuf0, pbuf1, tbuf0, tbuf1, idx_v, bcnt_v, gmap_v, gsum_v,
             row2_v, out_v, bst_v, shared_gsum,
             sp0, sp1, st0, st1,
             *, B, N, D, G, X, TOK, CH, NCH):
    c = lax.axis_index("c")
    s = lax.axis_index("s")
    wid = c * NS + s
    b = wid // 2
    pos_base = X + (wid % 2) * TOK
    lanes = lax.iota(jnp.int32, LANES)
    zero16i = jnp.zeros((LANES,), jnp.int32)
    zero16f = jnp.zeros((LANES,), jnp.float32)

    CHW = CH * D

    def _issue(ch, pb, tb, sp, st):
        off = (b * N + pos_base + ch * CH) * D
        pltpu.async_copy(pred_hbm.at[pl.ds(off, CHW)], pb, sp)
        pltpu.async_copy(target_hbm.at[pl.ds(off, CHW)], tb, st)

    _issue(0, pbuf0, tbuf0, sp0, st0)
    _issue(1, pbuf1, tbuf1, sp1, st1)

    pltpu.sync_copy(idx_hbm.at[b], idx_v)

    def _zb(i, carry):
        bcnt_v[pl.ds(i * LANES, LANES)] = zero16i
        return carry
    lax.fori_loop(0, TOK // LANES, _zb, 0)

    ones16i = jnp.ones((LANES,), jnp.int32)
    for v in range((G + LANES) // LANES):
        j = v * LANES + lanes
        bv = idx_v[pl.ds(v * LANES, LANES)]
        rel = bv - pos_base
        valid = (j <= G) & (rel < TOK)
        tgt = jnp.maximum(rel, 0)
        plsc.addupdate_scatter(bcnt_v, [tgt], ones16i, mask=valid)

    def _cs(i, carry):
        x = bcnt_v[pl.ds(i * LANES, LANES)]
        cs = plsc.cumsum(x) + carry
        g = cs - 1
        g = jnp.where((g >= 0) & (g < G), g, 127)
        gmap_v[pl.ds(i * LANES, LANES)] = g
        return carry + jnp.sum(x)
    lax.fori_loop(0, TOK // LANES, _cs, jnp.int32(0))

    for k in range(128 // LANES):
        gsum_v[pl.ds(k * LANES, LANES)] = zero16f

    def _wait(pb, tb, sp, st):
        pltpu.make_async_copy(pred_hbm.at[pl.ds(0, CHW)], pb, sp).wait()
        pltpu.make_async_copy(target_hbm.at[pl.ds(0, CHW)], tb, st).wait()

    shuf_dn = lax.GatherDimensionNumbers(
        offset_dims=(), collapsed_slice_dims=(0,), start_index_map=(0,))

    def _shuf(v, idx):
        return lax.gather(v, idx[:, None], shuf_dn, slice_sizes=(1,),
                          mode=lax.GatherScatterMode.PROMISE_IN_BOUNDS)

    xor_idx = {o: lanes ^ o for o in (8, 4, 2, 1)}
    xor_msk = {o: (lanes & o) == 0 for o in (8, 4, 2, 1)}
    pi_vec = (((lanes & 1) << 3) | ((lanes & 2) << 1) |
              ((lanes & 4) >> 1) | ((lanes & 8) >> 3))

    def _combine(x, y, o):
        return jnp.where(xor_msk[o],
                         x + _shuf(x, xor_idx[o]),
                         y + _shuf(y, xor_idx[o]))

    def _fold(pb, tb, off):
        sqs = []
        for v in range(D // LANES):
            pv = pb[pl.ds(off + v * LANES, LANES)]
            tv = tb[pl.ds(off + v * LANES, LANES)]
            dv = pv - tv
            sqs.append(dv * dv)
        while len(sqs) > 1:
            sqs = [sqs[2 * k] + sqs[2 * k + 1] for k in range(len(sqs) // 2)]
        return sqs[0]

    def _compute(pb, tb, ch):
        def _tg(tg, carry):
            for j in range(LANES // 2):
                off = (tg * LANES + 2 * j) * D
                a0 = _fold(pb, tb, off)
                a1 = _fold(pb, tb, off + D)
                bst_v[pl.ds(j * LANES, LANES)] = _combine(a0, a1, 8)
            bs_ = [bst_v[pl.ds(j * LANES, LANES)] for j in range(LANES // 2)]
            cs_ = [_combine(bs_[2 * k], bs_[2 * k + 1], 4) for k in range(4)]
            ds_ = [_combine(cs_[2 * k], cs_[2 * k + 1], 2) for k in range(2)]
            te = _combine(ds_[0], ds_[1], 1)
            g = gmap_v[pl.ds(ch * CH + tg * LANES, LANES)]
            gp = _shuf(g, pi_vec)
            plsc.addupdate_scatter(gsum_v, [gp], te)
            return carry
        lax.fori_loop(0, CH // LANES, _tg, 0)

    def _pair(i, carry):
        ch0 = 2 * i
        _wait(pbuf0, tbuf0, sp0, st0)
        _compute(pbuf0, tbuf0, ch0)

        @pl.when(ch0 + 2 < NCH)
        def _():
            _issue(ch0 + 2, pbuf0, tbuf0, sp0, st0)

        _wait(pbuf1, tbuf1, sp1, st1)
        _compute(pbuf1, tbuf1, ch0 + 1)

        @pl.when(ch0 + 3 < NCH)
        def _():
            _issue(ch0 + 3, pbuf1, tbuf1, sp1, st1)
        return carry
    lax.fori_loop(0, NCH // 2, _pair, 0)

    pltpu.sync_copy(gsum_v, shared_gsum.at[pl.ds(s * 128, 128)])
    plsc.subcore_barrier()

    @pl.when(s < NS // 2)
    def _():
        bg = c * (NS // 2) + s
        pltpu.sync_copy(shared_gsum.at[pl.ds((2 * s) * 128, 256)], row2_v)
        for j in range(G // LANES):
            out_v[pl.ds(j * LANES, LANES)] = (
                row2_v[pl.ds(j * LANES, LANES)]
                + row2_v[pl.ds(128 + j * LANES, LANES)])
        pltpu.sync_copy(out_v, out_hbm.at[bg])



def _route_body(tcg_ref, scg_ref, s_ref, e_ref, it_ref, out_ref, *, D, T):
    tc_g = tcg_ref[...]
    sc_g = scg_ref[...]
    s = s_ref[...]
    e = e_ref[...]
    cnt = (e - s).astype(jnp.float32)
    ge = (tc_g + sc_g * (1.0 / D)) / jnp.maximum(cnt, 1.0)

    it = it_ref[...]
    maxv = jnp.max(it, axis=1, keepdims=True)
    colidx = jax.lax.broadcasted_iota(jnp.int32, it.shape, 1)
    am = jnp.min(jnp.where(it == maxv, colidx, T), axis=1, keepdims=True)
    onehot = (colidx == am).astype(jnp.float32)

    tsum = jnp.sum(onehot * ge, axis=0, keepdims=True)
    tcnt = jnp.sum(onehot, axis=0, keepdims=True)
    out_ref[...] = jnp.where(tcnt > 0, tsum / jnp.maximum(tcnt, 1.0), 0.0)


def kernel(pred, target, indices, indices_type, type_names):
    B, N, D = pred.shape
    G = indices.shape[1] - 1
    T = indices_type.shape[2]
    X = 1536
    TOK = (N - X) // 2
    CH = 128
    NCH = TOK // CH

    starts = indices[:, :-1]
    ends = indices[:, 1:]

    tc_gsum = pl.pallas_call(
        functools.partial(_tc_body, X=X, D=D, G=G),
        grid=(B,),
        in_specs=[
            pl.BlockSpec((1, X, D), lambda b: (b, 0, 0)),
            pl.BlockSpec((1, X, D), lambda b: (b, 0, 0)),
            pl.BlockSpec((1, G, 1), lambda b: (b, 0, 0)),
            pl.BlockSpec((1, G, 1), lambda b: (b, 0, 0)),
        ],
        out_specs=pl.BlockSpec((1, G, 1), lambda b: (b, 0, 0)),
        out_shape=jax.ShapeDtypeStruct((B, G, 1), jnp.float32),
    )(pred, target, starts[:, :, None], ends[:, :, None])

    pred1 = pred.reshape(B * N * D)
    target1 = target.reshape(B * N * D)
    idx_pad = jnp.pad(indices, ((0, 0), (0, 128 - (G + 1))))

    mesh = plsc.VectorSubcoreMesh(core_axis_name="c", subcore_axis_name="s")
    params = pltpu.CompilerParams(needs_layout_passes=False)
    sc_gsum = functools.partial(
        pl.kernel,
        out_type=jax.ShapeDtypeStruct((B, G), jnp.float32),
        mesh=mesh,
        compiler_params=params,
        scratch_types=[
            pltpu.VMEM((CH * D,), jnp.float32),
            pltpu.VMEM((CH * D,), jnp.float32),
            pltpu.VMEM((CH * D,), jnp.float32),
            pltpu.VMEM((CH * D,), jnp.float32),
            pltpu.VMEM((128,), jnp.int32),
            pltpu.VMEM((TOK,), jnp.int32),
            pltpu.VMEM((TOK,), jnp.int32),
            pltpu.VMEM((128,), jnp.float32),
            pltpu.VMEM((256,), jnp.float32),
            pltpu.VMEM((G,), jnp.float32),
            pltpu.VMEM((128,), jnp.float32),
            pltpu.VMEM_SHARED((NS * 128,), jnp.float32),
            pltpu.SemaphoreType.DMA,
            pltpu.SemaphoreType.DMA,
            pltpu.SemaphoreType.DMA,
            pltpu.SemaphoreType.DMA,
        ],
    )(functools.partial(_sc_main, B=B, N=N, D=D, G=G,
                        X=X, TOK=TOK, CH=CH, NCH=NCH))(
        pred1, target1, idx_pad)

    BG = B * G
    out = pl.pallas_call(
        functools.partial(_route_body, D=D, T=T),
        in_specs=[
            pl.BlockSpec((BG, 1), lambda: (0, 0)),
            pl.BlockSpec((BG, 1), lambda: (0, 0)),
            pl.BlockSpec((BG, 1), lambda: (0, 0)),
            pl.BlockSpec((BG, 1), lambda: (0, 0)),
            pl.BlockSpec((BG, T), lambda: (0, 0)),
        ],
        out_specs=pl.BlockSpec((1, T), lambda: (0, 0)),
        out_shape=jax.ShapeDtypeStruct((1, T), jnp.float32),
    )(tc_gsum.reshape(BG, 1), sc_gsum.reshape(BG, 1),
      starts.reshape(BG, 1), ends.reshape(BG, 1),
      indices_type.reshape(BG, T))
    return out.reshape(T)

# --- scband reference (transcript-rebuilt; emitter-appended) ---
"""Pipeline reference for scband-mseaccuracy-41721312313864 (READ-ONLY COPY).

The authoritative reference and input builder live on the scoring server;
editing this copy changes nothing except your own understanding.
"""

import jax, jax.numpy as jnp
import numpy as np


def setup_inputs(seed: int = 0) -> dict:
    key = jax.random.key(seed)
    k1, k2, k3 = jax.random.split(key, 3)
    B, N, D = 16, 4096, 128
    G = 64
    T = 16
    pred = jax.random.normal(k1, (B, N, D), dtype=jnp.float32)
    target = jax.random.normal(k2, (B, N, D), dtype=jnp.float32)
    # arange fill reshaped to [B, G+1]: sorted, in-range boundary indices per sample
    indices = jnp.arange(B * (G + 1), dtype=jnp.int32).reshape(B, G + 1)
    indices_type = jax.random.normal(k3, (B, G, T), dtype=jnp.float32)
    type_names = jnp.arange(T, dtype=jnp.int32)
    return {"pred": pred, "target": target, "indices": indices, "indices_type": indices_type, "type_names": type_names}


def reference(pred, target, indices, indices_type, type_names):
    # accuracy_mse with reduction='mean':
    # per-batch elementwise squared error, per-group slice mean via indices,
    # grouped by argmax type, mean over all groups of each type; missing types -> 0.
    B, N, D = pred.shape
    err = (pred - target) ** 2                      # [B, N, D]
    tok_err = jnp.mean(err, axis=-1)                # [B, N] (mean over slice == mean of per-token means)
    csum = jnp.concatenate([jnp.zeros((B, 1), dtype=tok_err.dtype), jnp.cumsum(tok_err, axis=1)], axis=1)  # [B, N+1]
    starts = indices[:, :-1]                        # [B, G]
    ends = indices[:, 1:]                           # [B, G]
    gsum = jnp.take_along_axis(csum, ends, axis=1) - jnp.take_along_axis(csum, starts, axis=1)  # [B, G]
    cnt = (ends - starts).astype(tok_err.dtype)
    g_err = gsum / jnp.maximum(cnt, 1.0)            # segment means, [B, G]
    types = jnp.argmax(indices_type, axis=-1).reshape(-1)  # [B*G]
    g_flat = g_err.reshape(-1)
    T = type_names.shape[0]
    tsum = jax.ops.segment_sum(g_flat, types, num_segments=T)
    tcnt = jax.ops.segment_sum(jnp.ones_like(g_flat), types, num_segments=T)
    per_type = jnp.where(tcnt > 0, tsum / jnp.maximum(tcnt, 1.0), 0.0)  # [T], zeros for absent types
    return per_type

if __name__ == "__main__":
    import jax
    _d = setup_inputs()
    print(jax.jit(kernel)(*tuple(_d.values())))

</pallas_src>

<mosaic_0001>
#map = affine_map<(d0, d1) -> (0)>
#map1 = affine_map<(d0, d1) -> (0, 0)>
module attributes {stable_mosaic.version = 14 : i64} {
  func.func @_sc_main(%arg0: i32, %arg1: i32, %arg2: memref<8388608xf32, #tpu.memory_space<hbm>>, %arg3: memref<8388608xf32, #tpu.memory_space<hbm>>, %arg4: memref<16x128xi32, #tpu.memory_space<hbm>>, %arg5: memref<16x64xf32, #tpu.memory_space<hbm>>, %arg6: memref<16384xf32, #tpu.memory_space<vmem>>, %arg7: memref<16384xf32, #tpu.memory_space<vmem>>, %arg8: memref<16384xf32, #tpu.memory_space<vmem>>, %arg9: memref<16384xf32, #tpu.memory_space<vmem>>, %arg10: memref<128xi32, #tpu.memory_space<vmem>>, %arg11: memref<1280xi32, #tpu.memory_space<vmem>>, %arg12: memref<1280xi32, #tpu.memory_space<vmem>>, %arg13: memref<128xf32, #tpu.memory_space<vmem>>, %arg14: memref<256xf32, #tpu.memory_space<vmem>>, %arg15: memref<64xf32, #tpu.memory_space<vmem>>, %arg16: memref<128xf32, #tpu.memory_space<vmem>>, %arg17: memref<2048xf32, #tpu.memory_space<vmem_shared>>, %arg18: memref<!tpu.dma_semaphore, #tpu.memory_space<semaphore_mem>>, %arg19: memref<!tpu.dma_semaphore, #tpu.memory_space<semaphore_mem>>, %arg20: memref<!tpu.dma_semaphore, #tpu.memory_space<semaphore_mem>>, %arg21: memref<!tpu.dma_semaphore, #tpu.memory_space<semaphore_mem>>) attributes {dimension_semantics = [#tpu.dimension_semantics<core_parallel>, #tpu.dimension_semantics<subcore_parallel>], iteration_bounds = array<i64: 2, 16>, scalar_prefetch = 0 : i64, scratch_operands = 16 : i64, tpu.core_type = #tpu.core_type<sc_vector_subcore>, window_params = [{transform_indices = #map}, {transform_indices = #map}, {transform_indices = #map1}, {transform_indices = #map1}]} {
    %mul3A = arith.constant 16 : i32
    %mul3A_0 = arith.muli %arg0, %mul3A : i32
    %add3A = arith.addi %mul3A_0, %arg1 : i32
    %jit3A = arith.constant 2 : i32
    %div3A = arith.divsi %add3A, %jit3A : i32
    %sign3A = arith.constant 0 : i32
    %sign3A_1 = arith.cmpi sgt, %add3A, %sign3A : i32
    %sign3A_2 = arith.extui %sign3A_1 : i1 to i32
    %sign3A_3 = arith.constant 0 : i32
    %sign3A_4 = arith.cmpi slt, %add3A, %sign3A_3 : i32
    %sign3A_5 = arith.extui %sign3A_4 : i1 to i32
    %sign3A_6 = arith.subi %sign3A_2, %sign3A_5 : i32
    %sign3A_7 = arith.constant 0 : i32
    %sign3A_8 = arith.cmpi sgt, %jit3A, %sign3A_7 : i32
    %sign3A_9 = arith.extui %sign3A_8 : i1 to i32
    %sign3A_10 = arith.constant 0 : i32
    %sign3A_11 = arith.cmpi slt, %jit3A, %sign3A_10 : i32
    %sign3A_12 = arith.extui %sign3A_11 : i1 to i32
    %sign3A_13 = arith.subi %sign3A_9, %sign3A_12 : i32
    %ne3A = arith.cmpi ne, %sign3A_6, %sign3A_13 : i32
    %rem3A = arith.remsi %add3A, %jit3A : i32
    %ne3A_14 = arith.constant 0 : i32
    %ne3A_15 = arith.cmpi ne, %rem3A, %ne3A_14 : i32
    %and3A = arith.andi %ne3A, %ne3A_15 : i1
    %sub3A = arith.constant 1 : i32
    %sub3A_16 = arith.subi %div3A, %sub3A : i32
    %select_n3A = arith.select %and3A, %sub3A_16, %div3A : i32
    %jit3A_17 = arith.constant 2 : i32
    %eq3A = arith.constant 0 : i32
    %eq3A_18 = arith.cmpi eq, %jit3A_17, %eq3A : i32
    %jit3A_19 = arith.constant 1 : i32
    %select_n3A_20 = arith.select %eq3A_18, %jit3A_19, %jit3A_17 : i32
    %rem3A_21 = arith.remsi %add3A, %select_n3A_20 : i32
    %ne3A_22 = arith.constant 0 : i32
    %ne3A_23 = arith.cmpi ne, %rem3A_21, %ne3A_22 : i32
    %lt3A = arith.constant 0 : i32
    %lt3A_24 = arith.cmpi slt, %rem3A_21, %lt3A : i32
    %lt3A_25 = arith.constant 0 : i32
    %lt3A_26 = arith.cmpi slt, %select_n3A_20, %lt3A_25 : i32
    %ne3A_27 = arith.xori %lt3A_24, %lt3A_26 : i1
    %and3A_28 = arith.andi %ne3A_27, %ne3A_23 : i1
    %add3A_29 = arith.addi %rem3A_21, %select_n3A_20 : i32
    %select_n3A_30 = arith.select %and3A_28, %add3A_29, %rem3A_21 : i32
    %mul3A_31 = arith.constant 1280 : i32
    %mul3A_32 = arith.muli %select_n3A_30, %mul3A_31 : i32
    %add3A_33 = arith.constant 1536 : i32
    %add3A_34 = arith.addi %add3A_33, %mul3A_32 : i32
    %iota3A = tpu.iota {dimensions = array<i32: 0>} : vector<16xi32>
    %broadcast_in_dim3A = arith.constant 0 : i32
    %broadcast_in_dim3A_35 = vector.broadcast %broadcast_in_dim3A : i32 to vector<16xi32>
    %broadcast_in_dim3A_36 = arith.constant 0.000000e+00 : f32
    %broadcast_in_dim3A_37 = vector.broadcast %broadcast_in_dim3A_36 : f32 to vector<16xf32>
    %mul3A_38 = arith.constant 4096 : i32
    %mul3A_39 = arith.muli %select_n3A, %mul3A_38 : i32
    %add3A_40 = arith.addi %mul3A_39, %add3A_34 : i32
    %add3A_41 = arith.constant 0 : i32
    %add3A_42 = arith.addi %add3A_40, %add3A_41 : i32
    %mul3A_43 = arith.constant 128 : i32
    %mul3A_44 = arith.muli %add3A_42, %mul3A_43 : i32
    %dma_start3A = tpu.memref_slice %arg2[%mul3A_44] : memref<8388608xf32, #tpu.memory_space<hbm>> -> memref<16384xf32, #tpu.memory_space<hbm>>
    %dma_start3A_45 = tpu.memref_slice %arg2[%mul3A_44] : memref<8388608xf32, #tpu.memory_space<hbm>> -> memref<16384xf32, #tpu.memory_space<hbm>>
    tpu.enqueue_dma source(%dma_start3A_45 : memref<16384xf32, #tpu.memory_space<hbm>>) target(%arg6 : memref<16384xf32, #tpu.memory_space<vmem>>) target_semaphore(%arg18 : memref<!tpu.dma_semaphore, #tpu.memory_space<semaphore_mem>>)
    %dma_start3A_46 = tpu.memref_slice %arg3[%mul3A_44] : memref<8388608xf32, #tpu.memory_space<hbm>> -> memref<16384xf32, #tpu.memory_space<hbm>>
    %dma_start3A_47 = tpu.memref_slice %arg3[%mul3A_44] : memref<8388608xf32, #tpu.memory_space<hbm>> -> memref<16384xf32, #tpu.memory_space<hbm>>
    tpu.enqueue_dma source(%dma_start3A_47 : memref<16384xf32, #tpu.memory_space<hbm>>) target(%arg8 : memref<16384xf32, #tpu.memory_space<vmem>>) target_semaphore(%arg20 : memref<!tpu.dma_semaphore, #tpu.memory_space<semaphore_mem>>)
    %mul3A_48 = arith.constant 4096 : i32
    %mul3A_49 = arith.muli %select_n3A, %mul3A_48 : i32
    %add3A_50 = arith.addi %mul3A_49, %add3A_34 : i32
    %add3A_51 = arith.constant 128 : i32
    %add3A_52 = arith.addi %add3A_50, %add3A_51 : i32
    %mul3A_53 = arith.constant 128 : i32
    %mul3A_54 = arith.muli %add3A_52, %mul3A_53 : i32
    %dma_start3A_55 = tpu.memref_slice %arg2[%mul3A_54] : memref<8388608xf32, #tpu.memory_space<hbm>> -> memref<16384xf32, #tpu.memory_space<hbm>>
    %dma_start3A_56 = tpu.memref_slice %arg2[%mul3A_54] : memref<8388608xf32, #tpu.memory_space<hbm>> -> memref<16384xf32, #tpu.memory_space<hbm>>
    tpu.enqueue_dma source(%dma_start3A_56 : memref<16384xf32, #tpu.memory_space<hbm>>) target(%arg7 : memref<16384xf32, #tpu.memory_space<vmem>>) target_semaphore(%arg19 : memref<!tpu.dma_semaphore, #tpu.memory_space<semaphore_mem>>)
    %dma_start3A_57 = tpu.memref_slice %arg3[%mul3A_54] : memref<8388608xf32, #tpu.memory_space<hbm>> -> memref<16384xf32, #tpu.memory_space<hbm>>
    %dma_start3A_58 = tpu.memref_slice %arg3[%mul3A_54] : memref<8388608xf32, #tpu.memory_space<hbm>> -> memref<16384xf32, #tpu.memory_space<hbm>>
    tpu.enqueue_dma source(%dma_start3A_58 : memref<16384xf32, #tpu.memory_space<hbm>>) target(%arg9 : memref<16384xf32, #tpu.memory_space<vmem>>) target_semaphore(%arg21 : memref<!tpu.dma_semaphore, #tpu.memory_space<semaphore_mem>>)
    "tpu.region"() ({
      %run_scoped3A = tpu.sem_alloc : memref<!tpu.dma_semaphore, #tpu.memory_space<semaphore_mem>>
      %dma_start3A_240 = arith.constant 0 : i32
      %dma_start3A_241 = tpu.memref_slice %arg4[%select_n3A, %dma_start3A_240] : memref<16x128xi32, #tpu.memory_space<hbm>> -> memref<1x128xi32, #tpu.memory_space<hbm>>
      %dma_start3A_242 = tpu.memref_squeeze %dma_start3A_241 : memref<1x128xi32, #tpu.memory_space<hbm>> -> memref<128xi32, #tpu.memory_space<hbm>>
      %dma_start3A_243 = arith.constant 0 : i32
      %dma_start3A_244 = tpu.memref_slice %arg4[%select_n3A, %dma_start3A_243] : memref<16x128xi32, #tpu.memory_space<hbm>> -> memref<1x128xi32, #tpu.memory_space<hbm>>
      %dma_start3A_245 = tpu.memref_squeeze %dma_start3A_244 : memref<1x128xi32, #tpu.memory_space<hbm>> -> memref<128xi32, #tpu.memory_space<hbm>>
      tpu.enqueue_dma source(%dma_start3A_245 : memref<128xi32, #tpu.memory_space<hbm>>) target(%arg10 : memref<128xi32, #tpu.memory_space<vmem>>) target_semaphore(%run_scoped3A : memref<!tpu.dma_semaphore, #tpu.memory_space<semaphore_mem>>)
      %dma_wait3A = arith.constant 0 : i32
      %dma_wait3A_246 = tpu.memref_slice %arg4[%select_n3A, %dma_wait3A] : memref<16x128xi32, #tpu.memory_space<hbm>> -> memref<1x128xi32, #tpu.memory_space<hbm>>
      %dma_wait3A_247 = tpu.memref_squeeze %dma_wait3A_246 : memref<1x128xi32, #tpu.memory_space<hbm>> -> memref<128xi32, #tpu.memory_space<hbm>>
      %dma_wait3A_248 = arith.constant 0 : i32
      %dma_wait3A_249 = tpu.memref_slice %arg4[%select_n3A, %dma_wait3A_248] : memref<16x128xi32, #tpu.memory_space<hbm>> -> memref<1x128xi32, #tpu.memory_space<hbm>>
      %dma_wait3A_250 = tpu.memref_squeeze %dma_wait3A_249 : memref<1x128xi32, #tpu.memory_space<hbm>> -> memref<128xi32, #tpu.memory_space<hbm>>
      tpu.wait_dma2 semaphore(%run_scoped3A : memref<!tpu.dma_semaphore, #tpu.memory_space<semaphore_mem>>) src(%dma_wait3A_250 : memref<128xi32, #tpu.memory_space<hbm>>) dst(%arg10 : memref<128xi32, #tpu.memory_space<vmem>>)
      tpu.yield
    }) : () -> ()
    %scan3A = arith.constant 0 : i32
    %scan3A_59 = arith.constant 0 : i32
    %scan3A_60 = arith.constant 80 : i32
    %scan3A_61 = arith.addi %scan3A_59, %scan3A_60 : i32
    %scan3A_62 = arith.constant 1 : i32
    scf.for %scan3A_240 = %scan3A_59 to %scan3A_61 step %scan3A_62  : i32 {
      %mul3A_241 = arith.constant 16 : i32
      %mul3A_242 = arith.muli %scan3A_240, %mul3A_241 : i32
      %swap3A_243 = arith.index_cast %mul3A_242 : i32 to index
      %swap3A_244 = tpu.vector_load %arg11[%swap3A_243] {strides = array<i32>} : memref<1280xi32, #tpu.memory_space<vmem>>, vector<16xi32>,
      tpu.vector_store %arg11[%swap3A_243], %broadcast_in_dim3A_35 {strides = array<i32>} : memref<1280xi32, #tpu.memory_space<vmem>>, vector<16xi32>,
    }
    %scan3A_63 = arith.constant 80 : i32
    %broadcast_in_dim3A_64 = arith.constant 1 : i32
    %broadcast_in_dim3A_65 = vector.broadcast %broadcast_in_dim3A_64 : i32 to vector<16xi32>
    %add3A_66 = arith.constant 0 : i32
    %add3A_67 = vector.broadcast %add3A_66 : i32 to vector<16xi32>
    %add3A_68 = arith.addi %add3A_67, %iota3A : vector<16xi32>
    %get3A = arith.constant 0 : index
    %get3A_69 = tpu.vector_load %arg10[%get3A] {strides = array<i32>} : memref<128xi32, #tpu.memory_space<vmem>>, vector<16xi32>,
    %sub3A_70 = vector.broadcast %add3A_34 : i32 to vector<16xi32>
    %sub3A_71 = arith.subi %get3A_69, %sub3A_70 : vector<16xi32>
    %le3A = arith.constant 64 : i32
    %le3A_72 = vector.broadcast %le3A : i32 to vector<16xi32>
    %le3A_73 = arith.cmpi sle, %add3A_68, %le3A_72 : vector<16xi32>
    %lt3A_74 = arith.constant 1280 : i32
    %lt3A_75 = vector.broadcast %lt3A_74 : i32 to vector<16xi32>
    %lt3A_76 = arith.cmpi slt, %sub3A_71, %lt3A_75 : vector<16xi32>
    %and3A_77 = arith.andi %le3A_73, %lt3A_76 : vector<16xi1>
    %max3A = arith.constant 0 : i32
    %max3A_78 = vector.broadcast %max3A : i32 to vector<16xi32>
    %max3A_79 = arith.maxsi %sub3A_71, %max3A_78 : vector<16xi32>
    tpu.vector_store_idx %arg11[%max3A_79], %broadcast_in_dim3A_65 masked %and3A_77 {add = true} : memref<1280xi32, #tpu.memory_space<vmem>>[vector<16xi32>], vector<16xi32>, vector<16xi1>
    %add3A_80 = arith.constant 16 : i32
    %add3A_81 = vector.broadcast %add3A_80 : i32 to vector<16xi32>
    %add3A_82 = arith.addi %add3A_81, %iota3A : vector<16xi32>
    %get3A_83 = arith.constant 16 : index
    %get3A_84 = tpu.vector_load %arg10[%get3A_83] {strides = array<i32>} : memref<128xi32, #tpu.memory_space<vmem>>, vector<16xi32>,
    %sub3A_85 = vector.broadcast %add3A_34 : i32 to vector<16xi32>
    %sub3A_86 = arith.subi %get3A_84, %sub3A_85 : vector<16xi32>
    %le3A_87 = arith.constant 64 : i32
    %le3A_88 = vector.broadcast %le3A_87 : i32 to vector<16xi32>
    %le3A_89 = arith.cmpi sle, %add3A_82, %le3A_88 : vector<16xi32>
    %lt3A_90 = arith.constant 1280 : i32
    %lt3A_91 = vector.broadcast %lt3A_90 : i32 to vector<16xi32>
    %lt3A_92 = arith.cmpi slt, %sub3A_86, %lt3A_91 : vector<16xi32>
    %and3A_93 = arith.andi %le3A_89, %lt3A_92 : vector<16xi1>
    %max3A_94 = arith.constant 0 : i32
    %max3A_95 = vector.broadcast %max3A_94 : i32 to vector<16xi32>
    %max3A_96 = arith.maxsi %sub3A_86, %max3A_95 : vector<16xi32>
    tpu.vector_store_idx %arg11[%max3A_96], %broadcast_in_dim3A_65 masked %and3A_93 {add = true} : memref<1280xi32, #tpu.memory_space<vmem>>[vector<16xi32>], vector<16xi32>, vector<16xi1>
    %add3A_97 = arith.constant 32 : i32
    %add3A_98 = vector.broadcast %add3A_97 : i32 to vector<16xi32>
    %add3A_99 = arith.addi %add3A_98, %iota3A : vector<16xi32>
    %get3A_100 = arith.constant 32 : index
    %get3A_101 = tpu.vector_load %arg10[%get3A_100] {strides = array<i32>} : memref<128xi32, #tpu.memory_space<vmem>>, vector<16xi32>,
    %sub3A_102 = vector.broadcast %add3A_34 : i32 to vector<16xi32>
    %sub3A_103 = arith.subi %get3A_101, %sub3A_102 : vector<16xi32>
    %le3A_104 = arith.constant 64 : i32
    %le3A_105 = vector.broadcast %le3A_104 : i32 to vector<16xi32>
    %le3A_106 = arith.cmpi sle, %add3A_99, %le3A_105 : vector<16xi32>
    %lt3A_107 = arith.constant 1280 : i32
    %lt3A_108 = vector.broadcast %lt3A_107 : i32 to vector<16xi32>
    %lt3A_109 = arith.cmpi slt, %sub3A_103, %lt3A_108 : vector<16xi32>
    %and3A_110 = arith.andi %le3A_106, %lt3A_109 : vector<16xi1>
    %max3A_111 = arith.constant 0 : i32
    %max3A_112 = vector.broadcast %max3A_111 : i32 to vector<16xi32>
    %max3A_113 = arith.maxsi %sub3A_103, %max3A_112 : vector<16xi32>
    tpu.vector_store_idx %arg11[%max3A_113], %broadcast_in_dim3A_65 masked %and3A_110 {add = true} : memref<1280xi32, #tpu.memory_space<vmem>>[vector<16xi32>], vector<16xi32>, vector<16xi1>
    %add3A_114 = arith.constant 48 : i32
    %add3A_115 = vector.broadcast %add3A_114 : i32 to vector<16xi32>
    %add3A_116 = arith.addi %add3A_115, %iota3A : vector<16xi32>
    %get3A_117 = arith.constant 48 : index
    %get3A_118 = tpu.vector_load %arg10[%get3A_117] {strides = array<i32>} : memref<128xi32, #tpu.memory_space<vmem>>, vector<16xi32>,
    %sub3A_119 = vector.broadcast %add3A_34 : i32 to vector<16xi32>
    %sub3A_120 = arith.subi %get3A_118, %sub3A_119 : vector<16xi32>
    %le3A_121 = arith.constant 64 : i32
    %le3A_122 = vector.broadcast %le3A_121 : i32 to vector<16xi32>
    %le3A_123 = arith.cmpi sle, %add3A_116, %le3A_122 : vector<16xi32>
    %lt3A_124 = arith.constant 1280 : i32
    %lt3A_125 = vector.broadcast %lt3A_124 : i32 to vector<16xi32>
    %lt3A_126 = arith.cmpi slt, %sub3A_120, %lt3A_125 : vector<16xi32>
    %and3A_127 = arith.andi %le3A_123, %lt3A_126 : vector<16xi1>
    %max3A_128 = arith.constant 0 : i32
    %max3A_129 = vector.broadcast %max3A_128 : i32 to vector<16xi32>
    %max3A_130 = arith.maxsi %sub3A_120, %max3A_129 : vector<16xi32>
    tpu.vector_store_idx %arg11[%max3A_130], %broadcast_in_dim3A_65 masked %and3A_127 {add = true} : memref<1280xi32, #tpu.memory_space<vmem>>[vector<16xi32>], vector<16xi32>, vector<16xi1>
    %add3A_131 = arith.constant 64 : i32
    %add3A_132 = vector.broadcast %add3A_131 : i32 to vector<16xi32>
    %add3A_133 = arith.addi %add3A_132, %iota3A : vector<16xi32>
    %get3A_134 = arith.constant 64 : index
    %get3A_135 = tpu.vector_load %arg10[%get3A_134] {strides = array<i32>} : memref<128xi32, #tpu.memory_space<vmem>>, vector<16xi32>,
    %sub3A_136 = vector.broadcast %add3A_34 : i32 to vector<16xi32>
    %sub3A_137 = arith.subi %get3A_135, %sub3A_136 : vector<16xi32>
    %le3A_138 = arith.constant 64 : i32
    %le3A_139 = vector.broadcast %le3A_138 : i32 to vector<16xi32>
    %le3A_140 = arith.cmpi sle, %add3A_133, %le3A_139 : vector<16xi32>
    %lt3A_141 = arith.constant 1280 : i32
    %lt3A_142 = vector.broadcast %lt3A_141 : i32 to vector<16xi32>
    %lt3A_143 = arith.cmpi slt, %sub3A_137, %lt3A_142 : vector<16xi32>
    %and3A_144 = arith.andi %le3A_140, %lt3A_143 : vector<16xi1>
    %max3A_145 = arith.constant 0 : i32
    %max3A_146 = vector.broadcast %max3A_145 : i32 to vector<16xi32>
    %max3A_147 = arith.maxsi %sub3A_137, %max3A_146 : vector<16xi32>
    tpu.vector_store_idx %arg11[%max3A_147], %broadcast_in_dim3A_65 masked %and3A_144 {add = true} : memref<1280xi32, #tpu.memory_space<vmem>>[vector<16xi32>], vector<16xi32>, vector<16xi1>
    %scan3A_148 = arith.constant 0 : i32
    %scan3A_149 = arith.constant 0 : i32
    %scan3A_150 = arith.constant 80 : i32
    %scan3A_151 = arith.addi %scan3A_149, %scan3A_150 : i32
    %scan3A_152 = arith.constant 1 : i32
    %scan3A_153 = scf.for %scan3A_240 = %scan3A_149 to %scan3A_151 step %scan3A_152 iter_args(%scan3A_241 = %scan3A_148) -> (i32)  : i32 {
      %mul3A_242 = arith.constant 16 : i32
      %mul3A_243 = arith.muli %scan3A_240, %mul3A_242 : i32
      %get3A_244 = arith.index_cast %mul3A_243 : i32 to index
      %get3A_245 = tpu.vector_load %arg11[%get3A_244] {strides = array<i32>} : memref<1280xi32, #tpu.memory_space<vmem>>, vector<16xi32>,
      %broadcast_in_dim3A_246 = arith.constant true
      %broadcast_in_dim3A_247 = vector.broadcast %broadcast_in_dim3A_246 : i1 to vector<16xi1>
      %masked_cumsum3A = tpu.scan <sum>, %get3A_245 masked %broadcast_in_dim3A_247 : vector<16xi32>, vector<16xi1> -> vector<16xi32>
      %add3A_248 = vector.broadcast %scan3A_241 : i32 to vector<16xi32>
      %add3A_249 = arith.addi %masked_cumsum3A, %add3A_248 : vector<16xi32>
      %sub3A_250 = arith.constant 1 : i32
      %sub3A_251 = vector.broadcast %sub3A_250 : i32 to vector<16xi32>
      %sub3A_252 = arith.subi %add3A_249, %sub3A_251 : vector<16xi32>
      %ge3A = arith.constant 0 : i32
      %ge3A_253 = vector.broadcast %ge3A : i32 to vector<16xi32>
      %ge3A_254 = arith.cmpi sge, %sub3A_252, %ge3A_253 : vector<16xi32>
      %lt3A_255 = arith.constant 64 : i32
      %lt3A_256 = vector.broadcast %lt3A_255 : i32 to vector<16xi32>
      %lt3A_257 = arith.cmpi slt, %sub3A_252, %lt3A_256 : vector<16xi32>
      %and3A_258 = arith.andi %ge3A_254, %lt3A_257 : vector<16xi1>
      %jit3A_259 = arith.constant 127 : i32
      %broadcast_in_dim3A_260 = vector.broadcast %jit3A_259 : i32 to vector<16xi32>
      %select_n3A_261 = arith.select %and3A_258, %sub3A_252, %broadcast_in_dim3A_260 : vector<16xi1>, vector<16xi32>
      %mul3A_262 = arith.constant 16 : i32
      %mul3A_263 = arith.muli %scan3A_240, %mul3A_262 : i32
      %swap3A_264 = arith.index_cast %mul3A_263 : i32 to index
      %swap3A_265 = tpu.vector_load %arg12[%swap3A_264] {strides = array<i32>} : memref<1280xi32, #tpu.memory_space<vmem>>, vector<16xi32>,
      tpu.vector_store %arg12[%swap3A_264], %select_n3A_261 {strides = array<i32>} : memref<1280xi32, #tpu.memory_space<vmem>>, vector<16xi32>,
      %reduce_sum3A = arith.constant true
      %reduce_sum3A_266 = vector.broadcast %reduce_sum3A : i1 to vector<16xi1>
      %reduce_sum3A_267 = tpu.scan <sum>, %get3A_245 masked %reduce_sum3A_266 : vector<16xi32>, vector<16xi1> -> vector<16xi32>
      %reduce_sum3A_268 = vector.extract %reduce_sum3A_267[15] : i32 from vector<16xi32>
      %add3A_269 = arith.addi %scan3A_241, %reduce_sum3A_268 : i32
      scf.yield %add3A_269 : i32
    }
    %scan3A_154 = arith.constant 80 : i32
    %swap3A = arith.constant 0 : index
    %swap3A_155 = tpu.vector_load %arg13[%swap3A] {strides = array<i32>} : memref<128xf32, #tpu.memory_space<vmem>>, vector<16xf32>,
    tpu.vector_store %arg13[%swap3A], %broadcast_in_dim3A_37 {strides = array<i32>} : memref<128xf32, #tpu.memory_space<vmem>>, vector<16xf32>,
    %swap3A_156 = arith.constant 16 : index
    %swap3A_157 = tpu.vector_load %arg13[%swap3A_156] {strides = array<i32>} : memref<128xf32, #tpu.memory_space<vmem>>, vector<16xf32>,
    tpu.vector_store %arg13[%swap3A_156], %broadcast_in_dim3A_37 {strides = array<i32>} : memref<128xf32, #tpu.memory_space<vmem>>, vector<16xf32>,
    %swap3A_158 = arith.constant 32 : index
    %swap3A_159 = tpu.vector_load %arg13[%swap3A_158] {strides = array<i32>} : memref<128xf32, #tpu.memory_space<vmem>>, vector<16xf32>,
    tpu.vector_store %arg13[%swap3A_158], %broadcast_in_dim3A_37 {strides = array<i32>} : memref<128xf32, #tpu.memory_space<vmem>>, vector<16xf32>,
    %swap3A_160 = arith.constant 48 : index
    %swap3A_161 = tpu.vector_load %arg13[%swap3A_160] {strides = array<i32>} : memref<128xf32, #tpu.memory_space<vmem>>, vector<16xf32>,
    tpu.vector_store %arg13[%swap3A_160], %broadcast_in_dim3A_37 {strides = array<i32>} : memref<128xf32, #tpu.memory_space<vmem>>, vector<16xf32>,
    %swap3A_162 = arith.constant 64 : index
    %swap3A_163 = tpu.vector_load %arg13[%swap3A_162] {strides = array<i32>} : memref<128xf32, #tpu.memory_space<vmem>>, vector<16xf32>,
    tpu.vector_store %arg13[%swap3A_162], %broadcast_in_dim3A_37 {strides = array<i32>} : memref<128xf32, #tpu.memory_space<vmem>>, vector<16xf32>,
    %swap3A_164 = arith.constant 80 : index
    %swap3A_165 = tpu.vector_load %arg13[%swap3A_164] {strides = array<i32>} : memref<128xf32, #tpu.memory_space<vmem>>, vector<16xf32>,
    tpu.vector_store %arg13[%swap3A_164], %broadcast_in_dim3A_37 {strides = array<i32>} : memref<128xf32, #tpu.memory_space<vmem>>, vector<16xf32>,
    %swap3A_166 = arith.constant 96 : index
    %swap3A_167 = tpu.vector_load %arg13[%swap3A_166] {strides = array<i32>} : memref<128xf32, #tpu.memory_space<vmem>>, vector<16xf32>,
    tpu.vector_store %arg13[%swap3A_166], %broadcast_in_dim3A_37 {strides = array<i32>} : memref<128xf32, #tpu.memory_space<vmem>>, vector<16xf32>,
    %swap3A_168 = arith.constant 112 : index
    %swap3A_169 = tpu.vector_load %arg13[%swap3A_168] {strides = array<i32>} : memref<128xf32, #tpu.memory_space<vmem>>, vector<16xf32>,
    tpu.vector_store %arg13[%swap3A_168], %broadcast_in_dim3A_37 {strides = array<i32>} : memref<128xf32, #tpu.memory_space<vmem>>, vector<16xf32>,
    %xor3A = arith.constant 8 : i32
    %xor3A_170 = vector.broadcast %xor3A : i32 to vector<16xi32>
    %xor3A_171 = arith.xori %iota3A, %xor3A_170 : vector<16xi32>
    %xor3A_172 = arith.constant 4 : i32
    %xor3A_173 = vector.broadcast %xor3A_172 : i32 to vector<16xi32>
    %xor3A_174 = arith.xori %iota3A, %xor3A_173 : vector<16xi32>
    %xor3A_175 = arith.constant 2 : i32
    %xor3A_176 = vector.broadcast %xor3A_175 : i32 to vector<16xi32>
    %xor3A_177 = arith.xori %iota3A, %xor3A_176 : vector<16xi32>
    %xor3A_178 = arith.constant 1 : i32
    %xor3A_179 = vector.broadcast %xor3A_178 : i32 to vector<16xi32>
    %xor3A_180 = arith.xori %iota3A, %xor3A_179 : vector<16xi32>
    %and3A_181 = arith.constant 8 : i32
    %and3A_182 = vector.broadcast %and3A_181 : i32 to vector<16xi32>
    %and3A_183 = arith.andi %iota3A, %and3A_182 : vector<16xi32>
    %eq3A_184 = arith.constant 0 : i32
    %eq3A_185 = vector.broadcast %eq3A_184 : i32 to vector<16xi32>
    %eq3A_186 = arith.cmpi eq, %and3A_183, %eq3A_185 : vector<16xi32>
    %and3A_187 = arith.constant 4 : i32
    %and3A_188 = vector.broadcast %and3A_187 : i32 to vector<16xi32>
    %and3A_189 = arith.andi %iota3A, %and3A_188 : vector<16xi32>
    %eq3A_190 = arith.constant 0 : i32
    %eq3A_191 = vector.broadcast %eq3A_190 : i32 to vector<16xi32>
    %eq3A_192 = arith.cmpi eq, %and3A_189, %eq3A_191 : vector<16xi32>
    %and3A_193 = arith.constant 2 : i32
    %and3A_194 = vector.broadcast %and3A_193 : i32 to vector<16xi32>
    %and3A_195 = arith.andi %iota3A, %and3A_194 : vector<16xi32>
    %eq3A_196 = arith.constant 0 : i32
    %eq3A_197 = vector.broadcast %eq3A_196 : i32 to vector<16xi32>
    %eq3A_198 = arith.cmpi eq, %and3A_195, %eq3A_197 : vector<16xi32>
    %and3A_199 = arith.constant 1 : i32
    %and3A_200 = vector.broadcast %and3A_199 : i32 to vector<16xi32>
    %and3A_201 = arith.andi %iota3A, %and3A_200 : vector<16xi32>
    %eq3A_202 = arith.constant 0 : i32
    %eq3A_203 = vector.broadcast %eq3A_202 : i32 to vector<16xi32>
    %eq3A_204 = arith.cmpi eq, %and3A_201, %eq3A_203 : vector<16xi32>
    %and3A_205 = arith.constant 1 : i32
    %and3A_206 = vector.broadcast %and3A_205 : i32 to vector<16xi32>
    %and3A_207 = arith.andi %iota3A, %and3A_206 : vector<16xi32>
    %shift_left3A = arith.constant 3 : i32
    %shift_left3A_208 = vector.broadcast %shift_left3A : i32 to vector<16xi32>
    %shift_left3A_209 = arith.shli %and3A_207, %shift_left3A_208 : vector<16xi32>
    %and3A_210 = arith.constant 2 : i32
    %and3A_211 = vector.broadcast %and3A_210 : i32 to vector<16xi32>
    %and3A_212 = arith.andi %iota3A, %and3A_211 : vector<16xi32>
    %shift_left3A_213 = arith.constant 1 : i32
    %shift_left3A_214 = vector.broadcast %shift_left3A_213 : i32 to vector<16xi32>
    %shift_left3A_215 = arith.shli %and3A_212, %shift_left3A_214 : vector<16xi32>
    %or3A = arith.ori %shift_left3A_209, %shift_left3A_215 : vector<16xi32>
    %and3A_216 = arith.constant 4 : i32
    %and3A_217 = vector.broadcast %and3A_216 : i32 to vector<16xi32>
    %and3A_218 = arith.andi %iota3A, %and3A_217 : vector<16xi32>
    %shift_right_arithmetic3A = arith.constant 1 : i32
    %shift_right_arithmetic3A_219 = vector.broadcast %shift_right_arithmetic3A : i32 to vector<16xi32>
    %shift_right_arithmetic3A_220 = arith.shrsi %and3A_218, %shift_right_arithmetic3A_219 : vector<16xi32>
    %or3A_221 = arith.ori %or3A, %shift_right_arithmetic3A_220 : vector<16xi32>
    %and3A_222 = arith.constant 8 : i32
    %and3A_223 = vector.broadcast %and3A_222 : i32 to vector<16xi32>
    %and3A_224 = arith.andi %iota3A, %and3A_223 : vector<16xi32>
    %shift_right_arithmetic3A_225 = arith.constant 3 : i32
    %shift_right_arithmetic3A_226 = vector.broadcast %shift_right_arithmetic3A_225 : i32 to vector<16xi32>
    %shift_right_arithmetic3A_227 = arith.shrsi %and3A_224, %shift_right_arithmetic3A_226 : vector<16xi32>
    %or3A_228 = arith.ori %or3A_221, %shift_right_arithmetic3A_227 : vector<16xi32>
    %scan3A_229 = arith.constant 0 : i32
    %scan3A_230 = arith.constant 0 : i32
    %scan3A_231 = arith.constant 5 : i32
    %scan3A_232 = arith.addi %scan3A_230, %scan3A_231 : i32
    %scan3A_233 = arith.constant 1 : i32
    scf.for %scan3A_240 = %scan3A_230 to %scan3A_232 step %scan3A_233  : i32 {
      %mul3A_241 = arith.constant 2 : i32
      %mul3A_242 = arith.muli %mul3A_241, %scan3A_240 : i32
      %dma_wait3A = arith.constant 0 : i32
      %dma_wait3A_243 = tpu.memref_slice %arg2[%dma_wait3A] : memref<8388608xf32, #tpu.memory_space<hbm>> -> memref<16384xf32, #tpu.memory_space<hbm>>
      %dma_wait3A_244 = arith.constant 0 : i32
      %dma_wait3A_245 = tpu.memref_slice %arg2[%dma_wait3A_244] : memref<8388608xf32, #tpu.memory_space<hbm>> -> memref<16384xf32, #tpu.memory_space<hbm>>
      tpu.wait_dma2 semaphore(%arg18 : memref<!tpu.dma_semaphore, #tpu.memory_space<semaphore_mem>>) src(%dma_wait3A_245 : memref<16384xf32, #tpu.memory_space<hbm>>) dst(%arg6 : memref<16384xf32, #tpu.memory_space<vmem>>)
      %dma_wait3A_246 = arith.constant 0 : i32
      %dma_wait3A_247 = tpu.memref_slice %arg3[%dma_wait3A_246] : memref<8388608xf32, #tpu.memory_space<hbm>> -> memref<16384xf32, #tpu.memory_space<hbm>>
      %dma_wait3A_248 = arith.constant 0 : i32
      %dma_wait3A_249 = tpu.memref_slice %arg3[%dma_wait3A_248] : memref<8388608xf32, #tpu.memory_space<hbm>> -> memref<16384xf32, #tpu.memory_space<hbm>>
      tpu.wait_dma2 semaphore(%arg20 : memref<!tpu.dma_semaphore, #tpu.memory_space<semaphore_mem>>) src(%dma_wait3A_249 : memref<16384xf32, #tpu.memory_space<hbm>>) dst(%arg8 : memref<16384xf32, #tpu.memory_space<vmem>>)
      %scan3A_250 = arith.constant 0 : i32
      %scan3A_251 = arith.constant 0 : i32
      %scan3A_252 = arith.constant 8 : i32
      %scan3A_253 = arith.addi %scan3A_251, %scan3A_252 : i32
      %scan3A_254 = arith.constant 1 : i32
      scf.for %scan3A_286 = %scan3A_251 to %scan3A_253 step %scan3A_254  : i32 {
        %mul3A_287 = arith.constant 16 : i32
        %mul3A_288 = arith.muli %scan3A_286, %mul3A_287 : i32
        %add3A_289 = arith.constant 0 : i32
        %add3A_290 = arith.addi %mul3A_288, %add3A_289 : i32
        %mul3A_291 = arith.constant 128 : i32
        %mul3A_292 = arith.muli %add3A_290, %mul3A_291 : i32
        %add3A_293 = arith.constant 0 : i32
        %add3A_294 = arith.addi %mul3A_292, %add3A_293 : i32
        %get3A_295 = arith.index_cast %add3A_294 : i32 to index
        %get3A_296 = tpu.vector_load %arg6[%get3A_295] {strides = array<i32>} : memref<16384xf32, #tpu.memory_space<vmem>>, vector<16xf32>,
        %add3A_297 = arith.constant 0 : i32
        %add3A_298 = arith.addi %mul3A_292, %add3A_297 : i32
        %get3A_299 = arith.index_cast %add3A_298 : i32 to index
        %get3A_300 = tpu.vector_load %arg8[%get3A_299] {strides = array<i32>} : memref<16384xf32, #tpu.memory_space<vmem>>, vector<16xf32>,
        %sub3A_301 = arith.subf %get3A_296, %get3A_300 : vector<16xf32>
        %mul3A_302 = arith.mulf %sub3A_301, %sub3A_301 : vector<16xf32>
        %add3A_303 = arith.constant 16 : i32
        %add3A_304 = arith.addi %mul3A_292, %add3A_303 : i32
        %get3A_305 = arith.index_cast %add3A_304 : i32 to index
        %get3A_306 = tpu.vector_load %arg6[%get3A_305] {strides = array<i32>} : memref<16384xf32, #tpu.memory_space<vmem>>, vector<16xf32>,
        %add3A_307 = arith.constant 16 : i32
        %add3A_308 = arith.addi %mul3A_292, %add3A_307 : i32
        %get3A_309 = arith.index_cast %add3A_308 : i32 to index
        %get3A_310 = tpu.vector_load %arg8[%get3A_309] {strides = array<i32>} : memref<16384xf32, #tpu.memory_space<vmem>>, vector<16xf32>,
        %sub3A_311 = arith.subf %get3A_306, %get3A_310 : vector<16xf32>
        %mul3A_312 = arith.mulf %sub3A_311, %sub3A_311 : vector<16xf32>
        %add3A_313 = arith.constant 32 : i32
        %add3A_314 = arith.addi %mul3A_292, %add3A_313 : i32
        %get3A_315 = arith.index_cast %add3A_314 : i32 to index
        %get3A_316 = tpu.vector_load %arg6[%get3A_315] {strides = array<i32>} : memref<16384xf32, #tpu.memory_space<vmem>>, vector<16xf32>,
        %add3A_317 = arith.constant 32 : i32
        %add3A_318 = arith.addi %mul3A_292, %add3A_317 : i32
        %get3A_319 = arith.index_cast %add3A_318 : i32 to index
        %get3A_320 = tpu.vector_load %arg8[%get3A_319] {strides = array<i32>} : memref<16384xf32, #tpu.memory_space<vmem>>, vector<16xf32>,
        %sub3A_321 = arith.subf %get3A_316, %get3A_320 : vector<16xf32>
        %mul3A_322 = arith.mulf %sub3A_321, %sub3A_321 : vector<16xf32>
        %add3A_323 = arith.constant 48 : i32
        %add3A_324 = arith.addi %mul3A_292, %add3A_323 : i32
        %get3A_325 = arith.index_cast %add3A_324 : i32 to index
        %get3A_326 = tpu.vector_load %arg6[%get3A_325] {strides = array<i32>} : memref<16384xf32, #tpu.memory_space<vmem>>, vector<16xf32>,
        %add3A_327 = arith.constant 48 : i32
        %add3A_328 = arith.addi %mul3A_292, %add3A_327 : i32
        %get3A_329 = arith.index_cast %add3A_328 : i32 to index
        %get3A_330 = tpu.vector_load %arg8[%get3A_329] {strides = array<i32>} : memref<16384xf32, #tpu.memory_space<vmem>>, vector<16xf32>,
        %sub3A_331 = arith.subf %get3A_326, %get3A_330 : vector<16xf32>
        %mul3A_332 = arith.mulf %sub3A_331, %sub3A_331 : vector<16xf32>
        %add3A_333 = arith.constant 64 : i32
        %add3A_334 = arith.addi %mul3A_292, %add3A_333 : i32
        %get3A_335 = arith.index_cast %add3A_334 : i32 to index
        %get3A_336 = tpu.vector_load %arg6[%get3A_335] {strides = array<i32>} : memref<16384xf32, #tpu.memory_space<vmem>>, vector<16xf32>,
        %add3A_337 = arith.constant 64 : i32
        %add3A_338 = arith.addi %mul3A_292, %add3A_337 : i32
        %get3A_339 = arith.index_cast %add3A_338 : i32 to index
        %get3A_340 = tpu.vector_load %arg8[%get3A_339] {strides = array<i32>} : memref<16384xf32, #tpu.memory_space<vmem>>, vector<16xf32>,
        %sub3A_341 = arith.subf %get3A_336, %get3A_340 : vector<16xf32>
        %mul3A_342 = arith.mulf %sub3A_341, %sub3A_341 : vector<16xf32>
        %add3A_343 = arith.constant 80 : i32
        %add3A_344 = arith.addi %mul3A_292, %add3A_343 : i32
        %get3A_345 = arith.index_cast %add3A_344 : i32 to index
        %get3A_346 = tpu.vector_load %arg6[%get3A_345] {strides = array<i32>} : memref<16384xf32, #tpu.memory_space<vmem>>, vector<16xf32>,
        %add3A_347 = arith.constant 80 : i32
        %add3A_348 = arith.addi %mul3A_292, %add3A_347 : i32
        %get3A_349 = arith.index_cast %add3A_348 : i32 to index
        %get3A_350 = tpu.vector_load %arg8[%get3A_349] {strides = array<i32>} : memref<16384xf32, #tpu.memory_space<vmem>>, vector<16xf32>,
        %sub3A_351 = arith.subf %get3A_346, %get3A_350 : vector<16xf32>
        %mul3A_352 = arith.mulf %sub3A_351, %sub3A_351 : vector<16xf32>
        %add3A_353 = arith.constant 96 : i32
        %add3A_354 = arith.addi %mul3A_292, %add3A_353 : i32
        %get3A_355 = arith.index_cast %add3A_354 : i32 to index
        %get3A_356 = tpu.vector_load %arg6[%get3A_355] {strides = array<i32>} : memref<16384xf32, #tpu.memory_space<vmem>>, vector<16xf32>,
        %add3A_357 = arith.constant 96 : i32
        %add3A_358 = arith.addi %mul3A_292, %add3A_357 : i32
        %get3A_359 = arith.index_cast %add3A_358 : i32 to index
        %get3A_360 = tpu.vector_load %arg8[%get3A_359] {strides = array<i32>} : memref<16384xf32, #tpu.memory_space<vmem>>, vector<16xf32>,
        %sub3A_361 = arith.subf %get3A_356, %get3A_360 : vector<16xf32>
        %mul3A_362 = arith.mulf %sub3A_361, %sub3A_361 : vector<16xf32>
        %add3A_363 = arith.constant 112 : i32
        %add3A_364 = arith.addi %mul3A_292, %add3A_363 : i32
        %get3A_365 = arith.index_cast %add3A_364 : i32 to index
        %get3A_366 = tpu.vector_load %arg6[%get3A_365] {strides = array<i32>} : memref<16384xf32, #tpu.memory_space<vmem>>, vector<16xf32>,
        %add3A_367 = arith.constant 112 : i32
        %add3A_368 = arith.addi %mul3A_292, %add3A_367 : i32
        %get3A_369 = arith.index_cast %add3A_368 : i32 to index
        %get3A_370 = tpu.vector_load %arg8[%get3A_369] {strides = array<i32>} : memref<16384xf32, #tpu.memory_space<vmem>>, vector<16xf32>,
        %sub3A_371 = arith.subf %get3A_366, %get3A_370 : vector<16xf32>
        %mul3A_372 = arith.mulf %sub3A_371, %sub3A_371 : vector<16xf32>
        %add3A_373 = arith.addf %mul3A_302, %mul3A_312 : vector<16xf32>
        %add3A_374 = arith.addf %mul3A_322, %mul3A_332 : vector<16xf32>
        %add3A_375 = arith.addf %mul3A_342, %mul3A_352 : vector<16xf32>
        %add3A_376 = arith.addf %mul3A_362, %mul3A_372 : vector<16xf32>
        %add3A_377 = arith.addf %add3A_373, %add3A_374 : vector<16xf32>
        %add3A_378 = arith.addf %add3A_375, %add3A_376 : vector<16xf32>
        %add3A_379 = arith.addf %add3A_377, %add3A_378 : vector<16xf32>
        %add3A_380 = arith.constant 128 : i32
        %add3A_381 = arith.addi %mul3A_292, %add3A_380 : i32
        %add3A_382 = arith.constant 0 : i32
        %add3A_383 = arith.addi %add3A_381, %add3A_382 : i32
        %get3A_384 = arith.index_cast %add3A_383 : i32 to index
        %get3A_385 = tpu.vector_load %arg6[%get3A_384] {strides = array<i32>} : memref<16384xf32, #tpu.memory_space<vmem>>, vector<16xf32>,
        %add3A_386 = arith.constant 0 : i32
        %add3A_387 = arith.addi %add3A_381, %add3A_386 : i32
        %get3A_388 = arith.index_cast %add3A_387 : i32 to index
        %get3A_389 = tpu.vector_load %arg8[%get3A_388] {strides = array<i32>} : memref<16384xf32, #tpu.memory_space<vmem>>, vector<16xf32>,
        %sub3A_390 = arith.subf %get3A_385, %get3A_389 : vector<16xf32>
        %mul3A_391 = arith.mulf %sub3A_390, %sub3A_390 : vector<16xf32>
        %add3A_392 = arith.constant 16 : i32
        %add3A_393 = arith.addi %add3A_381, %add3A_392 : i32
        %get3A_394 = arith.index_cast %add3A_393 : i32 to index
        %get3A_395 = tpu.vector_load %arg6[%get3A_394] {strides = array<i32>} : memref<16384xf32, #tpu.memory_space<vmem>>, vector<16xf32>,
        %add3A_396 = arith.constant 16 : i32
        %add3A_397 = arith.addi %add3A_381, %add3A_396 : i32
        %get3A_398 = arith.index_cast %add3A_397 : i32 to index
        %get3A_399 = tpu.vector_load %arg8[%get3A_398] {strides = array<i32>} : memref<16384xf32, #tpu.memory_space<vmem>>, vector<16xf32>,
        %sub3A_400 = arith.subf %get3A_395, %get3A_399 : vector<16xf32>
        %mul3A_401 = arith.mulf %sub3A_400, %sub3A_400 : vector<16xf32>
        %add3A_402 = arith.constant 32 : i32
        %add3A_403 = arith.addi %add3A_381, %add3A_402 : i32
        %get3A_404 = arith.index_cast %add3A_403 : i32 to index
        %get3A_405 = tpu.vector_load %arg6[%get3A_404] {strides = array<i32>} : memref<16384xf32, #tpu.memory_space<vmem>>, vector<16xf32>,
        %add3A_406 = arith.constant 32 : i32
        %add3A_407 = arith.addi %add3A_381, %add3A_406 : i32
        %get3A_408 = arith.index_cast %add3A_407 : i32 to index
        %get3A_409 = tpu.vector_load %arg8[%get3A_408] {strides = array<i32>} : memref<16384xf32, #tpu.memory_space<vmem>>, vector<16xf32>,
        %sub3A_410 = arith.subf %get3A_405, %get3A_409 : vector<16xf32>
        %mul3A_411 = arith.mulf %sub3A_410, %sub3A_410 : vector<16xf32>
        %add3A_412 = arith.constant 48 : i32
        %add3A_413 = arith.addi %add3A_381, %add3A_412 : i32
        %get3A_414 = arith.index_cast %add3A_413 : i32 to index
        %get3A_415 = tpu.vector_load %arg6[%get3A_414] {strides = array<i32>} : memref<16384xf32, #tpu.memory_space<vmem>>, vector<16xf32>,
        %add3A_416 = arith.constant 48 : i32
        %add3A_417 = arith.addi %add3A_381, %add3A_416 : i32
        %get3A_418 = arith.index_cast %add3A_417 : i32 to index
        %get3A_419 = tpu.vector_load %arg8[%get3A_418] {strides = array<i32>} : memref<16384xf32, #tpu.memory_space<vmem>>, vector<16xf32>,
        %sub3A_420 = arith.subf %get3A_415, %get3A_419 : vector<16xf32>
        %mul3A_421 = arith.mulf %sub3A_420, %sub3A_420 : vector<16xf32>
        %add3A_422 = arith.constant 64 : i32
        %add3A_423 = arith.addi %add3A_381, %add3A_422 : i32
        %get3A_424 = arith.index_cast %add3A_423 : i32 to index
        %get3A_425 = tpu.vector_load %arg6[%get3A_424] {strides = array<i32>} : memref<16384xf32, #tpu.memory_space<vmem>>, vector<16xf32>,
        %add3A_426 = arith.constant 64 : i32
        %add3A_427 = arith.addi %add3A_381, %add3A_426 : i32
        %get3A_428 = arith.index_cast %add3A_427 : i32 to index
        %get3A_429 = tpu.vector_load %arg8[%get3A_428] {strides = array<i32>} : memref<16384xf32, #tpu.memory_space<vmem>>, vector<16xf32>,
        %sub3A_430 = arith.subf %get3A_425, %get3A_429 : vector<16xf32>
        %mul3A_431 = arith.mulf %sub3A_430, %sub3A_430 : vector<16xf32>
        %add3A_432 = arith.constant 80 : i32
        %add3A_433 = arith.addi %add3A_381, %add3A_432 : i32
        %get3A_434 = arith.index_cast %add3A_433 : i32 to index
        %get3A_435 = tpu.vector_load %arg6[%get3A_434] {strides = array<i32>} : memref<16384xf32, #tpu.memory_space<vmem>>, vector<16xf32>,
        %add3A_436 = arith.constant 80 : i32
        %add3A_437 = arith.addi %add3A_381, %add3A_436 : i32
        %get3A_438 = arith.index_cast %add3A_437 : i32 to index
        %get3A_439 = tpu.vector_load %arg8[%get3A_438] {strides = array<i32>} : memref<16384xf32, #tpu.memory_space<vmem>>, vector<16xf32>,
        %sub3A_440 = arith.subf %get3A_435, %get3A_439 : vector<16xf32>
        %mul3A_441 = arith.mulf %sub3A_440, %sub3A_440 : vector<16xf32>
        %add3A_442 = arith.constant 96 : i32
        %add3A_443 = arith.addi %add3A_381, %add3A_442 : i32
        %get3A_444 = arith.index_cast %add3A_443 : i32 to index
        %get3A_445 = tpu.vector_load %arg6[%get3A_444] {strides = array<i32>} : memref<16384xf32, #tpu.memory_space<vmem>>, vector<16xf32>,
        %add3A_446 = arith.constant 96 : i32
        %add3A_447 = arith.addi %add3A_381, %add3A_446 : i32
        %get3A_448 = arith.index_cast %add3A_447 : i32 to index
        %get3A_449 = tpu.vector_load %arg8[%get3A_448] {strides = array<i32>} : memref<16384xf32, #tpu.memory_space<vmem>>, vector<16xf32>,
        %sub3A_450 = arith.subf %get3A_445, %get3A_449 : vector<16xf32>
        %mul3A_451 = arith.mulf %sub3A_450, %sub3A_450 : vector<16xf32>
        %add3A_452 = arith.constant 112 : i32
        %add3A_453 = arith.addi %add3A_381, %add3A_452 : i32
        %get3A_454 = arith.index_cast %add3A_453 : i32 to index
        %get3A_455 = tpu.vector_load %arg6[%get3A_454] {strides = array<i32>} : memref<16384xf32, #tpu.memory_space<vmem>>, vector<16xf32>,
        %add3A_456 = arith.constant 112 : i32
        %add3A_457 = arith.addi %add3A_381, %add3A_456 : i32
        %get3A_458 = arith.index_cast %add3A_457 : i32 to index
        %get3A_459 = tpu.vector_load %arg8[%get3A_458] {strides = array<i32>} : memref<16384xf32, #tpu.memory_space<vmem>>, vector<16xf32>,
        %sub3A_460 = arith.subf %get3A_455, %get3A_459 : vector<16xf32>
        %mul3A_461 = arith.mulf %sub3A_460, %sub3A_460 : vector<16xf32>
        %add3A_462 = arith.addf %mul3A_391, %mul3A_401 : vector<16xf32>
        %add3A_463 = arith.addf %mul3A_411, %mul3A_421 : vector<16xf32>
        %add3A_464 = arith.addf %mul3A_431, %mul3A_441 : vector<16xf32>
        %add3A_465 = arith.addf %mul3A_451, %mul3A_461 : vector<16xf32>
        %add3A_466 = arith.addf %add3A_462, %add3A_463 : vector<16xf32>
        %add3A_467 = arith.addf %add3A_464, %add3A_465 : vector<16xf32>
        %add3A_468 = arith.addf %add3A_466, %add3A_467 : vector<16xf32>
        %broadcast_in_dim3A_469 = vector.shape_cast %xor3A_171 : vector<16xi32> to vector<16x1xi32>
        %gather3A = vector.shape_cast %broadcast_in_dim3A_469 : vector<16x1xi32> to vector<16xi32>
        %gather3A_470 = tpu.dynamic_gather %add3A_379[%gather3A] in [0] : vector<16xf32>, vector<16xi32> -> vector<16xf32>
        %add3A_471 = arith.addf %add3A_379, %gather3A_470 : vector<16xf32>
        %broadcast_in_dim3A_472 = vector.shape_cast %xor3A_171 : vector<16xi32> to vector<16x1xi32>
        %gather3A_473 = vector.shape_cast %broadcast_in_dim3A_472 : vector<16x1xi32> to vector<16xi32>
        %gather3A_474 = tpu.dynamic_gather %add3A_468[%gather3A_473] in [0] : vector<16xf32>, vector<16xi32> -> vector<16xf32>
        %add3A_475 = arith.addf %add3A_468, %gather3A_474 : vector<16xf32>
        %select_n3A_476 = arith.select %eq3A_186, %add3A_471, %add3A_475 : vector<16xi1>, vector<16xf32>
        %swap3A_477 = arith.constant 0 : index
        %swap3A_478 = tpu.vector_load %arg16[%swap3A_477] {strides = array<i32>} : memref<128xf32, #tpu.memory_space<vmem>>, vector<16xf32>,
        tpu.vector_store %arg16[%swap3A_477], %select_n3A_476 {strides = array<i32>} : memref<128xf32, #tpu.memory_space<vmem>>, vector<16xf32>,
        %mul3A_479 = arith.constant 16 : i32
        %mul3A_480 = arith.muli %scan3A_286, %mul3A_479 : i32
        %add3A_481 = arith.constant 2 : i32
        %add3A_482 = arith.addi %mul3A_480, %add3A_481 : i32
        %mul3A_483 = arith.constant 128 : i32
        %mul3A_484 = arith.muli %add3A_482, %mul3A_483 : i32
        %add3A_485 = arith.constant 0 : i32
        %add3A_486 = arith.addi %mul3A_484, %add3A_485 : i32
        %get3A_487 = arith.index_cast %add3A_486 : i32 to index
        %get3A_488 = tpu.vector_load %arg6[%get3A_487] {strides = array<i32>} : memref<16384xf32, #tpu.memory_space<vmem>>, vector<16xf32>,
        %add3A_489 = arith.constant 0 : i32
        %add3A_490 = arith.addi %mul3A_484, %add3A_489 : i32
        %get3A_491 = arith.index_cast %add3A_490 : i32 to index
        %get3A_492 = tpu.vector_load %arg8[%get3A_491] {strides = array<i32>} : memref<16384xf32, #tpu.memory_space<vmem>>, vector<16xf32>,
        %sub3A_493 = arith.subf %get3A_488, %get3A_492 : vector<16xf32>
        %mul3A_494 = arith.mulf %sub3A_493, %sub3A_493 : vector<16xf32>
        %add3A_495 = arith.constant 16 : i32
        %add3A_496 = arith.addi %mul3A_484, %add3A_495 : i32
        %get3A_497 = arith.index_cast %add3A_496 : i32 to index
        %get3A_498 = tpu.vector_load %arg6[%get3A_497] {strides = array<i32>} : memref<16384xf32, #tpu.memory_space<vmem>>, vector<16xf32>,
        %add3A_499 = arith.constant 16 : i32
        %add3A_500 = arith.addi %mul3A_484, %add3A_499 : i32
        %get3A_501 = arith.index_cast %add3A_500 : i32 to index
        %get3A_502 = tpu.vector_load %arg8[%get3A_501] {strides = array<i32>} : memref<16384xf32, #tpu.memory_space<vmem>>, vector<16xf32>,
        %sub3A_503 = arith.subf %get3A_498, %get3A_502 : vector<16xf32>
        %mul3A_504 = arith.mulf %sub3A_503, %sub3A_503 : vector<16xf32>
        %add3A_505 = arith.constant 32 : i32
        %add3A_506 = arith.addi %mul3A_484, %add3A_505 : i32
        %get3A_507 = arith.index_cast %add3A_506 : i32 to index
        %get3A_508 = tpu.vector_load %arg6[%get3A_507] {strides = array<i32>} : memref<16384xf32, #tpu.memory_space<vmem>>, vector<16xf32>,
        %add3A_509 = arith.constant 32 : i32
        %add3A_510 = arith.addi %mul3A_484, %add3A_509 : i32
        %get3A_511 = arith.index_cast %add3A_510 : i32 to index
        %get3A_512 = tpu.vector_load %arg8[%get3A_511] {strides = array<i32>} : memref<16384xf32, #tpu.memory_space<vmem>>, vector<16xf32>,
        %sub3A_513 = arith.subf %get3A_508, %get3A_512 : vector<16xf32>
        %mul3A_514 = arith.mulf %sub3A_513, %sub3A_513 : vector<16xf32>
        %add3A_515 = arith.constant 48 : i32
        %add3A_516 = arith.addi %mul3A_484, %add3A_515 : i32
        %get3A_517 = arith.index_cast %add3A_516 : i32 to index
        %get3A_518 = tpu.vector_load %arg6[%get3A_517] {strides = array<i32>} : memref<16384xf32, #tpu.memory_space<vmem>>, vector<16xf32>,
        %add3A_519 = arith.constant 48 : i32
        %add3A_520 = arith.addi %mul3A_484, %add3A_519 : i32
        %get3A_521 = arith.index_cast %add3A_520 : i32 to index
        %get3A_522 = tpu.vector_load %arg8[%get3A_521] {strides = array<i32>} : memref<16384xf32, #tpu.memory_space<vmem>>, vector<16xf32>,
        %sub3A_523 = arith.subf %get3A_518, %get3A_522 : vector<16xf32>
        %mul3A_524 = arith.mulf %sub3A_523, %sub3A_523 : vector<16xf32>
        %add3A_525 = arith.constant 64 : i32
        %add3A_526 = arith.addi %mul3A_484, %add3A_525 : i32
        %get3A_527 = arith.index_cast %add3A_526 : i32 to index
        %get3A_528 = tpu.vector_load %arg6[%get3A_527] {strides = array<i32>} : memref<16384xf32, #tpu.memory_space<vmem>>, vector<16xf32>,
        %add3A_529 = arith.constant 64 : i32
        %add3A_530 = arith.addi %mul3A_484, %add3A_529 : i32
        %get3A_531 = arith.index_cast %add3A_530 : i32 to index
        %get3A_532 = tpu.vector_load %arg8[%get3A_531] {strides = array<i32>} : memref<16384xf32, #tpu.memory_space<vmem>>, vector<16xf32>,
        %sub3A_533 = arith.subf %get3A_528, %get3A_532 : vector<16xf32>
        %mul3A_534 = arith.mulf %sub3A_533, %sub3A_533 : vector<16xf32>
        %add3A_535 = arith.constant 80 : i32
        %add3A_536 = arith.addi %mul3A_484, %add3A_535 : i32
        %get3A_537 = arith.index_cast %add3A_536 : i32 to index
        %get3A_538 = tpu.vector_load %arg6[%get3A_537] {strides = array<i32>} : memref<16384xf32, #tpu.memory_space<vmem>>, vector<16xf32>,
        %add3A_539 = arith.constant 80 : i32
        %add3A_540 = arith.addi %mul3A_484, %add3A_539 : i32
        %get3A_541 = arith.index_cast %add3A_540 : i32 to index
        %get3A_542 = tpu.vector_load %arg8[%get3A_541] {strides = array<i32>} : memref<16384xf32, #tpu.memory_space<vmem>>, vector<16xf32>,
        %sub3A_543 = arith.subf %get3A_538, %get3A_542 : vector<16xf32>
        %mul3A_544 = arith.mulf %sub3A_543, %sub3A_543 : vector<16xf32>
        %add3A_545 = arith.constant 96 : i32
        %add3A_546 = arith.addi %mul3A_484, %add3A_545 : i32
        %get3A_547 = arith.index_cast %add3A_546 : i32 to index
        %get3A_548 = tpu.vector_load %arg6[%get3A_547] {strides = array<i32>} : memref<16384xf32, #tpu.memory_space<vmem>>, vector<16xf32>,
        %add3A_549 = arith.constant 96 : i32
        %add3A_550 = arith.addi %mul3A_484, %add3A_549 : i32
        %get3A_551 = arith.index_cast %add3A_550 : i32 to index
        %get3A_552 = tpu.vector_load %arg8[%get3A_551] {strides = array<i32>} : memref<16384xf32, #tpu.memory_space<vmem>>, vector<16xf32>,
        %sub3A_553 = arith.subf %get3A_548, %get3A_552 : vector<16xf32>
        %mul3A_554 = arith.mulf %sub3A_553, %sub3A_553 : vector<16xf32>
        %add3A_555 = arith.constant 112 : i32
        %add3A_556 = arith.addi %mul3A_484, %add3A_555 : i32
        %get3A_557 = arith.index_cast %add3A_556 : i32 to index
        %get3A_558 = tpu.vector_load %arg6[%get3A_557] {strides = array<i32>} : memref<16384xf32, #tpu.memory_space<vmem>>, vector<16xf32>,
        %add3A_559 = arith.constant 112 : i32
        %add3A_560 = arith.addi %mul3A_484, %add3A_559 : i32
        %get3A_561 = arith.index_cast %add3A_560 : i32 to index
        %get3A_562 = tpu.vector_load %arg8[%get3A_561] {strides = array<i32>} : memref<16384xf32, #tpu.memory_space<vmem>>, vector<16xf32>,
        %sub3A_563 = arith.subf %get3A_558, %get3A_562 : vector<16xf32>
        %mul3A_564 = arith.mulf %sub3A_563, %sub3A_563 : vector<16xf32>
        %add3A_565 = arith.addf %mul3A_494, %mul3A_504 : vector<16xf32>
        %add3A_566 = arith.addf %mul3A_514, %mul3A_524 : vector<16xf32>
        %add3A_567 = arith.addf %mul3A_534, %mul3A_544 : vector<16xf32>
        %add3A_568 = arith.addf %mul3A_554, %mul3A_564 : vector<16xf32>
        %add3A_569 = arith.addf %add3A_565, %add3A_566 : vector<16xf32>
        %add3A_570 = arith.addf %add3A_567, %add3A_568 : vector<16xf32>
        %add3A_571 = arith.addf %add3A_569, %add3A_570 : vector<16xf32>
        %add3A_572 = arith.constant 128 : i32
        %add3A_573 = arith.addi %mul3A_484, %add3A_572 : i32
        %add3A_574 = arith.constant 0 : i32
        %add3A_575 = arith.addi %add3A_573, %add3A_574 : i32
        %get3A_576 = arith.index_cast %add3A_575 : i32 to index
        %get3A_577 = tpu.vector_load %arg6[%get3A_576] {strides = array<i32>} : memref<16384xf32, #tpu.memory_space<vmem>>, vector<16xf32>,
        %add3A_578 = arith.constant 0 : i32
        %add3A_579 = arith.addi %add3A_573, %add3A_578 : i32
        %get3A_580 = arith.index_cast %add3A_579 : i32 to index
        %get3A_581 = tpu.vector_load %arg8[%get3A_580] {strides = array<i32>} : memref<16384xf32, #tpu.memory_space<vmem>>, vector<16xf32>,
        %sub3A_582 = arith.subf %get3A_577, %get3A_581 : vector<16xf32>
        %mul3A_583 = arith.mulf %sub3A_582, %sub3A_582 : vector<16xf32>
        %add3A_584 = arith.constant 16 : i32
        %add3A_585 = arith.addi %add3A_573, %add3A_584 : i32
        %get3A_586 = arith.index_cast %add3A_585 : i32 to index
        %get3A_587 = tpu.vector_load %arg6[%get3A_586] {strides = array<i32>} : memref<16384xf32, #tpu.memory_space<vmem>>, vector<16xf32>,
        %add3A_588 = arith.constant 16 : i32
        %add3A_589 = arith.addi %add3A_573, %add3A_588 : i32
        %get3A_590 = arith.index_cast %add3A_589 : i32 to index
        %get3A_591 = tpu.vector_load %arg8[%get3A_590] {strides = array<i32>} : memref<16384xf32, #tpu.memory_space<vmem>>, vector<16xf32>,
        %sub3A_592 = arith.subf %get3A_587, %get3A_591 : vector<16xf32>
        %mul3A_593 = arith.mulf %sub3A_592, %sub3A_592 : vector<16xf32>
        %add3A_594 = arith.constant 32 : i32
        %add3A_595 = arith.addi %add3A_573, %add3A_594 : i32
        %get3A_596 = arith.index_cast %add3A_595 : i32 to index
        %get3A_597 = tpu.vector_load %arg6[%get3A_596] {strides = array<i32>} : memref<16384xf32, #tpu.memory_space<vmem>>, vector<16xf32>,
        %add3A_598 = arith.constant 32 : i32
        %add3A_599 = arith.addi %add3A_573, %add3A_598 : i32
        %get3A_600 = arith.index_cast %add3A_599 : i32 to index
        %get3A_601 = tpu.vector_load %arg8[%get3A_600] {strides = array<i32>} : memref<16384xf32, #tpu.memory_space<vmem>>, vector<16xf32>,
        %sub3A_602 = arith.subf %get3A_597, %get3A_601 : vector<16xf32>
        %mul3A_603 = arith.mulf %sub3A_602, %sub3A_602 : vector<16xf32>
        %add3A_604 = arith.constant 48 : i32
        %add3A_605 = arith.addi %add3A_573, %add3A_604 : i32
        %get3A_606 = arith.index_cast %add3A_605 : i32 to index
        %get3A_607 = tpu.vector_load %arg6[%get3A_606] {strides = array<i32>} : memref<16384xf32, #tpu.memory_space<vmem>>, vector<16xf32>,
        %add3A_608 = arith.constant 48 : i32
        %add3A_609 = arith.addi %add3A_573, %add3A_608 : i32
        %get3A_610 = arith.index_cast %add3A_609 : i32 to index
        %get3A_611 = tpu.vector_load %arg8[%get3A_610] {strides = array<i32>} : memref<16384xf32, #tpu.memory_space<vmem>>, vector<16xf32>,
        %sub3A_612 = arith.subf %get3A_607, %get3A_611 : vector<16xf32>
        %mul3A_613 = arith.mulf %sub3A_612, %sub3A_612 : vector<16xf32>
        %add3A_614 = arith.constant 64 : i32
        %add3A_615 = arith.addi %add3A_573, %add3A_614 : i32
        %get3A_616 = arith.index_cast %add3A_615 : i32 to index
        %get3A_617 = tpu.vector_load %arg6[%get3A_616] {strides = array<i32>} : memref<16384xf32, #tpu.memory_space<vmem>>, vector<16xf32>,
        %add3A_618 = arith.constant 64 : i32
        %add3A_619 = arith.addi %add3A_573, %add3A_618 : i32
        %get3A_620 = arith.index_cast %add3A_619 : i32 to index
        %get3A_621 = tpu.vector_load %arg8[%get3A_620] {strides = array<i32>} : memref<16384xf32, #tpu.memory_space<vmem>>, vector<16xf32>,
        %sub3A_622 = arith.subf %get3A_617, %get3A_621 : vector<16xf32>
        %mul3A_623 = arith.mulf %sub3A_622, %sub3A_622 : vector<16xf32>
        %add3A_624 = arith.constant 80 : i32
        %add3A_625 = arith.addi %add3A_573, %add3A_624 : i32
        %get3A_626 = arith.index_cast %add3A_625 : i32 to index
        %get3A_627 = tpu.vector_load %arg6[%get3A_626] {strides = array<i32>} : memref<16384xf32, #tpu.memory_space<vmem>>, vector<16xf32>,
        %add3A_628 = arith.constant 80 : i32
        %add3A_629 = arith.addi %add3A_573, %add3A_628 : i32
        %get3A_630 = arith.index_cast %add3A_629 : i32 to index
        %get3A_631 = tpu.vector_load %arg8[%get3A_630] {strides = array<i32>} : memref<16384xf32, #tpu.memory_space<vmem>>, vector<16xf32>,
        %sub3A_632 = arith.subf %get3A_627, %get3A_631 : vector<16xf32>
        %mul3A_633 = arith.mulf %sub3A_632, %sub3A_632 : vector<16xf32>
        %add3A_634 = arith.constant 96 : i32
        %add3A_635 = arith.addi %add3A_573, %add3A_634 : i32
        %get3A_636 = arith.index_cast %add3A_635 : i32 to index
        %get3A_637 = tpu.vector_load %arg6[%get3A_636] {strides = array<i32>} : memref<16384xf32, #tpu.memory_space<vmem>>, vector<16xf32>,
        %add3A_638 = arith.constant 96 : i32
        %add3A_639 = arith.addi %add3A_573, %add3A_638 : i32
        %get3A_640 = arith.index_cast %add3A_639 : i32 to index
        %get3A_641 = tpu.vector_load %arg8[%get3A_640] {strides = array<i32>} : memref<16384xf32, #tpu.memory_space<vmem>>, vector<16xf32>,
        %sub3A_642 = arith.subf %get3A_637, %get3A_641 : vector<16xf32>
        %mul3A_643 = arith.mulf %sub3A_642, %sub3A_642 : vector<16xf32>
        %add3A_644 = arith.constant 112 : i32
        %add3A_645 = arith.addi %add3A_573, %add3A_644 : i32
        %get3A_646 = arith.index_cast %add3A_645 : i32 to index
        %get3A_647 = tpu.vector_load %arg6[%get3A_646] {strides = array<i32>} : memref<16384xf32, #tpu.memory_space<vmem>>, vector<16xf32>,
        %add3A_648 = arith.constant 112 : i32
        %add3A_649 = arith.addi %add3A_573, %add3A_648 : i32
        %get3A_650 = arith.index_cast %add3A_649 : i32 to index
        %get3A_651 = tpu.vector_load %arg8[%get3A_650] {strides = array<i32>} : memref<16384xf32, #tpu.memory_space<vmem>>, vector<16xf32>,
        %sub3A_652 = arith.subf %get3A_647, %get3A_651 : vector<16xf32>
        %mul3A_653 = arith.mulf %sub3A_652, %sub3A_652 : vector<16xf32>
        %add3A_654 = arith.addf %mul3A_583, %mul3A_593 : vector<16xf32>
        %add3A_655 = arith.addf %mul3A_603, %mul3A_613 : vector<16xf32>
        %add3A_656 = arith.addf %mul3A_623, %mul3A_633 : vector<16xf32>
        %add3A_657 = arith.addf %mul3A_643, %mul3A_653 : vector<16xf32>
        %add3A_658 = arith.addf %add3A_654, %add3A_655 : vector<16xf32>
        %add3A_659 = arith.addf %add3A_656, %add3A_657 : vector<16xf32>
        %add3A_660 = arith.addf %add3A_658, %add3A_659 : vector<16xf32>
        %broadcast_in_dim3A_661 = vector.shape_cast %xor3A_171 : vector<16xi32> to vector<16x1xi32>
        %gather3A_662 = vector.shape_cast %broadcast_in_dim3A_661 : vector<16x1xi32> to vector<16xi32>
        %gather3A_663 = tpu.dynamic_gather %add3A_571[%gather3A_662] in [0] : vector<16xf32>, vector<16xi32> -> vector<16xf32>
        %add3A_664 = arith.addf %add3A_571, %gather3A_663 : vector<16xf32>
        %broadcast_in_dim3A_665 = vector.shape_cast %xor3A_171 : vector<16xi32> to vector<16x1xi32>
        %gather3A_666 = vector.shape_cast %broadcast_in_dim3A_665 : vector<16x1xi32> to vector<16xi32>
        %gather3A_667 = tpu.dynamic_gather %add3A_660[%gather3A_666] in [0] : vector<16xf32>, vector<16xi32> -> vector<16xf32>
        %add3A_668 = arith.addf %add3A_660, %gather3A_667 : vector<16xf32>
        %select_n3A_669 = arith.select %eq3A_186, %add3A_664, %add3A_668 : vector<16xi1>, vector<16xf32>
        %swap3A_670 = arith.constant 16 : index
        %swap3A_671 = tpu.vector_load %arg16[%swap3A_670] {strides = array<i32>} : memref<128xf32, #tpu.memory_space<vmem>>, vector<16xf32>,
        tpu.vector_store %arg16[%swap3A_670], %select_n3A_669 {strides = array<i32>} : memref<128xf32, #tpu.memory_space<vmem>>, vector<16xf32>,
        %mul3A_672 = arith.constant 16 : i32
        %mul3A_673 = arith.muli %scan3A_286, %mul3A_672 : i32
        %add3A_674 = arith.constant 4 : i32
        %add3A_675 = arith.addi %mul3A_673, %add3A_674 : i32
        %mul3A_676 = arith.constant 128 : i32
        %mul3A_677 = arith.muli %add3A_675, %mul3A_676 : i32
        %add3A_678 = arith.constant 0 : i32
        %add3A_679 = arith.addi %mul3A_677, %add3A_678 : i32
        %get3A_680 = arith.index_cast %add3A_679 : i32 to index
        %get3A_681 = tpu.vector_load %arg6[%get3A_680] {strides = array<i32>} : memref<16384xf32, #tpu.memory_space<vmem>>, vector<16xf32>,
        %add3A_682 = arith.constant 0 : i32
        %add3A_683 = arith.addi %mul3A_677, %add3A_682 : i32
        %get3A_684 = arith.index_cast %add3A_683 : i32 to index
        %get3A_685 = tpu.vector_load %arg8[%get3A_684] {strides = array<i32>} : memref<16384xf32, #tpu.memory_space<vmem>>, vector<16xf32>,
        %sub3A_686 = arith.subf %get3A_681, %get3A_685 : vector<16xf32>
        %mul3A_687 = arith.mulf %sub3A_686, %sub3A_686 : vector<16xf32>
        %add3A_688 = arith.constant 16 : i32
        %add3A_689 = arith.addi %mul3A_677, %add3A_688 : i32
        %get3A_690 = arith.index_cast %add3A_689 : i32 to index
        %get3A_691 = tpu.vector_load %arg6[%get3A_690] {strides = array<i32>} : memref<16384xf32, #tpu.memory_space<vmem>>, vector<16xf32>,
        %add3A_692 = arith.constant 16 : i32
        %add3A_693 = arith.addi %mul3A_677, %add3A_692 : i32
        %get3A_694 = arith.index_cast %add3A_693 : i32 to index
        %get3A_695 = tpu.vector_load %arg8[%get3A_694] {strides = array<i32>} : memref<16384xf32, #tpu.memory_space<vmem>>, vector<16xf32>,
        %sub3A_696 = arith.subf %get3A_691, %get3A_695 : vector<16xf32>
        %mul3A_697 = arith.mulf %sub3A_696, %sub3A_696 : vector<16xf32>
        %add3A_698 = arith.constant 32 : i32
        %add3A_699 = arith.addi %mul3A_677, %add3A_698 : i32
        %get3A_700 = arith.index_cast %add3A_699 : i32 to index
        %get3A_701 = tpu.vector_load %arg6[%get3A_700] {strides = array<i32>} : memref<16384xf32, #tpu.memory_space<vmem>>, vector<16xf32>,
        %add3A_702 = arith.constant 32 : i32
        %add3A_703 = arith.addi %mul3A_677, %add3A_702 : i32
        %get3A_704 = arith.index_cast %add3A_703 : i32 to index
        %get3A_705 = tpu.vector_load %arg8[%get3A_704] {strides = array<i32>} : memref<16384xf32, #tpu.memory_space<vmem>>, vector<16xf32>,
        %sub3A_706 = arith.subf %get3A_701, %get3A_705 : vector<16xf32>
        %mul3A_707 = arith.mulf %sub3A_706, %sub3A_706 : vector<16xf32>
        %add3A_708 = arith.constant 48 : i32
        %add3A_709 = arith.addi %mul3A_677, %add3A_708 : i32
        %get3A_710 = arith.index_cast %add3A_709 : i32 to index
        %get3A_711 = tpu.vector_load %arg6[%get3A_710] {strides = array<i32>} : memref<16384xf32, #tpu.memory_space<vmem>>, vector<16xf32>,
        %add3A_712 = arith.constant 48 : i32
        %add3A_713 = arith.addi %mul3A_677, %add3A_712 : i32
        %get3A_714 = arith.index_cast %add3A_713 : i32 to index
        %get3A_715 = tpu.vector_load %arg8[%get3A_714] {strides = array<i32>} : memref<16384xf32, #tpu.memory_space<vmem>>, vector<16xf32>,
        %sub3A_716 = arith.subf %get3A_711, %get3A_715 : vector<16xf32>
        %mul3A_717 = arith.mulf %sub3A_716, %sub3A_716 : vector<16xf32>
        %add3A_718 = arith.constant 64 : i32
        %add3A_719 = arith.addi %mul3A_677, %add3A_718 : i32
        %get3A_720 = arith.index_cast %add3A_719 : i32 to index
        %get3A_721 = tpu.vector_load %arg6[%get3A_720] {strides = array<i32>} : memref<16384xf32, #tpu.memory_space<vmem>>, vector<16xf32>,
        %add3A_722 = arith.constant 64 : i32
        %add3A_723 = arith.addi %mul3A_677, %add3A_722 : i32
        %get3A_724 = arith.index_cast %add3A_723 : i32 to index
        %get3A_725 = tpu.vector_load %arg8[%get3A_724] {strides = array<i32>} : memref<16384xf32, #tpu.memory_space<vmem>>, vector<16xf32>,
        %sub3A_726 = arith.subf %get3A_721, %get3A_725 : vector<16xf32>
        %mul3A_727 = arith.mulf %sub3A_726, %sub3A_726 : vector<16xf32>
        %add3A_728 = arith.constant 80 : i32
        %add3A_729 = arith.addi %mul3A_677, %add3A_728 : i32
        %get3A_730 = arith.index_cast %add3A_729 : i32 to index
        %get3A_731 = tpu.vector_load %arg6[%get3A_730] {strides = array<i32>} : memref<16384xf32, #tpu.memory_space<vmem>>, vector<16xf32>,
        %add3A_732 = arith.constant 80 : i32
        %add3A_733 = arith.addi %mul3A_677, %add3A_732 : i32
        %get3A_734 = arith.index_cast %add3A_733 : i32 to index
        %get3A_735 = tpu.vector_load %arg8[%get3A_734] {strides = array<i32>} : memref<16384xf32, #tpu.memory_space<vmem>>, vector<16xf32>,
        %sub3A_736 = arith.subf %get3A_731, %get3A_735 : vector<16xf32>
        %mul3A_737 = arith.mulf %sub3A_736, %sub3A_736 : vector<16xf32>
        %add3A_738 = arith.constant 96 : i32
        %add3A_739 = arith.addi %mul3A_677, %add3A_738 : i32
        %get3A_740 = arith.index_cast %add3A_739 : i32 to index
        %get3A_741 = tpu.vector_load %arg6[%get3A_740] {strides = array<i32>} : memref<16384xf32, #tpu.memory_space<vmem>>, vector<16xf32>,
        %add3A_742 = arith.constant 96 : i32
        %add3A_743 = arith.addi %mul3A_677, %add3A_742 : i32
        %get3A_744 = arith.index_cast %add3A_743 : i32 to index
        %get3A_745 = tpu.vector_load %arg8[%get3A_744] {strides = array<i32>} : memref<16384xf32, #tpu.memory_space<vmem>>, vector<16xf32>,
        %sub3A_746 = arith.subf %get3A_741, %get3A_745 : vector<16xf32>
        %mul3A_747 = arith.mulf %sub3A_746, %sub3A_746 : vector<16xf32>
        %add3A_748 = arith.constant 112 : i32
        %add3A_749 = arith.addi %mul3A_677, %add3A_748 : i32
        %get3A_750 = arith.index_cast %add3A_749 : i32 to index
        %get3A_751 = tpu.vector_load %arg6[%get3A_750] {strides = array<i32>} : memref<16384xf32, #tpu.memory_space<vmem>>, vector<16xf32>,
        %add3A_752 = arith.constant 112 : i32
        %add3A_753 = arith.addi %mul3A_677, %add3A_752 : i32
        %get3A_754 = arith.index_cast %add3A_753 : i32 to index
        %get3A_755 = tpu.vector_load %arg8[%get3A_754] {strides = array<i32>} : memref<16384xf32, #tpu.memory_space<vmem>>, vector<16xf32>,
        %sub3A_756 = arith.subf %get3A_751, %get3A_755 : vector<16xf32>
        %mul3A_757 = arith.mulf %sub3A_756, %sub3A_756 : vector<16xf32>
        %add3A_758 = arith.addf %mul3A_687, %mul3A_697 : vector<16xf32>
        %add3A_759 = arith.addf %mul3A_707, %mul3A_717 : vector<16xf32>
        %add3A_760 = arith.addf %mul3A_727, %mul3A_737 : vector<16xf32>
        %add3A_761 = arith.addf %mul3A_747, %mul3A_757 : vector<16xf32>
        %add3A_762 = arith.addf %add3A_758, %add3A_759 : vector<16xf32>
        %add3A_763 = arith.addf %add3A_760, %add3A_761 : vector<16xf32>
        %add3A_764 = arith.addf %add3A_762, %add3A_763 : vector<16xf32>
        %add3A_765 = arith.constant 128 : i32
        %add3A_766 = arith.addi %mul3A_677, %add3A_765 : i32
        %add3A_767 = arith.constant 0 : i32
        %add3A_768 = arith.addi %add3A_766, %add3A_767 : i32
        %get3A_769 = arith.index_cast %add3A_768 : i32 to index
        %get3A_770 = tpu.vector_load %arg6[%get3A_769] {strides = array<i32>} : memref<16384xf32, #tpu.memory_space<vmem>>, vector<16xf32>,
        %add3A_771 = arith.constant 0 : i32
        %add3A_772 = arith.addi %add3A_766, %add3A_771 : i32
        %get3A_773 = arith.index_cast %add3A_772 : i32 to index
        %get3A_774 = tpu.vector_load %arg8[%get3A_773] {strides = array<i32>} : memref<16384xf32, #tpu.memory_space<vmem>>, vector<16xf32>,
        %sub3A_775 = arith.subf %get3A_770, %get3A_774 : vector<16xf32>
        %mul3A_776 = arith.mulf %sub3A_775, %sub3A_775 : vector<16xf32>
        %add3A_777 = arith.constant 16 : i32
        %add3A_778 = arith.addi %add3A_766, %add3A_777 : i32
        %get3A_779 = arith.index_cast %add3A_778 : i32 to index
        %get3A_780 = tpu.vector_load %arg6[%get3A_779] {strides = array<i32>} : memref<16384xf32, #tpu.memory_space<vmem>>, vector<16xf32>,
        %add3A_781 = arith.constant 16 : i32
        %add3A_782 = arith.addi %add3A_766, %add3A_781 : i32
        %get3A_783 = arith.index_cast %add3A_782 : i32 to index
        %get3A_784 = tpu.vector_load %arg8[%get3A_783] {strides = array<i32>} : memref<16384xf32, #tpu.memory_space<vmem>>, vector<16xf32>,
        %sub3A_785 = arith.subf %get3A_780, %get3A_784 : vector<16xf32>
        %mul3A_786 = arith.mulf %sub3A_785, %sub3A_785 : vector<16xf32>
        %add3A_787 = arith.constant 32 : i32
        %add3A_788 = arith.addi %add3A_766, %add3A_787 : i32
        %get3A_789 = arith.index_cast %add3A_788 : i32 to index
        %get3A_790 = tpu.vector_load %arg6[%get3A_789] {strides = array<i32>} : memref<16384xf32, #tpu.memory_space<vmem>>, vector<16xf32>,
        %add3A_791 = arith.constant 32 : i32
        %add3A_792 = arith.addi %add3A_766, %add3A_791 : i32
        %get3A_793 = arith.index_cast %add3A_792 : i32 to index
        %get3A_794 = tpu.vector_load %arg8[%get3A_793] {strides = array<i32>} : memref<16384xf32, #tpu.memory_space<vmem>>, vector<16xf32>,
        %sub3A_795 = arith.subf %get3A_790, %get3A_794 : vector<16xf32>
        %mul3A_796 = arith.mulf %sub3A_795, %sub3A_795 : vector<16xf32>
        %add3A_797 = arith.constant 48 : i32
        %add3A_798 = arith.addi %add3A_766, %add3A_797 : i32
        %get3A_799 = arith.index_cast %add3A_798 : i32 to index
        %get3A_800 = tpu.vector_load %arg6[%get3A_799] {strides = array<i32>} : memref<16384xf32, #tpu.memory_space<vmem>>, vector<16xf32>,
        %add3A_801 = arith.constant 48 : i32
        %add3A_802 = arith.addi %add3A_766, %add3A_801 : i32
        %get3A_803 = arith.index_cast %add3A_802 : i32 to index
        %get3A_804 = tpu.vector_load %arg8[%get3A_803] {strides = array<i32>} : memref<16384xf32, #tpu.memory_space<vmem>>, vector<16xf32>,
        %sub3A_805 = arith.subf %get3A_800, %get3A_804 : vector<16xf32>
        %mul3A_806 = arith.mulf %sub3A_805, %sub3A_805 : vector<16xf32>
        %add3A_807 = arith.constant 64 : i32
        %add3A_808 = arith.addi %add3A_766, %add3A_807 : i32
        %get3A_809 = arith.index_cast %add3A_808 : i32 to index
        %get3A_810 = tpu.vector_load %arg6[%get3A_809] {strides = array<i32>} : memref<16384xf32, #tpu.memory_space<vmem>>, vector<16xf32>,
        %add3A_811 = arith.constant 64 : i32
        %add3A_812 = arith.addi %add3A_766, %add3A_811 : i32
        %get3A_813 = arith.index_cast %add3A_812 : i32 to index
        %get3A_814 = tpu.vector_load %arg8[%get3A_813] {strides = array<i32>} : memref<16384xf32, #tpu.memory_space<vmem>>, vector<16xf32>,
        %sub3A_815 = arith.subf %get3A_810, %get3A_814 : vector<16xf32>
        %mul3A_816 = arith.mulf %sub3A_815, %sub3A_815 : vector<16xf32>
        %add3A_817 = arith.constant 80 : i32
        %add3A_818 = arith.addi %add3A_766, %add3A_817 : i32
        %get3A_819 = arith.index_cast %add3A_818 : i32 to index
        %get3A_820 = tpu.vector_load %arg6[%get3A_819] {strides = array<i32>} : memref<16384xf32, #tpu.memory_space<vmem>>, vector<16xf32>,
        %add3A_821 = arith.constant 80 : i32
        %add3A_822 = arith.addi %add3A_766, %add3A_821 : i32
        %get3A_823 = arith.index_cast %add3A_822 : i32 to index
        %get3A_824 = tpu.vector_load %arg8[%get3A_823] {strides = array<i32>} : memref<16384xf32, #tpu.memory_space<vmem>>, vector<16xf32>,
        %sub3A_825 = arith.subf %get3A_820, %get3A_824 : vector<16xf32>
        %mul3A_826 = arith.mulf %sub3A_825, %sub3A_825 : vector<16xf32>
        %add3A_827 = arith.constant 96 : i32
        %add3A_828 = arith.addi %add3A_766, %add3A_827 : i32
        %get3A_829 = arith.index_cast %add3A_828 : i32 to index
        %get3A_830 = tpu.vector_load %arg6[%get3A_829] {strides = array<i32>} : memref<16384xf32, #tpu.memory_space<vmem>>, vector<16xf32>,
        %add3A_831 = arith.constant 96 : i32
        %add3A_832 = arith.addi %add3A_766, %add3A_831 : i32
        %get3A_833 = arith.index_cast %add3A_832 : i32 to index
        %get3A_834 = tpu.vector_load %arg8[%get3A_833] {strides = array<i32>} : memref<16384xf32, #tpu.memory_space<vmem>>, vector<16xf32>,
        %sub3A_835 = arith.subf %get3A_830, %get3A_834 : vector<16xf32>
        %mul3A_836 = arith.mulf %sub3A_835, %sub3A_835 : vector<16xf32>
        %add3A_837 = arith.constant 112 : i32
        %add3A_838 = arith.addi %add3A_766, %add3A_837 : i32
        %get3A_839 = arith.index_cast %add3A_838 : i32 to index
        %get3A_840 = tpu.vector_load %arg6[%get3A_839] {strides = array<i32>} : memref<16384xf32, #tpu.memory_space<vmem>>, vector<16xf32>,
        %add3A_841 = arith.constant 112 : i32
        %add3A_842 = arith.addi %add3A_766, %add3A_841 : i32
        %get3A_843 = arith.index_cast %add3A_842 : i32 to index
        %get3A_844 = tpu.vector_load %arg8[%get3A_843] {strides = array<i32>} : memref<16384xf32, #tpu.memory_space<vmem>>, vector<16xf32>,
        %sub3A_845 = arith.subf %get3A_840, %get3A_844 : vector<16xf32>
        %mul3A_846 = arith.mulf %sub3A_845, %sub3A_845 : vector<16xf32>
        %add3A_847 = arith.addf %mul3A_776, %mul3A_786 : vector<16xf32>
        %add3A_848 = arith.addf %mul3A_796, %mul3A_806 : vector<16xf32>
        %add3A_849 = arith.addf %mul3A_816, %mul3A_826 : vector<16xf32>
        %add3A_850 = arith.addf %mul3A_836, %mul3A_846 : vector<16xf32>
        %add3A_851 = arith.addf %add3A_847, %add3A_848 : vector<16xf32>
        %add3A_852 = arith.addf %add3A_849, %add3A_850 : vector<16xf32>
        %add3A_853 = arith.addf %add3A_851, %add3A_852 : vector<16xf32>
        %broadcast_in_dim3A_854 = vector.shape_cast %xor3A_171 : vector<16xi32> to vector<16x1xi32>
        %gather3A_855 = vector.shape_cast %broadcast_in_dim3A_854 : vector<16x1xi32> to vector<16xi32>
        %gather3A_856 = tpu.dynamic_gather %add3A_764[%gather3A_855] in [0] : vector<16xf32>, vector<16xi32> -> vector<16xf32>
        %add3A_857 = arith.addf %add3A_764, %gather3A_856 : vector<16xf32>
        %broadcast_in_dim3A_858 = vector.shape_cast %xor3A_171 : vector<16xi32> to vector<16x1xi32>
        %gather3A_859 = vector.shape_cast %broadcast_in_dim3A_858 : vector<16x1xi32> to vector<16xi32>
        %gather3A_860 = tpu.dynamic_gather %add3A_853[%gather3A_859] in [0] : vector<16xf32>, vector<16xi32> -> vector<16xf32>
        %add3A_861 = arith.addf %add3A_853, %gather3A_860 : vector<16xf32>
        %select_n3A_862 = arith.select %eq3A_186, %add3A_857, %add3A_861 : vector<16xi1>, vector<16xf32>
        %swap3A_863 = arith.constant 32 : index
        %swap3A_864 = tpu.vector_load %arg16[%swap3A_863] {strides = array<i32>} : memref<128xf32, #tpu.memory_space<vmem>>, vector<16xf32>,
        tpu.vector_store %arg16[%swap3A_863], %select_n3A_862 {strides = array<i32>} : memref<128xf32, #tpu.memory_space<vmem>>, vector<16xf32>,
        %mul3A_865 = arith.constant 16 : i32
        %mul3A_866 = arith.muli %scan3A_286, %mul3A_865 : i32
        %add3A_867 = arith.constant 6 : i32
        %add3A_868 = arith.addi %mul3A_866, %add3A_867 : i32
        %mul3A_869 = arith.constant 128 : i32
        %mul3A_870 = arith.muli %add3A_868, %mul3A_869 : i32
        %add3A_871 = arith.constant 0 : i32
        %add3A_872 = arith.addi %mul3A_870, %add3A_871 : i32
        %get3A_873 = arith.index_cast %add3A_872 : i32 to index
        %get3A_874 = tpu.vector_load %arg6[%get3A_873] {strides = array<i32>} : memref<16384xf32, #tpu.memory_space<vmem>>, vector<16xf32>,
        %add3A_875 = arith.constant 0 : i32
        %add3A_876 = arith.addi %mul3A_870, %add3A_875 : i32
        %get3A_877 = arith.index_cast %add3A_876 : i32 to index
        %get3A_878 = tpu.vector_load %arg8[%get3A_877] {strides = array<i32>} : memref<16384xf32, #tpu.memory_space<vmem>>, vector<16xf32>,
        %sub3A_879 = arith.subf %get3A_874, %get3A_878 : vector<16xf32>
        %mul3A_880 = arith.mulf %sub3A_879, %sub3A_879 : vector<16xf32>
        %add3A_881 = arith.constant 16 : i32
        %add3A_882 = arith.addi %mul3A_870, %add3A_881 : i32
        %get3A_883 = arith.index_cast %add3A_882 : i32 to index
        %get3A_884 = tpu.vector_load %arg6[%get3A_883] {strides = array<i32>} : memref<16384xf32, #tpu.memory_space<vmem>>, vector<16xf32>,
        %add3A_885 = arith.constant 16 : i32
        %add3A_886 = arith.addi %mul3A_870, %add3A_885 : i32
        %get3A_887 = arith.index_cast %add3A_886 : i32 to index
        %get3A_888 = tpu.vector_load %arg8[%get3A_887] {strides = array<i32>} : memref<16384xf32, #tpu.memory_space<vmem>>, vector<16xf32>,
        %sub3A_889 = arith.subf %get3A_884, %get3A_888 : vector<16xf32>
        %mul3A_890 = arith.mulf %sub3A_889, %sub3A_889 : vector<16xf32>
        %add3A_891 = arith.constant 32 : i32
        %add3A_892 = arith.addi %mul3A_870, %add3A_891 : i32
        %get3A_893 = arith.index_cast %add3A_892 : i32 to index
        %get3A_894 = tpu.vector_load %arg6[%get3A_893] {strides = array<i32>} : memref<16384xf32, #tpu.memory_space<vmem>>, vector<16xf32>,
        %add3A_895 = arith.constant 32 : i32
        %add3A_896 = arith.addi %mul3A_870, %add3A_895 : i32
        %get3A_897 = arith.index_cast %add3A_896 : i32 to index
        %get3A_898 = tpu.vector_load %arg8[%get3A_897] {strides = array<i32>} : memref<16384xf32, #tpu.memory_space<vmem>>, vector<16xf32>,
        %sub3A_899 = arith.subf %get3A_894, %get3A_898 : vector<16xf32>
        %mul3A_900 = arith.mulf %sub3A_899, %sub3A_899 : vector<16xf32>
        %add3A_901 = arith.constant 48 : i32
        %add3A_902 = arith.addi %mul3A_870, %add3A_901 : i32
        %get3A_903 = arith.index_cast %add3A_902 : i32 to index
        %get3A_904 = tpu.vector_load %arg6[%get3A_903] {strides = array<i32>} : memref<16384xf32, #tpu.memory_space<vmem>>, vector<16xf32>,
        %add3A_905 = arith.constant 48 : i32
        %add3A_906 = arith.addi %mul3A_870, %add3A_905 : i32
        %get3A_907 = arith.index_cast %add3A_906 : i32 to index
        %get3A_908 = tpu.vector_load %arg8[%get3A_907] {strides = array<i32>} : memref<16384xf32, #tpu.memory_space<vmem>>, vector<16xf32>,
        %sub3A_909 = arith.subf %get3A_904, %get3A_908 : vector<16xf32>
        %mul3A_910 = arith.mulf %sub3A_909, %sub3A_909 : vector<16xf32>
        %add3A_911 = arith.constant 64 : i32
        %add3A_912 = arith.addi %mul3A_870, %add3A_911 : i32
        %get3A_913 = arith.index_cast %add3A_912 : i32 to index
        %get3A_914 = tpu.vector_load %arg6[%get3A_913] {strides = array<i32>} : memref<16384xf32, #tpu.memory_space<vmem>>, vector<16xf32>,
        %add3A_915 = arith.constant 64 : i32
        %add3A_916 = arith.addi %mul3A_870, %add3A_915 : i32
        %get3A_917 = arith.index_cast %add3A_916 : i32 to index
        %get3A_918 = tpu.vector_load %arg8[%get3A_917] {strides = array<i32>} : memref<16384xf32, #tpu.memory_space<vmem>>, vector<16xf32>,
        %sub3A_919 = arith.subf %get3A_914, %get3A_918 : vector<16xf32>
        %mul3A_920 = arith.mulf %sub3A_919, %sub3A_919 : vector<16xf32>
        %add3A_921 = arith.constant 80 : i32
        %add3A_922 = arith.addi %mul3A_870, %add3A_921 : i32
        %get3A_923 = arith.index_cast %add3A_922 : i32 to index
        %get3A_924 = tpu.vector_load %arg6[%get3A_923] {strides = array<i32>} : memref<16384xf32, #tpu.memory_space<vmem>>, vector<16xf32>,
        %add3A_925 = arith.constant 80 : i32
        %add3A_926 = arith.addi %mul3A_870, %add3A_925 : i32
        %get3A_927 = arith.index_cast %add3A_926 : i32 to index
        %get3A_928 = tpu.vector_load %arg8[%get3A_927] {strides = array<i32>} : memref<16384xf32, #tpu.memory_space<vmem>>, vector<16xf32>,
        %sub3A_929 = arith.subf %get3A_924, %get3A_928 : vector<16xf32>
        %mul3A_930 = arith.mulf %sub3A_929, %sub3A_929 : vector<16xf32>
        %add3A_931 = arith.constant 96 : i32
        %add3A_932 = arith.addi %mul3A_870, %add3A_931 : i32
        %get3A_933 = arith.index_cast %add3A_932 : i32 to index
        %get3A_934 = tpu.vector_load %arg6[%get3A_933] {strides = array<i32>} : memref<16384xf32, #tpu.memory_space<vmem>>, vector<16xf32>,
        %add3A_935 = arith.constant 96 : i32
        %add3A_936 = arith.addi %mul3A_870, %add3A_935 : i32
        %get3A_937 = arith.index_cast %add3A_936 : i32 to index
        %get3A_938 = tpu.vector_load %arg8[%get3A_937] {strides = array<i32>} : memref<16384xf32, #tpu.memory_space<vmem>>, vector<16xf32>,
        %sub3A_939 = arith.subf %get3A_934, %get3A_938 : vector<16xf32>
        %mul3A_940 = arith.mulf %sub3A_939, %sub3A_939 : vector<16xf32>
        %add3A_941 = arith.constant 112 : i32
        %add3A_942 = arith.addi %mul3A_870, %add3A_941 : i32
        %get3A_943 = arith.index_cast %add3A_942 : i32 to index
        %get3A_944 = tpu.vector_load %arg6[%get3A_943] {strides = array<i32>} : memref<16384xf32, #tpu.memory_space<vmem>>, vector<16xf32>,
        %add3A_945 = arith.constant 112 : i32
        %add3A_946 = arith.addi %mul3A_870, %add3A_945 : i32
        %get3A_947 = arith.index_cast %add3A_946 : i32 to index
        %get3A_948 = tpu.vector_load %arg8[%get3A_947] {strides = array<i32>} : memref<16384xf32, #tpu.memory_space<vmem>>, vector<16xf32>,
        %sub3A_949 = arith.subf %get3A_944, %get3A_948 : vector<16xf32>
        %mul3A_950 = arith.mulf %sub3A_949, %sub3A_949 : vector<16xf32>
        %add3A_951 = arith.addf %mul3A_880, %mul3A_890 : vector<16xf32>
        %add3A_952 = arith.addf %mul3A_900, %mul3A_910 : vector<16xf32>
        %add3A_953 = arith.addf %mul3A_920, %mul3A_930 : vector<16xf32>
        %add3A_954 = arith.addf %mul3A_940, %mul3A_950 : vector<16xf32>
        %add3A_955 = arith.addf %add3A_951, %add3A_952 : vector<16xf32>
        %add3A_956 = arith.addf %add3A_953, %add3A_954 : vector<16xf32>
        %add3A_957 = arith.addf %add3A_955, %add3A_956 : vector<16xf32>
        %add3A_958 = arith.constant 128 : i32
        %add3A_959 = arith.addi %mul3A_870, %add3A_958 : i32
        %add3A_960 = arith.constant 0 : i32
        %add3A_961 = arith.addi %add3A_959, %add3A_960 : i32
        %get3A_962 = arith.index_cast %add3A_961 : i32 to index
        %get3A_963 = tpu.vector_load %arg6[%get3A_962] {strides = array<i32>} : memref<16384xf32, #tpu.memory_space<vmem>>, vector<16xf32>,
        %add3A_964 = arith.constant 0 : i32
        %add3A_965 = arith.addi %add3A_959, %add3A_964 : i32
        %get3A_966 = arith.index_cast %add3A_965 : i32 to index
        %get3A_967 = tpu.vector_load %arg8[%get3A_966] {strides = array<i32>} : memref<16384xf32, #tpu.memory_space<vmem>>, vector<16xf32>,
        %sub3A_968 = arith.subf %get3A_963, %get3A_967 : vector<16xf32>
        %mul3A_969 = arith.mulf %sub3A_968, %sub3A_968 : vector<16xf32>
        %add3A_970 = arith.constant 16 : i32
        %add3A_971 = arith.addi %add3A_959, %add3A_970 : i32
        %get3A_972 = arith.index_cast %add3A_971 : i32 to index
        %get3A_973 = tpu.vector_load %arg6[%get3A_972] {strides = array<i32>} : memref<16384xf32, #tpu.memory_space<vmem>>, vector<16xf32>,
        %add3A_974 = arith.constant 16 : i32
        %add3A_975 = arith.addi %add3A_959, %add3A_974 : i32
        %get3A_976 = arith.index_cast %add3A_975 : i32 to index
        %get3A_977 = tpu.vector_load %arg8[%get3A_976] {strides = array<i32>} : memref<16384xf32, #tpu.memory_space<vmem>>, vector<16xf32>,
        %sub3A_978 = arith.subf %get3A_973, %get3A_977 : vector<16xf32>
        %mul3A_979 = arith.mulf %sub3A_978, %sub3A_978 : vector<16xf32>
        %add3A_980 = arith.constant 32 : i32
        %add3A_981 = arith.addi %add3A_959, %add3A_980 : i32
        %get3A_982 = arith.index_cast %add3A_981 : i32 to index
        %get3A_983 = tpu.vector_load %arg6[%get3A_982] {strides = array<i32>} : memref<16384xf32, #tpu.memory_space<vmem>>, vector<16xf32>,
        %add3A_984 = arith.constant 32 : i32
        %add3A_985 = arith.addi %add3A_959, %add3A_984 : i32
        %get3A_986 = arith.index_cast %add3A_985 : i32 to index
        %get3A_987 = tpu.vector_load %arg8[%get3A_986] {strides = array<i32>} : memref<16384xf32, #tpu.memory_space<vmem>>, vector<16xf32>,
        %sub3A_988 = arith.subf %get3A_983, %get3A_987 : vector<16xf32>
        %mul3A_989 = arith.mulf %sub3A_988, %sub3A_988 : vector<16xf32>
        %add3A_990 = arith.constant 48 : i32
        %add3A_991 = arith.addi %add3A_959, %add3A_990 : i32
        %get3A_992 = arith.index_cast %add3A_991 : i32 to index
        %get3A_993 = tpu.vector_load %arg6[%get3A_992] {strides = array<i32>} : memref<16384xf32, #tpu.memory_space<vmem>>, vector<16xf32>,
        %add3A_994 = arith.constant 48 : i32
        %add3A_995 = arith.addi %add3A_959, %add3A_994 : i32
        %get3A_996 = arith.index_cast %add3A_995 : i32 to index
        %get3A_997 = tpu.vector_load %arg8[%get3A_996] {strides = array<i32>} : memref<16384xf32, #tpu.memory_space<vmem>>, vector<16xf32>,
        %sub3A_998 = arith.subf %get3A_993, %get3A_997 : vector<16xf32>
        %mul3A_999 = arith.mulf %sub3A_998, %sub3A_998 : vector<16xf32>
        %add3A_1000 = arith.constant 64 : i32
        %add3A_1001 = arith.addi %add3A_959, %add3A_1000 : i32
        %get3A_1002 = arith.index_cast %add3A_1001 : i32 to index
        %get3A_1003 = tpu.vector_load %arg6[%get3A_1002] {strides = array<i32>} : memref<16384xf32, #tpu.memory_space<vmem>>, vector<16xf32>,
        %add3A_1004 = arith.constant 64 : i32
        %add3A_1005 = arith.addi %add3A_959, %add3A_1004 : i32
        %get3A_1006 = arith.index_cast %add3A_1005 : i32 to index
        %get3A_1007 = tpu.vector_load %arg8[%get3A_1006] {strides = array<i32>} : memref<16384xf32, #tpu.memory_space<vmem>>, vector<16xf32>,
        %sub3A_1008 = arith.subf %get3A_1003, %get3A_1007 : vector<16xf32>
        %mul3A_1009 = arith.mulf %sub3A_1008, %sub3A_1008 : vector<16xf32>
        %add3A_1010 = arith.constant 80 : i32
        %add3A_1011 = arith.addi %add3A_959, %add3A_1010 : i32
        %get3A_1012 = arith.index_cast %add3A_1011 : i32 to index
        %get3A_1013 = tpu.vector_load %arg6[%get3A_1012] {strides = array<i32>} : memref<16384xf32, #tpu.memory_space<vmem>>, vector<16xf32>,
        %add3A_1014 = arith.constant 80 : i32
        %add3A_1015 = arith.addi %add3A_959, %add3A_1014 : i32
        %get3A_1016 = arith.index_cast %add3A_1015 : i32 to index
        %get3A_1017 = tpu.vector_load %arg8[%get3A_1016] {strides = array<i32>} : memref<16384xf32, #tpu.memory_space<vmem>>, vector<16xf32>,
        %sub3A_1018 = arith.subf %get3A_1013, %get3A_1017 : vector<16xf32>
        %mul3A_1019 = arith.mulf %sub3A_1018, %sub3A_1018 : vector<16xf32>
        %add3A_1020 = arith.constant 96 : i32
        %add3A_1021 = arith.addi %add3A_959, %add3A_1020 : i32
        %get3A_1022 = arith.index_cast %add3A_1021 : i32 to index
        %get3A_1023 = tpu.vector_load %arg6[%get3A_1022] {strides = array<i32>} : memref<16384xf32, #tpu.memory_space<vmem>>, vector<16xf32>,
        %add3A_1024 = arith.constant 96 : i32
        %add3A_1025 = arith.addi %add3A_959, %add3A_1024 : i32
        %get3A_1026 = arith.index_cast %add3A_1025 : i32 to index
        %get3A_1027 = tpu.vector_load %arg8[%get3A_1026] {strides = array<i32>} : memref<16384xf32, #tpu.memory_space<vmem>>, vector<16xf32>,
        %sub3A_1028 = arith.subf %get3A_1023, %get3A_1027 : vector<16xf32>
        %mul3A_1029 = arith.mulf %sub3A_1028, %sub3A_1028 : vector<16xf32>
        %add3A_1030 = arith.constant 112 : i32
        %add3A_1031 = arith.addi %add3A_959, %add3A_1030 : i32
        %get3A_1032 = arith.index_cast %add3A_1031 : i32 to index
        %get3A_1033 = tpu.vector_load %arg6[%get3A_1032] {strides = array<i32>} : memref<16384xf32, #tpu.memory_space<vmem>>, vector<16xf32>,
        %add3A_1034 = arith.constant 112 : i32
        %add3A_1035 = arith.addi %add3A_959, %add3A_1034 : i32
        %get3A_1036 = arith.index_cast %add3A_1035 : i32 to index
        %get3A_1037 = tpu.vector_load %arg8[%get3A_1036] {strides = array<i32>} : memref<16384xf32, #tpu.memory_space<vmem>>, vector<16xf32>,
        %sub3A_1038 = arith.subf %get3A_1033, %get3A_1037 : vector<16xf32>
        %mul3A_1039 = arith.mulf %sub3A_1038, %sub3A_1038 : vector<16xf32>
        %add3A_1040 = arith.addf %mul3A_969, %mul3A_979 : vector<16xf32>
        %add3A_1041 = arith.addf %mul3A_989, %mul3A_999 : vector<16xf32>
        %add3A_1042 = arith.addf %mul3A_1009, %mul3A_1019 : vector<16xf32>
        %add3A_1043 = arith.addf %mul3A_1029, %mul3A_1039 : vector<16xf32>
        %add3A_1044 = arith.addf %add3A_1040, %add3A_1041 : vector<16xf32>
        %add3A_1045 = arith.addf %add3A_1042, %add3A_1043 : vector<16xf32>
        %add3A_1046 = arith.addf %add3A_1044, %add3A_1045 : vector<16xf32>
        %broadcast_in_dim3A_1047 = vector.shape_cast %xor3A_171 : vector<16xi32> to vector<16x1xi32>
        %gather3A_1048 = vector.shape_cast %broadcast_in_dim3A_1047 : vector<16x1xi32> to vector<16xi32>
        %gather3A_1049 = tpu.dynamic_gather %add3A_957[%gather3A_1048] in [0] : vector<16xf32>, vector<16xi32> -> vector<16xf32>
        %add3A_1050 = arith.addf %add3A_957, %gather3A_1049 : vector<16xf32>
        %broadcast_in_dim3A_1051 = vector.shape_cast %xor3A_171 : vector<16xi32> to vector<16x1xi32>
        %gather3A_1052 = vector.shape_cast %broadcast_in_dim3A_1051 : vector<16x1xi32> to vector<16xi32>
        %gather3A_1053 = tpu.dynamic_gather %add3A_1046[%gather3A_1052] in [0] : vector<16xf32>, vector<16xi32> -> vector<16xf32>
        %add3A_1054 = arith.addf %add3A_1046, %gather3A_1053 : vector<16xf32>
        %select_n3A_1055 = arith.select %eq3A_186, %add3A_1050, %add3A_1054 : vector<16xi1>, vector<16xf32>
        %swap3A_1056 = arith.constant 48 : index
        %swap3A_1057 = tpu.vector_load %arg16[%swap3A_1056] {strides = array<i32>} : memref<128xf32, #tpu.memory_space<vmem>>, vector<16xf32>,
        tpu.vector_store %arg16[%swap3A_1056], %select_n3A_1055 {strides = array<i32>} : memref<128xf32, #tpu.memory_space<vmem>>, vector<16xf32>,
        %mul3A_1058 = arith.constant 16 : i32
        %mul3A_1059 = arith.muli %scan3A_286, %mul3A_1058 : i32
        %add3A_1060 = arith.constant 8 : i32
        %add3A_1061 = arith.addi %mul3A_1059, %add3A_1060 : i32
        %mul3A_1062 = arith.constant 128 : i32
        %mul3A_1063 = arith.muli %add3A_1061, %mul3A_1062 : i32
        %add3A_1064 = arith.constant 0 : i32
        %add3A_1065 = arith.addi %mul3A_1063, %add3A_1064 : i32
        %get3A_1066 = arith.index_cast %add3A_1065 : i32 to index
        %get3A_1067 = tpu.vector_load %arg6[%get3A_1066] {strides = array<i32>} : memref<16384xf32, #tpu.memory_space<vmem>>, vector<16xf32>,
        %add3A_1068 = arith.constant 0 : i32
        %add3A_1069 = arith.addi %mul3A_1063, %add3A_1068 : i32
        %get3A_1070 = arith.index_cast %add3A_1069 : i32 to index
        %get3A_1071 = tpu.vector_load %arg8[%get3A_1070] {strides = array<i32>} : memref<16384xf32, #tpu.memory_space<vmem>>, vector<16xf32>,
        %sub3A_1072 = arith.subf %get3A_1067, %get3A_1071 : vector<16xf32>
        %mul3A_1073 = arith.mulf %sub3A_1072, %sub3A_1072 : vector<16xf32>
        %add3A_1074 = arith.constant 16 : i32
        %add3A_1075 = arith.addi %mul3A_1063, %add3A_1074 : i32
        %get3A_1076 = arith.index_cast %add3A_1075 : i32 to index
        %get3A_1077 = tpu.vector_load %arg6[%get3A_1076] {strides = array<i32>} : memref<16384xf32, #tpu.memory_space<vmem>>, vector<16xf32>,
        %add3A_1078 = arith.constant 16 : i32
        %add3A_1079 = arith.addi %mul3A_1063, %add3A_1078 : i32
        %get3A_1080 = arith.index_cast %add3A_1079 : i32 to index
        %get3A_1081 = tpu.vector_load %arg8[%get3A_1080] {strides = array<i32>} : memref<16384xf32, #tpu.memory_space<vmem>>, vector<16xf32>,
        %sub3A_1082 = arith.subf %get3A_1077, %get3A_1081 : vector<16xf32>
        %mul3A_1083 = arith.mulf %sub3A_1082, %sub3A_1082 : vector<16xf32>
        %add3A_1084 = arith.constant 32 : i32
        %add3A_1085 = arith.addi %mul3A_1063, %add3A_1084 : i32
        %get3A_1086 = arith.index_cast %add3A_1085 : i32 to index
        %get3A_1087 = tpu.vector_load %arg6[%get3A_1086] {strides = array<i32>} : memref<16384xf32, #tpu.memory_space<vmem>>, vector<16xf32>,
        %add3A_1088 = arith.constant 32 : i32
        %add3A_1089 = arith.addi %mul3A_1063, %add3A_1088 : i32
        %get3A_1090 = arith.index_cast %add3A_1089 : i32 to index
        %get3A_1091 = tpu.vector_load %arg8[%get3A_1090] {strides = array<i32>} : memref<16384xf32, #tpu.memory_space<vmem>>, vector<16xf32>,
        %sub3A_1092 = arith.subf %get3A_1087, %get3A_1091 : vector<16xf32>
        %mul3A_1093 = arith.mulf %sub3A_1092, %sub3A_1092 : vector<16xf32>
        %add3A_1094 = arith.constant 48 : i32
        %add3A_1095 = arith.addi %mul3A_1063, %add3A_1094 : i32
        %get3A_1096 = arith.index_cast %add3A_1095 : i32 to index
        %get3A_1097 = tpu.vector_load %arg6[%get3A_1096] {strides = array<i32>} : memref<16384xf32, #tpu.memory_space<vmem>>, vector<16xf32>,
        %add3A_1098 = arith.constant 48 : i32
        %add3A_1099 = arith.addi %mul3A_1063, %add3A_1098 : i32
        %get3A_1100 = arith.index_cast %add3A_1099 : i32 to index
        %get3A_1101 = tpu.vector_load %arg8[%get3A_1100] {strides = array<i32>} : memref<16384xf32, #tpu.memory_space<vmem>>, vector<16xf32>,
        %sub3A_1102 = arith.subf %get3A_1097, %get3A_1101 : vector<16xf32>
        %mul3A_1103 = arith.mulf %sub3A_1102, %sub3A_1102 : vector<16xf32>
        %add3A_1104 = arith.constant 64 : i32
        %add3A_1105 = arith.addi %mul3A_1063, %add3A_1104 : i32
        %get3A_1106 = arith.index_cast %add3A_1105 : i32 to index
        %get3A_1107 = tpu.vector_load %arg6[%get3A_1106] {strides = array<i32>} : memref<16384xf32, #tpu.memory_space<vmem>>, vector<16xf32>,
        %add3A_1108 = arith.constant 64 : i32
        %add3A_1109 = arith.addi %mul3A_1063, %add3A_1108 : i32
        %get3A_1110 = arith.index_cast %add3A_1109 : i32 to index
        %get3A_1111 = tpu.vector_load %arg8[%get3A_1110] {strides = array<i32>} : memref<16384xf32, #tpu.memory_space<vmem>>, vector<16xf32>,
        %sub3A_1112 = arith.subf %get3A_1107, %get3A_1111 : vector<16xf32>
        %mul3A_1113 = arith.mulf %sub3A_1112, %sub3A_1112 : vector<16xf32>
        %add3A_1114 = arith.constant 80 : i32
        %add3A_1115 = arith.addi %mul3A_1063, %add3A_1114 : i32
        %get3A_1116 = arith.index_cast %add3A_1115 : i32 to index
        %get3A_1117 = tpu.vector_load %arg6[%get3A_1116] {strides = array<i32>} : memref<16384xf32, #tpu.memory_space<vmem>>, vector<16xf32>,
        %add3A_1118 = arith.constant 80 : i32
        %add3A_1119 = arith.addi %mul3A_1063, %add3A_1118 : i32
        %get3A_1120 = arith.index_cast %add3A_1119 : i32 to index
        %get3A_1121 = tpu.vector_load %arg8[%get3A_1120] {strides = array<i32>} : memref<16384xf32, #tpu.memory_space<vmem>>, vector<16xf32>,
        %sub3A_1122 = arith.subf %get3A_1117, %get3A_1121 : vector<16xf32>
        %mul3A_1123 = arith.mulf %sub3A_1122, %sub3A_1122 : vector<16xf32>
        %add3A_1124 = arith.constant 96 : i32
        %add3A_1125 = arith.addi %mul3A_1063, %add3A_1124 : i32
        %get3A_1126 = arith.index_cast %add3A_1125 : i32 to index
        %get3A_1127 = tpu.vector_load %arg6[%get3A_1126] {strides = array<i32>} : memref<16384xf32, #tpu.memory_space<vmem>>, vector<16xf32>,
        %add3A_1128 = arith.constant 96 : i32
        %add3A_1129 = arith.addi %mul3A_1063, %add3A_1128 : i32
        %get3A_1130 = arith.index_cast %add3A_1129 : i32 to index
        %get3A_1131 = tpu.vector_load %arg8[%get3A_1130] {strides = array<i32>} : memref<16384xf32, #tpu.memory_space<vmem>>, vector<16xf32>,
        %sub3A_1132 = arith.subf %get3A_1127, %get3A_1131 : vector<16xf32>
        %mul3A_1133 = arith.mulf %sub3A_1132, %sub3A_1132 : vector<16xf32>
        %add3A_1134 = arith.constant 112 : i32
        %add3A_1135 = arith.addi %mul3A_1063, %add3A_1134 : i32
        %get3A_1136 = arith.index_cast %add3A_1135 : i32 to index
        %get3A_1137 = tpu.vector_load %arg6[%get3A_1136] {strides = array<i32>} : memref<16384xf32, #tpu.memory_space<vmem>>, vector<16xf32>,
        %add3A_1138 = arith.constant 112 : i32
        %add3A_1139 = arith.addi %mul3A_1063, %add3A_1138 : i32
        %get3A_1140 = arith.index_cast %add3A_1139 : i32 to index
        %get3A_1141 = tpu.vector_load %arg8[%get3A_1140] {strides = array<i32>} : memref<16384xf32, #tpu.memory_space<vmem>>, vector<16xf32>,
        %sub3A_1142 = arith.subf %get3A_1137, %get3A_1141 : vector<16xf32>
        %mul3A_1143 = arith.mulf %sub3A_1142, %sub3A_1142 : vector<16xf32>
        %add3A_1144 = arith.addf %mul3A_1073, %mul3A_1083 : vector<16xf32>
        %add3A_1145 = arith.addf %mul3A_1093, %mul3A_1103 : vector<16xf32>
        %add3A_1146 = arith.addf %mul3A_1113, %mul3A_1123 : vector<16xf32>
        %add3A_1147 = arith.addf %mul3A_1133, %mul3A_1143 : vector<16xf32>
        %add3A_1148 = arith.addf %add3A_1144, %add3A_1145 : vector<16xf32>
        %add3A_1149 = arith.addf %add3A_1146, %add3A_1147 : vector<16xf32>
        %add3A_1150 = arith.addf %add3A_1148, %add3A_1149 : vector<16xf32>
        %add3A_1151 = arith.constant 128 : i32
        %add3A_1152 = arith.addi %mul3A_1063, %add3A_1151 : i32
        %add3A_1153 = arith.constant 0 : i32
        %add3A_1154 = arith.addi %add3A_1152, %add3A_1153 : i32
        %get3A_1155 = arith.index_cast %add3A_1154 : i32 to index
        %get3A_1156 = tpu.vector_load %arg6[%get3A_1155] {strides = array<i32>} : memref<16384xf32, #tpu.memory_space<vmem>>, vector<16xf32>,
        %add3A_1157 = arith.constant 0 : i32
        %add3A_1158 = arith.addi %add3A_1152, %add3A_1157 : i32
        %get3A_1159 = arith.index_cast %add3A_1158 : i32 to index
        %get3A_1160 = tpu.vector_load %arg8[%get3A_1159] {strides = array<i32>} : memref<16384xf32, #tpu.memory_space<vmem>>, vector<16xf32>,
        %sub3A_1161 = arith.subf %get3A_1156, %get3A_1160 : vector<16xf32>
        %mul3A_1162 = arith.mulf %sub3A_1161, %sub3A_1161 : vector<16xf32>
        %add3A_1163 = arith.constant 16 : i32
        %add3A_1164 = arith.addi %add3A_1152, %add3A_1163 : i32
        %get3A_1165 = arith.index_cast %add3A_1164 : i32 to index
        %get3A_1166 = tpu.vector_load %arg6[%get3A_1165] {strides = array<i32>} : memref<16384xf32, #tpu.memory_space<vmem>>, vector<16xf32>,
        %add3A_1167 = arith.constant 16 : i32
        %add3A_1168 = arith.addi %add3A_1152, %add3A_1167 : i32
        %get3A_1169 = arith.index_cast %add3A_1168 : i32 to index
        %get3A_1170 = tpu.vector_load %arg8[%get3A_1169] {strides = array<i32>} : memref<16384xf32, #tpu.memory_space<vmem>>, vector<16xf32>,
        %sub3A_1171 = arith.subf %get3A_1166, %get3A_1170 : vector<16xf32>
        %mul3A_1172 = arith.mulf %sub3A_1171, %sub3A_1171 : vector<16xf32>
        %add3A_1173 = arith.constant 32 : i32
        %add3A_1174 = arith.addi %add3A_1152, %add3A_1173 : i32
        %get3A_1175 = arith.index_cast %add3A_1174 : i32 to index
        %get3A_1176 = tpu.vector_load %arg6[%get3A_1175] {strides = array<i32>} : memref<16384xf32, #tpu.memory_space<vmem>>, vector<16xf32>,
        %add3A_1177 = arith.constant 32 : i32
        %add3A_1178 = arith.addi %add3A_1152, %add3A_1177 : i32
        %get3A_1179 = arith.index_cast %add3A_1178 : i32 to index
        %get3A_1180 = tpu.vector_load %arg8[%get3A_1179] {strides = array<i32>} : memref<16384xf32, #tpu.memory_space<vmem>>, vector<16xf32>,
        %sub3A_1181 = arith.subf %get3A_1176, %get3A_1180 : vector<16xf32>
        %mul3A_1182 = arith.mulf %sub3A_1181, %sub3A_1181 : vector<16xf32>
        %add3A_1183 = arith.constant 48 : i32
        %add3A_1184 = arith.addi %add3A_1152, %add3A_1183 : i32
        %get3A_1185 = arith.index_cast %add3A_1184 : i32 to index
        %get3A_1186 = tpu.vector_load %arg6[%get3A_1185] {strides = array<i32>} : memref<16384xf32, #tpu.memory_space<vmem>>, vector<16xf32>,
        %add3A_1187 = arith.constant 48 : i32
        %add3A_1188 = arith.addi %add3A_1152, %add3A_1187 : i32
        %get3A_1189 = arith.index_cast %add3A_1188 : i32 to index
        %get3A_1190 = tpu.vector_load %arg8[%get3A_1189] {strides = array<i32>} : memref<16384xf32, #tpu.memory_space<vmem>>, vector<16xf32>,
        %sub3A_1191 = arith.subf %get3A_1186, %get3A_1190 : vector<16xf32>
        %mul3A_1192 = arith.mulf %sub3A_1191, %sub3A_1191 : vector<16xf32>
        %add3A_1193 = arith.constant 64 : i32
        %add3A_1194 = arith.addi %add3A_1152, %add3A_1193 : i32
        %get3A_1195 = arith.index_cast %add3A_1194 : i32 to index
        %get3A_1196 = tpu.vector_load %arg6[%get3A_1195] {strides = array<i32>} : memref<16384xf32, #tpu.memory_space<vmem>>, vector<16xf32>,
        %add3A_1197 = arith.constant 64 : i32
        %add3A_1198 = arith.addi %add3A_1152, %add3A_1197 : i32
        %get3A_1199 = arith.index_cast %add3A_1198 : i32 to index
        %get3A_1200 = tpu.vector_load %arg8[%get3A_1199] {strides = array<i32>} : memref<16384xf32, #tpu.memory_space<vmem>>, vector<16xf32>,
        %sub3A_1201 = arith.subf %get3A_1196, %get3A_1200 : vector<16xf32>
        %mul3A_1202 = arith.mulf %sub3A_1201, %sub3A_1201 : vector<16xf32>
        %add3A_1203 = arith.constant 80 : i32
        %add3A_1204 = arith.addi %add3A_1152, %add3A_1203 : i32
        %get3A_1205 = arith.index_cast %add3A_1204 : i32 to index
        %get3A_1206 = tpu.vector_load %arg6[%get3A_1205] {strides = array<i32>} : memref<16384xf32, #tpu.memory_space<vmem>>, vector<16xf32>,
        %add3A_1207 = arith.constant 80 : i32
        %add3A_1208 = arith.addi %add3A_1152, %add3A_1207 : i32
        %get3A_1209 = arith.index_cast %add3A_1208 : i32 to index
        %get3A_1210 = tpu.vector_load %arg8[%get3A_1209] {strides = array<i32>} : memref<16384xf32, #tpu.memory_space<vmem>>, vector<16xf32>,
        %sub3A_1211 = arith.subf %get3A_1206, %get3A_1210 : vector<16xf32>
        %mul3A_1212 = arith.mulf %sub3A_1211, %sub3A_1211 : vector<16xf32>
        %add3A_1213 = arith.constant 96 : i32
        %add3A_1214 = arith.addi %add3A_1152, %add3A_1213 : i32
        %get3A_1215 = arith.index_cast %add3A_1214 : i32 to index
        %get3A_1216 = tpu.vector_load %arg6[%get3A_1215] {strides = array<i32>} : memref<16384xf32, #tpu.memory_space<vmem>>, vector<16xf32>,
        %add3A_1217 = arith.constant 96 : i32
        %add3A_1218 = arith.addi %add3A_1152, %add3A_1217 : i32
        %get3A_1219 = arith.index_cast %add3A_1218 : i32 to index
        %get3A_1220 = tpu.vector_load %arg8[%get3A_1219] {strides = array<i32>} : memref<16384xf32, #tpu.memory_space<vmem>>, vector<16xf32>,
        %sub3A_1221 = arith.subf %get3A_1216, %get3A_1220 : vector<16xf32>
        %mul3A_1222 = arith.mulf %sub3A_1221, %sub3A_1221 : vector<16xf32>
        %add3A_1223 = arith.constant 112 : i32
        %add3A_1224 = arith.addi %add3A_1152, %add3A_1223 : i32
        %get3A_1225 = arith.index_cast %add3A_1224 : i32 to index
        %get3A_1226 = tpu.vector_load %arg6[%get3A_1225] {strides = array<i32>} : memref<16384xf32, #tpu.memory_space<vmem>>, vector<16xf32>,
        %add3A_1227 = arith.constant 112 : i32
        %add3A_1228 = arith.addi %add3A_1152, %add3A_1227 : i32
        %get3A_1229 = arith.index_cast %add3A_1228 : i32 to index
        %get3A_1230 = tpu.vector_load %arg8[%get3A_1229] {strides = array<i32>} : memref<16384xf32, #tpu.memory_space<vmem>>, vector<16xf32>,
        %sub3A_1231 = arith.subf %get3A_1226, %get3A_1230 : vector<16xf32>
        %mul3A_1232 = arith.mulf %sub3A_1231, %sub3A_1231 : vector<16xf32>
        %add3A_1233 = arith.addf %mul3A_1162, %mul3A_1172 : vector<16xf32>
        %add3A_1234 = arith.addf %mul3A_1182, %mul3A_1192 : vector<16xf32>
        %add3A_1235 = arith.addf %mul3A_1202, %mul3A_1212 : vector<16xf32>
        %add3A_1236 = arith.addf %mul3A_1222, %mul3A_1232 : vector<16xf32>
        %add3A_1237 = arith.addf %add3A_1233, %add3A_1234 : vector<16xf32>
        %add3A_1238 = arith.addf %add3A_1235, %add3A_1236 : vector<16xf32>
        %add3A_1239 = arith.addf %add3A_1237, %add3A_1238 : vector<16xf32>
        %broadcast_in_dim3A_1240 = vector.shape_cast %xor3A_171 : vector<16xi32> to vector<16x1xi32>
        %gather3A_1241 = vector.shape_cast %broadcast_in_dim3A_1240 : vector<16x1xi32> to vector<16xi32>
        %gather3A_1242 = tpu.dynamic_gather %add3A_1150[%gather3A_1241] in [0] : vector<16xf32>, vector<16xi32> -> vector<16xf32>
        %add3A_1243 = arith.addf %add3A_1150, %gather3A_1242 : vector<16xf32>
        %broadcast_in_dim3A_1244 = vector.shape_cast %xor3A_171 : vector<16xi32> to vector<16x1xi32>
        %gather3A_1245 = vector.shape_cast %broadcast_in_dim3A_1244 : vector<16x1xi32> to vector<16xi32>
        %gather3A_1246 = tpu.dynamic_gather %add3A_1239[%gather3A_1245] in [0] : vector<16xf32>, vector<16xi32> -> vector<16xf32>
        %add3A_1247 = arith.addf %add3A_1239, %gather3A_1246 : vector<16xf32>
        %select_n3A_1248 = arith.select %eq3A_186, %add3A_1243, %add3A_1247 : vector<16xi1>, vector<16xf32>
        %swap3A_1249 = arith.constant 64 : index
        %swap3A_1250 = tpu.vector_load %arg16[%swap3A_1249] {strides = array<i32>} : memref<128xf32, #tpu.memory_space<vmem>>, vector<16xf32>,
        tpu.vector_store %arg16[%swap3A_1249], %select_n3A_1248 {strides = array<i32>} : memref<128xf32, #tpu.memory_space<vmem>>, vector<16xf32>,
        %mul3A_1251 = arith.constant 16 : i32
        %mul3A_1252 = arith.muli %scan3A_286, %mul3A_1251 : i32
        %add3A_1253 = arith.constant 10 : i32
        %add3A_1254 = arith.addi %mul3A_1252, %add3A_1253 : i32
        %mul3A_1255 = arith.constant 128 : i32
        %mul3A_1256 = arith.muli %add3A_1254, %mul3A_1255 : i32
        %add3A_1257 = arith.constant 0 : i32
        %add3A_1258 = arith.addi %mul3A_1256, %add3A_1257 : i32
        %get3A_1259 = arith.index_cast %add3A_1258 : i32 to index
        %get3A_1260 = tpu.vector_load %arg6[%get3A_1259] {strides = array<i32>} : memref<16384xf32, #tpu.memory_space<vmem>>, vector<16xf32>,
        %add3A_1261 = arith.constant 0 : i32
        %add3A_1262 = arith.addi %mul3A_1256, %add3A_1261 : i32
        %get3A_1263 = arith.index_cast %add3A_1262 : i32 to index
        %get3A_1264 = tpu.vector_load %arg8[%get3A_1263] {strides = array<i32>} : memref<16384xf32, #tpu.memory_space<vmem>>, vector<16xf32>,
        %sub3A_1265 = arith.subf %get3A_1260, %get3A_1264 : vector<16xf32>
        %mul3A_1266 = arith.mulf %sub3A_1265, %sub3A_1265 : vector<16xf32>
        %add3A_1267 = arith.constant 16 : i32
        %add3A_1268 = arith.addi %mul3A_1256, %add3A_1267 : i32
        %get3A_1269 = arith.index_cast %add3A_1268 : i32 to index
        %get3A_1270 = tpu.vector_load %arg6[%get3A_1269] {strides = array<i32>} : memref<16384xf32, #tpu.memory_space<vmem>>, vector<16xf32>,
        %add3A_1271 = arith.constant 16 : i32
        %add3A_1272 = arith.addi %mul3A_1256, %add3A_1271 : i32
        %get3A_1273 = arith.index_cast %add3A_1272 : i32 to index
        %get3A_1274 = tpu.vector_load %arg8[%get3A_1273] {strides = array<i32>} : memref<16384xf32, #tpu.memory_space<vmem>>, vector<16xf32>,
        %sub3A_1275 = arith.subf %get3A_1270, %get3A_1274 : vector<16xf32>
        %mul3A_1276 = arith.mulf %sub3A_1275, %sub3A_1275 : vector<16xf32>
        %add3A_1277 = arith.constant 32 : i32
        %add3A_1278 = arith.addi %mul3A_1256, %add3A_1277 : i32
        %get3A_1279 = arith.index_cast %add3A_1278 : i32 to index
        %get3A_1280 = tpu.vector_load %arg6[%get3A_1279] {strides = array<i32>} : memref<16384xf32, #tpu.memory_space<vmem>>, vector<16xf32>,
        %add3A_1281 = arith.constant 32 : i32
        %add3A_1282 = arith.addi %mul3A_1256, %add3A_1281 : i32
        %get3A_1283 = arith.index_cast %add3A_1282 : i32 to index
        %get3A_1284 = tpu.vector_load %arg8[%get3A_1283] {strides = array<i32>} : memref<16384xf32, #tpu.memory_space<vmem>>, vector<16xf32>,
        %sub3A_1285 = arith.subf %get3A_1280, %get3A_1284 : vector<16xf32>
        %mul3A_1286 = arith.mulf %sub3A_1285, %sub3A_1285 : vector<16xf32>
        %add3A_1287 = arith.constant 48 : i32
        %add3A_1288 = arith.addi %mul3A_1256, %add3A_1287 : i32
        %get3A_1289 = arith.index_cast %add3A_1288 : i32 to index
        %get3A_1290 = tpu.vector_load %arg6[%get3A_1289] {strides = array<i32>} : memref<16384xf32, #tpu.memory_space<vmem>>, vector<16xf32>,
        %add3A_1291 = arith.constant 48 : i32
        %add3A_1292 = arith.addi %mul3A_1256, %add3A_1291 : i32
        %get3A_1293 = arith.index_cast %add3A_1292 : i32 to index
        %get3A_1294 = tpu.vector_load %arg8[%get3A_1293] {strides = array<i32>} : memref<16384xf32, #tpu.memory_space<vmem>>, vector<16xf32>,
        %sub3A_1295 = arith.subf %get3A_1290, %get3A_1294 : vector<16xf32>
        %mul3A_1296 = arith.mulf %sub3A_1295, %sub3A_1295 : vector<16xf32>
        %add3A_1297 = arith.constant 64 : i32
        %add3A_1298 = arith.addi %mul3A_1256, %add3A_1297 : i32
        %get3A_1299 = arith.index_cast %add3A_1298 : i32 to index
        %get3A_1300 = tpu.vector_load %arg6[%get3A_1299] {strides = array<i32>} : memref<16384xf32, #tpu.memory_space<vmem>>, vector<16xf32>,
        %add3A_1301 = arith.constant 64 : i32
        %add3A_1302 = arith.addi %mul3A_1256, %add3A_1301 : i32
        %get3A_1303 = arith.index_cast %add3A_1302 : i32 to index
        %get3A_1304 = tpu.vector_load %arg8[%get3A_1303] {strides = array<i32>} : memref<16384xf32, #tpu.memory_space<vmem>>, vector<16xf32>,
        %sub3A_1305 = arith.subf %get3A_1300, %get3A_1304 : vector<16xf32>
        %mul3A_1306 = arith.mulf %sub3A_1305, %sub3A_1305 : vector<16xf32>
        %add3A_1307 = arith.constant 80 : i32
        %add3A_1308 = arith.addi %mul3A_1256, %add3A_1307 : i32
        %get3A_1309 = arith.index_cast %add3A_1308 : i32 to index
        %get3A_1310 = tpu.vector_load %arg6[%get3A_1309] {strides = array<i32>} : memref<16384xf32, #tpu.memory_space<vmem>>, vector<16xf32>,
        %add3A_1311 = arith.constant 80 : i32
        %add3A_1312 = arith.addi %mul3A_1256, %add3A_1311 : i32
        %get3A_1313 = arith.index_cast %add3A_1312 : i32 to index
        %get3A_1314 = tpu.vector_load %arg8[%get3A_1313] {strides = array<i32>} : memref<16384xf32, #tpu.memory_space<vmem>>, vector<16xf32>,
        %sub3A_1315 = arith.subf %get3A_1310, %get3A_1314 : vector<16xf32>
        %mul3A_1316 = arith.mulf %sub3A_1315, %sub3A_1315 : vector<16xf32>
        %add3A_1317 = arith.constant 96 : i32
        %add3A_1318 = arith.addi %mul3A_1256, %add3A_1317 : i32
        %get3A_1319 = arith.index_cast %add3A_1318 : i32 to index
        %get3A_1320 = tpu.vector_load %arg6[%get3A_1319] {strides = array<i32>} : memref<16384xf32, #tpu.memory_space<vmem>>, vector<16xf32>,
        %add3A_1321 = arith.constant 96 : i32
        %add3A_1322 = arith.addi %mul3A_1256, %add3A_1321 : i32
        %get3A_1323 = arith.index_cast %add3A_1322 : i32 to index
        %get3A_1324 = tpu.vector_load %arg8[%get3A_1323] {strides = array<i32>} : memref<16384xf32, #tpu.memory_space<vmem>>, vector<16xf32>,
        %sub3A_1325 = arith.subf %get3A_1320, %get3A_1324 : vector<16xf32>
        %mul3A_1326 = arith.mulf %sub3A_1325, %sub3A_1325 : vector<16xf32>
        %add3A_1327 = arith.constant 112 : i32
        %add3A_1328 = arith.addi %mul3A_1256, %add3A_1327 : i32
        %get3A_1329 = arith.index_cast %add3A_1328 : i32 to index
        %get3A_1330 = tpu.vector_load %arg6[%get3A_1329] {strides = array<i32>} : memref<16384xf32, #tpu.memory_space<vmem>>, vector<16xf32>,
        %add3A_1331 = arith.constant 112 : i32
        %add3A_1332 = arith.addi %mul3A_1256, %add3A_1331 : i32
        %get3A_1333 = arith.index_cast %add3A_1332 : i32 to index
        %get3A_1334 = tpu.vector_load %arg8[%get3A_1333] {strides = array<i32>} : memref<16384xf32, #tpu.memory_space<vmem>>, vector<16xf32>,
        %sub3A_1335 = arith.subf %get3A_1330, %get3A_1334 : vector<16xf32>
        %mul3A_1336 = arith.mulf %sub3A_1335, %sub3A_1335 : vector<16xf32>
        %add3A_1337 = arith.addf %mul3A_1266, %mul3A_1276 : vector<16xf32>
        %add3A_1338 = arith.addf %mul3A_1286, %mul3A_1296 : vector<16xf32>
        %add3A_1339 = arith.addf %mul3A_1306, %mul3A_1316 : vector<16xf32>
        %add3A_1340 = arith.addf %mul3A_1326, %mul3A_1336 : vector<16xf32>
        %add3A_1341 = arith.addf %add3A_1337, %add3A_1338 : vector<16xf32>
        %add3A_1342 = arith.addf %add3A_1339, %add3A_1340 : vector<16xf32>
        %add3A_1343 = arith.addf %add3A_1341, %add3A_1342 : vector<16xf32>
        %add3A_1344 = arith.constant 128 : i32
        %add3A_1345 = arith.addi %mul3A_1256, %add3A_1344 : i32
        %add3A_1346 = arith.constant 0 : i32
        %add3A_1347 = arith.addi %add3A_1345, %add3A_1346 : i32
        %get3A_1348 = arith.index_cast %add3A_1347 : i32 to index
        %get3A_1349 = tpu.vector_load %arg6[%get3A_1348] {strides = array<i32>} : memref<16384xf32, #tpu.memory_space<vmem>>, vector<16xf32>,
        %add3A_1350 = arith.constant 0 : i32
        %add3A_1351 = arith.addi %add3A_1345, %add3A_1350 : i32
        %get3A_1352 = arith.index_cast %add3A_1351 : i32 to index
        %get3A_1353 = tpu.vector_load %arg8[%get3A_1352] {strides = array<i32>} : memref<16384xf32, #tpu.memory_space<vmem>>, vector<16xf32>,
        %sub3A_1354 = arith.subf %get3A_1349, %get3A_1353 : vector<16xf32>
        %mul3A_1355 = arith.mulf %sub3A_1354, %sub3A_1354 : vector<16xf32>
        %add3A_1356 = arith.constant 16 : i32
        %add3A_1357 = arith.addi %add3A_1345, %add3A_1356 : i32
        %get3A_1358 = arith.index_cast %add3A_1357 : i32 to index
        %get3A_1359 = tpu.vector_load %arg6[%get3A_1358] {strides = array<i32>} : memref<16384xf32, #tpu.memory_space<vmem>>, vector<16xf32>,
        %add3A_1360 = arith.constant 16 : i32
        %add3A_1361 = arith.addi %add3A_1345, %add3A_1360 : i32
        %get3A_1362 = arith.index_cast %add3A_1361 : i32 to index
        %get3A_1363 = tpu.vector_load %arg8[%get3A_1362] {strides = array<i32>} : memref<16384xf32, #tpu.memory_space<vmem>>, vector<16xf32>,
        %sub3A_1364 = arith.subf %get3A_1359, %get3A_1363 : vector<16xf32>
        %mul3A_1365 = arith.mulf %sub3A_1364, %sub3A_1364 : vector<16xf32>
        %add3A_1366 = arith.constant 32 : i32
        %add3A_1367 = arith.addi %add3A_1345, %add3A_1366 : i32
        %get3A_1368 = arith.index_cast %add3A_1367 : i32 to index
        %get3A_1369 = tpu.vector_load %arg6[%get3A_1368] {strides = array<i32>} : memref<16384xf32, #tpu.memory_space<vmem>>, vector<16xf32>,
        %add3A_1370 = arith.constant 32 : i32
        %add3A_1371 = arith.addi %add3A_1345, %add3A_1370 : i32
        %get3A_1372 = arith.index_cast %add3A_1371 : i32 to index
        %get3A_1373 = tpu.vector_load %arg8[%get3A_1372] {strides = array<i32>} : memref<16384xf32, #tpu.memory_space<vmem>>, vector<16xf32>,
        %sub3A_1374 = arith.subf %get3A_1369, %get3A_1373 : vector<16xf32>
        %mul3A_1375 = arith.mulf %sub3A_1374, %sub3A_1374 : vector<16xf32>
        %add3A_1376 = arith.constant 48 : i32
        %add3A_1377 = arith.addi %add3A_1345, %add3A_1376 : i32
        %get3A_1378 = arith.index_cast %add3A_1377 : i32 to index
        %get3A_1379 = tpu.vector_load %arg6[%get3A_1378] {strides = array<i32>} : memref<16384xf32, #tpu.memory_space<vmem>>, vector<16xf32>,
        %add3A_1380 = arith.constant 48 : i32
        %add3A_1381 = arith.addi %add3A_1345, %add3A_1380 : i32
        %get3A_1382 = arith.index_cast %add3A_1381 : i32 to index
        %get3A_1383 = tpu.vector_load %arg8[%get3A_1382] {strides = array<i32>} : memref<16384xf32, #tpu.memory_space<vmem>>, vector<16xf32>,
        %sub3A_1384 = arith.subf %get3A_1379, %get3A_1383 : vector<16xf32>
        %mul3A_1385 = arith.mulf %sub3A_1384, %sub3A_1384 : vector<16xf32>
        %add3A_1386 = arith.constant 64 : i32
        %add3A_1387 = arith.addi %add3A_1345, %add3A_1386 : i32
        %get3A_1388 = arith.index_cast %add3A_1387 : i32 to index
        %get3A_1389 = tpu.vector_load %arg6[%get3A_1388] {strides = array<i32>} : memref<16384xf32, #tpu.memory_space<vmem>>, vector<16xf32>,
        %add3A_1390 = arith.constant 64 : i32
        %add3A_1391 = arith.addi %add3A_1345, %add3A_1390 : i32
        %get3A_1392 = arith.index_cast %add3A_1391 : i32 to index
        %get3A_1393 = tpu.vector_load %arg8[%get3A_1392] {strides = array<i32>} : memref<16384xf32, #tpu.memory_space<vmem>>, vector<16xf32>,
        %sub3A_1394 = arith.subf %get3A_1389, %get3A_1393 : vector<16xf32>
        %mul3A_1395 = arith.mulf %sub3A_1394, %sub3A_1394 : vector<16xf32>
        %add3A_1396 = arith.constant 80 : i32
        %add3A_1397 = arith.addi %add3A_1345, %add3A_1396 : i32
        %get3A_1398 = arith.index_cast %add3A_1397 : i32 to index
        %get3A_1399 = tpu.vector_load %arg6[%get3A_1398] {strides = array<i32>} : memref<16384xf32, #tpu.memory_space<vmem>>, vector<16xf32>,
        %add3A_1400 = arith.constant 80 : i32
        %add3A_1401 = arith.addi %add3A_1345, %add3A_1400 : i32
        %get3A_1402 = arith.index_cast %add3A_1401 : i32 to index
        %get3A_1403 = tpu.vector_load %arg8[%get3A_1402] {strides = array<i32>} : memref<16384xf32, #tpu.memory_space<vmem>>, vector<16xf32>,
        %sub3A_1404 = arith.subf %get3A_1399, %get3A_1403 : vector<16xf32>
        %mul3A_1405 = arith.mulf %sub3A_1404, %sub3A_1404 : vector<16xf32>
        %add3A_1406 = arith.constant 96 : i32
        %add3A_1407 = arith.addi %add3A_1345, %add3A_1406 : i32
        %get3A_1408 = arith.index_cast %add3A_1407 : i32 to index
        %get3A_1409 = tpu.vector_load %arg6[%get3A_1408] {strides = array<i32>} : memref<16384xf32, #tpu.memory_space<vmem>>, vector<16xf32>,
        %add3A_1410 = arith.constant 96 : i32
        %add3A_1411 = arith.addi %add3A_1345, %add3A_1410 : i32
        %get3A_1412 = arith.index_cast %add3A_1411 : i32 to index
        %get3A_1413 = tpu.vector_load %arg8[%get3A_1412] {strides = array<i32>} : memref<16384xf32, #tpu.memory_space<vmem>>, vector<16xf32>,
        %sub3A_1414 = arith.subf %get3A_1409, %get3A_1413 : vector<16xf32>
        %mul3A_1415 = arith.mulf %sub3A_1414, %sub3A_1414 : vector<16xf32>
        %add3A_1416 = arith.constant 112 : i32
        %add3A_1417 = arith.addi %add3A_1345, %add3A_1416 : i32
        %get3A_1418 = arith.index_cast %add3A_1417 : i32 to index
        %get3A_1419 = tpu.vector_load %arg6[%get3A_1418] {strides = array<i32>} : memref<16384xf32, #tpu.memory_space<vmem>>, vector<16xf32>,
        %add3A_1420 = arith.constant 112 : i32
        %add3A_1421 = arith.addi %add3A_1345, %add3A_1420 : i32
        %get3A_1422 = arith.index_cast %add3A_1421 : i32 to index
        %get3A_1423 = tpu.vector_load %arg8[%get3A_1422] {strides = array<i32>} : memref<16384xf32, #tpu.memory_space<vmem>>, vector<16xf32>,
        %sub3A_1424 = arith.subf %get3A_1419, %get3A_1423 : vector<16xf32>
        %mul3A_1425 = arith.mulf %sub3A_1424, %sub3A_1424 : vector<16xf32>
        %add3A_1426 = arith.addf %mul3A_1355, %mul3A_1365 : vector<16xf32>
        %add3A_1427 = arith.addf %mul3A_1375, %mul3A_1385 : vector<16xf32>
        %add3A_1428 = arith.addf %mul3A_1395, %mul3A_1405 : vector<16xf32>
        %add3A_1429 = arith.addf %mul3A_1415, %mul3A_1425 : vector<16xf32>
        %add3A_1430 = arith.addf %add3A_1426, %add3A_1427 : vector<16xf32>
        %add3A_1431 = arith.addf %add3A_1428, %add3A_1429 : vector<16xf32>
        %add3A_1432 = arith.addf %add3A_1430, %add3A_1431 : vector<16xf32>
        %broadcast_in_dim3A_1433 = vector.shape_cast %xor3A_171 : vector<16xi32> to vector<16x1xi32>
        %gather3A_1434 = vector.shape_cast %broadcast_in_dim3A_1433 : vector<16x1xi32> to vector<16xi32>
        %gather3A_1435 = tpu.dynamic_gather %add3A_1343[%gather3A_1434] in [0] : vector<16xf32>, vector<16xi32> -> vector<16xf32>
        %add3A_1436 = arith.addf %add3A_1343, %gather3A_1435 : vector<16xf32>
        %broadcast_in_dim3A_1437 = vector.shape_cast %xor3A_171 : vector<16xi32> to vector<16x1xi32>
        %gather3A_1438 = vector.shape_cast %broadcast_in_dim3A_1437 : vector<16x1xi32> to vector<16xi32>
        %gather3A_1439 = tpu.dynamic_gather %add3A_1432[%gather3A_1438] in [0] : vector<16xf32>, vector<16xi32> -> vector<16xf32>
        %add3A_1440 = arith.addf %add3A_1432, %gather3A_1439 : vector<16xf32>
        %select_n3A_1441 = arith.select %eq3A_186, %add3A_1436, %add3A_1440 : vector<16xi1>, vector<16xf32>
        %swap3A_1442 = arith.constant 80 : index
        %swap3A_1443 = tpu.vector_load %arg16[%swap3A_1442] {strides = array<i32>} : memref<128xf32, #tpu.memory_space<vmem>>, vector<16xf32>,
        tpu.vector_store %arg16[%swap3A_1442], %select_n3A_1441 {strides = array<i32>} : memref<128xf32, #tpu.memory_space<vmem>>, vector<16xf32>,
        %mul3A_1444 = arith.constant 16 : i32
        %mul3A_1445 = arith.muli %scan3A_286, %mul3A_1444 : i32
        %add3A_1446 = arith.constant 12 : i32
        %add3A_1447 = arith.addi %mul3A_1445, %add3A_1446 : i32
        %mul3A_1448 = arith.constant 128 : i32
        %mul3A_1449 = arith.muli %add3A_1447, %mul3A_1448 : i32
        %add3A_1450 = arith.constant 0 : i32
        %add3A_1451 = arith.addi %mul3A_1449, %add3A_1450 : i32
        %get3A_1452 = arith.index_cast %add3A_1451 : i32 to index
        %get3A_1453 = tpu.vector_load %arg6[%get3A_1452] {strides = array<i32>} : memref<16384xf32, #tpu.memory_space<vmem>>, vector<16xf32>,
        %add3A_1454 = arith.constant 0 : i32
        %add3A_1455 = arith.addi %mul3A_1449, %add3A_1454 : i32
        %get3A_1456 = arith.index_cast %add3A_1455 : i32 to index
        %get3A_1457 = tpu.vector_load %arg8[%get3A_1456] {strides = array<i32>} : memref<16384xf32, #tpu.memory_space<vmem>>, vector<16xf32>,
        %sub3A_1458 = arith.subf %get3A_1453, %get3A_1457 : vector<16xf32>
        %mul3A_1459 = arith.mulf %sub3A_1458, %sub3A_1458 : vector<16xf32>
        %add3A_1460 = arith.constant 16 : i32
        %add3A_1461 = arith.addi %mul3A_1449, %add3A_1460 : i32
        %get3A_1462 = arith.index_cast %add3A_1461 : i32 to index
        %get3A_1463 = tpu.vector_load %arg6[%get3A_1462] {strides = array<i32>} : memref<16384xf32, #tpu.memory_space<vmem>>, vector<16xf32>,
        %add3A_1464 = arith.constant 16 : i32
        %add3A_1465 = arith.addi %mul3A_1449, %add3A_1464 : i32
        %get3A_1466 = arith.index_cast %add3A_1465 : i32 to index
        %get3A_1467 = tpu.vector_load %arg8[%get3A_1466] {strides = array<i32>} : memref<16384xf32, #tpu.memory_space<vmem>>, vector<16xf32>,
        %sub3A_1468 = arith.subf %get3A_1463, %get3A_1467 : vector<16xf32>
        %mul3A_1469 = arith.mulf %sub3A_1468, %sub3A_1468 : vector<16xf32>
        %add3A_1470 = arith.constant 32 : i32
        %add3A_1471 = arith.addi %mul3A_1449, %add3A_1470 : i32
        %get3A_1472 = arith.index_cast %add3A_1471 : i32 to index
        %get3A_1473 = tpu.vector_load %arg6[%get3A_1472] {strides = array<i32>} : memref<16384xf32, #tpu.memory_space<vmem>>, vector<16xf32>,
        %add3A_1474 = arith.constant 32 : i32
        %add3A_1475 = arith.addi %mul3A_1449, %add3A_1474 : i32
        %get3A_1476 = arith.index_cast %add3A_1475 : i32 to index
        %get3A_1477 = tpu.vector_load %arg8[%get3A_1476] {strides = array<i32>} : memref<16384xf32, #tpu.memory_space<vmem>>, vector<16xf32>,
        %sub3A_1478 = arith.subf %get3A_1473, %get3A_1477 : vector<16xf32>
        %mul3A_1479 = arith.mulf %sub3A_1478, %sub3A_1478 : vector<16xf32>
        %add3A_1480 = arith.constant 48 : i32
        %add3A_1481 = arith.addi %mul3A_1449, %add3A_1480 : i32
        %get3A_1482 = arith.index_cast %add3A_1481 : i32 to index
        %get3A_1483 = tpu.vector_load %arg6[%get3A_1482] {strides = array<i32>} : memref<16384xf32, #tpu.memory_space<vmem>>, vector<16xf32>,
        %add3A_1484 = arith.constant 48 : i32
        %add3A_1485 = arith.addi %mul3A_1449, %add3A_1484 : i32
        %get3A_1486 = arith.index_cast %add3A_1485 : i32 to index
        %get3A_1487 = tpu.vector_load %arg8[%get3A_1486] {strides = array<i32>} : memref<16384xf32, #tpu.memory_space<vmem>>, vector<16xf32>,
        %sub3A_1488 = arith.subf %get3A_1483, %get3A_1487 : vector<16xf32>
        %mul3A_1489 = arith.mulf %sub3A_1488, %sub3A_1488 : vector<16xf32>
        %add3A_1490 = arith.constant 64 : i32
        %add3A_1491 = arith.addi %mul3A_1449, %add3A_1490 : i32
        %get3A_1492 = arith.index_cast %add3A_1491 : i32 to index
        %get3A_1493 = tpu.vector_load %arg6[%get3A_1492] {strides = array<i32>} : memref<16384xf32, #tpu.memory_space<vmem>>, vector<16xf32>,
        %add3A_1494 = arith.constant 64 : i32
        %add3A_1495 = arith.addi %mul3A_1449, %add3A_1494 : i32
        %get3A_1496 = arith.index_cast %add3A_1495 : i32 to index
        %get3A_1497 = tpu.vector_load %arg8[%get3A_1496] {strides = array<i32>} : memref<16384xf32, #tpu.memory_space<vmem>>, vector<16xf32>,
        %sub3A_1498 = arith.subf %get3A_1493, %get3A_1497 : vector<16xf32>
        %mul3A_1499 = arith.mulf %sub3A_1498, %sub3A_1498 : vector<16xf32>
        %add3A_1500 = arith.constant 80 : i32
        %add3A_1501 = arith.addi %mul3A_1449, %add3A_1500 : i32
        %get3A_1502 = arith.index_cast %add3A_1501 : i32 to index
        %get3A_1503 = tpu.vector_load %arg6[%get3A_1502] {strides = array<i32>} : memref<16384xf32, #tpu.memory_space<vmem>>, vector<16xf32>,
        %add3A_1504 = arith.constant 80 : i32
        %add3A_1505 = arith.addi %mul3A_1449, %add3A_1504 : i32
        %get3A_1506 = arith.index_cast %add3A_1505 : i32 to index
        %get3A_1507 = tpu.vector_load %arg8[%get3A_1506] {strides = array<i32>} : memref<16384xf32, #tpu.memory_space<vmem>>, vector<16xf32>,
        %sub3A_1508 = arith.subf %get3A_1503, %get3A_1507 : vector<16xf32>
        %mul3A_1509 = arith.mulf %sub3A_1508, %sub3A_1508 : vector<16xf32>
        %add3A_1510 = arith.constant 96 : i32
        %add3A_1511 = arith.addi %mul3A_1449, %add3A_1510 : i32
        %get3A_1512 = arith.index_cast %add3A_1511 : i32 to index
        %get3A_1513 = tpu.vector_load %arg6[%get3A_1512] {strides = array<i32>} : memref<16384xf32, #tpu.memory_space<vmem>>, vector<16xf32>,
        %add3A_1514 = arith.constant 96 : i32
        %add3A_1515 = arith.addi %mul3A_1449, %add3A_1514 : i32
        %get3A_1516 = arith.index_cast %add3A_1515 : i32 to index
        %get3A_1517 = tpu.vector_load %arg8[%get3A_1516] {strides = array<i32>} : memref<16384xf32, #tpu.memory_space<vmem>>, vector<16xf32>,
        %sub3A_1518 = arith.subf %get3A_1513, %get3A_1517 : vector<16xf32>
        %mul3A_1519 = arith.mulf %sub3A_1518, %sub3A_1518 : vector<16xf32>
        %add3A_1520 = arith.constant 112 : i32
        %add3A_1521 = arith.addi %mul3A_1449, %add3A_1520 : i32
        %get3A_1522 = arith.index_cast %add3A_1521 : i32 to index
        %get3A_1523 = tpu.vector_load %arg6[%get3A_1522] {strides = array<i32>} : memref<16384xf32, #tpu.memory_space<vmem>>, vector<16xf32>,
        %add3A_1524 = arith.constant 112 : i32
        %add3A_1525 = arith.addi %mul3A_1449, %add3A_1524 : i32
        %get3A_1526 = arith.index_cast %add3A_1525 : i32 to index
        %get3A_1527 = tpu.vector_load %arg8[%get3A_1526] {strides = array<i32>} : memref<16384xf32, #tpu.memory_space<vmem>>, vector<16xf32>,
        %sub3A_1528 = arith.subf %get3A_1523, %get3A_1527 : vector<16xf32>
        %mul3A_1529 = arith.mulf %sub3A_1528, %sub3A_1528 : vector<16xf32>
        %add3A_1530 = arith.addf %mul3A_1459, %mul3A_1469 : vector<16xf32>
        %add3A_1531 = arith.addf %mul3A_1479, %mul3A_1489 : vector<16xf32>
        %add3A_1532 = arith.addf %mul3A_1499, %mul3A_1509 : vector<16xf32>
        %add3A_1533 = arith.addf %mul3A_1519, %mul3A_1529 : vector<16xf32>
        %add3A_1534 = arith.addf %add3A_1530, %add3A_1531 : vector<16xf32>
        %add3A_1535 = arith.addf %add3A_1532, %add3A_1533 : vector<16xf32>
        %add3A_1536 = arith.addf %add3A_1534, %add3A_1535 : vector<16xf32>
        %add3A_1537 = arith.constant 128 : i32
        %add3A_1538 = arith.addi %mul3A_1449, %add3A_1537 : i32
        %add3A_1539 = arith.constant 0 : i32
        %add3A_1540 = arith.addi %add3A_1538, %add3A_1539 : i32
        %get3A_1541 = arith.index_cast %add3A_1540 : i32 to index
        %get3A_1542 = tpu.vector_load %arg6[%get3A_1541] {strides = array<i32>} : memref<16384xf32, #tpu.memory_space<vmem>>, vector<16xf32>,
        %add3A_1543 = arith.constant 0 : i32
        %add3A_1544 = arith.addi %add3A_1538, %add3A_1543 : i32
        %get3A_1545 = arith.index_cast %add3A_1544 : i32 to index
        %get3A_1546 = tpu.vector_load %arg8[%get3A_1545] {strides = array<i32>} : memref<16384xf32, #tpu.memory_space<vmem>>, vector<16xf32>,
        %sub3A_1547 = arith.subf %get3A_1542, %get3A_1546 : vector<16xf32>
        %mul3A_1548 = arith.mulf %sub3A_1547, %sub3A_1547 : vector<16xf32>
        %add3A_1549 = arith.constant 16 : i32
        %add3A_1550 = arith.addi %add3A_1538, %add3A_1549 : i32
        %get3A_1551 = arith.index_cast %add3A_1550 : i32 to index
        %get3A_1552 = tpu.vector_load %arg6[%get3A_1551] {strides = array<i32>} : memref<16384xf32, #tpu.memory_space<vmem>>, vector<16xf32>,
        %add3A_1553 = arith.constant 16 : i32
        %add3A_1554 = arith.addi %add3A_1538, %add3A_1553 : i32
        %get3A_1555 = arith.index_cast %add3A_1554 : i32 to index
        %get3A_1556 = tpu.vector_load %arg8[%get3A_1555] {strides = array<i32>} : memref<16384xf32, #tpu.memory_space<vmem>>, vector<16xf32>,
        %sub3A_1557 = arith.subf %get3A_1552, %get3A_1556 : vector<16xf32>
        %mul3A_1558 = arith.mulf %sub3A_1557, %sub3A_1557 : vector<16xf32>
        %add3A_1559 = arith.constant 32 : i32
        %add3A_1560 = arith.addi %add3A_1538, %add3A_1559 : i32
        %get3A_1561 = arith.index_cast %add3A_1560 : i32 to index
        %get3A_1562 = tpu.vector_load %arg6[%get3A_1561] {strides = array<i32>} : memref<16384xf32, #tpu.memory_space<vmem>>, vector<16xf32>,
        %add3A_1563 = arith.constant 32 : i32
        %add3A_1564 = arith.addi %add3A_1538, %add3A_1563 : i32
        %get3A_1565 = arith.index_cast %add3A_1564 : i32 to index
        %get3A_1566 = tpu.vector_load %arg8[%get3A_1565] {strides = array<i32>} : memref<16384xf32, #tpu.memory_space<vmem>>, vector<16xf32>,
        %sub3A_1567 = arith.subf %get3A_1562, %get3A_1566 : vector<16xf32>
        %mul3A_1568 = arith.mulf %sub3A_1567, %sub3A_1567 : vector<16xf32>
        %add3A_1569 = arith.constant 48 : i32
        %add3A_1570 = arith.addi %add3A_1538, %add3A_1569 : i32
        %get3A_1571 = arith.index_cast %add3A_1570 : i32 to index
        %get3A_1572 = tpu.vector_load %arg6[%get3A_1571] {strides = array<i32>} : memref<16384xf32, #tpu.memory_space<vmem>>, vector<16xf32>,
        %add3A_1573 = arith.constant 48 : i32
        %add3A_1574 = arith.addi %add3A_1538, %add3A_1573 : i32
        %get3A_1575 = arith.index_cast %add3A_1574 : i32 to index
        %get3A_1576 = tpu.vector_load %arg8[%get3A_1575] {strides = array<i32>} : memref<16384xf32, #tpu.memory_space<vmem>>, vector<16xf32>,
        %sub3A_1577 = arith.subf %get3A_1572, %get3A_1576 : vector<16xf32>
        %mul3A_1578 = arith.mulf %sub3A_1577, %sub3A_1577 : vector<16xf32>
        %add3A_1579 = arith.constant 64 : i32
        %add3A_1580 = arith.addi %add3A_1538, %add3A_1579 : i32
        %get3A_1581 = arith.index_cast %add3A_1580 : i32 to index
        %get3A_1582 = tpu.vector_load %arg6[%get3A_1581] {strides = array<i32>} : memref<16384xf32, #tpu.memory_space<vmem>>, vector<16xf32>,
        %add3A_1583 = arith.constant 64 : i32
        %add3A_1584 = arith.addi %add3A_1538, %add3A_1583 : i32
        %get3A_1585 = arith.index_cast %add3A_1584 : i32 to index
        %get3A_1586 = tpu.vector_load %arg8[%get3A_1585] {strides = array<i32>} : memref<16384xf32, #tpu.memory_space<vmem>>, vector<16xf32>,
        %sub3A_1587 = arith.subf %get3A_1582, %get3A_1586 : vector<16xf32>
        %mul3A_1588 = arith.mulf %sub3A_1587, %sub3A_1587 : vector<16xf32>
        %add3A_1589 = arith.constant 80 : i32
        %add3A_1590 = arith.addi %add3A_1538, %add3A_1589 : i32
        %get3A_1591 = arith.index_cast %add3A_1590 : i32 to index
        %get3A_1592 = tpu.vector_load %arg6[%get3A_1591] {strides = array<i32>} : memref<16384xf32, #tpu.memory_space<vmem>>, vector<16xf32>,
        %add3A_1593 = arith.constant 80 : i32
        %add3A_1594 = arith.addi %add3A_1538, %add3A_1593 : i32
        %get3A_1595 = arith.index_cast %add3A_1594 : i32 to index
        %get3A_1596 = tpu.vector_load %arg8[%get3A_1595] {strides = array<i32>} : memref<16384xf32, #tpu.memory_space<vmem>>, vector<16xf32>,
        %sub3A_1597 = arith.subf %get3A_1592, %get3A_1596 : vector<16xf32>
        %mul3A_1598 = arith.mulf %sub3A_1597, %sub3A_1597 : vector<16xf32>
        %add3A_1599 = arith.constant 96 : i32
        %add3A_1600 = arith.addi %add3A_1538, %add3A_1599 : i32
        %get3A_1601 = arith.index_cast %add3A_1600 : i32 to index
        %get3A_1602 = tpu.vector_load %arg6[%get3A_1601] {strides = array<i32>} : memref<16384xf32, #tpu.memory_space<vmem>>, vector<16xf32>,
        %add3A_1603 = arith.constant 96 : i32
        %add3A_1604 = arith.addi %add3A_1538, %add3A_1603 : i32
        %get3A_1605 = arith.index_cast %add3A_1604 : i32 to index
        %get3A_1606 = tpu.vector_load %arg8[%get3A_1605] {strides = array<i32>} : memref<16384xf32, #tpu.memory_space<vmem>>, vector<16xf32>,
        %sub3A_1607 = arith.subf %get3A_1602, %get3A_1606 : vector<16xf32>
        %mul3A_1608 = arith.mulf %sub3A_1607, %sub3A_1607 : vector<16xf32>
        %add3A_1609 = arith.constant 112 : i32
        %add3A_1610 = arith.addi %add3A_1538, %add3A_1609 : i32
        %get3A_1611 = arith.index_cast %add3A_1610 : i32 to index
        %get3A_1612 = tpu.vector_load %arg6[%get3A_1611] {strides = array<i32>} : memref<16384xf32, #tpu.memory_space<vmem>>, vector<16xf32>,
        %add3A_1613 = arith.constant 112 : i32
        %add3A_1614 = arith.addi %add3A_1538, %add3A_1613 : i32
        %get3A_1615 = arith.index_cast %add3A_1614 : i32 to index
        %get3A_1616 = tpu.vector_load %arg8[%get3A_1615] {strides = array<i32>} : memref<16384xf32, #tpu.memory_space<vmem>>, vector<16xf32>,
        %sub3A_1617 = arith.subf %get3A_1612, %get3A_1616 : vector<16xf32>
        %mul3A_1618 = arith.mulf %sub3A_1617, %sub3A_1617 : vector<16xf32>
        %add3A_1619 = arith.addf %mul3A_1548, %mul3A_1558 : vector<16xf32>
        %add3A_1620 = arith.addf %mul3A_1568, %mul3A_1578 : vector<16xf32>
        %add3A_1621 = arith.addf %mul3A_1588, %mul3A_1598 : vector<16xf32>
        %add3A_1622 = arith.addf %mul3A_1608, %mul3A_1618 : vector<16xf32>
        %add3A_1623 = arith.addf %add3A_1619, %add3A_1620 : vector<16xf32>
        %add3A_1624 = arith.addf %add3A_1621, %add3A_1622 : vector<16xf32>
        %add3A_1625 = arith.addf %add3A_1623, %add3A_1624 : vector<16xf32>
        %broadcast_in_dim3A_1626 = vector.shape_cast %xor3A_171 : vector<16xi32> to vector<16x1xi32>
        %gather3A_1627 = vector.shape_cast %broadcast_in_dim3A_1626 : vector<16x1xi32> to vector<16xi32>
        %gather3A_1628 = tpu.dynamic_gather %add3A_1536[%gather3A_1627] in [0] : vector<16xf32>, vector<16xi32> -> vector<16xf32>
        %add3A_1629 = arith.addf %add3A_1536, %gather3A_1628 : vector<16xf32>
        %broadcast_in_dim3A_1630 = vector.shape_cast %xor3A_171 : vector<16xi32> to vector<16x1xi32>
        %gather3A_1631 = vector.shape_cast %broadcast_in_dim3A_1630 : vector<16x1xi32> to vector<16xi32>
        %gather3A_1632 = tpu.dynamic_gather %add3A_1625[%gather3A_1631] in [0] : vector<16xf32>, vector<16xi32> -> vector<16xf32>
        %add3A_1633 = arith.addf %add3A_1625, %gather3A_1632 : vector<16xf32>
        %select_n3A_1634 = arith.select %eq3A_186, %add3A_1629, %add3A_1633 : vector<16xi1>, vector<16xf32>
        %swap3A_1635 = arith.constant 96 : index
        %swap3A_1636 = tpu.vector_load %arg16[%swap3A_1635] {strides = array<i32>} : memref<128xf32, #tpu.memory_space<vmem>>, vector<16xf32>,
        tpu.vector_store %arg16[%swap3A_1635], %select_n3A_1634 {strides = array<i32>} : memref<128xf32, #tpu.memory_space<vmem>>, vector<16xf32>,
        %mul3A_1637 = arith.constant 16 : i32
        %mul3A_1638 = arith.muli %scan3A_286, %mul3A_1637 : i32
        %add3A_1639 = arith.constant 14 : i32
        %add3A_1640 = arith.addi %mul3A_1638, %add3A_1639 : i32
        %mul3A_1641 = arith.constant 128 : i32
        %mul3A_1642 = arith.muli %add3A_1640, %mul3A_1641 : i32
        %add3A_1643 = arith.constant 0 : i32
        %add3A_1644 = arith.addi %mul3A_1642, %add3A_1643 : i32
        %get3A_1645 = arith.index_cast %add3A_1644 : i32 to index
        %get3A_1646 = tpu.vector_load %arg6[%get3A_1645] {strides = array<i32>} : memref<16384xf32, #tpu.memory_space<vmem>>, vector<16xf32>,
        %add3A_1647 = arith.constant 0 : i32
        %add3A_1648 = arith.addi %mul3A_1642, %add3A_1647 : i32
        %get3A_1649 = arith.index_cast %add3A_1648 : i32 to index
        %get3A_1650 = tpu.vector_load %arg8[%get3A_1649] {strides = array<i32>} : memref<16384xf32, #tpu.memory_space<vmem>>, vector<16xf32>,
        %sub3A_1651 = arith.subf %get3A_1646, %get3A_1650 : vector<16xf32>
        %mul3A_1652 = arith.mulf %sub3A_1651, %sub3A_1651 : vector<16xf32>
        %add3A_1653 = arith.constant 16 : i32
        %add3A_1654 = arith.addi %mul3A_1642, %add3A_1653 : i32
        %get3A_1655 = arith.index_cast %add3A_1654 : i32 to index
        %get3A_1656 = tpu.vector_load %arg6[%get3A_1655] {strides = array<i32>} : memref<16384xf32, #tpu.memory_space<vmem>>, vector<16xf32>,
        %add3A_1657 = arith.constant 16 : i32
        %add3A_1658 = arith.addi %mul3A_1642, %add3A_1657 : i32
        %get3A_1659 = arith.index_cast %add3A_1658 : i32 to index
        %get3A_1660 = tpu.vector_load %arg8[%get3A_1659] {strides = array<i32>} : memref<16384xf32, #tpu.memory_space<vmem>>, vector<16xf32>,
        %sub3A_1661 = arith.subf %get3A_1656, %get3A_1660 : vector<16xf32>
        %mul3A_1662 = arith.mulf %sub3A_1661, %sub3A_1661 : vector<16xf32>
        %add3A_1663 = arith.constant 32 : i32
        %add3A_1664 = arith.addi %mul3A_1642, %add3A_1663 : i32
        %get3A_1665 = arith.index_cast %add3A_1664 : i32 to index
        %get3A_1666 = tpu.vector_load %arg6[%get3A_1665] {strides = array<i32>} : memref<16384xf32, #tpu.memory_space<vmem>>, vector<16xf32>,
        %add3A_1667 = arith.constant 32 : i32
        %add3A_1668 = arith.addi %mul3A_1642, %add3A_1667 : i32
        %get3A_1669 = arith.index_cast %add3A_1668 : i32 to index
        %get3A_1670 = tpu.vector_load %arg8[%get3A_1669] {strides = array<i32>} : memref<16384xf32, #tpu.memory_space<vmem>>, vector<16xf32>,
        %sub3A_1671 = arith.subf %get3A_1666, %get3A_1670 : vector<16xf32>
        %mul3A_1672 = arith.mulf %sub3A_1671, %sub3A_1671 : vector<16xf32>
        %add3A_1673 = arith.constant 48 : i32
        %add3A_1674 = arith.addi %mul3A_1642, %add3A_1673 : i32
        %get3A_1675 = arith.index_cast %add3A_1674 : i32 to index
        %get3A_1676 = tpu.vector_load %arg6[%get3A_1675] {strides = array<i32>} : memref<16384xf32, #tpu.memory_space<vmem>>, vector<16xf32>,
        %add3A_1677 = arith.constant 48 : i32
        %add3A_1678 = arith.addi %mul3A_1642, %add3A_1677 : i32
        %get3A_1679 = arith.index_cast %add3A_1678 : i32 to index
        %get3A_1680 = tpu.vector_load %arg8[%get3A_1679] {strides = array<i32>} : memref<16384xf32, #tpu.memory_space<vmem>>, vector<16xf32>,
        %sub3A_1681 = arith.subf %get3A_1676, %get3A_1680 : vector<16xf32>
        %mul3A_1682 = arith.mulf %sub3A_1681, %sub3A_1681 : vector<16xf32>
        %add3A_1683 = arith.constant 64 : i32
        %add3A_1684 = arith.addi %mul3A_1642, %add3A_1683 : i32
        %get3A_1685 = arith.index_cast %add3A_1684 : i32 to index
        %get3A_1686 = tpu.vector_load %arg6[%get3A_1685] {strides = array<i32>} : memref<16384xf32, #tpu.memory_space<vmem>>, vector<16xf32>,
        %add3A_1687 = arith.constant 64 : i32
        %add3A_1688 = arith.addi %mul3A_1642, %add3A_1687 : i32
        %get3A_1689 = arith.index_cast %add3A_1688 : i32 to index
        %get3A_1690 = tpu.vector_load %arg8[%get3A_1689] {strides = array<i32>} : memref<16384xf32, #tpu.memory_space<vmem>>, vector<16xf32>,
        %sub3A_1691 = arith.subf %get3A_1686, %get3A_1690 : vector<16xf32>
        %mul3A_1692 = arith.mulf %sub3A_1691, %sub3A_1691 : vector<16xf32>
        %add3A_1693 = arith.constant 80 : i32
        %add3A_1694 = arith.addi %mul3A_1642, %add3A_1693 : i32
        %get3A_1695 = arith.index_cast %add3A_1694 : i32 to index
        %get3A_1696 = tpu.vector_load %arg6[%get3A_1695] {strides = array<i32>} : memref<16384xf32, #tpu.memory_space<vmem>>, vector<16xf32>,
        %add3A_1697 = arith.constant 80 : i32
        %add3A_1698 = arith.addi %mul3A_1642, %add3A_1697 : i32
        %get3A_1699 = arith.index_cast %add3A_1698 : i32 to index
        %get3A_1700 = tpu.vector_load %arg8[%get3A_1699] {strides = array<i32>} : memref<16384xf32, #tpu.memory_space<vmem>>, vector<16xf32>,
        %sub3A_1701 = arith.subf %get3A_1696, %get3A_1700 : vector<16xf32>
        %mul3A_1702 = arith.mulf %sub3A_1701, %sub3A_1701 : vector<16xf32>
        %add3A_1703 = arith.constant 96 : i32
        %add3A_1704 = arith.addi %mul3A_1642, %add3A_1703 : i32
        %get3A_1705 = arith.index_cast %add3A_1704 : i32 to index
        %get3A_1706 = tpu.vector_load %arg6[%get3A_1705] {strides = array<i32>} : memref<16384xf32, #tpu.memory_space<vmem>>, vector<16xf32>,
        %add3A_1707 = arith.constant 96 : i32
        %add3A_1708 = arith.addi %mul3A_1642, %add3A_1707 : i32
        %get3A_1709 = arith.index_cast %add3A_1708 : i32 to index
        %get3A_1710 = tpu.vector_load %arg8[%get3A_1709] {strides = array<i32>} : memref<16384xf32, #tpu.memory_space<vmem>>, vector<16xf32>,
        %sub3A_1711 = arith.subf %get3A_1706, %get3A_1710 : vector<16xf32>
        %mul3A_1712 = arith.mulf %sub3A_1711, %sub3A_1711 : vector<16xf32>
        %add3A_1713 = arith.constant 112 : i32
        %add3A_1714 = arith.addi %mul3A_1642, %add3A_1713 : i32
        %get3A_1715 = arith.index_cast %add3A_1714 : i32 to index
        %get3A_1716 = tpu.vector_load %arg6[%get3A_1715] {strides = array<i32>} : memref<16384xf32, #tpu.memory_space<vmem>>, vector<16xf32>,
        %add3A_1717 = arith.constant 112 : i32
        %add3A_1718 = arith.addi %mul3A_1642, %add3A_1717 : i32
        %get3A_1719 = arith.index_cast %add3A_1718 : i32 to index
        %get3A_1720 = tpu.vector_load %arg8[%get3A_1719] {strides = array<i32>} : memref<16384xf32, #tpu.memory_space<vmem>>, vector<16xf32>,
        %sub3A_1721 = arith.subf %get3A_1716, %get3A_1720 : vector<16xf32>
        %mul3A_1722 = arith.mulf %sub3A_1721, %sub3A_1721 : vector<16xf32>
        %add3A_1723 = arith.addf %mul3A_1652, %mul3A_1662 : vector<16xf32>
        %add3A_1724 = arith.addf %mul3A_1672, %mul3A_1682 : vector<16xf32>
        %add3A_1725 = arith.addf %mul3A_1692, %mul3A_1702 : vector<16xf32>
        %add3A_1726 = arith.addf %mul3A_1712, %mul3A_1722 : vector<16xf32>
        %add3A_1727 = arith.addf %add3A_1723, %add3A_1724 : vector<16xf32>
        %add3A_1728 = arith.addf %add3A_1725, %add3A_1726 : vector<16xf32>
        %add3A_1729 = arith.addf %add3A_1727, %add3A_1728 : vector<16xf32>
        %add3A_1730 = arith.constant 128 : i32
        %add3A_1731 = arith.addi %mul3A_1642, %add3A_1730 : i32
        %add3A_1732 = arith.constant 0 : i32
        %add3A_1733 = arith.addi %add3A_1731, %add3A_1732 : i32
        %get3A_1734 = arith.index_cast %add3A_1733 : i32 to index
        %get3A_1735 = tpu.vector_load %arg6[%get3A_1734] {strides = array<i32>} : memref<16384xf32, #tpu.memory_space<vmem>>, vector<16xf32>,
        %add3A_1736 = arith.constant 0 : i32
        %add3A_1737 = arith.addi %add3A_1731, %add3A_1736 : i32
        %get3A_1738 = arith.index_cast %add3A_1737 : i32 to index
        %get3A_1739 = tpu.vector_load %arg8[%get3A_1738] {strides = array<i32>} : memref<16384xf32, #tpu.memory_space<vmem>>, vector<16xf32>,
        %sub3A_1740 = arith.subf %get3A_1735, %get3A_1739 : vector<16xf32>
        %mul3A_1741 = arith.mulf %sub3A_1740, %sub3A_1740 : vector<16xf32>
        %add3A_1742 = arith.constant 16 : i32
        %add3A_1743 = arith.addi %add3A_1731, %add3A_1742 : i32
        %get3A_1744 = arith.index_cast %add3A_1743 : i32 to index
        %get3A_1745 = tpu.vector_load %arg6[%get3A_1744] {strides = array<i32>} : memref<16384xf32, #tpu.memory_space<vmem>>, vector<16xf32>,
        %add3A_1746 = arith.constant 16 : i32
        %add3A_1747 = arith.addi %add3A_1731, %add3A_1746 : i32
        %get3A_1748 = arith.index_cast %add3A_1747 : i32 to index
        %get3A_1749 = tpu.vector_load %arg8[%get3A_1748] {strides = array<i32>} : memref<16384xf32, #tpu.memory_space<vmem>>, vector<16xf32>,
        %sub3A_1750 = arith.subf %get3A_1745, %get3A_1749 : vector<16xf32>
        %mul3A_1751 = arith.mulf %sub3A_1750, %sub3A_1750 : vector<16xf32>
        %add3A_1752 = arith.constant 32 : i32
        %add3A_1753 = arith.addi %add3A_1731, %add3A_1752 : i32
        %get3A_1754 = arith.index_cast %add3A_1753 : i32 to index
        %get3A_1755 = tpu.vector_load %arg6[%get3A_1754] {strides = array<i32>} : memref<16384xf32, #tpu.memory_space<vmem>>, vector<16xf32>,
        %add3A_1756 = arith.constant 32 : i32
        %add3A_1757 = arith.addi %add3A_1731, %add3A_1756 : i32
        %get3A_1758 = arith.index_cast %add3A_1757 : i32 to index
        %get3A_1759 = tpu.vector_load %arg8[%get3A_1758] {strides = array<i32>} : memref<16384xf32, #tpu.memory_space<vmem>>, vector<16xf32>,
        %sub3A_1760 = arith.subf %get3A_1755, %get3A_1759 : vector<16xf32>
        %mul3A_1761 = arith.mulf %sub3A_1760, %sub3A_1760 : vector<16xf32>
        %add3A_1762 = arith.constant 48 : i32
        %add3A_1763 = arith.addi %add3A_1731, %add3A_1762 : i32
        %get3A_1764 = arith.index_cast %add3A_1763 : i32 to index
        %get3A_1765 = tpu.vector_load %arg6[%get3A_1764] {strides = array<i32>} : memref<16384xf32, #tpu.memory_space<vmem>>, vector<16xf32>,
        %add3A_1766 = arith.constant 48 : i32
        %add3A_1767 = arith.addi %add3A_1731, %add3A_1766 : i32
        %get3A_1768 = arith.index_cast %add3A_1767 : i32 to index
        %get3A_1769 = tpu.vector_load %arg8[%get3A_1768] {strides = array<i32>} : memref<16384xf32, #tpu.memory_space<vmem>>, vector<16xf32>,
        %sub3A_1770 = arith.subf %get3A_1765, %get3A_1769 : vector<16xf32>
        %mul3A_1771 = arith.mulf %sub3A_1770, %sub3A_1770 : vector<16xf32>
        %add3A_1772 = arith.constant 64 : i32
        %add3A_1773 = arith.addi %add3A_1731, %add3A_1772 : i32
        %get3A_1774 = arith.index_cast %add3A_1773 : i32 to index
        %get3A_1775 = tpu.vector_load %arg6[%get3A_1774] {strides = array<i32>} : memref<16384xf32, #tpu.memory_space<vmem>>, vector<16xf32>,
        %add3A_1776 = arith.constant 64 : i32
        %add3A_1777 = arith.addi %add3A_1731, %add3A_1776 : i32
        %get3A_1778 = arith.index_cast %add3A_1777 : i32 to index
        %get3A_1779 = tpu.vector_load %arg8[%get3A_1778] {strides = array<i32>} : memref<16384xf32, #tpu.memory_space<vmem>>, vector<16xf32>,
        %sub3A_1780 = arith.subf %get3A_1775, %get3A_1779 : vector<16xf32>
        %mul3A_1781 = arith.mulf %sub3A_1780, %sub3A_1780 : vector<16xf32>
        %add3A_1782 = arith.constant 80 : i32
        %add3A_1783 = arith.addi %add3A_1731, %add3A_1782 : i32
        %get3A_1784 = arith.index_cast %add3A_1783 : i32 to index
        %get3A_1785 = tpu.vector_load %arg6[%get3A_1784] {strides = array<i32>} : memref<16384xf32, #tpu.memory_space<vmem>>, vector<16xf32>,
        %add3A_1786 = arith.constant 80 : i32
        %add3A_1787 = arith.addi %add3A_1731, %add3A_1786 : i32
        %get3A_1788 = arith.index_cast %add3A_1787 : i32 to index
        %get3A_1789 = tpu.vector_load %arg8[%get3A_1788] {strides = array<i32>} : memref<16384xf32, #tpu.memory_space<vmem>>, vector<16xf32>,
        %sub3A_1790 = arith.subf %get3A_1785, %get3A_1789 : vector<16xf32>
        %mul3A_1791 = arith.mulf %sub3A_1790, %sub3A_1790 : vector<16xf32>
        %add3A_1792 = arith.constant 96 : i32
        %add3A_1793 = arith.addi %add3A_1731, %add3A_1792 : i32
        %get3A_1794 = arith.index_cast %add3A_1793 : i32 to index
        %get3A_1795 = tpu.vector_load %arg6[%get3A_1794] {strides = array<i32>} : memref<16384xf32, #tpu.memory_space<vmem>>, vector<16xf32>,
        %add3A_1796 = arith.constant 96 : i32
        %add3A_1797 = arith.addi %add3A_1731, %add3A_1796 : i32
        %get3A_1798 = arith.index_cast %add3A_1797 : i32 to index
        %get3A_1799 = tpu.vector_load %arg8[%get3A_1798] {strides = array<i32>} : memref<16384xf32, #tpu.memory_space<vmem>>, vector<16xf32>,
        %sub3A_1800 = arith.subf %get3A_1795, %get3A_1799 : vector<16xf32>
        %mul3A_1801 = arith.mulf %sub3A_1800, %sub3A_1800 : vector<16xf32>
        %add3A_1802 = arith.constant 112 : i32
        %add3A_1803 = arith.addi %add3A_1731, %add3A_1802 : i32
        %get3A_1804 = arith.index_cast %add3A_1803 : i32 to index
        %get3A_1805 = tpu.vector_load %arg6[%get3A_1804] {strides = array<i32>} : memref<16384xf32, #tpu.memory_space<vmem>>, vector<16xf32>,
        %add3A_1806 = arith.constant 112 : i32
        %add3A_1807 = arith.addi %add3A_1731, %add3A_1806 : i32
        %get3A_1808 = arith.index_cast %add3A_1807 : i32 to index
        %get3A_1809 = tpu.vector_load %arg8[%get3A_1808] {strides = array<i32>} : memref<16384xf32, #tpu.memory_space<vmem>>, vector<16xf32>,
        %sub3A_1810 = arith.subf %get3A_1805, %get3A_1809 : vector<16xf32>
        %mul3A_1811 = arith.mulf %sub3A_1810, %sub3A_1810 : vector<16xf32>
        %add3A_1812 = arith.addf %mul3A_1741, %mul3A_1751 : vector<16xf32>
        %add3A_1813 = arith.addf %mul3A_1761, %mul3A_1771 : vector<16xf32>
        %add3A_1814 = arith.addf %mul3A_1781, %mul3A_1791 : vector<16xf32>
        %add3A_1815 = arith.addf %mul3A_1801, %mul3A_1811 : vector<16xf32>
        %add3A_1816 = arith.addf %add3A_1812, %add3A_1813 : vector<16xf32>
        %add3A_1817 = arith.addf %add3A_1814, %add3A_1815 : vector<16xf32>
        %add3A_1818 = arith.addf %add3A_1816, %add3A_1817 : vector<16xf32>
        %broadcast_in_dim3A_1819 = vector.shape_cast %xor3A_171 : vector<16xi32> to vector<16x1xi32>
        %gather3A_1820 = vector.shape_cast %broadcast_in_dim3A_1819 : vector<16x1xi32> to vector<16xi32>
        %gather3A_1821 = tpu.dynamic_gather %add3A_1729[%gather3A_1820] in [0] : vector<16xf32>, vector<16xi32> -> vector<16xf32>
        %add3A_1822 = arith.addf %add3A_1729, %gather3A_1821 : vector<16xf32>
        %broadcast_in_dim3A_1823 = vector.shape_cast %xor3A_171 : vector<16xi32> to vector<16x1xi32>
        %gather3A_1824 = vector.shape_cast %broadcast_in_dim3A_1823 : vector<16x1xi32> to vector<16xi32>
        %gather3A_1825 = tpu.dynamic_gather %add3A_1818[%gather3A_1824] in [0] : vector<16xf32>, vector<16xi32> -> vector<16xf32>
        %add3A_1826 = arith.addf %add3A_1818, %gather3A_1825 : vector<16xf32>
        %select_n3A_1827 = arith.select %eq3A_186, %add3A_1822, %add3A_1826 : vector<16xi1>, vector<16xf32>
        %swap3A_1828 = arith.constant 112 : index
        %swap3A_1829 = tpu.vector_load %arg16[%swap3A_1828] {strides = array<i32>} : memref<128xf32, #tpu.memory_space<vmem>>, vector<16xf32>,
        tpu.vector_store %arg16[%swap3A_1828], %select_n3A_1827 {strides = array<i32>} : memref<128xf32, #tpu.memory_space<vmem>>, vector<16xf32>,
        %get3A_1830 = arith.constant 0 : index
        %get3A_1831 = tpu.vector_load %arg16[%get3A_1830] {strides = array<i32>} : memref<128xf32, #tpu.memory_space<vmem>>, vector<16xf32>,
        %get3A_1832 = arith.constant 16 : index
        %get3A_1833 = tpu.vector_load %arg16[%get3A_1832] {strides = array<i32>} : memref<128xf32, #tpu.memory_space<vmem>>, vector<16xf32>,
        %get3A_1834 = arith.constant 32 : index
        %get3A_1835 = tpu.vector_load %arg16[%get3A_1834] {strides = array<i32>} : memref<128xf32, #tpu.memory_space<vmem>>, vector<16xf32>,
        %get3A_1836 = arith.constant 48 : index
        %get3A_1837 = tpu.vector_load %arg16[%get3A_1836] {strides = array<i32>} : memref<128xf32, #tpu.memory_space<vmem>>, vector<16xf32>,
        %get3A_1838 = arith.constant 64 : index
        %get3A_1839 = tpu.vector_load %arg16[%get3A_1838] {strides = array<i32>} : memref<128xf32, #tpu.memory_space<vmem>>, vector<16xf32>,
        %get3A_1840 = arith.constant 80 : index
        %get3A_1841 = tpu.vector_load %arg16[%get3A_1840] {strides = array<i32>} : memref<128xf32, #tpu.memory_space<vmem>>, vector<16xf32>,
        %get3A_1842 = arith.constant 96 : index
        %get3A_1843 = tpu.vector_load %arg16[%get3A_1842] {strides = array<i32>} : memref<128xf32, #tpu.memory_space<vmem>>, vector<16xf32>,
        %get3A_1844 = arith.constant 112 : index
        %get3A_1845 = tpu.vector_load %arg16[%get3A_1844] {strides = array<i32>} : memref<128xf32, #tpu.memory_space<vmem>>, vector<16xf32>,
        %broadcast_in_dim3A_1846 = vector.shape_cast %xor3A_174 : vector<16xi32> to vector<16x1xi32>
        %gather3A_1847 = vector.shape_cast %broadcast_in_dim3A_1846 : vector<16x1xi32> to vector<16xi32>
        %gather3A_1848 = tpu.dynamic_gather %get3A_1831[%gather3A_1847] in [0] : vector<16xf32>, vector<16xi32> -> vector<16xf32>
        %add3A_1849 = arith.addf %get3A_1831, %gather3A_1848 : vector<16xf32>
        %broadcast_in_dim3A_1850 = vector.shape_cast %xor3A_174 : vector<16xi32> to vector<16x1xi32>
        %gather3A_1851 = vector.shape_cast %broadcast_in_dim3A_1850 : vector<16x1xi32> to vector<16xi32>
        %gather3A_1852 = tpu.dynamic_gather %get3A_1833[%gather3A_1851] in [0] : vector<16xf32>, vector<16xi32> -> vector<16xf32>
        %add3A_1853 = arith.addf %get3A_1833, %gather3A_1852 : vector<16xf32>
        %select_n3A_1854 = arith.select %eq3A_192, %add3A_1849, %add3A_1853 : vector<16xi1>, vector<16xf32>
        %broadcast_in_dim3A_1855 = vector.shape_cast %xor3A_174 : vector<16xi32> to vector<16x1xi32>
        %gather3A_1856 = vector.shape_cast %broadcast_in_dim3A_1855 : vector<16x1xi32> to vector<16xi32>
        %gather3A_1857 = tpu.dynamic_gather %get3A_1835[%gather3A_1856] in [0] : vector<16xf32>, vector<16xi32> -> vector<16xf32>
        %add3A_1858 = arith.addf %get3A_1835, %gather3A_1857 : vector<16xf32>
        %broadcast_in_dim3A_1859 = vector.shape_cast %xor3A_174 : vector<16xi32> to vector<16x1xi32>
        %gather3A_1860 = vector.shape_cast %broadcast_in_dim3A_1859 : vector<16x1xi32> to vector<16xi32>
        %gather3A_1861 = tpu.dynamic_gather %get3A_1837[%gather3A_1860] in [0] : vector<16xf32>, vector<16xi32> -> vector<16xf32>
        %add3A_1862 = arith.addf %get3A_1837, %gather3A_1861 : vector<16xf32>
        %select_n3A_1863 = arith.select %eq3A_192, %add3A_1858, %add3A_1862 : vector<16xi1>, vector<16xf32>
        %broadcast_in_dim3A_1864 = vector.shape_cast %xor3A_174 : vector<16xi32> to vector<16x1xi32>
        %gather3A_1865 = vector.shape_cast %broadcast_in_dim3A_1864 : vector<16x1xi32> to vector<16xi32>
        %gather3A_1866 = tpu.dynamic_gather %get3A_1839[%gather3A_1865] in [0] : vector<16xf32>, vector<16xi32> -> vector<16xf32>
        %add3A_1867 = arith.addf %get3A_1839, %gather3A_1866 : vector<16xf32>
        %broadcast_in_dim3A_1868 = vector.shape_cast %xor3A_174 : vector<16xi32> to vector<16x1xi32>
        %gather3A_1869 = vector.shape_cast %broadcast_in_dim3A_1868 : vector<16x1xi32> to vector<16xi32>
        %gather3A_1870 = tpu.dynamic_gather %get3A_1841[%gather3A_1869] in [0] : vector<16xf32>, vector<16xi32> -> vector<16xf32>
        %add3A_1871 = arith.addf %get3A_1841, %gather3A_1870 : vector<16xf32>
        %select_n3A_1872 = arith.select %eq3A_192, %add3A_1867, %add3A_1871 : vector<16xi1>, vector<16xf32>
        %broadcast_in_dim3A_1873 = vector.shape_cast %xor3A_174 : vector<16xi32> to vector<16x1xi32>
        %gather3A_1874 = vector.shape_cast %broadcast_in_dim3A_1873 : vector<16x1xi32> to vector<16xi32>
        %gather3A_1875 = tpu.dynamic_gather %get3A_1843[%gather3A_1874] in [0] : vector<16xf32>, vector<16xi32> -> vector<16xf32>
        %add3A_1876 = arith.addf %get3A_1843, %gather3A_1875 : vector<16xf32>
        %broadcast_in_dim3A_1877 = vector.shape_cast %xor3A_174 : vector<16xi32> to vector<16x1xi32>
        %gather3A_1878 = vector.shape_cast %broadcast_in_dim3A_1877 : vector<16x1xi32> to vector<16xi32>
        %gather3A_1879 = tpu.dynamic_gather %get3A_1845[%gather3A_1878] in [0] : vector<16xf32>, vector<16xi32> -> vector<16xf32>
        %add3A_1880 = arith.addf %get3A_1845, %gather3A_1879 : vector<16xf32>
        %select_n3A_1881 = arith.select %eq3A_192, %add3A_1876, %add3A_1880 : vector<16xi1>, vector<16xf32>
        %broadcast_in_dim3A_1882 = vector.shape_cast %xor3A_177 : vector<16xi32> to vector<16x1xi32>
        %gather3A_1883 = vector.shape_cast %broadcast_in_dim3A_1882 : vector<16x1xi32> to vector<16xi32>
        %gather3A_1884 = tpu.dynamic_gather %select_n3A_1854[%gather3A_1883] in [0] : vector<16xf32>, vector<16xi32> -> vector<16xf32>
        %add3A_1885 = arith.addf %select_n3A_1854, %gather3A_1884 : vector<16xf32>
        %broadcast_in_dim3A_1886 = vector.shape_cast %xor3A_177 : vector<16xi32> to vector<16x1xi32>
        %gather3A_1887 = vector.shape_cast %broadcast_in_dim3A_1886 : vector<16x1xi32> to vector<16xi32>
        %gather3A_1888 = tpu.dynamic_gather %select_n3A_1863[%gather3A_1887] in [0] : vector<16xf32>, vector<16xi32> -> vector<16xf32>
        %add3A_1889 = arith.addf %select_n3A_1863, %gather3A_1888 : vector<16xf32>
        %select_n3A_1890 = arith.select %eq3A_198, %add3A_1885, %add3A_1889 : vector<16xi1>, vector<16xf32>
        %broadcast_in_dim3A_1891 = vector.shape_cast %xor3A_177 : vector<16xi32> to vector<16x1xi32>
        %gather3A_1892 = vector.shape_cast %broadcast_in_dim3A_1891 : vector<16x1xi32> to vector<16xi32>
        %gather3A_1893 = tpu.dynamic_gather %select_n3A_1872[%gather3A_1892] in [0] : vector<16xf32>, vector<16xi32> -> vector<16xf32>
        %add3A_1894 = arith.addf %select_n3A_1872, %gather3A_1893 : vector<16xf32>
        %broadcast_in_dim3A_1895 = vector.shape_cast %xor3A_177 : vector<16xi32> to vector<16x1xi32>
        %gather3A_1896 = vector.shape_cast %broadcast_in_dim3A_1895 : vector<16x1xi32> to vector<16xi32>
        %gather3A_1897 = tpu.dynamic_gather %select_n3A_1881[%gather3A_1896] in [0] : vector<16xf32>, vector<16xi32> -> vector<16xf32>
        %add3A_1898 = arith.addf %select_n3A_1881, %gather3A_1897 : vector<16xf32>
        %select_n3A_1899 = arith.select %eq3A_198, %add3A_1894, %add3A_1898 : vector<16xi1>, vector<16xf32>
        %broadcast_in_dim3A_1900 = vector.shape_cast %xor3A_180 : vector<16xi32> to vector<16x1xi32>
        %gather3A_1901 = vector.shape_cast %broadcast_in_dim3A_1900 : vector<16x1xi32> to vector<16xi32>
        %gather3A_1902 = tpu.dynamic_gather %select_n3A_1890[%gather3A_1901] in [0] : vector<16xf32>, vector<16xi32> -> vector<16xf32>
        %add3A_1903 = arith.addf %select_n3A_1890, %gather3A_1902 : vector<16xf32>
        %broadcast_in_dim3A_1904 = vector.shape_cast %xor3A_180 : vector<16xi32> to vector<16x1xi32>
        %gather3A_1905 = vector.shape_cast %broadcast_in_dim3A_1904 : vector<16x1xi32> to vector<16xi32>
        %gather3A_1906 = tpu.dynamic_gather %select_n3A_1899[%gather3A_1905] in [0] : vector<16xf32>, vector<16xi32> -> vector<16xf32>
        %add3A_1907 = arith.addf %select_n3A_1899, %gather3A_1906 : vector<16xf32>
        %select_n3A_1908 = arith.select %eq3A_204, %add3A_1903, %add3A_1907 : vector<16xi1>, vector<16xf32>
        %mul3A_1909 = arith.constant 128 : i32
        %mul3A_1910 = arith.muli %mul3A_242, %mul3A_1909 : i32
        %mul3A_1911 = arith.constant 16 : i32
        %mul3A_1912 = arith.muli %scan3A_286, %mul3A_1911 : i32
        %add3A_1913 = arith.addi %mul3A_1910, %mul3A_1912 : i32
        %get3A_1914 = arith.index_cast %add3A_1913 : i32 to index
        %get3A_1915 = tpu.vector_load %arg12[%get3A_1914] {strides = array<i32>} : memref<1280xi32, #tpu.memory_space<vmem>>, vector<16xi32>,
        %broadcast_in_dim3A_1916 = vector.shape_cast %or3A_228 : vector<16xi32> to vector<16x1xi32>
        %gather3A_1917 = vector.shape_cast %broadcast_in_dim3A_1916 : vector<16x1xi32> to vector<16xi32>
        %gather3A_1918 = tpu.dynamic_gather %get3A_1915[%gather3A_1917] in [0] : vector<16xi32>, vector<16xi32> -> vector<16xi32>
        tpu.vector_store_idx %arg13[%gather3A_1918], %select_n3A_1908 {add = true} : memref<128xf32, #tpu.memory_space<vmem>>[vector<16xi32>], vector<16xf32>,
      }
      %scan3A_255 = arith.constant 8 : i32
      %add3A_256 = arith.constant 2 : i32
      %add3A_257 = arith.addi %mul3A_242, %add3A_256 : i32
      %lt3A_258 = arith.constant 10 : i32
      %lt3A_259 = arith.cmpi slt, %add3A_257, %lt3A_258 : i32
      %convert_element_type3A_260 = arith.extui %lt3A_259 : i1 to i32
      %cond3A_261 = arith.constant 0 : i32
      %cond3A_262 = arith.cmpi ne, %convert_element_type3A_260, %cond3A_261 : i32
      scf.if %cond3A_262 {
        %add3A_286 = arith.constant 2 : i32
        %add3A_287 = arith.addi %mul3A_242, %add3A_286 : i32
        %mul3A_288 = arith.constant 4096 : i32
        %mul3A_289 = arith.muli %select_n3A, %mul3A_288 : i32
        %add3A_290 = arith.addi %mul3A_289, %add3A_34 : i32
        %mul3A_291 = arith.constant 128 : i32
        %mul3A_292 = arith.muli %add3A_287, %mul3A_291 : i32
        %add3A_293 = arith.addi %add3A_290, %mul3A_292 : i32
        %mul3A_294 = arith.constant 128 : i32
        %mul3A_295 = arith.muli %add3A_293, %mul3A_294 : i32
        %dma_start3A_296 = tpu.memref_slice %arg2[%mul3A_295] : memref<8388608xf32, #tpu.memory_space<hbm>> -> memref<16384xf32, #tpu.memory_space<hbm>>
        %dma_start3A_297 = tpu.memref_slice %arg2[%mul3A_295] : memref<8388608xf32, #tpu.memory_space<hbm>> -> memref<16384xf32, #tpu.memory_space<hbm>>
        tpu.enqueue_dma source(%dma_start3A_297 : memref<16384xf32, #tpu.memory_space<hbm>>) target(%arg6 : memref<16384xf32, #tpu.memory_space<vmem>>) target_semaphore(%arg18 : memref<!tpu.dma_semaphore, #tpu.memory_space<semaphore_mem>>)
        %dma_start3A_298 = tpu.memref_slice %arg3[%mul3A_295] : memref<8388608xf32, #tpu.memory_space<hbm>> -> memref<16384xf32, #tpu.memory_space<hbm>>
        %dma_start3A_299 = tpu.memref_slice %arg3[%mul3A_295] : memref<8388608xf32, #tpu.memory_space<hbm>> -> memref<16384xf32, #tpu.memory_space<hbm>>
        tpu.enqueue_dma source(%dma_start3A_299 : memref<16384xf32, #tpu.memory_space<hbm>>) target(%arg8 : memref<16384xf32, #tpu.memory_space<vmem>>) target_semaphore(%arg20 : memref<!tpu.dma_semaphore, #tpu.memory_space<semaphore_mem>>)
      } else {
      }
      %dma_wait3A_263 = arith.constant 0 : i32
      %dma_wait3A_264 = tpu.memref_slice %arg2[%dma_wait3A_263] : memref<8388608xf32, #tpu.memory_space<hbm>> -> memref<16384xf32, #tpu.memory_space<hbm>>
      %dma_wait3A_265 = arith.constant 0 : i32
      %dma_wait3A_266 = tpu.memref_slice %arg2[%dma_wait3A_265] : memref<8388608xf32, #tpu.memory_space<hbm>> -> memref<16384xf32, #tpu.memory_space<hbm>>
      tpu.wait_dma2 semaphore(%arg19 : memref<!tpu.dma_semaphore, #tpu.memory_space<semaphore_mem>>) src(%dma_wait3A_266 : memref<16384xf32, #tpu.memory_space<hbm>>) dst(%arg7 : memref<16384xf32, #tpu.memory_space<vmem>>)
      %dma_wait3A_267 = arith.constant 0 : i32
      %dma_wait3A_268 = tpu.memref_slice %arg3[%dma_wait3A_267] : memref<8388608xf32, #tpu.memory_space<hbm>> -> memref<16384xf32, #tpu.memory_space<hbm>>
      %dma_wait3A_269 = arith.constant 0 : i32
      %dma_wait3A_270 = tpu.memref_slice %arg3[%dma_wait3A_269] : memref<8388608xf32, #tpu.memory_space<hbm>> -> memref<16384xf32, #tpu.memory_space<hbm>>
      tpu.wait_dma2 semaphore(%arg21 : memref<!tpu.dma_semaphore, #tpu.memory_space<semaphore_mem>>) src(%dma_wait3A_270 : memref<16384xf32, #tpu.memory_space<hbm>>) dst(%arg9 : memref<16384xf32, #tpu.memory_space<vmem>>)
      %add3A_271 = arith.constant 1 : i32
      %add3A_272 = arith.addi %mul3A_242, %add3A_271 : i32
      %scan3A_273 = arith.constant 0 : i32
      %scan3A_274 = arith.constant 0 : i32
      %scan3A_275 = arith.constant 8 : i32
      %scan3A_276 = arith.addi %scan3A_274, %scan3A_275 : i32
      %scan3A_277 = arith.constant 1 : i32
      scf.for %scan3A_286 = %scan3A_274 to %scan3A_276 step %scan3A_277  : i32 {
        %mul3A_287 = arith.constant 16 : i32
        %mul3A_288 = arith.muli %scan3A_286, %mul3A_287 : i32
        %add3A_289 = arith.constant 0 : i32
        %add3A_290 = arith.addi %mul3A_288, %add3A_289 : i32
        %mul3A_291 = arith.constant 128 : i32
        %mul3A_292 = arith.muli %add3A_290, %mul3A_291 : i32
        %add3A_293 = arith.constant 0 : i32
        %add3A_294 = arith.addi %mul3A_292, %add3A_293 : i32
        %get3A_295 = arith.index_cast %add3A_294 : i32 to index
        %get3A_296 = tpu.vector_load %arg7[%get3A_295] {strides = array<i32>} : memref<16384xf32, #tpu.memory_space<vmem>>, vector<16xf32>,
        %add3A_297 = arith.constant 0 : i32
        %add3A_298 = arith.addi %mul3A_292, %add3A_297 : i32
        %get3A_299 = arith.index_cast %add3A_298 : i32 to index
        %get3A_300 = tpu.vector_load %arg9[%get3A_299] {strides = array<i32>} : memref<16384xf32, #tpu.memory_space<vmem>>, vector<16xf32>,
        %sub3A_301 = arith.subf %get3A_296, %get3A_300 : vector<16xf32>
        %mul3A_302 = arith.mulf %sub3A_301, %sub3A_301 : vector<16xf32>
        %add3A_303 = arith.constant 16 : i32
        %add3A_304 = arith.addi %mul3A_292, %add3A_303 : i32
        %get3A_305 = arith.index_cast %add3A_304 : i32 to index
        %get3A_306 = tpu.vector_load %arg7[%get3A_305] {strides = array<i32>} : memref<16384xf32, #tpu.memory_space<vmem>>, vector<16xf32>,
        %add3A_307 = arith.constant 16 : i32
        %add3A_308 = arith.addi %mul3A_292, %add3A_307 : i32
        %get3A_309 = arith.index_cast %add3A_308 : i32 to index
        %get3A_310 = tpu.vector_load %arg9[%get3A_309] {strides = array<i32>} : memref<16384xf32, #tpu.memory_space<vmem>>, vector<16xf32>,
        %sub3A_311 = arith.subf %get3A_306, %get3A_310 : vector<16xf32>
        %mul3A_312 = arith.mulf %sub3A_311, %sub3A_311 : vector<16xf32>
        %add3A_313 = arith.constant 32 : i32
        %add3A_314 = arith.addi %mul3A_292, %add3A_313 : i32
        %get3A_315 = arith.index_cast %add3A_314 : i32 to index
        %get3A_316 = tpu.vector_load %arg7[%get3A_315] {strides = array<i32>} : memref<16384xf32, #tpu.memory_space<vmem>>, vector<16xf32>,
        %add3A_317 = arith.constant 32 : i32
        %add3A_318 = arith.addi %mul3A_292, %add3A_317 : i32
        %get3A_319 = arith.index_cast %add3A_318 : i32 to index
        %get3A_320 = tpu.vector_load %arg9[%get3A_319] {strides = array<i32>} : memref<16384xf32, #tpu.memory_space<vmem>>, vector<16xf32>,
        %sub3A_321 = arith.subf %get3A_316, %get3A_320 : vector<16xf32>
        %mul3A_322 = arith.mulf %sub3A_321, %sub3A_321 : vector<16xf32>
        %add3A_323 = arith.constant 48 : i32
        %add3A_324 = arith.addi %mul3A_292, %add3A_323 : i32
        %get3A_325 = arith.index_cast %add3A_324 : i32 to index
        %get3A_326 = tpu.vector_load %arg7[%get3A_325] {strides = array<i32>} : memref<16384xf32, #tpu.memory_space<vmem>>, vector<16xf32>,
        %add3A_327 = arith.constant 48 : i32
        %add3A_328 = arith.addi %mul3A_292, %add3A_327 : i32
        %get3A_329 = arith.index_cast %add3A_328 : i32 to index
        %get3A_330 = tpu.vector_load %arg9[%get3A_329] {strides = array<i32>} : memref<16384xf32, #tpu.memory_space<vmem>>, vector<16xf32>,
        %sub3A_331 = arith.subf %get3A_326, %get3A_330 : vector<16xf32>
        %mul3A_332 = arith.mulf %sub3A_331, %sub3A_331 : vector<16xf32>
        %add3A_333 = arith.constant 64 : i32
        %add3A_334 = arith.addi %mul3A_292, %add3A_333 : i32
        %get3A_335 = arith.index_cast %add3A_334 : i32 to index
        %get3A_336 = tpu.vector_load %arg7[%get3A_335] {strides = array<i32>} : memref<16384xf32, #tpu.memory_space<vmem>>, vector<16xf32>,
        %add3A_337 = arith.constant 64 : i32
        %add3A_338 = arith.addi %mul3A_292, %add3A_337 : i32
        %get3A_339 = arith.index_cast %add3A_338 : i32 to index
        %get3A_340 = tpu.vector_load %arg9[%get3A_339] {strides = array<i32>} : memref<16384xf32, #tpu.memory_space<vmem>>, vector<16xf32>,
        %sub3A_341 = arith.subf %get3A_336, %get3A_340 : vector<16xf32>
        %mul3A_342 = arith.mulf %sub3A_341, %sub3A_341 : vector<16xf32>
        %add3A_343 = arith.constant 80 : i32
        %add3A_344 = arith.addi %mul3A_292, %add3A_343 : i32
        %get3A_345 = arith.index_cast %add3A_344 : i32 to index
        %get3A_346 = tpu.vector_load %arg7[%get3A_345] {strides = array<i32>} : memref<16384xf32, #tpu.memory_space<vmem>>, vector<16xf32>,
        %add3A_347 = arith.constant 80 : i32
        %add3A_348 = arith.addi %mul3A_292, %add3A_347 : i32
        %get3A_349 = arith.index_cast %add3A_348 : i32 to index
        %get3A_350 = tpu.vector_load %arg9[%get3A_349] {strides = array<i32>} : memref<16384xf32, #tpu.memory_space<vmem>>, vector<16xf32>,
        %sub3A_351 = arith.subf %get3A_346, %get3A_350 : vector<16xf32>
        %mul3A_352 = arith.mulf %sub3A_351, %sub3A_351 : vector<16xf32>
        %add3A_353 = arith.constant 96 : i32
        %add3A_354 = arith.addi %mul3A_292, %add3A_353 : i32
        %get3A_355 = arith.index_cast %add3A_354 : i32 to index
        %get3A_356 = tpu.vector_load %arg7[%get3A_355] {strides = array<i32>} : memref<16384xf32, #tpu.memory_space<vmem>>, vector<16xf32>,
        %add3A_357 = arith.constant 96 : i32
        %add3A_358 = arith.addi %mul3A_292, %add3A_357 : i32
        %get3A_359 = arith.index_cast %add3A_358 : i32 to index
        %get3A_360 = tpu.vector_load %arg9[%get3A_359] {strides = array<i32>} : memref<16384xf32, #tpu.memory_space<vmem>>, vector<16xf32>,
        %sub3A_361 = arith.subf %get3A_356, %get3A_360 : vector<16xf32>
        %mul3A_362 = arith.mulf %sub3A_361, %sub3A_361 : vector<16xf32>
        %add3A_363 = arith.constant 112 : i32
        %add3A_364 = arith.addi %mul3A_292, %add3A_363 : i32
        %get3A_365 = arith.index_cast %add3A_364 : i32 to index
        %get3A_366 = tpu.vector_load %arg7[%get3A_365] {strides = array<i32>} : memref<16384xf32, #tpu.memory_space<vmem>>, vector<16xf32>,
        %add3A_367 = arith.constant 112 : i32
        %add3A_368 = arith.addi %mul3A_292, %add3A_367 : i32
        %get3A_369 = arith.index_cast %add3A_368 : i32 to index
        %get3A_370 = tpu.vector_load %arg9[%get3A_369] {strides = array<i32>} : memref<16384xf32, #tpu.memory_space<vmem>>, vector<16xf32>,
        %sub3A_371 = arith.subf %get3A_366, %get3A_370 : vector<16xf32>
        %mul3A_372 = arith.mulf %sub3A_371, %sub3A_371 : vector<16xf32>
        %add3A_373 = arith.addf %mul3A_302, %mul3A_312 : vector<16xf32>
        %add3A_374 = arith.addf %mul3A_322, %mul3A_332 : vector<16xf32>
        %add3A_375 = arith.addf %mul3A_342, %mul3A_352 : vector<16xf32>
        %add3A_376 = arith.addf %mul3A_362, %mul3A_372 : vector<16xf32>
        %add3A_377 = arith.addf %add3A_373, %add3A_374 : vector<16xf32>
        %add3A_378 = arith.addf %add3A_375, %add3A_376 : vector<16xf32>
        %add3A_379 = arith.addf %add3A_377, %add3A_378 : vector<16xf32>
        %add3A_380 = arith.constant 128 : i32
        %add3A_381 = arith.addi %mul3A_292, %add3A_380 : i32
        %add3A_382 = arith.constant 0 : i32
        %add3A_383 = arith.addi %add3A_381, %add3A_382 : i32
        %get3A_384 = arith.index_cast %add3A_383 : i32 to index
        %get3A_385 = tpu.vector_load %arg7[%get3A_384] {strides = array<i32>} : memref<16384xf32, #tpu.memory_space<vmem>>, vector<16xf32>,
        %add3A_386 = arith.constant 0 : i32
        %add3A_387 = arith.addi %add3A_381, %add3A_386 : i32
        %get3A_388 = arith.index_cast %add3A_387 : i32 to index
        %get3A_389 = tpu.vector_load %arg9[%get3A_388] {strides = array<i32>} : memref<16384xf32, #tpu.memory_space<vmem>>, vector<16xf32>,
        %sub3A_390 = arith.subf %get3A_385, %get3A_389 : vector<16xf32>
        %mul3A_391 = arith.mulf %sub3A_390, %sub3A_390 : vector<16xf32>
        %add3A_392 = arith.constant 16 : i32
        %add3A_393 = arith.addi %add3A_381, %add3A_392 : i32
        %get3A_394 = arith.index_cast %add3A_393 : i32 to index
        %get3A_395 = tpu.vector_load %arg7[%get3A_394] {strides = array<i32>} : memref<16384xf32, #tpu.memory_space<vmem>>, vector<16xf32>,
        %add3A_396 = arith.constant 16 : i32
        %add3A_397 = arith.addi %add3A_381, %add3A_396 : i32
        %get3A_398 = arith.index_cast %add3A_397 : i32 to index
        %get3A_399 = tpu.vector_load %arg9[%get3A_398] {strides = array<i32>} : memref<16384xf32, #tpu.memory_space<vmem>>, vector<16xf32>,
        %sub3A_400 = arith.subf %get3A_395, %get3A_399 : vector<16xf32>
        %mul3A_401 = arith.mulf %sub3A_400, %sub3A_400 : vector<16xf32>
        %add3A_402 = arith.constant 32 : i32
        %add3A_403 = arith.addi %add3A_381, %add3A_402 : i32
        %get3A_404 = arith.index_cast %add3A_403 : i32 to index
        %get3A_405 = tpu.vector_load %arg7[%get3A_404] {strides = array<i32>} : memref<16384xf32, #tpu.memory_space<vmem>>, vector<16xf32>,
        %add3A_406 = arith.constant 32 : i32
        %add3A_407 = arith.addi %add3A_381, %add3A_406 : i32
        %get3A_408 = arith.index_cast %add3A_407 : i32 to index
        %get3A_409 = tpu.vector_load %arg9[%get3A_408] {strides = array<i32>} : memref<16384xf32, #tpu.memory_space<vmem>>, vector<16xf32>,
        %sub3A_410 = arith.subf %get3A_405, %get3A_409 : vector<16xf32>
        %mul3A_411 = arith.mulf %sub3A_410, %sub3A_410 : vector<16xf32>
        %add3A_412 = arith.constant 48 : i32
        %add3A_413 = arith.addi %add3A_381, %add3A_412 : i32
        %get3A_414 = arith.index_cast %add3A_413 : i32 to index
        %get3A_415 = tpu.vector_load %arg7[%get3A_414] {strides = array<i32>} : memref<16384xf32, #tpu.memory_space<vmem>>, vector<16xf32>,
        %add3A_416 = arith.constant 48 : i32
        %add3A_417 = arith.addi %add3A_381, %add3A_416 : i32
        %get3A_418 = arith.index_cast %add3A_417 : i32 to index
        %get3A_419 = tpu.vector_load %arg9[%get3A_418] {strides = array<i32>} : memref<16384xf32, #tpu.memory_space<vmem>>, vector<16xf32>,
        %sub3A_420 = arith.subf %get3A_415, %get3A_419 : vector<16xf32>
        %mul3A_421 = arith.mulf %sub3A_420, %sub3A_420 : vector<16xf32>
        %add3A_422 = arith.constant 64 : i32
        %add3A_423 = arith.addi %add3A_381, %add3A_422 : i32
        %get3A_424 = arith.index_cast %add3A_423 : i32 to index
        %get3A_425 = tpu.vector_load %arg7[%get3A_424] {strides = array<i32>} : memref<16384xf32, #tpu.memory_space<vmem>>, vector<16xf32>,
        %add3A_426 = arith.constant 64 : i32
        %add3A_427 = arith.addi %add3A_381, %add3A_426 : i32
        %get3A_428 = arith.index_cast %add3A_427 : i32 to index
        %get3A_429 = tpu.vector_load %arg9[%get3A_428] {strides = array<i32>} : memref<16384xf32, #tpu.memory_space<vmem>>, vector<16xf32>,
        %sub3A_430 = arith.subf %get3A_425, %get3A_429 : vector<16xf32>
        %mul3A_431 = arith.mulf %sub3A_430, %sub3A_430 : vector<16xf32>
        %add3A_432 = arith.constant 80 : i32
        %add3A_433 = arith.addi %add3A_381, %add3A_432 : i32
        %get3A_434 = arith.index_cast %add3A_433 : i32 to index
        %get3A_435 = tpu.vector_load %arg7[%get3A_434] {strides = array<i32>} : memref<16384xf32, #tpu.memory_space<vmem>>, vector<16xf32>,
        %add3A_436 = arith.constant 80 : i32
        %add3A_437 = arith.addi %add3A_381, %add3A_436 : i32
        %get3A_438 = arith.index_cast %add3A_437 : i32 to index
        %get3A_439 = tpu.vector_load %arg9[%get3A_438] {strides = array<i32>} : memref<16384xf32, #tpu.memory_space<vmem>>, vector<16xf32>,
        %sub3A_440 = arith.subf %get3A_435, %get3A_439 : vector<16xf32>
        %mul3A_441 = arith.mulf %sub3A_440, %sub3A_440 : vector<16xf32>
        %add3A_442 = arith.constant 96 : i32
        %add3A_443 = arith.addi %add3A_381, %add3A_442 : i32
        %get3A_444 = arith.index_cast %add3A_443 : i32 to index
        %get3A_445 = tpu.vector_load %arg7[%get3A_444] {strides = array<i32>} : memref<16384xf32, #tpu.memory_space<vmem>>, vector<16xf32>,
        %add3A_446 = arith.constant 96 : i32
        %add3A_447 = arith.addi %add3A_381, %add3A_446 : i32
        %get3A_448 = arith.index_cast %add3A_447 : i32 to index
        %get3A_449 = tpu.vector_load %arg9[%get3A_448] {strides = array<i32>} : memref<16384xf32, #tpu.memory_space<vmem>>, vector<16xf32>,
        %sub3A_450 = arith.subf %get3A_445, %get3A_449 : vector<16xf32>
        %mul3A_451 = arith.mulf %sub3A_450, %sub3A_450 : vector<16xf32>
        %add3A_452 = arith.constant 112 : i32
        %add3A_453 = arith.addi %add3A_381, %add3A_452 : i32
        %get3A_454 = arith.index_cast %add3A_453 : i32 to index
        %get3A_455 = tpu.vector_load %arg7[%get3A_454] {strides = array<i32>} : memref<16384xf32, #tpu.memory_space<vmem>>, vector<16xf32>,
        %add3A_456 = arith.constant 112 : i32
        %add3A_457 = arith.addi %add3A_381, %add3A_456 : i32
        %get3A_458 = arith.index_cast %add3A_457 : i32 to index
        %get3A_459 = tpu.vector_load %arg9[%get3A_458] {strides = array<i32>} : memref<16384xf32, #tpu.memory_space<vmem>>, vector<16xf32>,
        %sub3A_460 = arith.subf %get3A_455, %get3A_459 : vector<16xf32>
        %mul3A_461 = arith.mulf %sub3A_460, %sub3A_460 : vector<16xf32>
        %add3A_462 = arith.addf %mul3A_391, %mul3A_401 : vector<16xf32>
        %add3A_463 = arith.addf %mul3A_411, %mul3A_421 : vector<16xf32>
        %add3A_464 = arith.addf %mul3A_431, %mul3A_441 : vector<16xf32>
        %add3A_465 = arith.addf %mul3A_451, %mul3A_461 : vector<16xf32>
        %add3A_466 = arith.addf %add3A_462, %add3A_463 : vector<16xf32>
        %add3A_467 = arith.addf %add3A_464, %add3A_465 : vector<16xf32>
        %add3A_468 = arith.addf %add3A_466, %add3A_467 : vector<16xf32>
        %broadcast_in_dim3A_469 = vector.shape_cast %xor3A_171 : vector<16xi32> to vector<16x1xi32>
        %gather3A = vector.shape_cast %broadcast_in_dim3A_469 : vector<16x1xi32> to vector<16xi32>
        %gather3A_470 = tpu.dynamic_gather %add3A_379[%gather3A] in [0] : vector<16xf32>, vector<16xi32> -> vector<16xf32>
        %add3A_471 = arith.addf %add3A_379, %gather3A_470 : vector<16xf32>
        %broadcast_in_dim3A_472 = vector.shape_cast %xor3A_171 : vector<16xi32> to vector<16x1xi32>
        %gather3A_473 = vector.shape_cast %broadcast_in_dim3A_472 : vector<16x1xi32> to vector<16xi32>
        %gather3A_474 = tpu.dynamic_gather %add3A_468[%gather3A_473] in [0] : vector<16xf32>, vector<16xi32> -> vector<16xf32>
        %add3A_475 = arith.addf %add3A_468, %gather3A_474 : vector<16xf32>
        %select_n3A_476 = arith.select %eq3A_186, %add3A_471, %add3A_475 : vector<16xi1>, vector<16xf32>
        %swap3A_477 = arith.constant 0 : index
        %swap3A_478 = tpu.vector_load %arg16[%swap3A_477] {strides = array<i32>} : memref<128xf32, #tpu.memory_space<vmem>>, vector<16xf32>,
        tpu.vector_store %arg16[%swap3A_477], %select_n3A_476 {strides = array<i32>} : memref<128xf32, #tpu.memory_space<vmem>>, vector<16xf32>,
        %mul3A_479 = arith.constant 16 : i32
        %mul3A_480 = arith.muli %scan3A_286, %mul3A_479 : i32
        %add3A_481 = arith.constant 2 : i32
        %add3A_482 = arith.addi %mul3A_480, %add3A_481 : i32
        %mul3A_483 = arith.constant 128 : i32
        %mul3A_484 = arith.muli %add3A_482, %mul3A_483 : i32
        %add3A_485 = arith.constant 0 : i32
        %add3A_486 = arith.addi %mul3A_484, %add3A_485 : i32
        %get3A_487 = arith.index_cast %add3A_486 : i32 to index
        %get3A_488 = tpu.vector_load %arg7[%get3A_487] {strides = array<i32>} : memref<16384xf32, #tpu.memory_space<vmem>>, vector<16xf32>,
        %add3A_489 = arith.constant 0 : i32
        %add3A_490 = arith.addi %mul3A_484, %add3A_489 : i32
        %get3A_491 = arith.index_cast %add3A_490 : i32 to index
        %get3A_492 = tpu.vector_load %arg9[%get3A_491] {strides = array<i32>} : memref<16384xf32, #tpu.memory_space<vmem>>, vector<16xf32>,
        %sub3A_493 = arith.subf %get3A_488, %get3A_492 : vector<16xf32>
        %mul3A_494 = arith.mulf %sub3A_493, %sub3A_493 : vector<16xf32>
        %add3A_495 = arith.constant 16 : i32
        %add3A_496 = arith.addi %mul3A_484, %add3A_495 : i32
        %get3A_497 = arith.index_cast %add3A_496 : i32 to index
        %get3A_498 = tpu.vector_load %arg7[%get3A_497] {strides = array<i32>} : memref<16384xf32, #tpu.memory_space<vmem>>, vector<16xf32>,
        %add3A_499 = arith.constant 16 : i32
        %add3A_500 = arith.addi %mul3A_484, %add3A_499 : i32
        %get3A_501 = arith.index_cast %add3A_500 : i32 to index
        %get3A_502 = tpu.vector_load %arg9[%get3A_501] {strides = array<i32>} : memref<16384xf32, #tpu.memory_space<vmem>>, vector<16xf32>,
        %sub3A_503 = arith.subf %get3A_498, %get3A_502 : vector<16xf32>
        %mul3A_504 = arith.mulf %sub3A_503, %sub3A_503 : vector<16xf32>
        %add3A_505 = arith.constant 32 : i32
        %add3A_506 = arith.addi %mul3A_484, %add3A_505 : i32
        %get3A_507 = arith.index_cast %add3A_506 : i32 to index
        %get3A_508 = tpu.vector_load %arg7[%get3A_507] {strides = array<i32>} : memref<16384xf32, #tpu.memory_space<vmem>>, vector<16xf32>,
        %add3A_509 = arith.constant 32 : i32
        %add3A_510 = arith.addi %mul3A_484, %add3A_509 : i32
        %get3A_511 = arith.index_cast %add3A_510 : i32 to index
        %get3A_512 = tpu.vector_load %arg9[%get3A_511] {strides = array<i32>} : memref<16384xf32, #tpu.memory_space<vmem>>, vector<16xf32>,
        %sub3A_513 = arith.subf %get3A_508, %get3A_512 : vector<16xf32>
        %mul3A_514 = arith.mulf %sub3A_513, %sub3A_513 : vector<16xf32>
        %add3A_515 = arith.constant 48 : i32
        %add3A_516 = arith.addi %mul3A_484, %add3A_515 : i32
        %get3A_517 = arith.index_cast %add3A_516 : i32 to index
        %get3A_518 = tpu.vector_load %arg7[%get3A_517] {strides = array<i32>} : memref<16384xf32, #tpu.memory_space<vmem>>, vector<16xf32>,
        %add3A_519 = arith.constant 48 : i32
        %add3A_520 = arith.addi %mul3A_484, %add3A_519 : i32
        %get3A_521 = arith.index_cast %add3A_520 : i32 to index
        %get3A_522 = tpu.vector_load %arg9[%get3A_521] {strides = array<i32>} : memref<16384xf32, #tpu.memory_space<vmem>>, vector<16xf32>,
        %sub3A_523 = arith.subf %get3A_518, %get3A_522 : vector<16xf32>
        %mul3A_524 = arith.mulf %sub3A_523, %sub3A_523 : vector<16xf32>
        %add3A_525 = arith.constant 64 : i32
        %add3A_526 = arith.addi %mul3A_484, %add3A_525 : i32
        %get3A_527 = arith.index_cast %add3A_526 : i32 to index
        %get3A_528 = tpu.vector_load %arg7[%get3A_527] {strides = array<i32>} : memref<16384xf32, #tpu.memory_space<vmem>>, vector<16xf32>,
        %add3A_529 = arith.constant 64 : i32
        %add3A_530 = arith.addi %mul3A_484, %add3A_529 : i32
        %get3A_531 = arith.index_cast %add3A_530 : i32 to index
        %get3A_532 = tpu.vector_load %arg9[%get3A_531] {strides = array<i32>} : memref<16384xf32, #tpu.memory_space<vmem>>, vector<16xf32>,
        %sub3A_533 = arith.subf %get3A_528, %get3A_532 : vector<16xf32>
        %mul3A_534 = arith.mulf %sub3A_533, %sub3A_533 : vector<16xf32>
        %add3A_535 = arith.constant 80 : i32
        %add3A_536 = arith.addi %mul3A_484, %add3A_535 : i32
        %get3A_537 = arith.index_cast %add3A_536 : i32 to index
        %get3A_538 = tpu.vector_load %arg7[%get3A_537] {strides = array<i32>} : memref<16384xf32, #tpu.memory_space<vmem>>, vector<16xf32>,
        %add3A_539 = arith.constant 80 : i32
        %add3A_540 = arith.addi %mul3A_484, %add3A_539 : i32
        %get3A_541 = arith.index_cast %add3A_540 : i32 to index
        %get3A_542 = tpu.vector_load %arg9[%get3A_541] {strides = array<i32>} : memref<16384xf32, #tpu.memory_space<vmem>>, vector<16xf32>,
        %sub3A_543 = arith.subf %get3A_538, %get3A_542 : vector<16xf32>
        %mul3A_544 = arith.mulf %sub3A_543, %sub3A_543 : vector<16xf32>
        %add3A_545 = arith.constant 96 : i32
        %add3A_546 = arith.addi %mul3A_484, %add3A_545 : i32
        %get3A_547 = arith.index_cast %add3A_546 : i32 to index
        %get3A_548 = tpu.vector_load %arg7[%get3A_547] {strides = array<i32>} : memref<16384xf32, #tpu.memory_space<vmem>>, vector<16xf32>,
        %add3A_549 = arith.constant 96 : i32
        %add3A_550 = arith.addi %mul3A_484, %add3A_549 : i32
        %get3A_551 = arith.index_cast %add3A_550 : i32 to index
        %get3A_552 = tpu.vector_load %arg9[%get3A_551] {strides = array<i32>} : memref<16384xf32, #tpu.memory_space<vmem>>, vector<16xf32>,
        %sub3A_553 = arith.subf %get3A_548, %get3A_552 : vector<16xf32>
        %mul3A_554 = arith.mulf %sub3A_553, %sub3A_553 : vector<16xf32>
        %add3A_555 = arith.constant 112 : i32
        %add3A_556 = arith.addi %mul3A_484, %add3A_555 : i32
        %get3A_557 = arith.index_cast %add3A_556 : i32 to index
        %get3A_558 = tpu.vector_load %arg7[%get3A_557] {strides = array<i32>} : memref<16384xf32, #tpu.memory_space<vmem>>, vector<16xf32>,
        %add3A_559 = arith.constant 112 : i32
        %add3A_560 = arith.addi %mul3A_484, %add3A_559 : i32
        %get3A_561 = arith.index_cast %add3A_560 : i32 to index
        %get3A_562 = tpu.vector_load %arg9[%get3A_561] {strides = array<i32>} : memref<16384xf32, #tpu.memory_space<vmem>>, vector<16xf32>,
        %sub3A_563 = arith.subf %get3A_558, %get3A_562 : vector<16xf32>
        %mul3A_564 = arith.mulf %sub3A_563, %sub3A_563 : vector<16xf32>
        %add3A_565 = arith.addf %mul3A_494, %mul3A_504 : vector<16xf32>
        %add3A_566 = arith.addf %mul3A_514, %mul3A_524 : vector<16xf32>
        %add3A_567 = arith.addf %mul3A_534, %mul3A_544 : vector<16xf32>
        %add3A_568 = arith.addf %mul3A_554, %mul3A_564 : vector<16xf32>
        %add3A_569 = arith.addf %add3A_565, %add3A_566 : vector<16xf32>
        %add3A_570 = arith.addf %add3A_567, %add3A_568 : vector<16xf32>
        %add3A_571 = arith.addf %add3A_569, %add3A_570 : vector<16xf32>
        %add3A_572 = arith.constant 128 : i32
        %add3A_573 = arith.addi %mul3A_484, %add3A_572 : i32
        %add3A_574 = arith.constant 0 : i32
        %add3A_575 = arith.addi %add3A_573, %add3A_574 : i32
        %get3A_576 = arith.index_cast %add3A_575 : i32 to index
        %get3A_577 = tpu.vector_load %arg7[%get3A_576] {strides = array<i32>} : memref<16384xf32, #tpu.memory_space<vmem>>, vector<16xf32>,
        %add3A_578 = arith.constant 0 : i32
        %add3A_579 = arith.addi %add3A_573, %add3A_578 : i32
        %get3A_580 = arith.index_cast %add3A_579 : i32 to index
        %get3A_581 = tpu.vector_load %arg9[%get3A_580] {strides = array<i32>} : memref<16384xf32, #tpu.memory_space<vmem>>, vector<16xf32>,
        %sub3A_582 = arith.subf %get3A_577, %get3A_581 : vector<16xf32>
        %mul3A_583 = arith.mulf %sub3A_582, %sub3A_582 : vector<16xf32>
        %add3A_584 = arith.constant 16 : i32
        %add3A_585 = arith.addi %add3A_573, %add3A_584 : i32
        %get3A_586 = arith.index_cast %add3A_585 : i32 to index
        %get3A_587 = tpu.vector_load %arg7[%get3A_586] {strides = array<i32>} : memref<16384xf32, #tpu.memory_space<vmem>>, vector<16xf32>,
        %add3A_588 = arith.constant 16 : i32
        %add3A_589 = arith.addi %add3A_573, %add3A_588 : i32
        %get3A_590 = arith.index_cast %add3A_589 : i32 to index
        %get3A_591 = tpu.vector_load %arg9[%get3A_590] {strides = array<i32>} : memref<16384xf32, #tpu.memory_space<vmem>>, vector<16xf32>,
        %sub3A_592 = arith.subf %get3A_587, %get3A_591 : vector<16xf32>
        %mul3A_593 = arith.mulf %sub3A_592, %sub3A_592 : vector<16xf32>
        %add3A_594 = arith.constant 32 : i32
        %add3A_595 = arith.addi %add3A_573, %add3A_594 : i32
        %get3A_596 = arith.index_cast %add3A_595 : i32 to index
        %get3A_597 = tpu.vector_load %arg7[%get3A_596] {strides = array<i32>} : memref<16384xf32, #tpu.memory_space<vmem>>, vector<16xf32>,
        %add3A_598 = arith.constant 32 : i32
        %add3A_599 = arith.addi %add3A_573, %add3A_598 : i32
        %get3A_600 = arith.index_cast %add3A_599 : i32 to index
        %get3A_601 = tpu.vector_load %arg9[%get3A_600] {strides = array<i32>} : memref<16384xf32, #tpu.memory_space<vmem>>, vector<16xf32>,
        %sub3A_602 = arith.subf %get3A_597, %get3A_601 : vector<16xf32>
        %mul3A_603 = arith.mulf %sub3A_602, %sub3A_602 : vector<16xf32>
        %add3A_604 = arith.constant 48 : i32
        %add3A_605 = arith.addi %add3A_573, %add3A_604 : i32
        %get3A_606 = arith.index_cast %add3A_605 : i32 to index
        %get3A_607 = tpu.vector_load %arg7[%get3A_606] {strides = array<i32>} : memref<16384xf32, #tpu.memory_space<vmem>>, vector<16xf32>,
        %add3A_608 = arith.constant 48 : i32
        %add3A_609 = arith.addi %add3A_573, %add3A_608 : i32
        %get3A_610 = arith.index_cast %add3A_609 : i32 to index
        %get3A_611 = tpu.vector_load %arg9[%get3A_610] {strides = array<i32>} : memref<16384xf32, #tpu.memory_space<vmem>>, vector<16xf32>,
        %sub3A_612 = arith.subf %get3A_607, %get3A_611 : vector<16xf32>
        %mul3A_613 = arith.mulf %sub3A_612, %sub3A_612 : vector<16xf32>
        %add3A_614 = arith.constant 64 : i32
        %add3A_615 = arith.addi %add3A_573, %add3A_614 : i32
        %get3A_616 = arith.index_cast %add3A_615 : i32 to index
        %get3A_617 = tpu.vector_load %arg7[%get3A_616] {strides = array<i32>} : memref<16384xf32, #tpu.memory_space<vmem>>, vector<16xf32>,
        %add3A_618 = arith.constant 64 : i32
        %add3A_619 = arith.addi %add3A_573, %add3A_618 : i32
        %get3A_620 = arith.index_cast %add3A_619 : i32 to index
        %get3A_621 = tpu.vector_load %arg9[%get3A_620] {strides = array<i32>} : memref<16384xf32, #tpu.memory_space<vmem>>, vector<16xf32>,
        %sub3A_622 = arith.subf %get3A_617, %get3A_621 : vector<16xf32>
        %mul3A_623 = arith.mulf %sub3A_622, %sub3A_622 : vector<16xf32>
        %add3A_624 = arith.constant 80 : i32
        %add3A_625 = arith.addi %add3A_573, %add3A_624 : i32
        %get3A_626 = arith.index_cast %add3A_625 : i32 to index
        %get3A_627 = tpu.vector_load %arg7[%get3A_626] {strides = array<i32>} : memref<16384xf32, #tpu.memory_space<vmem>>, vector<16xf32>,
        %add3A_628 = arith.constant 80 : i32
        %add3A_629 = arith.addi %add3A_573, %add3A_628 : i32
        %get3A_630 = arith.index_cast %add3A_629 : i32 to index
        %get3A_631 = tpu.vector_load %arg9[%get3A_630] {strides = array<i32>} : memref<16384xf32, #tpu.memory_space<vmem>>, vector<16xf32>,
        %sub3A_632 = arith.subf %get3A_627, %get3A_631 : vector<16xf32>
        %mul3A_633 = arith.mulf %sub3A_632, %sub3A_632 : vector<16xf32>
        %add3A_634 = arith.constant 96 : i32
        %add3A_635 = arith.addi %add3A_573, %add3A_634 : i32
        %get3A_636 = arith.index_cast %add3A_635 : i32 to index
        %get3A_637 = tpu.vector_load %arg7[%get3A_636] {strides = array<i32>} : memref<16384xf32, #tpu.memory_space<vmem>>, vector<16xf32>,
        %add3A_638 = arith.constant 96 : i32
        %add3A_639 = arith.addi %add3A_573, %add3A_638 : i32
        %get3A_640 = arith.index_cast %add3A_639 : i32 to index
        %get3A_641 = tpu.vector_load %arg9[%get3A_640] {strides = array<i32>} : memref<16384xf32, #tpu.memory_space<vmem>>, vector<16xf32>,
        %sub3A_642 = arith.subf %get3A_637, %get3A_641 : vector<16xf32>
        %mul3A_643 = arith.mulf %sub3A_642, %sub3A_642 : vector<16xf32>
        %add3A_644 = arith.constant 112 : i32
        %add3A_645 = arith.addi %add3A_573, %add3A_644 : i32
        %get3A_646 = arith.index_cast %add3A_645 : i32 to index
        %get3A_647 = tpu.vector_load %arg7[%get3A_646] {strides = array<i32>} : memref<16384xf32, #tpu.memory_space<vmem>>, vector<16xf32>,
        %add3A_648 = arith.constant 112 : i32
        %add3A_649 = arith.addi %add3A_573, %add3A_648 : i32
        %get3A_650 = arith.index_cast %add3A_649 : i32 to index
        %get3A_651 = tpu.vector_load %arg9[%get3A_650] {strides = array<i32>} : memref<16384xf32, #tpu.memory_space<vmem>>, vector<16xf32>,
        %sub3A_652 = arith.subf %get3A_647, %get3A_651 : vector<16xf32>
        %mul3A_653 = arith.mulf %sub3A_652, %sub3A_652 : vector<16xf32>
        %add3A_654 = arith.addf %mul3A_583, %mul3A_593 : vector<16xf32>
        %add3A_655 = arith.addf %mul3A_603, %mul3A_613 : vector<16xf32>
        %add3A_656 = arith.addf %mul3A_623, %mul3A_633 : vector<16xf32>
        %add3A_657 = arith.addf %mul3A_643, %mul3A_653 : vector<16xf32>
        %add3A_658 = arith.addf %add3A_654, %add3A_655 : vector<16xf32>
        %add3A_659 = arith.addf %add3A_656, %add3A_657 : vector<16xf32>
        %add3A_660 = arith.addf %add3A_658, %add3A_659 : vector<16xf32>
        %broadcast_in_dim3A_661 = vector.shape_cast %xor3A_171 : vector<16xi32> to vector<16x1xi32>
        %gather3A_662 = vector.shape_cast %broadcast_in_dim3A_661 : vector<16x1xi32> to vector<16xi32>
        %gather3A_663 = tpu.dynamic_gather %add3A_571[%gather3A_662] in [0] : vector<16xf32>, vector<16xi32> -> vector<16xf32>
        %add3A_664 = arith.addf %add3A_571, %gather3A_663 : vector<16xf32>
        %broadcast_in_dim3A_665 = vector.shape_cast %xor3A_171 : vector<16xi32> to vector<16x1xi32>
        %gather3A_666 = vector.shape_cast %broadcast_in_dim3A_665 : vector<16x1xi32> to vector<16xi32>
        %gather3A_667 = tpu.dynamic_gather %add3A_660[%gather3A_666] in [0] : vector<16xf32>, vector<16xi32> -> vector<16xf32>
        %add3A_668 = arith.addf %add3A_660, %gather3A_667 : vector<16xf32>
        %select_n3A_669 = arith.select %eq3A_186, %add3A_664, %add3A_668 : vector<16xi1>, vector<16xf32>
        %swap3A_670 = arith.constant 16 : index
        %swap3A_671 = tpu.vector_load %arg16[%swap3A_670] {strides = array<i32>} : memref<128xf32, #tpu.memory_space<vmem>>, vector<16xf32>,
        tpu.vector_store %arg16[%swap3A_670], %select_n3A_669 {strides = array<i32>} : memref<128xf32, #tpu.memory_space<vmem>>, vector<16xf32>,
        %mul3A_672 = arith.constant 16 : i32
        %mul3A_673 = arith.muli %scan3A_286, %mul3A_672 : i32
        %add3A_674 = arith.constant 4 : i32
        %add3A_675 = arith.addi %mul3A_673, %add3A_674 : i32
        %mul3A_676 = arith.constant 128 : i32
        %mul3A_677 = arith.muli %add3A_675, %mul3A_676 : i32
        %add3A_678 = arith.constant 0 : i32
        %add3A_679 = arith.addi %mul3A_677, %add3A_678 : i32
        %get3A_680 = arith.index_cast %add3A_679 : i32 to index
        %get3A_681 = tpu.vector_load %arg7[%get3A_680] {strides = array<i32>} : memref<16384xf32, #tpu.memory_space<vmem>>, vector<16xf32>,
        %add3A_682 = arith.constant 0 : i32
        %add3A_683 = arith.addi %mul3A_677, %add3A_682 : i32
        %get3A_684 = arith.index_cast %add3A_683 : i32 to index
        %get3A_685 = tpu.vector_load %arg9[%get3A_684] {strides = array<i32>} : memref<16384xf32, #tpu.memory_space<vmem>>, vector<16xf32>,
        %sub3A_686 = arith.subf %get3A_681, %get3A_685 : vector<16xf32>
        %mul3A_687 = arith.mulf %sub3A_686, %sub3A_686 : vector<16xf32>
        %add3A_688 = arith.constant 16 : i32
        %add3A_689 = arith.addi %mul3A_677, %add3A_688 : i32
        %get3A_690 = arith.index_cast %add3A_689 : i32 to index
        %get3A_691 = tpu.vector_load %arg7[%get3A_690] {strides = array<i32>} : memref<16384xf32, #tpu.memory_space<vmem>>, vector<16xf32>,
        %add3A_692 = arith.constant 16 : i32
        %add3A_693 = arith.addi %mul3A_677, %add3A_692 : i32
        %get3A_694 = arith.index_cast %add3A_693 : i32 to index
        %get3A_695 = tpu.vector_load %arg9[%get3A_694] {strides = array<i32>} : memref<16384xf32, #tpu.memory_space<vmem>>, vector<16xf32>,
        %sub3A_696 = arith.subf %get3A_691, %get3A_695 : vector<16xf32>
        %mul3A_697 = arith.mulf %sub3A_696, %sub3A_696 : vector<16xf32>
        %add3A_698 = arith.constant 32 : i32
        %add3A_699 = arith.addi %mul3A_677, %add3A_698 : i32
        %get3A_700 = arith.index_cast %add3A_699 : i32 to index
        %get3A_701 = tpu.vector_load %arg7[%get3A_700] {strides = array<i32>} : memref<16384xf32, #tpu.memory_space<vmem>>, vector<16xf32>,
        %add3A_702 = arith.constant 32 : i32
        %add3A_703 = arith.addi %mul3A_677, %add3A_702 : i32
        %get3A_704 = arith.index_cast %add3A_703 : i32 to index
        %get3A_705 = tpu.vector_load %arg9[%get3A_704] {strides = array<i32>} : memref<16384xf32, #tpu.memory_space<vmem>>, vector<16xf32>,
        %sub3A_706 = arith.subf %get3A_701, %get3A_705 : vector<16xf32>
        %mul3A_707 = arith.mulf %sub3A_706, %sub3A_706 : vector<16xf32>
        %add3A_708 = arith.constant 48 : i32
        %add3A_709 = arith.addi %mul3A_677, %add3A_708 : i32
        %get3A_710 = arith.index_cast %add3A_709 : i32 to index
        %get3A_711 = tpu.vector_load %arg7[%get3A_710] {strides = array<i32>} : memref<16384xf32, #tpu.memory_space<vmem>>, vector<16xf32>,
        %add3A_712 = arith.constant 48 : i32
        %add3A_713 = arith.addi %mul3A_677, %add3A_712 : i32
        %get3A_714 = arith.index_cast %add3A_713 : i32 to index
        %get3A_715 = tpu.vector_load %arg9[%get3A_714] {strides = array<i32>} : memref<16384xf32, #tpu.memory_space<vmem>>, vector<16xf32>,
        %sub3A_716 = arith.subf %get3A_711, %get3A_715 : vector<16xf32>
        %mul3A_717 = arith.mulf %sub3A_716, %sub3A_716 : vector<16xf32>
        %add3A_718 = arith.constant 64 : i32
        %add3A_719 = arith.addi %mul3A_677, %add3A_718 : i32
        %get3A_720 = arith.index_cast %add3A_719 : i32 to index
        %get3A_721 = tpu.vector_load %arg7[%get3A_720] {strides = array<i32>} : memref<16384xf32, #tpu.memory_space<vmem>>, vector<16xf32>,
        %add3A_722 = arith.constant 64 : i32
        %add3A_723 = arith.addi %mul3A_677, %add3A_722 : i32
        %get3A_724 = arith.index_cast %add3A_723 : i32 to index
        %get3A_725 = tpu.vector_load %arg9[%get3A_724] {strides = array<i32>} : memref<16384xf32, #tpu.memory_space<vmem>>, vector<16xf32>,
        %sub3A_726 = arith.subf %get3A_721, %get3A_725 : vector<16xf32>
        %mul3A_727 = arith.mulf %sub3A_726, %sub3A_726 : vector<16xf32>
        %add3A_728 = arith.constant 80 : i32
        %add3A_729 = arith.addi %mul3A_677, %add3A_728 : i32
        %get3A_730 = arith.index_cast %add3A_729 : i32 to index
        %get3A_731 = tpu.vector_load %arg7[%get3A_730] {strides = array<i32>} : memref<16384xf32, #tpu.memory_space<vmem>>, vector<16xf32>,
        %add3A_732 = arith.constant 80 : i32
        %add3A_733 = arith.addi %mul3A_677, %add3A_732 : i32
        %get3A_734 = arith.index_cast %add3A_733 : i32 to index
        %get3A_735 = tpu.vector_load %arg9[%get3A_734] {strides = array<i32>} : memref<16384xf32, #tpu.memory_space<vmem>>, vector<16xf32>,
        %sub3A_736 = arith.subf %get3A_731, %get3A_735 : vector<16xf32>
        %mul3A_737 = arith.mulf %sub3A_736, %sub3A_736 : vector<16xf32>
        %add3A_738 = arith.constant 96 : i32
        %add3A_739 = arith.addi %mul3A_677, %add3A_738 : i32
        %get3A_740 = arith.index_cast %add3A_739 : i32 to index
        %get3A_741 = tpu.vector_load %arg7[%get3A_740] {strides = array<i32>} : memref<16384xf32, #tpu.memory_space<vmem>>, vector<16xf32>,
        %add3A_742 = arith.constant 96 : i32
        %add3A_743 = arith.addi %mul3A_677, %add3A_742 : i32
        %get3A_744 = arith.index_cast %add3A_743 : i32 to index
        %get3A_745 = tpu.vector_load %arg9[%get3A_744] {strides = array<i32>} : memref<16384xf32, #tpu.memory_space<vmem>>, vector<16xf32>,
        %sub3A_746 = arith.subf %get3A_741, %get3A_745 : vector<16xf32>
        %mul3A_747 = arith.mulf %sub3A_746, %sub3A_746 : vector<16xf32>
        %add3A_748 = arith.constant 112 : i32
        %add3A_749 = arith.addi %mul3A_677, %add3A_748 : i32
        %get3A_750 = arith.index_cast %add3A_749 : i32 to index
        %get3A_751 = tpu.vector_load %arg7[%get3A_750] {strides = array<i32>} : memref<16384xf32, #tpu.memory_space<vmem>>, vector<16xf32>,
        %add3A_752 = arith.constant 112 : i32
        %add3A_753 = arith.addi %mul3A_677, %add3A_752 : i32
        %get3A_754 = arith.index_cast %add3A_753 : i32 to index
        %get3A_755 = tpu.vector_load %arg9[%get3A_754] {strides = array<i32>} : memref<16384xf32, #tpu.memory_space<vmem>>, vector<16xf32>,
        %sub3A_756 = arith.subf %get3A_751, %get3A_755 : vector<16xf32>
        %mul3A_757 = arith.mulf %sub3A_756, %sub3A_756 : vector<16xf32>
        %add3A_758 = arith.addf %mul3A_687, %mul3A_697 : vector<16xf32>
        %add3A_759 = arith.addf %mul3A_707, %mul3A_717 : vector<16xf32>
        %add3A_760 = arith.addf %mul3A_727, %mul3A_737 : vector<16xf32>
        %add3A_761 = arith.addf %mul3A_747, %mul3A_757 : vector<16xf32>
        %add3A_762 = arith.addf %add3A_758, %add3A_759 : vector<16xf32>
        %add3A_763 = arith.addf %add3A_760, %add3A_761 : vector<16xf32>
        %add3A_764 = arith.addf %add3A_762, %add3A_763 : vector<16xf32>
        %add3A_765 = arith.constant 128 : i32
        %add3A_766 = arith.addi %mul3A_677, %add3A_765 : i32
        %add3A_767 = arith.constant 0 : i32
        %add3A_768 = arith.addi %add3A_766, %add3A_767 : i32
        %get3A_769 = arith.index_cast %add3A_768 : i32 to index
        %get3A_770 = tpu.vector_load %arg7[%get3A_769] {strides = array<i32>} : memref<16384xf32, #tpu.memory_space<vmem>>, vector<16xf32>,
        %add3A_771 = arith.constant 0 : i32
        %add3A_772 = arith.addi %add3A_766, %add3A_771 : i32
        %get3A_773 = arith.index_cast %add3A_772 : i32 to index
        %get3A_774 = tpu.vector_load %arg9[%get3A_773] {strides = array<i32>} : memref<16384xf32, #tpu.memory_space<vmem>>, vector<16xf32>,
        %sub3A_775 = arith.subf %get3A_770, %get3A_774 : vector<16xf32>
        %mul3A_776 = arith.mulf %sub3A_775, %sub3A_775 : vector<16xf32>
        %add3A_777 = arith.constant 16 : i32
        %add3A_778 = arith.addi %add3A_766, %add3A_777 : i32
        %get3A_779 = arith.index_cast %add3A_778 : i32 to index
        %get3A_780 = tpu.vector_load %arg7[%get3A_779] {strides = array<i32>} : memref<16384xf32, #tpu.memory_space<vmem>>, vector<16xf32>,
        %add3A_781 = arith.constant 16 : i32
        %add3A_782 = arith.addi %add3A_766, %add3A_781 : i32
        %get3A_783 = arith.index_cast %add3A_782 : i32 to index
        %get3A_784 = tpu.vector_load %arg9[%get3A_783] {strides = array<i32>} : memref<16384xf32, #tpu.memory_space<vmem>>, vector<16xf32>,
        %sub3A_785 = arith.subf %get3A_780, %get3A_784 : vector<16xf32>
        %mul3A_786 = arith.mulf %sub3A_785, %sub3A_785 : vector<16xf32>
        %add3A_787 = arith.constant 32 : i32
        %add3A_788 = arith.addi %add3A_766, %add3A_787 : i32
        %get3A_789 = arith.index_cast %add3A_788 : i32 to index
        %get3A_790 = tpu.vector_load %arg7[%get3A_789] {strides = array<i32>} : memref<16384xf32, #tpu.memory_space<vmem>>, vector<16xf32>,
        %add3A_791 = arith.constant 32 : i32
        %add3A_792 = arith.addi %add3A_766, %add3A_791 : i32
        %get3A_793 = arith.index_cast %add3A_792 : i32 to index
        %get3A_794 = tpu.vector_load %arg9[%get3A_793] {strides = array<i32>} : memref<16384xf32, #tpu.memory_space<vmem>>, vector<16xf32>,
        %sub3A_795 = arith.subf %get3A_790, %get3A_794 : vector<16xf32>
        %mul3A_796 = arith.mulf %sub3A_795, %sub3A_795 : vector<16xf32>
        %add3A_797 = arith.constant 48 : i32
        %add3A_798 = arith.addi %add3A_766, %add3A_797 : i32
        %get3A_799 = arith.index_cast %add3A_798 : i32 to index
        %get3A_800 = tpu.vector_load %arg7[%get3A_799] {strides = array<i32>} : memref<16384xf32, #tpu.memory_space<vmem>>, vector<16xf32>,
        %add3A_801 = arith.constant 48 : i32
        %add3A_802 = arith.addi %add3A_766, %add3A_801 : i32
        %get3A_803 = arith.index_cast %add3A_802 : i32 to index
        %get3A_804 = tpu.vector_load %arg9[%get3A_803] {strides = array<i32>} : memref<16384xf32, #tpu.memory_space<vmem>>, vector<16xf32>,
        %sub3A_805 = arith.subf %get3A_800, %get3A_804 : vector<16xf32>
        %mul3A_806 = arith.mulf %sub3A_805, %sub3A_805 : vector<16xf32>
        %add3A_807 = arith.constant 64 : i32
        %add3A_808 = arith.addi %add3A_766, %add3A_807 : i32
        %get3A_809 = arith.index_cast %add3A_808 : i32 to index
        %get3A_810 = tpu.vector_load %arg7[%get3A_809] {strides = array<i32>} : memref<16384xf32, #tpu.memory_space<vmem>>, vector<16xf32>,
        %add3A_811 = arith.constant 64 : i32
        %add3A_812 = arith.addi %add3A_766, %add3A_811 : i32
        %get3A_813 = arith.index_cast %add3A_812 : i32 to index
        %get3A_814 = tpu.vector_load %arg9[%get3A_813] {strides = array<i32>} : memref<16384xf32, #tpu.memory_space<vmem>>, vector<16xf32>,
        %sub3A_815 = arith.subf %get3A_810, %get3A_814 : vector<16xf32>
        %mul3A_816 = arith.mulf %sub3A_815, %sub3A_815 : vector<16xf32>
        %add3A_817 = arith.constant 80 : i32
        %add3A_818 = arith.addi %add3A_766, %add3A_817 : i32
        %get3A_819 = arith.index_cast %add3A_818 : i32 to index
        %get3A_820 = tpu.vector_load %arg7[%get3A_819] {strides = array<i32>} : memref<16384xf32, #tpu.memory_space<vmem>>, vector<16xf32>,
        %add3A_821 = arith.constant 80 : i32
        %add3A_822 = arith.addi %add3A_766, %add3A_821 : i32
        %get3A_823 = arith.index_cast %add3A_822 : i32 to index
        %get3A_824 = tpu.vector_load %arg9[%get3A_823] {strides = array<i32>} : memref<16384xf32, #tpu.memory_space<vmem>>, vector<16xf32>,
        %sub3A_825 = arith.subf %get3A_820, %get3A_824 : vector<16xf32>
        %mul3A_826 = arith.mulf %sub3A_825, %sub3A_825 : vector<16xf32>
        %add3A_827 = arith.constant 96 : i32
        %add3A_828 = arith.addi %add3A_766, %add3A_827 : i32
        %get3A_829 = arith.index_cast %add3A_828 : i32 to index
        %get3A_830 = tpu.vector_load %arg7[%get3A_829] {strides = array<i32>} : memref<16384xf32, #tpu.memory_space<vmem>>, vector<16xf32>,
        %add3A_831 = arith.constant 96 : i32
        %add3A_832 = arith.addi %add3A_766, %add3A_831 : i32
        %get3A_833 = arith.index_cast %add3A_832 : i32 to index
        %get3A_834 = tpu.vector_load %arg9[%get3A_833] {strides = array<i32>} : memref<16384xf32, #tpu.memory_space<vmem>>, vector<16xf32>,
        %sub3A_835 = arith.subf %get3A_830, %get3A_834 : vector<16xf32>
        %mul3A_836 = arith.mulf %sub3A_835, %sub3A_835 : vector<16xf32>
        %add3A_837 = arith.constant 112 : i32
        %add3A_838 = arith.addi %add3A_766, %add3A_837 : i32
        %get3A_839 = arith.index_cast %add3A_838 : i32 to index
        %get3A_840 = tpu.vector_load %arg7[%get3A_839] {strides = array<i32>} : memref<16384xf32, #tpu.memory_space<vmem>>, vector<16xf32>,
        %add3A_841 = arith.constant 112 : i32
        %add3A_842 = arith.addi %add3A_766, %add3A_841 : i32
        %get3A_843 = arith.index_cast %add3A_842 : i32 to index
        %get3A_844 = tpu.vector_load %arg9[%get3A_843] {strides = array<i32>} : memref<16384xf32, #tpu.memory_space<vmem>>, vector<16xf32>,
        %sub3A_845 = arith.subf %get3A_840, %get3A_844 : vector<16xf32>
        %mul3A_846 = arith.mulf %sub3A_845, %sub3A_845 : vector<16xf32>
        %add3A_847 = arith.addf %mul3A_776, %mul3A_786 : vector<16xf32>
        %add3A_848 = arith.addf %mul3A_796, %mul3A_806 : vector<16xf32>
        %add3A_849 = arith.addf %mul3A_816, %mul3A_826 : vector<16xf32>
        %add3A_850 = arith.addf %mul3A_836, %mul3A_846 : vector<16xf32>
        %add3A_851 = arith.addf %add3A_847, %add3A_848 : vector<16xf32>
        %add3A_852 = arith.addf %add3A_849, %add3A_850 : vector<16xf32>
        %add3A_853 = arith.addf %add3A_851, %add3A_852 : vector<16xf32>
        %broadcast_in_dim3A_854 = vector.shape_cast %xor3A_171 : vector<16xi32> to vector<16x1xi32>
        %gather3A_855 = vector.shape_cast %broadcast_in_dim3A_854 : vector<16x1xi32> to vector<16xi32>
        %gather3A_856 = tpu.dynamic_gather %add3A_764[%gather3A_855] in [0] : vector<16xf32>, vector<16xi32> -> vector<16xf32>
        %add3A_857 = arith.addf %add3A_764, %gather3A_856 : vector<16xf32>
        %broadcast_in_dim3A_858 = vector.shape_cast %xor3A_171 : vector<16xi32> to vector<16x1xi32>
        %gather3A_859 = vector.shape_cast %broadcast_in_dim3A_858 : vector<16x1xi32> to vector<16xi32>
        %gather3A_860 = tpu.dynamic_gather %add3A_853[%gather3A_859] in [0] : vector<16xf32>, vector<16xi32> -> vector<16xf32>
        %add3A_861 = arith.addf %add3A_853, %gather3A_860 : vector<16xf32>
        %select_n3A_862 = arith.select %eq3A_186, %add3A_857, %add3A_861 : vector<16xi1>, vector<16xf32>
        %swap3A_863 = arith.constant 32 : index
        %swap3A_864 = tpu.vector_load %arg16[%swap3A_863] {strides = array<i32>} : memref<128xf32, #tpu.memory_space<vmem>>, vector<16xf32>,
        tpu.vector_store %arg16[%swap3A_863], %select_n3A_862 {strides = array<i32>} : memref<128xf32, #tpu.memory_space<vmem>>, vector<16xf32>,
        %mul3A_865 = arith.constant 16 : i32
        %mul3A_866 = arith.muli %scan3A_286, %mul3A_865 : i32
        %add3A_867 = arith.constant 6 : i32
        %add3A_868 = arith.addi %mul3A_866, %add3A_867 : i32
        %mul3A_869 = arith.constant 128 : i32
        %mul3A_870 = arith.muli %add3A_868, %mul3A_869 : i32
        %add3A_871 = arith.constant 0 : i32
        %add3A_872 = arith.addi %mul3A_870, %add3A_871 : i32
        %get3A_873 = arith.index_cast %add3A_872 : i32 to index
        %get3A_874 = tpu.vector_load %arg7[%get3A_873] {strides = array<i32>} : memref<16384xf32, #tpu.memory_space<vmem>>, vector<16xf32>,
        %add3A_875 = arith.constant 0 : i32
        %add3A_876 = arith.addi %mul3A_870, %add3A_875 : i32
        %get3A_877 = arith.index_cast %add3A_876 : i32 to index
        %get3A_878 = tpu.vector_load %arg9[%get3A_877] {strides = array<i32>} : memref<16384xf32, #tpu.memory_space<vmem>>, vector<16xf32>,
        %sub3A_879 = arith.subf %get3A_874, %get3A_878 : vector<16xf32>
        %mul3A_880 = arith.mulf %sub3A_879, %sub3A_879 : vector<16xf32>
        %add3A_881 = arith.constant 16 : i32
        %add3A_882 = arith.addi %mul3A_870, %add3A_881 : i32
        %get3A_883 = arith.index_cast %add3A_882 : i32 to index
        %get3A_884 = tpu.vector_load %arg7[%get3A_883] {strides = array<i32>} : memref<16384xf32, #tpu.memory_space<vmem>>, vector<16xf32>,
        %add3A_885 = arith.constant 16 : i32
        %add3A_886 = arith.addi %mul3A_870, %add3A_885 : i32
        %get3A_887 = arith.index_cast %add3A_886 : i32 to index
        %get3A_888 = tpu.vector_load %arg9[%get3A_887] {strides = array<i32>} : memref<16384xf32, #tpu.memory_space<vmem>>, vector<16xf32>,
        %sub3A_889 = arith.subf %get3A_884, %get3A_888 : vector<16xf32>
        %mul3A_890 = arith.mulf %sub3A_889, %sub3A_889 : vector<16xf32>
        %add3A_891 = arith.constant 32 : i32
        %add3A_892 = arith.addi %mul3A_870, %add3A_891 : i32
        %get3A_893 = arith.index_cast %add3A_892 : i32 to index
        %get3A_894 = tpu.vector_load %arg7[%get3A_893] {strides = array<i32>} : memref<16384xf32, #tpu.memory_space<vmem>>, vector<16xf32>,
        %add3A_895 = arith.constant 32 : i32
        %add3A_896 = arith.addi %mul3A_870, %add3A_895 : i32
        %get3A_897 = arith.index_cast %add3A_896 : i32 to index
        %get3A_898 = tpu.vector_load %arg9[%get3A_897] {strides = array<i32>} : memref<16384xf32, #tpu.memory_space<vmem>>, vector<16xf32>,
        %sub3A_899 = arith.subf %get3A_894, %get3A_898 : vector<16xf32>
        %mul3A_900 = arith.mulf %sub3A_899, %sub3A_899 : vector<16xf32>
        %add3A_901 = arith.constant 48 : i32
        %add3A_902 = arith.addi %mul3A_870, %add3A_901 : i32
        %get3A_903 = arith.index_cast %add3A_902 : i32 to index
        %get3A_904 = tpu.vector_load %arg7[%get3A_903] {strides = array<i32>} : memref<16384xf32, #tpu.memory_space<vmem>>, vector<16xf32>,
        %add3A_905 = arith.constant 48 : i32
        %add3A_906 = arith.addi %mul3A_870, %add3A_905 : i32
        %get3A_907 = arith.index_cast %add3A_906 : i32 to index
        %get3A_908 = tpu.vector_load %arg9[%get3A_907] {strides = array<i32>} : memref<16384xf32, #tpu.memory_space<vmem>>, vector<16xf32>,
        %sub3A_909 = arith.subf %get3A_904, %get3A_908 : vector<16xf32>
        %mul3A_910 = arith.mulf %sub3A_909, %sub3A_909 : vector<16xf32>
        %add3A_911 = arith.constant 64 : i32
        %add3A_912 = arith.addi %mul3A_870, %add3A_911 : i32
        %get3A_913 = arith.index_cast %add3A_912 : i32 to index
        %get3A_914 = tpu.vector_load %arg7[%get3A_913] {strides = array<i32>} : memref<16384xf32, #tpu.memory_space<vmem>>, vector<16xf32>,
        %add3A_915 = arith.constant 64 : i32
        %add3A_916 = arith.addi %mul3A_870, %add3A_915 : i32
        %get3A_917 = arith.index_cast %add3A_916 : i32 to index
        %get3A_918 = tpu.vector_load %arg9[%get3A_917] {strides = array<i32>} : memref<16384xf32, #tpu.memory_space<vmem>>, vector<16xf32>,
        %sub3A_919 = arith.subf %get3A_914, %get3A_918 : vector<16xf32>
        %mul3A_920 = arith.mulf %sub3A_919, %sub3A_919 : vector<16xf32>
        %add3A_921 = arith.constant 80 : i32
        %add3A_922 = arith.addi %mul3A_870, %add3A_921 : i32
        %get3A_923 = arith.index_cast %add3A_922 : i32 to index
        %get3A_924 = tpu.vector_load %arg7[%get3A_923] {strides = array<i32>} : memref<16384xf32, #tpu.memory_space<vmem>>, vector<16xf32>,
        %add3A_925 = arith.constant 80 : i32
        %add3A_926 = arith.addi %mul3A_870, %add3A_925 : i32
        %get3A_927 = arith.index_cast %add3A_926 : i32 to index
        %get3A_928 = tpu.vector_load %arg9[%get3A_927] {strides = array<i32>} : memref<16384xf32, #tpu.memory_space<vmem>>, vector<16xf32>,
        %sub3A_929 = arith.subf %get3A_924, %get3A_928 : vector<16xf32>
        %mul3A_930 = arith.mulf %sub3A_929, %sub3A_929 : vector<16xf32>
        %add3A_931 = arith.constant 96 : i32
        %add3A_932 = arith.addi %mul3A_870, %add3A_931 : i32
        %get3A_933 = arith.index_cast %add3A_932 : i32 to index
        %get3A_934 = tpu.vector_load %arg7[%get3A_933] {strides = array<i32>} : memref<16384xf32, #tpu.memory_space<vmem>>, vector<16xf32>,
        %add3A_935 = arith.constant 96 : i32
        %add3A_936 = arith.addi %mul3A_870, %add3A_935 : i32
        %get3A_937 = arith.index_cast %add3A_936 : i32 to index
        %get3A_938 = tpu.vector_load %arg9[%get3A_937] {strides = array<i32>} : memref<16384xf32, #tpu.memory_space<vmem>>, vector<16xf32>,
        %sub3A_939 = arith.subf %get3A_934, %get3A_938 : vector<16xf32>
        %mul3A_940 = arith.mulf %sub3A_939, %sub3A_939 : vector<16xf32>
        %add3A_941 = arith.constant 112 : i32
        %add3A_942 = arith.addi %mul3A_870, %add3A_941 : i32
        %get3A_943 = arith.index_cast %add3A_942 : i32 to index
        %get3A_944 = tpu.vector_load %arg7[%get3A_943] {strides = array<i32>} : memref<16384xf32, #tpu.memory_space<vmem>>, vector<16xf32>,
        %add3A_945 = arith.constant 112 : i32
        %add3A_946 = arith.addi %mul3A_870, %add3A_945 : i32
        %get3A_947 = arith.index_cast %add3A_946 : i32 to index
        %get3A_948 = tpu.vector_load %arg9[%get3A_947] {strides = array<i32>} : memref<16384xf32, #tpu.memory_space<vmem>>, vector<16xf32>,
        %sub3A_949 = arith.subf %get3A_944, %get3A_948 : vector<16xf32>
        %mul3A_950 = arith.mulf %sub3A_949, %sub3A_949 : vector<16xf32>
        %add3A_951 = arith.addf %mul3A_880, %mul3A_890 : vector<16xf32>
        %add3A_952 = arith.addf %mul3A_900, %mul3A_910 : vector<16xf32>
        %add3A_953 = arith.addf %mul3A_920, %mul3A_930 : vector<16xf32>
        %add3A_954 = arith.addf %mul3A_940, %mul3A_950 : vector<16xf32>
        %add3A_955 = arith.addf %add3A_951, %add3A_952 : vector<16xf32>
        %add3A_956 = arith.addf %add3A_953, %add3A_954 : vector<16xf32>
        %add3A_957 = arith.addf %add3A_955, %add3A_956 : vector<16xf32>
        %add3A_958 = arith.constant 128 : i32
        %add3A_959 = arith.addi %mul3A_870, %add3A_958 : i32
        %add3A_960 = arith.constant 0 : i32
        %add3A_961 = arith.addi %add3A_959, %add3A_960 : i32
        %get3A_962 = arith.index_cast %add3A_961 : i32 to index
        %get3A_963 = tpu.vector_load %arg7[%get3A_962] {strides = array<i32>} : memref<16384xf32, #tpu.memory_space<vmem>>, vector<16xf32>,
        %add3A_964 = arith.constant 0 : i32
        %add3A_965 = arith.addi %add3A_959, %add3A_964 : i32
        %get3A_966 = arith.index_cast %add3A_965 : i32 to index
        %get3A_967 = tpu.vector_load %arg9[%get3A_966] {strides = array<i32>} : memref<16384xf32, #tpu.memory_space<vmem>>, vector<16xf32>,
        %sub3A_968 = arith.subf %get3A_963, %get3A_967 : vector<16xf32>
        %mul3A_969 = arith.mulf %sub3A_968, %sub3A_968 : vector<16xf32>
        %add3A_970 = arith.constant 16 : i32
        %add3A_971 = arith.addi %add3A_959, %add3A_970 : i32
        %get3A_972 = arith.index_cast %add3A_971 : i32 to index
        %get3A_973 = tpu.vector_load %arg7[%get3A_972] {strides = array<i32>} : memref<16384xf32, #tpu.memory_space<vmem>>, vector<16xf32>,
        %add3A_974 = arith.constant 16 : i32
        %add3A_975 = arith.addi %add3A_959, %add3A_974 : i32
        %get3A_976 = arith.index_cast %add3A_975 : i32 to index
        %get3A_977 = tpu.vector_load %arg9[%get3A_976] {strides = array<i32>} : memref<16384xf32, #tpu.memory_space<vmem>>, vector<16xf32>,
        %sub3A_978 = arith.subf %get3A_973, %get3A_977 : vector<16xf32>
        %mul3A_979 = arith.mulf %sub3A_978, %sub3A_978 : vector<16xf32>
        %add3A_980 = arith.constant 32 : i32
        %add3A_981 = arith.addi %add3A_959, %add3A_980 : i32
        %get3A_982 = arith.index_cast %add3A_981 : i32 to index
        %get3A_983 = tpu.vector_load %arg7[%get3A_982] {strides = array<i32>} : memref<16384xf32, #tpu.memory_space<vmem>>, vector<16xf32>,
        %add3A_984 = arith.constant 32 : i32
        %add3A_985 = arith.addi %add3A_959, %add3A_984 : i32
        %get3A_986 = arith.index_cast %add3A_985 : i32 to index
        %get3A_987 = tpu.vector_load %arg9[%get3A_986] {strides = array<i32>} : memref<16384xf32, #tpu.memory_space<vmem>>, vector<16xf32>,
        %sub3A_988 = arith.subf %get3A_983, %get3A_987 : vector<16xf32>
        %mul3A_989 = arith.mulf %sub3A_988, %sub3A_988 : vector<16xf32>
        %add3A_990 = arith.constant 48 : i32
        %add3A_991 = arith.addi %add3A_959, %add3A_990 : i32
        %get3A_992 = arith.index_cast %add3A_991 : i32 to index
        %get3A_993 = tpu.vector_load %arg7[%get3A_992] {strides = array<i32>} : memref<16384xf32, #tpu.memory_space<vmem>>, vector<16xf32>,
        %add3A_994 = arith.constant 48 : i32
        %add3A_995 = arith.addi %add3A_959, %add3A_994 : i32
        %get3A_996 = arith.index_cast %add3A_995 : i32 to index
        %get3A_997 = tpu.vector_load %arg9[%get3A_996] {strides = array<i32>} : memref<16384xf32, #tpu.memory_space<vmem>>, vector<16xf32>,
        %sub3A_998 = arith.subf %get3A_993, %get3A_997 : vector<16xf32>
        %mul3A_999 = arith.mulf %sub3A_998, %sub3A_998 : vector<16xf32>
        %add3A_1000 = arith.constant 64 : i32
        %add3A_1001 = arith.addi %add3A_959, %add3A_1000 : i32
        %get3A_1002 = arith.index_cast %add3A_1001 : i32 to index
        %get3A_1003 = tpu.vector_load %arg7[%get3A_1002] {strides = array<i32>} : memref<16384xf32, #tpu.memory_space<vmem>>, vector<16xf32>,
        %add3A_1004 = arith.constant 64 : i32
        %add3A_1005 = arith.addi %add3A_959, %add3A_1004 : i32
        %get3A_1006 = arith.index_cast %add3A_1005 : i32 to index
        %get3A_1007 = tpu.vector_load %arg9[%get3A_1006] {strides = array<i32>} : memref<16384xf32, #tpu.memory_space<vmem>>, vector<16xf32>,
        %sub3A_1008 = arith.subf %get3A_1003, %get3A_1007 : vector<16xf32>
        %mul3A_1009 = arith.mulf %sub3A_1008, %sub3A_1008 : vector<16xf32>
        %add3A_1010 = arith.constant 80 : i32
        %add3A_1011 = arith.addi %add3A_959, %add3A_1010 : i32
        %get3A_1012 = arith.index_cast %add3A_1011 : i32 to index
        %get3A_1013 = tpu.vector_load %arg7[%get3A_1012] {strides = array<i32>} : memref<16384xf32, #tpu.memory_space<vmem>>, vector<16xf32>,
        %add3A_1014 = arith.constant 80 : i32
        %add3A_1015 = arith.addi %add3A_959, %add3A_1014 : i32
        %get3A_1016 = arith.index_cast %add3A_1015 : i32 to index
        %get3A_1017 = tpu.vector_load %arg9[%get3A_1016] {strides = array<i32>} : memref<16384xf32, #tpu.memory_space<vmem>>, vector<16xf32>,
        %sub3A_1018 = arith.subf %get3A_1013, %get3A_1017 : vector<16xf32>
        %mul3A_1019 = arith.mulf %sub3A_1018, %sub3A_1018 : vector<16xf32>
        %add3A_1020 = arith.constant 96 : i32
        %add3A_1021 = arith.addi %add3A_959, %add3A_1020 : i32
        %get3A_1022 = arith.index_cast %add3A_1021 : i32 to index
        %get3A_1023 = tpu.vector_load %arg7[%get3A_1022] {strides = array<i32>} : memref<16384xf32, #tpu.memory_space<vmem>>, vector<16xf32>,
        %add3A_1024 = arith.constant 96 : i32
        %add3A_1025 = arith.addi %add3A_959, %add3A_1024 : i32
        %get3A_1026 = arith.index_cast %add3A_1025 : i32 to index
        %get3A_1027 = tpu.vector_load %arg9[%get3A_1026] {strides = array<i32>} : memref<16384xf32, #tpu.memory_space<vmem>>, vector<16xf32>,
        %sub3A_1028 = arith.subf %get3A_1023, %get3A_1027 : vector<16xf32>
        %mul3A_1029 = arith.mulf %sub3A_1028, %sub3A_1028 : vector<16xf32>
        %add3A_1030 = arith.constant 112 : i32
        %add3A_1031 = arith.addi %add3A_959, %add3A_1030 : i32
        %get3A_1032 = arith.index_cast %add3A_1031 : i32 to index
        %get3A_1033 = tpu.vector_load %arg7[%get3A_1032] {strides = array<i32>} : memref<16384xf32, #tpu.memory_space<vmem>>, vector<16xf32>,
        %add3A_1034 = arith.constant 112 : i32
        %add3A_1035 = arith.addi %add3A_959, %add3A_1034 : i32
        %get3A_1036 = arith.index_cast %add3A_1035 : i32 to index
        %get3A_1037 = tpu.vector_load %arg9[%get3A_1036] {strides = array<i32>} : memref<16384xf32, #tpu.memory_space<vmem>>, vector<16xf32>,
        %sub3A_1038 = arith.subf %get3A_1033, %get3A_1037 : vector<16xf32>
        %mul3A_1039 = arith.mulf %sub3A_1038, %sub3A_1038 : vector<16xf32>
        %add3A_1040 = arith.addf %mul3A_969, %mul3A_979 : vector<16xf32>
        %add3A_1041 = arith.addf %mul3A_989, %mul3A_999 : vector<16xf32>
        %add3A_1042 = arith.addf %mul3A_1009, %mul3A_1019 : vector<16xf32>
        %add3A_1043 = arith.addf %mul3A_1029, %mul3A_1039 : vector<16xf32>
        %add3A_1044 = arith.addf %add3A_1040, %add3A_1041 : vector<16xf32>
        %add3A_1045 = arith.addf %add3A_1042, %add3A_1043 : vector<16xf32>
        %add3A_1046 = arith.addf %add3A_1044, %add3A_1045 : vector<16xf32>
        %broadcast_in_dim3A_1047 = vector.shape_cast %xor3A_171 : vector<16xi32> to vector<16x1xi32>
        %gather3A_1048 = vector.shape_cast %broadcast_in_dim3A_1047 : vector<16x1xi32> to vector<16xi32>
        %gather3A_1049 = tpu.dynamic_gather %add3A_957[%gather3A_1048] in [0] : vector<16xf32>, vector<16xi32> -> vector<16xf32>
        %add3A_1050 = arith.addf %add3A_957, %gather3A_1049 : vector<16xf32>
        %broadcast_in_dim3A_1051 = vector.shape_cast %xor3A_171 : vector<16xi32> to vector<16x1xi32>
        %gather3A_1052 = vector.shape_cast %broadcast_in_dim3A_1051 : vector<16x1xi32> to vector<16xi32>
        %gather3A_1053 = tpu.dynamic_gather %add3A_1046[%gather3A_1052] in [0] : vector<16xf32>, vector<16xi32> -> vector<16xf32>
        %add3A_1054 = arith.addf %add3A_1046, %gather3A_1053 : vector<16xf32>
        %select_n3A_1055 = arith.select %eq3A_186, %add3A_1050, %add3A_1054 : vector<16xi1>, vector<16xf32>
        %swap3A_1056 = arith.constant 48 : index
        %swap3A_1057 = tpu.vector_load %arg16[%swap3A_1056] {strides = array<i32>} : memref<128xf32, #tpu.memory_space<vmem>>, vector<16xf32>,
        tpu.vector_store %arg16[%swap3A_1056], %select_n3A_1055 {strides = array<i32>} : memref<128xf32, #tpu.memory_space<vmem>>, vector<16xf32>,
        %mul3A_1058 = arith.constant 16 : i32
        %mul3A_1059 = arith.muli %scan3A_286, %mul3A_1058 : i32
        %add3A_1060 = arith.constant 8 : i32
        %add3A_1061 = arith.addi %mul3A_1059, %add3A_1060 : i32
        %mul3A_1062 = arith.constant 128 : i32
        %mul3A_1063 = arith.muli %add3A_1061, %mul3A_1062 : i32
        %add3A_1064 = arith.constant 0 : i32
        %add3A_1065 = arith.addi %mul3A_1063, %add3A_1064 : i32
        %get3A_1066 = arith.index_cast %add3A_1065 : i32 to index
        %get3A_1067 = tpu.vector_load %arg7[%get3A_1066] {strides = array<i32>} : memref<16384xf32, #tpu.memory_space<vmem>>, vector<16xf32>,
        %add3A_1068 = arith.constant 0 : i32
        %add3A_1069 = arith.addi %mul3A_1063, %add3A_1068 : i32
        %get3A_1070 = arith.index_cast %add3A_1069 : i32 to index
        %get3A_1071 = tpu.vector_load %arg9[%get3A_1070] {strides = array<i32>} : memref<16384xf32, #tpu.memory_space<vmem>>, vector<16xf32>,
        %sub3A_1072 = arith.subf %get3A_1067, %get3A_1071 : vector<16xf32>
        %mul3A_1073 = arith.mulf %sub3A_1072, %sub3A_1072 : vector<16xf32>
        %add3A_1074 = arith.constant 16 : i32
        %add3A_1075 = arith.addi %mul3A_1063, %add3A_1074 : i32
        %get3A_1076 = arith.index_cast %add3A_1075 : i32 to index
        %get3A_1077 = tpu.vector_load %arg7[%get3A_1076] {strides = array<i32>} : memref<16384xf32, #tpu.memory_space<vmem>>, vector<16xf32>,
        %add3A_1078 = arith.constant 16 : i32
        %add3A_1079 = arith.addi %mul3A_1063, %add3A_1078 : i32
        %get3A_1080 = arith.index_cast %add3A_1079 : i32 to index
        %get3A_1081 = tpu.vector_load %arg9[%get3A_1080] {strides = array<i32>} : memref<16384xf32, #tpu.memory_space<vmem>>, vector<16xf32>,
        %sub3A_1082 = arith.subf %get3A_1077, %get3A_1081 : vector<16xf32>
        %mul3A_1083 = arith.mulf %sub3A_1082, %sub3A_1082 : vector<16xf32>
        %add3A_1084 = arith.constant 32 : i32
        %add3A_1085 = arith.addi %mul3A_1063, %add3A_1084 : i32
        %get3A_1086 = arith.index_cast %add3A_1085 : i32 to index
        %get3A_1087 = tpu.vector_load %arg7[%get3A_1086] {strides = array<i32>} : memref<16384xf32, #tpu.memory_space<vmem>>, vector<16xf32>,
        %add3A_1088 = arith.constant 32 : i32
        %add3A_1089 = arith.addi %mul3A_1063, %add3A_1088 : i32
        %get3A_1090 = arith.index_cast %add3A_1089 : i32 to index
        %get3A_1091 = tpu.vector_load %arg9[%get3A_1090] {strides = array<i32>} : memref<16384xf32, #tpu.memory_space<vmem>>, vector<16xf32>,
        %sub3A_1092 = arith.subf %get3A_1087, %get3A_1091 : vector<16xf32>
        %mul3A_1093 = arith.mulf %sub3A_1092, %sub3A_1092 : vector<16xf32>
        %add3A_1094 = arith.constant 48 : i32
        %add3A_1095 = arith.addi %mul3A_1063, %add3A_1094 : i32
        %get3A_1096 = arith.index_cast %add3A_1095 : i32 to index
        %get3A_1097 = tpu.vector_load %arg7[%get3A_1096] {strides = array<i32>} : memref<16384xf32, #tpu.memory_space<vmem>>, vector<16xf32>,
        %add3A_1098 = arith.constant 48 : i32
        %add3A_1099 = arith.addi %mul3A_1063, %add3A_1098 : i32
        %get3A_1100 = arith.index_cast %add3A_1099 : i32 to index
        %get3A_1101 = tpu.vector_load %arg9[%get3A_1100] {strides = array<i32>} : memref<16384xf32, #tpu.memory_space<vmem>>, vector<16xf32>,
        %sub3A_1102 = arith.subf %get3A_1097, %get3A_1101 : vector<16xf32>
        %mul3A_1103 = arith.mulf %sub3A_1102, %sub3A_1102 : vector<16xf32>
        %add3A_1104 = arith.constant 64 : i32
        %add3A_1105 = arith.addi %mul3A_1063, %add3A_1104 : i32
        %get3A_1106 = arith.index_cast %add3A_1105 : i32 to index
        %get3A_1107 = tpu.vector_load %arg7[%get3A_1106] {strides = array<i32>} : memref<16384xf32, #tpu.memory_space<vmem>>, vector<16xf32>,
        %add3A_1108 = arith.constant 64 : i32
        %add3A_1109 = arith.addi %mul3A_1063, %add3A_1108 : i32
        %get3A_1110 = arith.index_cast %add3A_1109 : i32 to index
        %get3A_1111 = tpu.vector_load %arg9[%get3A_1110] {strides = array<i32>} : memref<16384xf32, #tpu.memory_space<vmem>>, vector<16xf32>,
        %sub3A_1112 = arith.subf %get3A_1107, %get3A_1111 : vector<16xf32>
        %mul3A_1113 = arith.mulf %sub3A_1112, %sub3A_1112 : vector<16xf32>
        %add3A_1114 = arith.constant 80 : i32
        %add3A_1115 = arith.addi %mul3A_1063, %add3A_1114 : i32
        %get3A_1116 = arith.index_cast %add3A_1115 : i32 to index
        %get3A_1117 = tpu.vector_load %arg7[%get3A_1116] {strides = array<i32>} : memref<16384xf32, #tpu.memory_space<vmem>>, vector<16xf32>,
        %add3A_1118 = arith.constant 80 : i32
        %add3A_1119 = arith.addi %mul3A_1063, %add3A_1118 : i32
        %get3A_1120 = arith.index_cast %add3A_1119 : i32 to index
        %get3A_1121 = tpu.vector_load %arg9[%get3A_1120] {strides = array<i32>} : memref<16384xf32, #tpu.memory_space<vmem>>, vector<16xf32>,
        %sub3A_1122 = arith.subf %get3A_1117, %get3A_1121 : vector<16xf32>
        %mul3A_1123 = arith.mulf %sub3A_1122, %sub3A_1122 : vector<16xf32>
        %add3A_1124 = arith.constant 96 : i32
        %add3A_1125 = arith.addi %mul3A_1063, %add3A_1124 : i32
        %get3A_1126 = arith.index_cast %add3A_1125 : i32 to index
        %get3A_1127 = tpu.vector_load %arg7[%get3A_1126] {strides = array<i32>} : memref<16384xf32, #tpu.memory_space<vmem>>, vector<16xf32>,
        %add3A_1128 = arith.constant 96 : i32
        %add3A_1129 = arith.addi %mul3A_1063, %add3A_1128 : i32
        %get3A_1130 = arith.index_cast %add3A_1129 : i32 to index
        %get3A_1131 = tpu.vector_load %arg9[%get3A_1130] {strides = array<i32>} : memref<16384xf32, #tpu.memory_space<vmem>>, vector<16xf32>,
        %sub3A_1132 = arith.subf %get3A_1127, %get3A_1131 : vector<16xf32>
        %mul3A_1133 = arith.mulf %sub3A_1132, %sub3A_1132 : vector<16xf32>
        %add3A_1134 = arith.constant 112 : i32
        %add3A_1135 = arith.addi %mul3A_1063, %add3A_1134 : i32
        %get3A_1136 = arith.index_cast %add3A_1135 : i32 to index
        %get3A_1137 = tpu.vector_load %arg7[%get3A_1136] {strides = array<i32>} : memref<16384xf32, #tpu.memory_space<vmem>>, vector<16xf32>,
        %add3A_1138 = arith.constant 112 : i32
        %add3A_1139 = arith.addi %mul3A_1063, %add3A_1138 : i32
        %get3A_1140 = arith.index_cast %add3A_1139 : i32 to index
        %get3A_1141 = tpu.vector_load %arg9[%get3A_1140] {strides = array<i32>} : memref<16384xf32, #tpu.memory_space<vmem>>, vector<16xf32>,
        %sub3A_1142 = arith.subf %get3A_1137, %get3A_1141 : vector<16xf32>
        %mul3A_1143 = arith.mulf %sub3A_1142, %sub3A_1142 : vector<16xf32>
        %add3A_1144 = arith.addf %mul3A_1073, %mul3A_1083 : vector<16xf32>
        %add3A_1145 = arith.addf %mul3A_1093, %mul3A_1103 : vector<16xf32>
        %add3A_1146 = arith.addf %mul3A_1113, %mul3A_1123 : vector<16xf32>
        %add3A_1147 = arith.addf %mul3A_1133, %mul3A_1143 : vector<16xf32>
        %add3A_1148 = arith.addf %add3A_1144, %add3A_1145 : vector<16xf32>
        %add3A_1149 = arith.addf %add3A_1146, %add3A_1147 : vector<16xf32>
        %add3A_1150 = arith.addf %add3A_1148, %add3A_1149 : vector<16xf32>
        %add3A_1151 = arith.constant 128 : i32
        %add3A_1152 = arith.addi %mul3A_1063, %add3A_1151 : i32
        %add3A_1153 = arith.constant 0 : i32
        %add3A_1154 = arith.addi %add3A_1152, %add3A_1153 : i32
        %get3A_1155 = arith.index_cast %add3A_1154 : i32 to index
        %get3A_1156 = tpu.vector_load %arg7[%get3A_1155] {strides = array<i32>} : memref<16384xf32, #tpu.memory_space<vmem>>, vector<16xf32>,
        %add3A_1157 = arith.constant 0 : i32
        %add3A_1158 = arith.addi %add3A_1152, %add3A_1157 : i32
        %get3A_1159 = arith.index_cast %add3A_1158 : i32 to index
        %get3A_1160 = tpu.vector_load %arg9[%get3A_1159] {strides = array<i32>} : memref<16384xf32, #tpu.memory_space<vmem>>, vector<16xf32>,
        %sub3A_1161 = arith.subf %get3A_1156, %get3A_1160 : vector<16xf32>
        %mul3A_1162 = arith.mulf %sub3A_1161, %sub3A_1161 : vector<16xf32>
        %add3A_1163 = arith.constant 16 : i32
        %add3A_1164 = arith.addi %add3A_1152, %add3A_1163 : i32
        %get3A_1165 = arith.index_cast %add3A_1164 : i32 to index
        %get3A_1166 = tpu.vector_load %arg7[%get3A_1165] {strides = array<i32>} : memref<16384xf32, #tpu.memory_space<vmem>>, vector<16xf32>,
        %add3A_1167 = arith.constant 16 : i32
        %add3A_1168 = arith.addi %add3A_1152, %add3A_1167 : i32
        %get3A_1169 = arith.index_cast %add3A_1168 : i32 to index
        %get3A_1170 = tpu.vector_load %arg9[%get3A_1169] {strides = array<i32>} : memref<16384xf32, #tpu.memory_space<vmem>>, vector<16xf32>,
        %sub3A_1171 = arith.subf %get3A_1166, %get3A_1170 : vector<16xf32>
        %mul3A_1172 = arith.mulf %sub3A_1171, %sub3A_1171 : vector<16xf32>
        %add3A_1173 = arith.constant 32 : i32
        %add3A_1174 = arith.addi %add3A_1152, %add3A_1173 : i32
        %get3A_1175 = arith.index_cast %add3A_1174 : i32 to index
        %get3A_1176 = tpu.vector_load %arg7[%get3A_1175] {strides = array<i32>} : memref<16384xf32, #tpu.memory_space<vmem>>, vector<16xf32>,
        %add3A_1177 = arith.constant 32 : i32
        %add3A_1178 = arith.addi %add3A_1152, %add3A_1177 : i32
        %get3A_1179 = arith.index_cast %add3A_1178 : i32 to index
        %get3A_1180 = tpu.vector_load %arg9[%get3A_1179] {strides = array<i32>} : memref<16384xf32, #tpu.memory_space<vmem>>, vector<16xf32>,
        %sub3A_1181 = arith.subf %get3A_1176, %get3A_1180 : vector<16xf32>
        %mul3A_1182 = arith.mulf %sub3A_1181, %sub3A_1181 : vector<16xf32>
        %add3A_1183 = arith.constant 48 : i32
        %add3A_1184 = arith.addi %add3A_1152, %add3A_1183 : i32
        %get3A_1185 = arith.index_cast %add3A_1184 : i32 to index
        %get3A_1186 = tpu.vector_load %arg7[%get3A_1185] {strides = array<i32>} : memref<16384xf32, #tpu.memory_space<vmem>>, vector<16xf32>,
        %add3A_1187 = arith.constant 48 : i32
        %add3A_1188 = arith.addi %add3A_1152, %add3A_1187 : i32
        %get3A_1189 = arith.index_cast %add3A_1188 : i32 to index
        %get3A_1190 = tpu.vector_load %arg9[%get3A_1189] {strides = array<i32>} : memref<16384xf32, #tpu.memory_space<vmem>>, vector<16xf32>,
        %sub3A_1191 = arith.subf %get3A_1186, %get3A_1190 : vector<16xf32>
        %mul3A_1192 = arith.mulf %sub3A_1191, %sub3A_1191 : vector<16xf32>
        %add3A_1193 = arith.constant 64 : i32
        %add3A_1194 = arith.addi %add3A_1152, %add3A_1193 : i32
        %get3A_1195 = arith.index_cast %add3A_1194 : i32 to index
        %get3A_1196 = tpu.vector_load %arg7[%get3A_1195] {strides = array<i32>} : memref<16384xf32, #tpu.memory_space<vmem>>, vector<16xf32>,
        %add3A_1197 = arith.constant 64 : i32
        %add3A_1198 = arith.addi %add3A_1152, %add3A_1197 : i32
        %get3A_1199 = arith.index_cast %add3A_1198 : i32 to index
        %get3A_1200 = tpu.vector_load %arg9[%get3A_1199] {strides = array<i32>} : memref<16384xf32, #tpu.memory_space<vmem>>, vector<16xf32>,
        %sub3A_1201 = arith.subf %get3A_1196, %get3A_1200 : vector<16xf32>
        %mul3A_1202 = arith.mulf %sub3A_1201, %sub3A_1201 : vector<16xf32>
        %add3A_1203 = arith.constant 80 : i32
        %add3A_1204 = arith.addi %add3A_1152, %add3A_1203 : i32
        %get3A_1205 = arith.index_cast %add3A_1204 : i32 to index
        %get3A_1206 = tpu.vector_load %arg7[%get3A_1205] {strides = array<i32>} : memref<16384xf32, #tpu.memory_space<vmem>>, vector<16xf32>,
        %add3A_1207 = arith.constant 80 : i32
        %add3A_1208 = arith.addi %add3A_1152, %add3A_1207 : i32
        %get3A_1209 = arith.index_cast %add3A_1208 : i32 to index
        %get3A_1210 = tpu.vector_load %arg9[%get3A_1209] {strides = array<i32>} : memref<16384xf32, #tpu.memory_space<vmem>>, vector<16xf32>,
        %sub3A_1211 = arith.subf %get3A_1206, %get3A_1210 : vector<16xf32>
        %mul3A_1212 = arith.mulf %sub3A_1211, %sub3A_1211 : vector<16xf32>
        %add3A_1213 = arith.constant 96 : i32
        %add3A_1214 = arith.addi %add3A_1152, %add3A_1213 : i32
        %get3A_1215 = arith.index_cast %add3A_1214 : i32 to index
        %get3A_1216 = tpu.vector_load %arg7[%get3A_1215] {strides = array<i32>} : memref<16384xf32, #tpu.memory_space<vmem>>, vector<16xf32>,
        %add3A_1217 = arith.constant 96 : i32
        %add3A_1218 = arith.addi %add3A_1152, %add3A_1217 : i32
        %get3A_1219 = arith.index_cast %add3A_1218 : i32 to index
        %get3A_1220 = tpu.vector_load %arg9[%get3A_1219] {strides = array<i32>} : memref<16384xf32, #tpu.memory_space<vmem>>, vector<16xf32>,
        %sub3A_1221 = arith.subf %get3A_1216, %get3A_1220 : vector<16xf32>
        %mul3A_1222 = arith.mulf %sub3A_1221, %sub3A_1221 : vector<16xf32>
        %add3A_1223 = arith.constant 112 : i32
        %add3A_1224 = arith.addi %add3A_1152, %add3A_1223 : i32
        %get3A_1225 = arith.index_cast %add3A_1224 : i32 to index
        %get3A_1226 = tpu.vector_load %arg7[%get3A_1225] {strides = array<i32>} : memref<16384xf32, #tpu.memory_space<vmem>>, vector<16xf32>,
        %add3A_1227 = arith.constant 112 : i32
        %add3A_1228 = arith.addi %add3A_1152, %add3A_1227 : i32
        %get3A_1229 = arith.index_cast %add3A_1228 : i32 to index
        %get3A_1230 = tpu.vector_load %arg9[%get3A_1229] {strides = array<i32>} : memref<16384xf32, #tpu.memory_space<vmem>>, vector<16xf32>,
        %sub3A_1231 = arith.subf %get3A_1226, %get3A_1230 : vector<16xf32>
        %mul3A_1232 = arith.mulf %sub3A_1231, %sub3A_1231 : vector<16xf32>
        %add3A_1233 = arith.addf %mul3A_1162, %mul3A_1172 : vector<16xf32>
        %add3A_1234 = arith.addf %mul3A_1182, %mul3A_1192 : vector<16xf32>
        %add3A_1235 = arith.addf %mul3A_1202, %mul3A_1212 : vector<16xf32>
        %add3A_1236 = arith.addf %mul3A_1222, %mul3A_1232 : vector<16xf32>
        %add3A_1237 = arith.addf %add3A_1233, %add3A_1234 : vector<16xf32>
        %add3A_1238 = arith.addf %add3A_1235, %add3A_1236 : vector<16xf32>
        %add3A_1239 = arith.addf %add3A_1237, %add3A_1238 : vector<16xf32>
        %broadcast_in_dim3A_1240 = vector.shape_cast %xor3A_171 : vector<16xi32> to vector<16x1xi32>
        %gather3A_1241 = vector.shape_cast %broadcast_in_dim3A_1240 : vector<16x1xi32> to vector<16xi32>
        %gather3A_1242 = tpu.dynamic_gather %add3A_1150[%gather3A_1241] in [0] : vector<16xf32>, vector<16xi32> -> vector<16xf32>
        %add3A_1243 = arith.addf %add3A_1150, %gather3A_1242 : vector<16xf32>
        %broadcast_in_dim3A_1244 = vector.shape_cast %xor3A_171 : vector<16xi32> to vector<16x1xi32>
        %gather3A_1245 = vector.shape_cast %broadcast_in_dim3A_1244 : vector<16x1xi32> to vector<16xi32>
        %gather3A_1246 = tpu.dynamic_gather %add3A_1239[%gather3A_1245] in [0] : vector<16xf32>, vector<16xi32> -> vector<16xf32>
        %add3A_1247 = arith.addf %add3A_1239, %gather3A_1246 : vector<16xf32>
        %select_n3A_1248 = arith.select %eq3A_186, %add3A_1243, %add3A_1247 : vector<16xi1>, vector<16xf32>
        %swap3A_1249 = arith.constant 64 : index
        %swap3A_1250 = tpu.vector_load %arg16[%swap3A_1249] {strides = array<i32>} : memref<128xf32, #tpu.memory_space<vmem>>, vector<16xf32>,
        tpu.vector_store %arg16[%swap3A_1249], %select_n3A_1248 {strides = array<i32>} : memref<128xf32, #tpu.memory_space<vmem>>, vector<16xf32>,
        %mul3A_1251 = arith.constant 16 : i32
        %mul3A_1252 = arith.muli %scan3A_286, %mul3A_1251 : i32
        %add3A_1253 = arith.constant 10 : i32
        %add3A_1254 = arith.addi %mul3A_1252, %add3A_1253 : i32
        %mul3A_1255 = arith.constant 128 : i32
        %mul3A_1256 = arith.muli %add3A_1254, %mul3A_1255 : i32
        %add3A_1257 = arith.constant 0 : i32
        %add3A_1258 = arith.addi %mul3A_1256, %add3A_1257 : i32
        %get3A_1259 = arith.index_cast %add3A_1258 : i32 to index
        %get3A_1260 = tpu.vector_load %arg7[%get3A_1259] {strides = array<i32>} : memref<16384xf32, #tpu.memory_space<vmem>>, vector<16xf32>,
        %add3A_1261 = arith.constant 0 : i32
        %add3A_1262 = arith.addi %mul3A_1256, %add3A_1261 : i32
        %get3A_1263 = arith.index_cast %add3A_1262 : i32 to index
        %get3A_1264 = tpu.vector_load %arg9[%get3A_1263] {strides = array<i32>} : memref<16384xf32, #tpu.memory_space<vmem>>, vector<16xf32>,
        %sub3A_1265 = arith.subf %get3A_1260, %get3A_1264 : vector<16xf32>
        %mul3A_1266 = arith.mulf %sub3A_1265, %sub3A_1265 : vector<16xf32>
        %add3A_1267 = arith.constant 16 : i32
        %add3A_1268 = arith.addi %mul3A_1256, %add3A_1267 : i32
        %get3A_1269 = arith.index_cast %add3A_1268 : i32 to index
        %get3A_1270 = tpu.vector_load %arg7[%get3A_1269] {strides = array<i32>} : memref<16384xf32, #tpu.memory_space<vmem>>, vector<16xf32>,
        %add3A_1271 = arith.constant 16 : i32
        %add3A_1272 = arith.addi %mul3A_1256, %add3A_1271 : i32
        %get3A_1273 = arith.index_cast %add3A_1272 : i32 to index
        %get3A_1274 = tpu.vector_load %arg9[%get3A_1273] {strides = array<i32>} : memref<16384xf32, #tpu.memory_space<vmem>>, vector<16xf32>,
        %sub3A_1275 = arith.subf %get3A_1270, %get3A_1274 : vector<16xf32>
        %mul3A_1276 = arith.mulf %sub3A_1275, %sub3A_1275 : vector<16xf32>
        %add3A_1277 = arith.constant 32 : i32
        %add3A_1278 = arith.addi %mul3A_1256, %add3A_1277 : i32
        %get3A_1279 = arith.index_cast %add3A_1278 : i32 to index
        %get3A_1280 = tpu.vector_load %arg7[%get3A_1279] {strides = array<i32>} : memref<16384xf32, #tpu.memory_space<vmem>>, vector<16xf32>,
        %add3A_1281 = arith.constant 32 : i32
        %add3A_1282 = arith.addi %mul3A_1256, %add3A_1281 : i32
        %get3A_1283 = arith.index_cast %add3A_1282 : i32 to index
        %get3A_1284 = tpu.vector_load %arg9[%get3A_1283] {strides = array<i32>} : memref<16384xf32, #tpu.memory_space<vmem>>, vector<16xf32>,
        %sub3A_1285 = arith.subf %get3A_1280, %get3A_1284 : vector<16xf32>
        %mul3A_1286 = arith.mulf %sub3A_1285, %sub3A_1285 : vector<16xf32>
        %add3A_1287 = arith.constant 48 : i32
        %add3A_1288 = arith.addi %mul3A_1256, %add3A_1287 : i32
        %get3A_1289 = arith.index_cast %add3A_1288 : i32 to index
        %get3A_1290 = tpu.vector_load %arg7[%get3A_1289] {strides = array<i32>} : memref<16384xf32, #tpu.memory_space<vmem>>, vector<16xf32>,
        %add3A_1291 = arith.constant 48 : i32
        %add3A_1292 = arith.addi %mul3A_1256, %add3A_1291 : i32
        %get3A_1293 = arith.index_cast %add3A_1292 : i32 to index
        %get3A_1294 = tpu.vector_load %arg9[%get3A_1293] {strides = array<i32>} : memref<16384xf32, #tpu.memory_space<vmem>>, vector<16xf32>,
        %sub3A_1295 = arith.subf %get3A_1290, %get3A_1294 : vector<16xf32>
        %mul3A_1296 = arith.mulf %sub3A_1295, %sub3A_1295 : vector<16xf32>
        %add3A_1297 = arith.constant 64 : i32
        %add3A_1298 = arith.addi %mul3A_1256, %add3A_1297 : i32
        %get3A_1299 = arith.index_cast %add3A_1298 : i32 to index
        %get3A_1300 = tpu.vector_load %arg7[%get3A_1299] {strides = array<i32>} : memref<16384xf32, #tpu.memory_space<vmem>>, vector<16xf32>,
        %add3A_1301 = arith.constant 64 : i32
        %add3A_1302 = arith.addi %mul3A_1256, %add3A_1301 : i32
        %get3A_1303 = arith.index_cast %add3A_1302 : i32 to index
        %get3A_1304 = tpu.vector_load %arg9[%get3A_1303] {strides = array<i32>} : memref<16384xf32, #tpu.memory_space<vmem>>, vector<16xf32>,
        %sub3A_1305 = arith.subf %get3A_1300, %get3A_1304 : vector<16xf32>
        %mul3A_1306 = arith.mulf %sub3A_1305, %sub3A_1305 : vector<16xf32>
        %add3A_1307 = arith.constant 80 : i32
        %add3A_1308 = arith.addi %mul3A_1256, %add3A_1307 : i32
        %get3A_1309 = arith.index_cast %add3A_1308 : i32 to index
        %get3A_1310 = tpu.vector_load %arg7[%get3A_1309] {strides = array<i32>} : memref<16384xf32, #tpu.memory_space<vmem>>, vector<16xf32>,
        %add3A_1311 = arith.constant 80 : i32
        %add3A_1312 = arith.addi %mul3A_1256, %add3A_1311 : i32
        %get3A_1313 = arith.index_cast %add3A_1312 : i32 to index
        %get3A_1314 = tpu.vector_load %arg9[%get3A_1313] {strides = array<i32>} : memref<16384xf32, #tpu.memory_space<vmem>>, vector<16xf32>,
        %sub3A_1315 = arith.subf %get3A_1310, %get3A_1314 : vector<16xf32>
        %mul3A_1316 = arith.mulf %sub3A_1315, %sub3A_1315 : vector<16xf32>
        %add3A_1317 = arith.constant 96 : i32
        %add3A_1318 = arith.addi %mul3A_1256, %add3A_1317 : i32
        %get3A_1319 = arith.index_cast %add3A_1318 : i32 to index
        %get3A_1320 = tpu.vector_load %arg7[%get3A_1319] {strides = array<i32>} : memref<16384xf32, #tpu.memory_space<vmem>>, vector<16xf32>,
        %add3A_1321 = arith.constant 96 : i32
        %add3A_1322 = arith.addi %mul3A_1256, %add3A_1321 : i32
        %get3A_1323 = arith.index_cast %add3A_1322 : i32 to index
        %get3A_1324 = tpu.vector_load %arg9[%get3A_1323] {strides = array<i32>} : memref<16384xf32, #tpu.memory_space<vmem>>, vector<16xf32>,
        %sub3A_1325 = arith.subf %get3A_1320, %get3A_1324 : vector<16xf32>
        %mul3A_1326 = arith.mulf %sub3A_1325, %sub3A_1325 : vector<16xf32>
        %add3A_1327 = arith.constant 112 : i32
        %add3A_1328 = arith.addi %mul3A_1256, %add3A_1327 : i32
        %get3A_1329 = arith.index_cast %add3A_1328 : i32 to index
        %get3A_1330 = tpu.vector_load %arg7[%get3A_1329] {strides = array<i32>} : memref<16384xf32, #tpu.memory_space<vmem>>, vector<16xf32>,
        %add3A_1331 = arith.constant 112 : i32
        %add3A_1332 = arith.addi %mul3A_1256, %add3A_1331 : i32
        %get3A_1333 = arith.index_cast %add3A_1332 : i32 to index
        %get3A_1334 = tpu.vector_load %arg9[%get3A_1333] {strides = array<i32>} : memref<16384xf32, #tpu.memory_space<vmem>>, vector<16xf32>,
        %sub3A_1335 = arith.subf %get3A_1330, %get3A_1334 : vector<16xf32>
        %mul3A_1336 = arith.mulf %sub3A_1335, %sub3A_1335 : vector<16xf32>
        %add3A_1337 = arith.addf %mul3A_1266, %mul3A_1276 : vector<16xf32>
        %add3A_1338 = arith.addf %mul3A_1286, %mul3A_1296 : vector<16xf32>
        %add3A_1339 = arith.addf %mul3A_1306, %mul3A_1316 : vector<16xf32>
        %add3A_1340 = arith.addf %mul3A_1326, %mul3A_1336 : vector<16xf32>
        %add3A_1341 = arith.addf %add3A_1337, %add3A_1338 : vector<16xf32>
        %add3A_1342 = arith.addf %add3A_1339, %add3A_1340 : vector<16xf32>
        %add3A_1343 = arith.addf %add3A_1341, %add3A_1342 : vector<16xf32>
        %add3A_1344 = arith.constant 128 : i32
        %add3A_1345 = arith.addi %mul3A_1256, %add3A_1344 : i32
        %add3A_1346 = arith.constant 0 : i32
        %add3A_1347 = arith.addi %add3A_1345, %add3A_1346 : i32
        %get3A_1348 = arith.index_cast %add3A_1347 : i32 to index
        %get3A_1349 = tpu.vector_load %arg7[%get3A_1348] {strides = array<i32>} : memref<16384xf32, #tpu.memory_space<vmem>>, vector<16xf32>,
        %add3A_1350 = arith.constant 0 : i32
        %add3A_1351 = arith.addi %add3A_1345, %add3A_1350 : i32
        %get3A_1352 = arith.index_cast %add3A_1351 : i32 to index
        %get3A_1353 = tpu.vector_load %arg9[%get3A_1352] {strides = array<i32>} : memref<16384xf32, #tpu.memory_space<vmem>>, vector<16xf32>,
        %sub3A_1354 = arith.subf %get3A_1349, %get3A_1353 : vector<16xf32>
        %mul3A_1355 = arith.mulf %sub3A_1354, %sub3A_1354 : vector<16xf32>
        %add3A_1356 = arith.constant 16 : i32
        %add3A_1357 = arith.addi %add3A_1345, %add3A_1356 : i32
        %get3A_1358 = arith.index_cast %add3A_1357 : i32 to index
        %get3A_1359 = tpu.vector_load %arg7[%get3A_1358] {strides = array<i32>} : memref<16384xf32, #tpu.memory_space<vmem>>, vector<16xf32>,
        %add3A_1360 = arith.constant 16 : i32
        %add3A_1361 = arith.addi %add3A_1345, %add3A_1360 : i32
        %get3A_1362 = arith.index_cast %add3A_1361 : i32 to index
        %get3A_1363 = tpu.vector_load %arg9[%get3A_1362] {strides = array<i32>} : memref<16384xf32, #tpu.memory_space<vmem>>, vector<16xf32>,
        %sub3A_1364 = arith.subf %get3A_1359, %get3A_1363 : vector<16xf32>
        %mul3A_1365 = arith.mulf %sub3A_1364, %sub3A_1364 : vector<16xf32>
        %add3A_1366 = arith.constant 32 : i32
        %add3A_1367 = arith.addi %add3A_1345, %add3A_1366 : i32
        %get3A_1368 = arith.index_cast %add3A_1367 : i32 to index
        %get3A_1369 = tpu.vector_load %arg7[%get3A_1368] {strides = array<i32>} : memref<16384xf32, #tpu.memory_space<vmem>>, vector<16xf32>,
        %add3A_1370 = arith.constant 32 : i32
        %add3A_1371 = arith.addi %add3A_1345, %add3A_1370 : i32
        %get3A_1372 = arith.index_cast %add3A_1371 : i32 to index
        %get3A_1373 = tpu.vector_load %arg9[%get3A_1372] {strides = array<i32>} : memref<16384xf32, #tpu.memory_space<vmem>>, vector<16xf32>,
        %sub3A_1374 = arith.subf %get3A_1369, %get3A_1373 : vector<16xf32>
        %mul3A_1375 = arith.mulf %sub3A_1374, %sub3A_1374 : vector<16xf32>
        %add3A_1376 = arith.constant 48 : i32
        %add3A_1377 = arith.addi %add3A_1345, %add3A_1376 : i32
        %get3A_1378 = arith.index_cast %add3A_1377 : i32 to index
        %get3A_1379 = tpu.vector_load %arg7[%get3A_1378] {strides = array<i32>} : memref<16384xf32, #tpu.memory_space<vmem>>, vector<16xf32>,
        %add3A_1380 = arith.constant 48 : i32
        %add3A_1381 = arith.addi %add3A_1345, %add3A_1380 : i32
        %get3A_1382 = arith.index_cast %add3A_1381 : i32 to index
        %get3A_1383 = tpu.vector_load %arg9[%get3A_1382] {strides = array<i32>} : memref<16384xf32, #tpu.memory_space<vmem>>, vector<16xf32>,
        %sub3A_1384 = arith.subf %get3A_1379, %get3A_1383 : vector<16xf32>
        %mul3A_1385 = arith.mulf %sub3A_1384, %sub3A_1384 : vector<16xf32>
        %add3A_1386 = arith.constant 64 : i32
        %add3A_1387 = arith.addi %add3A_1345, %add3A_1386 : i32
        %get3A_1388 = arith.index_cast %add3A_1387 : i32 to index
        %get3A_1389 = tpu.vector_load %arg7[%get3A_1388] {strides = array<i32>} : memref<16384xf32, #tpu.memory_space<vmem>>, vector<16xf32>,
        %add3A_1390 = arith.constant 64 : i32
        %add3A_1391 = arith.addi %add3A_1345, %add3A_1390 : i32
        %get3A_1392 = arith.index_cast %add3A_1391 : i32 to index
        %get3A_1393 = tpu.vector_load %arg9[%get3A_1392] {strides = array<i32>} : memref<16384xf32, #tpu.memory_space<vmem>>, vector<16xf32>,
        %sub3A_1394 = arith.subf %get3A_1389, %get3A_1393 : vector<16xf32>
        %mul3A_1395 = arith.mulf %sub3A_1394, %sub3A_1394 : vector<16xf32>
        %add3A_1396 = arith.constant 80 : i32
        %add3A_1397 = arith.addi %add3A_1345, %add3A_1396 : i32
        %get3A_1398 = arith.index_cast %add3A_1397 : i32 to index
        %get3A_1399 = tpu.vector_load %arg7[%get3A_1398] {strides = array<i32>} : memref<16384xf32, #tpu.memory_space<vmem>>, vector<16xf32>,
        %add3A_1400 = arith.constant 80 : i32
        %add3A_1401 = arith.addi %add3A_1345, %add3A_1400 : i32
        %get3A_1402 = arith.index_cast %add3A_1401 : i32 to index
        %get3A_1403 = tpu.vector_load %arg9[%get3A_1402] {strides = array<i32>} : memref<16384xf32, #tpu.memory_space<vmem>>, vector<16xf32>,
        %sub3A_1404 = arith.subf %get3A_1399, %get3A_1403 : vector<16xf32>
        %mul3A_1405 = arith.mulf %sub3A_1404, %sub3A_1404 : vector<16xf32>
        %add3A_1406 = arith.constant 96 : i32
        %add3A_1407 = arith.addi %add3A_1345, %add3A_1406 : i32
        %get3A_1408 = arith.index_cast %add3A_1407 : i32 to index
        %get3A_1409 = tpu.vector_load %arg7[%get3A_1408] {strides = array<i32>} : memref<16384xf32, #tpu.memory_space<vmem>>, vector<16xf32>,
        %add3A_1410 = arith.constant 96 : i32
        %add3A_1411 = arith.addi %add3A_1345, %add3A_1410 : i32
        %get3A_1412 = arith.index_cast %add3A_1411 : i32 to index
        %get3A_1413 = tpu.vector_load %arg9[%get3A_1412] {strides = array<i32>} : memref<16384xf32, #tpu.memory_space<vmem>>, vector<16xf32>,
        %sub3A_1414 = arith.subf %get3A_1409, %get3A_1413 : vector<16xf32>
        %mul3A_1415 = arith.mulf %sub3A_1414, %sub3A_1414 : vector<16xf32>
        %add3A_1416 = arith.constant 112 : i32
        %add3A_1417 = arith.addi %add3A_1345, %add3A_1416 : i32
        %get3A_1418 = arith.index_cast %add3A_1417 : i32 to index
        %get3A_1419 = tpu.vector_load %arg7[%get3A_1418] {strides = array<i32>} : memref<16384xf32, #tpu.memory_space<vmem>>, vector<16xf32>,
        %add3A_1420 = arith.constant 112 : i32
        %add3A_1421 = arith.addi %add3A_1345, %add3A_1420 : i32
        %get3A_1422 = arith.index_cast %add3A_1421 : i32 to index
        %get3A_1423 = tpu.vector_load %arg9[%get3A_1422] {strides = array<i32>} : memref<16384xf32, #tpu.memory_space<vmem>>, vector<16xf32>,
        %sub3A_1424 = arith.subf %get3A_1419, %get3A_1423 : vector<16xf32>
        %mul3A_1425 = arith.mulf %sub3A_1424, %sub3A_1424 : vector<16xf32>
        %add3A_1426 = arith.addf %mul3A_1355, %mul3A_1365 : vector<16xf32>
        %add3A_1427 = arith.addf %mul3A_1375, %mul3A_1385 : vector<16xf32>
        %add3A_1428 = arith.addf %mul3A_1395, %mul3A_1405 : vector<16xf32>
        %add3A_1429 = arith.addf %mul3A_1415, %mul3A_1425 : vector<16xf32>
        %add3A_1430 = arith.addf %add3A_1426, %add3A_1427 : vector<16xf32>
        %add3A_1431 = arith.addf %add3A_1428, %add3A_1429 : vector<16xf32>
        %add3A_1432 = arith.addf %add3A_1430, %add3A_1431 : vector<16xf32>
        %broadcast_in_dim3A_1433 = vector.shape_cast %xor3A_171 : vector<16xi32> to vector<16x1xi32>
        %gather3A_1434 = vector.shape_cast %broadcast_in_dim3A_1433 : vector<16x1xi32> to vector<16xi32>
        %gather3A_1435 = tpu.dynamic_gather %add3A_1343[%gather3A_1434] in [0] : vector<16xf32>, vector<16xi32> -> vector<16xf32>
        %add3A_1436 = arith.addf %add3A_1343, %gather3A_1435 : vector<16xf32>
        %broadcast_in_dim3A_1437 = vector.shape_cast %xor3A_171 : vector<16xi32> to vector<16x1xi32>
        %gather3A_1438 = vector.shape_cast %broadcast_in_dim3A_1437 : vector<16x1xi32> to vector<16xi32>
        %gather3A_1439 = tpu.dynamic_gather %add3A_1432[%gather3A_1438] in [0] : vector<16xf32>, vector<16xi32> -> vector<16xf32>
        %add3A_1440 = arith.addf %add3A_1432, %gather3A_1439 : vector<16xf32>
        %select_n3A_1441 = arith.select %eq3A_186, %add3A_1436, %add3A_1440 : vector<16xi1>, vector<16xf32>
        %swap3A_1442 = arith.constant 80 : index
        %swap3A_1443 = tpu.vector_load %arg16[%swap3A_1442] {strides = array<i32>} : memref<128xf32, #tpu.memory_space<vmem>>, vector<16xf32>,
        tpu.vector_store %arg16[%swap3A_1442], %select_n3A_1441 {strides = array<i32>} : memref<128xf32, #tpu.memory_space<vmem>>, vector<16xf32>,
        %mul3A_1444 = arith.constant 16 : i32
        %mul3A_1445 = arith.muli %scan3A_286, %mul3A_1444 : i32
        %add3A_1446 = arith.constant 12 : i32
        %add3A_1447 = arith.addi %mul3A_1445, %add3A_1446 : i32
        %mul3A_1448 = arith.constant 128 : i32
        %mul3A_1449 = arith.muli %add3A_1447, %mul3A_1448 : i32
        %add3A_1450 = arith.constant 0 : i32
        %add3A_1451 = arith.addi %mul3A_1449, %add3A_1450 : i32
        %get3A_1452 = arith.index_cast %add3A_1451 : i32 to index
        %get3A_1453 = tpu.vector_load %arg7[%get3A_1452] {strides = array<i32>} : memref<16384xf32, #tpu.memory_space<vmem>>, vector<16xf32>,
        %add3A_1454 = arith.constant 0 : i32
        %add3A_1455 = arith.addi %mul3A_1449, %add3A_1454 : i32
        %get3A_1456 = arith.index_cast %add3A_1455 : i32 to index
        %get3A_1457 = tpu.vector_load %arg9[%get3A_1456] {strides = array<i32>} : memref<16384xf32, #tpu.memory_space<vmem>>, vector<16xf32>,
        %sub3A_1458 = arith.subf %get3A_1453, %get3A_1457 : vector<16xf32>
        %mul3A_1459 = arith.mulf %sub3A_1458, %sub3A_1458 : vector<16xf32>
        %add3A_1460 = arith.constant 16 : i32
        %add3A_1461 = arith.addi %mul3A_1449, %add3A_1460 : i32
        %get3A_1462 = arith.index_cast %add3A_1461 : i32 to index
        %get3A_1463 = tpu.vector_load %arg7[%get3A_1462] {strides = array<i32>} : memref<16384xf32, #tpu.memory_space<vmem>>, vector<16xf32>,
        %add3A_1464 = arith.constant 16 : i32
        %add3A_1465 = arith.addi %mul3A_1449, %add3A_1464 : i32
        %get3A_1466 = arith.index_cast %add3A_1465 : i32 to index
        %get3A_1467 = tpu.vector_load %arg9[%get3A_1466] {strides = array<i32>} : memref<16384xf32, #tpu.memory_space<vmem>>, vector<16xf32>,
        %sub3A_1468 = arith.subf %get3A_1463, %get3A_1467 : vector<16xf32>
        %mul3A_1469 = arith.mulf %sub3A_1468, %sub3A_1468 : vector<16xf32>
        %add3A_1470 = arith.constant 32 : i32
        %add3A_1471 = arith.addi %mul3A_1449, %add3A_1470 : i32
        %get3A_1472 = arith.index_cast %add3A_1471 : i32 to index
        %get3A_1473 = tpu.vector_load %arg7[%get3A_1472] {strides = array<i32>} : memref<16384xf32, #tpu.memory_space<vmem>>, vector<16xf32>,
        %add3A_1474 = arith.constant 32 : i32
        %add3A_1475 = arith.addi %mul3A_1449, %add3A_1474 : i32
        %get3A_1476 = arith.index_cast %add3A_1475 : i32 to index
        %get3A_1477 = tpu.vector_load %arg9[%get3A_1476] {strides = array<i32>} : memref<16384xf32, #tpu.memory_space<vmem>>, vector<16xf32>,
        %sub3A_1478 = arith.subf %get3A_1473, %get3A_1477 : vector<16xf32>
        %mul3A_1479 = arith.mulf %sub3A_1478, %sub3A_1478 : vector<16xf32>
        %add3A_1480 = arith.constant 48 : i32
        %add3A_1481 = arith.addi %mul3A_1449, %add3A_1480 : i32
        %get3A_1482 = arith.index_cast %add3A_1481 : i32 to index
        %get3A_1483 = tpu.vector_load %arg7[%get3A_1482] {strides = array<i32>} : memref<16384xf32, #tpu.memory_space<vmem>>, vector<16xf32>,
        %add3A_1484 = arith.constant 48 : i32
        %add3A_1485 = arith.addi %mul3A_1449, %add3A_1484 : i32
        %get3A_1486 = arith.index_cast %add3A_1485 : i32 to index
        %get3A_1487 = tpu.vector_load %arg9[%get3A_1486] {strides = array<i32>} : memref<16384xf32, #tpu.memory_space<vmem>>, vector<16xf32>,
        %sub3A_1488 = arith.subf %get3A_1483, %get3A_1487 : vector<16xf32>
        %mul3A_1489 = arith.mulf %sub3A_1488, %sub3A_1488 : vector<16xf32>
        %add3A_1490 = arith.constant 64 : i32
        %add3A_1491 = arith.addi %mul3A_1449, %add3A_1490 : i32
        %get3A_1492 = arith.index_cast %add3A_1491 : i32 to index
        %get3A_1493 = tpu.vector_load %arg7[%get3A_1492] {strides = array<i32>} : memref<16384xf32, #tpu.memory_space<vmem>>, vector<16xf32>,
        %add3A_1494 = arith.constant 64 : i32
        %add3A_1495 = arith.addi %mul3A_1449, %add3A_1494 : i32
        %get3A_1496 = arith.index_cast %add3A_1495 : i32 to index
        %get3A_1497 = tpu.vector_load %arg9[%get3A_1496] {strides = array<i32>} : memref<16384xf32, #tpu.memory_space<vmem>>, vector<16xf32>,
        %sub3A_1498 = arith.subf %get3A_1493, %get3A_1497 : vector<16xf32>
        %mul3A_1499 = arith.mulf %sub3A_1498, %sub3A_1498 : vector<16xf32>
        %add3A_1500 = arith.constant 80 : i32
        %add3A_1501 = arith.addi %mul3A_1449, %add3A_1500 : i32
        %get3A_1502 = arith.index_cast %add3A_1501 : i32 to index
        %get3A_1503 = tpu.vector_load %arg7[%get3A_1502] {strides = array<i32>} : memref<16384xf32, #tpu.memory_space<vmem>>, vector<16xf32>,
        %add3A_1504 = arith.constant 80 : i32
        %add3A_1505 = arith.addi %mul3A_1449, %add3A_1504 : i32
        %get3A_1506 = arith.index_cast %add3A_1505 : i32 to index
        %get3A_1507 = tpu.vector_load %arg9[%get3A_1506] {strides = array<i32>} : memref<16384xf32, #tpu.memory_space<vmem>>, vector<16xf32>,
        %sub3A_1508 = arith.subf %get3A_1503, %get3A_1507 : vector<16xf32>
        %mul3A_1509 = arith.mulf %sub3A_1508, %sub3A_1508 : vector<16xf32>
        %add3A_1510 = arith.constant 96 : i32
        %add3A_1511 = arith.addi %mul3A_1449, %add3A_1510 : i32
        %get3A_1512 = arith.index_cast %add3A_1511 : i32 to index
        %get3A_1513 = tpu.vector_load %arg7[%get3A_1512] {strides = array<i32>} : memref<16384xf32, #tpu.memory_space<vmem>>, vector<16xf32>,
        %add3A_1514 = arith.constant 96 : i32
        %add3A_1515 = arith.addi %mul3A_1449, %add3A_1514 : i32
        %get3A_1516 = arith.index_cast %add3A_1515 : i32 to index
        %get3A_1517 = tpu.vector_load %arg9[%get3A_1516] {strides = array<i32>} : memref<16384xf32, #tpu.memory_space<vmem>>, vector<16xf32>,
        %sub3A_1518 = arith.subf %get3A_1513, %get3A_1517 : vector<16xf32>
        %mul3A_1519 = arith.mulf %sub3A_1518, %sub3A_1518 : vector<16xf32>
        %add3A_1520 = arith.constant 112 : i32
        %add3A_1521 = arith.addi %mul3A_1449, %add3A_1520 : i32
        %get3A_1522 = arith.index_cast %add3A_1521 : i32 to index
        %get3A_1523 = tpu.vector_load %arg7[%get3A_1522] {strides = array<i32>} : memref<16384xf32, #tpu.memory_space<vmem>>, vector<16xf32>,
        %add3A_1524 = arith.constant 112 : i32
        %add3A_1525 = arith.addi %mul3A_1449, %add3A_1524 : i32
        %get3A_1526 = arith.index_cast %add3A_1525 : i32 to index
        %get3A_1527 = tpu.vector_load %arg9[%get3A_1526] {strides = array<i32>} : memref<16384xf32, #tpu.memory_space<vmem>>, vector<16xf32>,
        %sub3A_1528 = arith.subf %get3A_1523, %get3A_1527 : vector<16xf32>
        %mul3A_1529 = arith.mulf %sub3A_1528, %sub3A_1528 : vector<16xf32>
        %add3A_1530 = arith.addf %mul3A_1459, %mul3A_1469 : vector<16xf32>
        %add3A_1531 = arith.addf %mul3A_1479, %mul3A_1489 : vector<16xf32>
        %add3A_1532 = arith.addf %mul3A_1499, %mul3A_1509 : vector<16xf32>
        %add3A_1533 = arith.addf %mul3A_1519, %mul3A_1529 : vector<16xf32>
        %add3A_1534 = arith.addf %add3A_1530, %add3A_1531 : vector<16xf32>
        %add3A_1535 = arith.addf %add3A_1532, %add3A_1533 : vector<16xf32>
        %add3A_1536 = arith.addf %add3A_1534, %add3A_1535 : vector<16xf32>
        %add3A_1537 = arith.constant 128 : i32
        %add3A_1538 = arith.addi %mul3A_1449, %add3A_1537 : i32
        %add3A_1539 = arith.constant 0 : i32
        %add3A_1540 = arith.addi %add3A_1538, %add3A_1539 : i32
        %get3A_1541 = arith.index_cast %add3A_1540 : i32 to index
        %get3A_1542 = tpu.vector_load %arg7[%get3A_1541] {strides = array<i32>} : memref<16384xf32, #tpu.memory_space<vmem>>, vector<16xf32>,
        %add3A_1543 = arith.constant 0 : i32
        %add3A_1544 = arith.addi %add3A_1538, %add3A_1543 : i32
        %get3A_1545 = arith.index_cast %add3A_1544 : i32 to index
        %get3A_1546 = tpu.vector_load %arg9[%get3A_1545] {strides = array<i32>} : memref<16384xf32, #tpu.memory_space<vmem>>, vector<16xf32>,
        %sub3A_1547 = arith.subf %get3A_1542, %get3A_1546 : vector<16xf32>
        %mul3A_1548 = arith.mulf %sub3A_1547, %sub3A_1547 : vector<16xf32>
        %add3A_1549 = arith.constant 16 : i32
        %add3A_1550 = arith.addi %add3A_1538, %add3A_1549 : i32
        %get3A_1551 = arith.index_cast %add3A_1550 : i32 to index
        %get3A_1552 = tpu.vector_load %arg7[%get3A_1551] {strides = array<i32>} : memref<16384xf32, #tpu.memory_space<vmem>>, vector<16xf32>,
        %add3A_1553 = arith.constant 16 : i32
        %add3A_1554 = arith.addi %add3A_1538, %add3A_1553 : i32
        %get3A_1555 = arith.index_cast %add3A_1554 : i32 to index
        %get3A_1556 = tpu.vector_load %arg9[%get3A_1555] {strides = array<i32>} : memref<16384xf32, #tpu.memory_space<vmem>>, vector<16xf32>,
        %sub3A_1557 = arith.subf %get3A_1552, %get3A_1556 : vector<16xf32>
        %mul3A_1558 = arith.mulf %sub3A_1557, %sub3A_1557 : vector<16xf32>
        %add3A_1559 = arith.constant 32 : i32
        %add3A_1560 = arith.addi %add3A_1538, %add3A_1559 : i32
        %get3A_1561 = arith.index_cast %add3A_1560 : i32 to index
        %get3A_1562 = tpu.vector_load %arg7[%get3A_1561] {strides = array<i32>} : memref<16384xf32, #tpu.memory_space<vmem>>, vector<16xf32>,
        %add3A_1563 = arith.constant 32 : i32
        %add3A_1564 = arith.addi %add3A_1538, %add3A_1563 : i32
        %get3A_1565 = arith.index_cast %add3A_1564 : i32 to index
        %get3A_1566 = tpu.vector_load %arg9[%get3A_1565] {strides = array<i32>} : memref<16384xf32, #tpu.memory_space<vmem>>, vector<16xf32>,
        %sub3A_1567 = arith.subf %get3A_1562, %get3A_1566 : vector<16xf32>
        %mul3A_1568 = arith.mulf %sub3A_1567, %sub3A_1567 : vector<16xf32>
        %add3A_1569 = arith.constant 48 : i32
        %add3A_1570 = arith.addi %add3A_1538, %add3A_1569 : i32
        %get3A_1571 = arith.index_cast %add3A_1570 : i32 to index
        %get3A_1572 = tpu.vector_load %arg7[%get3A_1571] {strides = array<i32>} : memref<16384xf32, #tpu.memory_space<vmem>>, vector<16xf32>,
        %add3A_1573 = arith.constant 48 : i32
        %add3A_1574 = arith.addi %add3A_1538, %add3A_1573 : i32
        %get3A_1575 = arith.index_cast %add3A_1574 : i32 to index
        %get3A_1576 = tpu.vector_load %arg9[%get3A_1575] {strides = array<i32>} : memref<16384xf32, #tpu.memory_space<vmem>>, vector<16xf32>,
        %sub3A_1577 = arith.subf %get3A_1572, %get3A_1576 : vector<16xf32>
        %mul3A_1578 = arith.mulf %sub3A_1577, %sub3A_1577 : vector<16xf32>
        %add3A_1579 = arith.constant 64 : i32
        %add3A_1580 = arith.addi %add3A_1538, %add3A_1579 : i32
        %get3A_1581 = arith.index_cast %add3A_1580 : i32 to index
        %get3A_1582 = tpu.vector_load %arg7[%get3A_1581] {strides = array<i32>} : memref<16384xf32, #tpu.memory_space<vmem>>, vector<16xf32>,
        %add3A_1583 = arith.constant 64 : i32
        %add3A_1584 = arith.addi %add3A_1538, %add3A_1583 : i32
        %get3A_1585 = arith.index_cast %add3A_1584 : i32 to index
        %get3A_1586 = tpu.vector_load %arg9[%get3A_1585] {strides = array<i32>} : memref<16384xf32, #tpu.memory_space<vmem>>, vector<16xf32>,
        %sub3A_1587 = arith.subf %get3A_1582, %get3A_1586 : vector<16xf32>
        %mul3A_1588 = arith.mulf %sub3A_1587, %sub3A_1587 : vector<16xf32>
        %add3A_1589 = arith.constant 80 : i32
        %add3A_1590 = arith.addi %add3A_1538, %add3A_1589 : i32
        %get3A_1591 = arith.index_cast %add3A_1590 : i32 to index
        %get3A_1592 = tpu.vector_load %arg7[%get3A_1591] {strides = array<i32>} : memref<16384xf32, #tpu.memory_space<vmem>>, vector<16xf32>,
        %add3A_1593 = arith.constant 80 : i32
        %add3A_1594 = arith.addi %add3A_1538, %add3A_1593 : i32
        %get3A_1595 = arith.index_cast %add3A_1594 : i32 to index
        %get3A_1596 = tpu.vector_load %arg9[%get3A_1595] {strides = array<i32>} : memref<16384xf32, #tpu.memory_space<vmem>>, vector<16xf32>,
        %sub3A_1597 = arith.subf %get3A_1592, %get3A_1596 : vector<16xf32>
        %mul3A_1598 = arith.mulf %sub3A_1597, %sub3A_1597 : vector<16xf32>
        %add3A_1599 = arith.constant 96 : i32
        %add3A_1600 = arith.addi %add3A_1538, %add3A_1599 : i32
        %get3A_1601 = arith.index_cast %add3A_1600 : i32 to index
        %get3A_1602 = tpu.vector_load %arg7[%get3A_1601] {strides = array<i32>} : memref<16384xf32, #tpu.memory_space<vmem>>, vector<16xf32>,
        %add3A_1603 = arith.constant 96 : i32
        %add3A_1604 = arith.addi %add3A_1538, %add3A_1603 : i32
        %get3A_1605 = arith.index_cast %add3A_1604 : i32 to index
        %get3A_1606 = tpu.vector_load %arg9[%get3A_1605] {strides = array<i32>} : memref<16384xf32, #tpu.memory_space<vmem>>, vector<16xf32>,
        %sub3A_1607 = arith.subf %get3A_1602, %get3A_1606 : vector<16xf32>
        %mul3A_1608 = arith.mulf %sub3A_1607, %sub3A_1607 : vector<16xf32>
        %add3A_1609 = arith.constant 112 : i32
        %add3A_1610 = arith.addi %add3A_1538, %add3A_1609 : i32
        %get3A_1611 = arith.index_cast %add3A_1610 : i32 to index
        %get3A_1612 = tpu.vector_load %arg7[%get3A_1611] {strides = array<i32>} : memref<16384xf32, #tpu.memory_space<vmem>>, vector<16xf32>,
        %add3A_1613 = arith.constant 112 : i32
        %add3A_1614 = arith.addi %add3A_1538, %add3A_1613 : i32
        %get3A_1615 = arith.index_cast %add3A_1614 : i32 to index
        %get3A_1616 = tpu.vector_load %arg9[%get3A_1615] {strides = array<i32>} : memref<16384xf32, #tpu.memory_space<vmem>>, vector<16xf32>,
        %sub3A_1617 = arith.subf %get3A_1612, %get3A_1616 : vector<16xf32>
        %mul3A_1618 = arith.mulf %sub3A_1617, %sub3A_1617 : vector<16xf32>
        %add3A_1619 = arith.addf %mul3A_1548, %mul3A_1558 : vector<16xf32>
        %add3A_1620 = arith.addf %mul3A_1568, %mul3A_1578 : vector<16xf32>
        %add3A_1621 = arith.addf %mul3A_1588, %mul3A_1598 : vector<16xf32>
        %add3A_1622 = arith.addf %mul3A_1608, %mul3A_1618 : vector<16xf32>
        %add3A_1623 = arith.addf %add3A_1619, %add3A_1620 : vector<16xf32>
        %add3A_1624 = arith.addf %add3A_1621, %add3A_1622 : vector<16xf32>
        %add3A_1625 = arith.addf %add3A_1623, %add3A_1624 : vector<16xf32>
        %broadcast_in_dim3A_1626 = vector.shape_cast %xor3A_171 : vector<16xi32> to vector<16x1xi32>
        %gather3A_1627 = vector.shape_cast %broadcast_in_dim3A_1626 : vector<16x1xi32> to vector<16xi32>
        %gather3A_1628 = tpu.dynamic_gather %add3A_1536[%gather3A_1627] in [0] : vector<16xf32>, vector<16xi32> -> vector<16xf32>
        %add3A_1629 = arith.addf %add3A_1536, %gather3A_1628 : vector<16xf32>
        %broadcast_in_dim3A_1630 = vector.shape_cast %xor3A_171 : vector<16xi32> to vector<16x1xi32>
        %gather3A_1631 = vector.shape_cast %broadcast_in_dim3A_1630 : vector<16x1xi32> to vector<16xi32>
        %gather3A_1632 = tpu.dynamic_gather %add3A_1625[%gather3A_1631] in [0] : vector<16xf32>, vector<16xi32> -> vector<16xf32>
        %add3A_1633 = arith.addf %add3A_1625, %gather3A_1632 : vector<16xf32>
        %select_n3A_1634 = arith.select %eq3A_186, %add3A_1629, %add3A_1633 : vector<16xi1>, vector<16xf32>
        %swap3A_1635 = arith.constant 96 : index
        %swap3A_1636 = tpu.vector_load %arg16[%swap3A_1635] {strides = array<i32>} : memref<128xf32, #tpu.memory_space<vmem>>, vector<16xf32>,
        tpu.vector_store %arg16[%swap3A_1635], %select_n3A_1634 {strides = array<i32>} : memref<128xf32, #tpu.memory_space<vmem>>, vector<16xf32>,
        %mul3A_1637 = arith.constant 16 : i32
        %mul3A_1638 = arith.muli %scan3A_286, %mul3A_1637 : i32
        %add3A_1639 = arith.constant 14 : i32
        %add3A_1640 = arith.addi %mul3A_1638, %add3A_1639 : i32
        %mul3A_1641 = arith.constant 128 : i32
        %mul3A_1642 = arith.muli %add3A_1640, %mul3A_1641 : i32
        %add3A_1643 = arith.constant 0 : i32
        %add3A_1644 = arith.addi %mul3A_1642, %add3A_1643 : i32
        %get3A_1645 = arith.index_cast %add3A_1644 : i32 to index
        %get3A_1646 = tpu.vector_load %arg7[%get3A_1645] {strides = array<i32>} : memref<16384xf32, #tpu.memory_space<vmem>>, vector<16xf32>,
        %add3A_1647 = arith.constant 0 : i32
        %add3A_1648 = arith.addi %mul3A_1642, %add3A_1647 : i32
        %get3A_1649 = arith.index_cast %add3A_1648 : i32 to index
        %get3A_1650 = tpu.vector_load %arg9[%get3A_1649] {strides = array<i32>} : memref<16384xf32, #tpu.memory_space<vmem>>, vector<16xf32>,
        %sub3A_1651 = arith.subf %get3A_1646, %get3A_1650 : vector<16xf32>
        %mul3A_1652 = arith.mulf %sub3A_1651, %sub3A_1651 : vector<16xf32>
        %add3A_1653 = arith.constant 16 : i32
        %add3A_1654 = arith.addi %mul3A_1642, %add3A_1653 : i32
        %get3A_1655 = arith.index_cast %add3A_1654 : i32 to index
        %get3A_1656 = tpu.vector_load %arg7[%get3A_1655] {strides = array<i32>} : memref<16384xf32, #tpu.memory_space<vmem>>, vector<16xf32>,
        %add3A_1657 = arith.constant 16 : i32
        %add3A_1658 = arith.addi %mul3A_1642, %add3A_1657 : i32
        %get3A_1659 = arith.index_cast %add3A_1658 : i32 to index
        %get3A_1660 = tpu.vector_load %arg9[%get3A_1659] {strides = array<i32>} : memref<16384xf32, #tpu.memory_space<vmem>>, vector<16xf32>,
        %sub3A_1661 = arith.subf %get3A_1656, %get3A_1660 : vector<16xf32>
        %mul3A_1662 = arith.mulf %sub3A_1661, %sub3A_1661 : vector<16xf32>
        %add3A_1663 = arith.constant 32 : i32
        %add3A_1664 = arith.addi %mul3A_1642, %add3A_1663 : i32
        %get3A_1665 = arith.index_cast %add3A_1664 : i32 to index
        %get3A_1666 = tpu.vector_load %arg7[%get3A_1665] {strides = array<i32>} : memref<16384xf32, #tpu.memory_space<vmem>>, vector<16xf32>,
        %add3A_1667 = arith.constant 32 : i32
        %add3A_1668 = arith.addi %mul3A_1642, %add3A_1667 : i32
        %get3A_1669 = arith.index_cast %add3A_1668 : i32 to index
        %get3A_1670 = tpu.vector_load %arg9[%get3A_1669] {strides = array<i32>} : memref<16384xf32, #tpu.memory_space<vmem>>, vector<16xf32>,
        %sub3A_1671 = arith.subf %get3A_1666, %get3A_1670 : vector<16xf32>
        %mul3A_1672 = arith.mulf %sub3A_1671, %sub3A_1671 : vector<16xf32>
        %add3A_1673 = arith.constant 48 : i32
        %add3A_1674 = arith.addi %mul3A_1642, %add3A_1673 : i32
        %get3A_1675 = arith.index_cast %add3A_1674 : i32 to index
        %get3A_1676 = tpu.vector_load %arg7[%get3A_1675] {strides = array<i32>} : memref<16384xf32, #tpu.memory_space<vmem>>, vector<16xf32>,
        %add3A_1677 = arith.constant 48 : i32
        %add3A_1678 = arith.addi %mul3A_1642, %add3A_1677 : i32
        %get3A_1679 = arith.index_cast %add3A_1678 : i32 to index
        %get3A_1680 = tpu.vector_load %arg9[%get3A_1679] {strides = array<i32>} : memref<16384xf32, #tpu.memory_space<vmem>>, vector<16xf32>,
        %sub3A_1681 = arith.subf %get3A_1676, %get3A_1680 : vector<16xf32>
        %mul3A_1682 = arith.mulf %sub3A_1681, %sub3A_1681 : vector<16xf32>
        %add3A_1683 = arith.constant 64 : i32
        %add3A_1684 = arith.addi %mul3A_1642, %add3A_1683 : i32
        %get3A_1685 = arith.index_cast %add3A_1684 : i32 to index
        %get3A_1686 = tpu.vector_load %arg7[%get3A_1685] {strides = array<i32>} : memref<16384xf32, #tpu.memory_space<vmem>>, vector<16xf32>,
        %add3A_1687 = arith.constant 64 : i32
        %add3A_1688 = arith.addi %mul3A_1642, %add3A_1687 : i32
        %get3A_1689 = arith.index_cast %add3A_1688 : i32 to index
        %get3A_1690 = tpu.vector_load %arg9[%get3A_1689] {strides = array<i32>} : memref<16384xf32, #tpu.memory_space<vmem>>, vector<16xf32>,
        %sub3A_1691 = arith.subf %get3A_1686, %get3A_1690 : vector<16xf32>
        %mul3A_1692 = arith.mulf %sub3A_1691, %sub3A_1691 : vector<16xf32>
        %add3A_1693 = arith.constant 80 : i32
        %add3A_1694 = arith.addi %mul3A_1642, %add3A_1693 : i32
        %get3A_1695 = arith.index_cast %add3A_1694 : i32 to index
        %get3A_1696 = tpu.vector_load %arg7[%get3A_1695] {strides = array<i32>} : memref<16384xf32, #tpu.memory_space<vmem>>, vector<16xf32>,
        %add3A_1697 = arith.constant 80 : i32
        %add3A_1698 = arith.addi %mul3A_1642, %add3A_1697 : i32
        %get3A_1699 = arith.index_cast %add3A_1698 : i32 to index
        %get3A_1700 = tpu.vector_load %arg9[%get3A_1699] {strides = array<i32>} : memref<16384xf32, #tpu.memory_space<vmem>>, vector<16xf32>,
        %sub3A_1701 = arith.subf %get3A_1696, %get3A_1700 : vector<16xf32>
        %mul3A_1702 = arith.mulf %sub3A_1701, %sub3A_1701 : vector<16xf32>
        %add3A_1703 = arith.constant 96 : i32
        %add3A_1704 = arith.addi %mul3A_1642, %add3A_1703 : i32
        %get3A_1705 = arith.index_cast %add3A_1704 : i32 to index
        %get3A_1706 = tpu.vector_load %arg7[%get3A_1705] {strides = array<i32>} : memref<16384xf32, #tpu.memory_space<vmem>>, vector<16xf32>,
        %add3A_1707 = arith.constant 96 : i32
        %add3A_1708 = arith.addi %mul3A_1642, %add3A_1707 : i32
        %get3A_1709 = arith.index_cast %add3A_1708 : i32 to index
        %get3A_1710 = tpu.vector_load %arg9[%get3A_1709] {strides = array<i32>} : memref<16384xf32, #tpu.memory_space<vmem>>, vector<16xf32>,
        %sub3A_1711 = arith.subf %get3A_1706, %get3A_1710 : vector<16xf32>
        %mul3A_1712 = arith.mulf %sub3A_1711, %sub3A_1711 : vector<16xf32>
        %add3A_1713 = arith.constant 112 : i32
        %add3A_1714 = arith.addi %mul3A_1642, %add3A_1713 : i32
        %get3A_1715 = arith.index_cast %add3A_1714 : i32 to index
        %get3A_1716 = tpu.vector_load %arg7[%get3A_1715] {strides = array<i32>} : memref<16384xf32, #tpu.memory_space<vmem>>, vector<16xf32>,
        %add3A_1717 = arith.constant 112 : i32
        %add3A_1718 = arith.addi %mul3A_1642, %add3A_1717 : i32
        %get3A_1719 = arith.index_cast %add3A_1718 : i32 to index
        %get3A_1720 = tpu.vector_load %arg9[%get3A_1719] {strides = array<i32>} : memref<16384xf32, #tpu.memory_space<vmem>>, vector<16xf32>,
        %sub3A_1721 = arith.subf %get3A_1716, %get3A_1720 : vector<16xf32>
        %mul3A_1722 = arith.mulf %sub3A_1721, %sub3A_1721 : vector<16xf32>
        %add3A_1723 = arith.addf %mul3A_1652, %mul3A_1662 : vector<16xf32>
        %add3A_1724 = arith.addf %mul3A_1672, %mul3A_1682 : vector<16xf32>
        %add3A_1725 = arith.addf %mul3A_1692, %mul3A_1702 : vector<16xf32>
        %add3A_1726 = arith.addf %mul3A_1712, %mul3A_1722 : vector<16xf32>
        %add3A_1727 = arith.addf %add3A_1723, %add3A_1724 : vector<16xf32>
        %add3A_1728 = arith.addf %add3A_1725, %add3A_1726 : vector<16xf32>
        %add3A_1729 = arith.addf %add3A_1727, %add3A_1728 : vector<16xf32>
        %add3A_1730 = arith.constant 128 : i32
        %add3A_1731 = arith.addi %mul3A_1642, %add3A_1730 : i32
        %add3A_1732 = arith.constant 0 : i32
        %add3A_1733 = arith.addi %add3A_1731, %add3A_1732 : i32
        %get3A_1734 = arith.index_cast %add3A_1733 : i32 to index
        %get3A_1735 = tpu.vector_load %arg7[%get3A_1734] {strides = array<i32>} : memref<16384xf32, #tpu.memory_space<vmem>>, vector<16xf32>,
        %add3A_1736 = arith.constant 0 : i32
        %add3A_1737 = arith.addi %add3A_1731, %add3A_1736 : i32
        %get3A_1738 = arith.index_cast %add3A_1737 : i32 to index
        %get3A_1739 = tpu.vector_load %arg9[%get3A_1738] {strides = array<i32>} : memref<16384xf32, #tpu.memory_space<vmem>>, vector<16xf32>,
        %sub3A_1740 = arith.subf %get3A_1735, %get3A_1739 : vector<16xf32>
        %mul3A_1741 = arith.mulf %sub3A_1740, %sub3A_1740 : vector<16xf32>
        %add3A_1742 = arith.constant 16 : i32
        %add3A_1743 = arith.addi %add3A_1731, %add3A_1742 : i32
        %get3A_1744 = arith.index_cast %add3A_1743 : i32 to index
        %get3A_1745 = tpu.vector_load %arg7[%get3A_1744] {strides = array<i32>} : memref<16384xf32, #tpu.memory_space<vmem>>, vector<16xf32>,
        %add3A_1746 = arith.constant 16 : i32
        %add3A_1747 = arith.addi %add3A_1731, %add3A_1746 : i32
        %get3A_1748 = arith.index_cast %add3A_1747 : i32 to index
        %get3A_1749 = tpu.vector_load %arg9[%get3A_1748] {strides = array<i32>} : memref<16384xf32, #tpu.memory_space<vmem>>, vector<16xf32>,
        %sub3A_1750 = arith.subf %get3A_1745, %get3A_1749 : vector<16xf32>
        %mul3A_1751 = arith.mulf %sub3A_1750, %sub3A_1750 : vector<16xf32>
        %add3A_1752 = arith.constant 32 : i32
        %add3A_1753 = arith.addi %add3A_1731, %add3A_1752 : i32
        %get3A_1754 = arith.index_cast %add3A_1753 : i32 to index
        %get3A_1755 = tpu.vector_load %arg7[%get3A_1754] {strides = array<i32>} : memref<16384xf32, #tpu.memory_space<vmem>>, vector<16xf32>,
        %add3A_1756 = arith.constant 32 : i32
        %add3A_1757 = arith.addi %add3A_1731, %add3A_1756 : i32
        %get3A_1758 = arith.index_cast %add3A_1757 : i32 to index
        %get3A_1759 = tpu.vector_load %arg9[%get3A_1758] {strides = array<i32>} : memref<16384xf32, #tpu.memory_space<vmem>>, vector<16xf32>,
        %sub3A_1760 = arith.subf %get3A_1755, %get3A_1759 : vector<16xf32>
        %mul3A_1761 = arith.mulf %sub3A_1760, %sub3A_1760 : vector<16xf32>
        %add3A_1762 = arith.constant 48 : i32
        %add3A_1763 = arith.addi %add3A_1731, %add3A_1762 : i32
        %get3A_1764 = arith.index_cast %add3A_1763 : i32 to index
        %get3A_1765 = tpu.vector_load %arg7[%get3A_1764] {strides = array<i32>} : memref<16384xf32, #tpu.memory_space<vmem>>, vector<16xf32>,
        %add3A_1766 = arith.constant 48 : i32
        %add3A_1767 = arith.addi %add3A_1731, %add3A_1766 : i32
        %get3A_1768 = arith.index_cast %add3A_1767 : i32 to index
        %get3A_1769 = tpu.vector_load %arg9[%get3A_1768] {strides = array<i32>} : memref<16384xf32, #tpu.memory_space<vmem>>, vector<16xf32>,
        %sub3A_1770 = arith.subf %get3A_1765, %get3A_1769 : vector<16xf32>
        %mul3A_1771 = arith.mulf %sub3A_1770, %sub3A_1770 : vector<16xf32>
        %add3A_1772 = arith.constant 64 : i32
        %add3A_1773 = arith.addi %add3A_1731, %add3A_1772 : i32
        %get3A_1774 = arith.index_cast %add3A_1773 : i32 to index
        %get3A_1775 = tpu.vector_load %arg7[%get3A_1774] {strides = array<i32>} : memref<16384xf32, #tpu.memory_space<vmem>>, vector<16xf32>,
        %add3A_1776 = arith.constant 64 : i32
        %add3A_1777 = arith.addi %add3A_1731, %add3A_1776 : i32
        %get3A_1778 = arith.index_cast %add3A_1777 : i32 to index
        %get3A_1779 = tpu.vector_load %arg9[%get3A_1778] {strides = array<i32>} : memref<16384xf32, #tpu.memory_space<vmem>>, vector<16xf32>,
        %sub3A_1780 = arith.subf %get3A_1775, %get3A_1779 : vector<16xf32>
        %mul3A_1781 = arith.mulf %sub3A_1780, %sub3A_1780 : vector<16xf32>
        %add3A_1782 = arith.constant 80 : i32
        %add3A_1783 = arith.addi %add3A_1731, %add3A_1782 : i32
        %get3A_1784 = arith.index_cast %add3A_1783 : i32 to index
        %get3A_1785 = tpu.vector_load %arg7[%get3A_1784] {strides = array<i32>} : memref<16384xf32, #tpu.memory_space<vmem>>, vector<16xf32>,
        %add3A_1786 = arith.constant 80 : i32
        %add3A_1787 = arith.addi %add3A_1731, %add3A_1786 : i32
        %get3A_1788 = arith.index_cast %add3A_1787 : i32 to index
        %get3A_1789 = tpu.vector_load %arg9[%get3A_1788] {strides = array<i32>} : memref<16384xf32, #tpu.memory_space<vmem>>, vector<16xf32>,
        %sub3A_1790 = arith.subf %get3A_1785, %get3A_1789 : vector<16xf32>
        %mul3A_1791 = arith.mulf %sub3A_1790, %sub3A_1790 : vector<16xf32>
        %add3A_1792 = arith.constant 96 : i32
        %add3A_1793 = arith.addi %add3A_1731, %add3A_1792 : i32
        %get3A_1794 = arith.index_cast %add3A_1793 : i32 to index
        %get3A_1795 = tpu.vector_load %arg7[%get3A_1794] {strides = array<i32>} : memref<16384xf32, #tpu.memory_space<vmem>>, vector<16xf32>,
        %add3A_1796 = arith.constant 96 : i32
        %add3A_1797 = arith.addi %add3A_1731, %add3A_1796 : i32
        %get3A_1798 = arith.index_cast %add3A_1797 : i32 to index
        %get3A_1799 = tpu.vector_load %arg9[%get3A_1798] {strides = array<i32>} : memref<16384xf32, #tpu.memory_space<vmem>>, vector<16xf32>,
        %sub3A_1800 = arith.subf %get3A_1795, %get3A_1799 : vector<16xf32>
        %mul3A_1801 = arith.mulf %sub3A_1800, %sub3A_1800 : vector<16xf32>
        %add3A_1802 = arith.constant 112 : i32
        %add3A_1803 = arith.addi %add3A_1731, %add3A_1802 : i32
        %get3A_1804 = arith.index_cast %add3A_1803 : i32 to index
        %get3A_1805 = tpu.vector_load %arg7[%get3A_1804] {strides = array<i32>} : memref<16384xf32, #tpu.memory_space<vmem>>, vector<16xf32>,
        %add3A_1806 = arith.constant 112 : i32
        %add3A_1807 = arith.addi %add3A_1731, %add3A_1806 : i32
        %get3A_1808 = arith.index_cast %add3A_1807 : i32 to index
        %get3A_1809 = tpu.vector_load %arg9[%get3A_1808] {strides = array<i32>} : memref<16384xf32, #tpu.memory_space<vmem>>, vector<16xf32>,
        %sub3A_1810 = arith.subf %get3A_1805, %get3A_1809 : vector<16xf32>
        %mul3A_1811 = arith.mulf %sub3A_1810, %sub3A_1810 : vector<16xf32>
        %add3A_1812 = arith.addf %mul3A_1741, %mul3A_1751 : vector<16xf32>
        %add3A_1813 = arith.addf %mul3A_1761, %mul3A_1771 : vector<16xf32>
        %add3A_1814 = arith.addf %mul3A_1781, %mul3A_1791 : vector<16xf32>
        %add3A_1815 = arith.addf %mul3A_1801, %mul3A_1811 : vector<16xf32>
        %add3A_1816 = arith.addf %add3A_1812, %add3A_1813 : vector<16xf32>
        %add3A_1817 = arith.addf %add3A_1814, %add3A_1815 : vector<16xf32>
        %add3A_1818 = arith.addf %add3A_1816, %add3A_1817 : vector<16xf32>
        %broadcast_in_dim3A_1819 = vector.shape_cast %xor3A_171 : vector<16xi32> to vector<16x1xi32>
        %gather3A_1820 = vector.shape_cast %broadcast_in_dim3A_1819 : vector<16x1xi32> to vector<16xi32>
        %gather3A_1821 = tpu.dynamic_gather %add3A_1729[%gather3A_1820] in [0] : vector<16xf32>, vector<16xi32> -> vector<16xf32>
        %add3A_1822 = arith.addf %add3A_1729, %gather3A_1821 : vector<16xf32>
        %broadcast_in_dim3A_1823 = vector.shape_cast %xor3A_171 : vector<16xi32> to vector<16x1xi32>
        %gather3A_1824 = vector.shape_cast %broadcast_in_dim3A_1823 : vector<16x1xi32> to vector<16xi32>
        %gather3A_1825 = tpu.dynamic_gather %add3A_1818[%gather3A_1824] in [0] : vector<16xf32>, vector<16xi32> -> vector<16xf32>
        %add3A_1826 = arith.addf %add3A_1818, %gather3A_1825 : vector<16xf32>
        %select_n3A_1827 = arith.select %eq3A_186, %add3A_1822, %add3A_1826 : vector<16xi1>, vector<16xf32>
        %swap3A_1828 = arith.constant 112 : index
        %swap3A_1829 = tpu.vector_load %arg16[%swap3A_1828] {strides = array<i32>} : memref<128xf32, #tpu.memory_space<vmem>>, vector<16xf32>,
        tpu.vector_store %arg16[%swap3A_1828], %select_n3A_1827 {strides = array<i32>} : memref<128xf32, #tpu.memory_space<vmem>>, vector<16xf32>,
        %get3A_1830 = arith.constant 0 : index
        %get3A_1831 = tpu.vector_load %arg16[%get3A_1830] {strides = array<i32>} : memref<128xf32, #tpu.memory_space<vmem>>, vector<16xf32>,
        %get3A_1832 = arith.constant 16 : index
        %get3A_1833 = tpu.vector_load %arg16[%get3A_1832] {strides = array<i32>} : memref<128xf32, #tpu.memory_space<vmem>>, vector<16xf32>,
        %get3A_1834 = arith.constant 32 : index
        %get3A_1835 = tpu.vector_load %arg16[%get3A_1834] {strides = array<i32>} : memref<128xf32, #tpu.memory_space<vmem>>, vector<16xf32>,
        %get3A_1836 = arith.constant 48 : index
        %get3A_1837 = tpu.vector_load %arg16[%get3A_1836] {strides = array<i32>} : memref<128xf32, #tpu.memory_space<vmem>>, vector<16xf32>,
        %get3A_1838 = arith.constant 64 : index
        %get3A_1839 = tpu.vector_load %arg16[%get3A_1838] {strides = array<i32>} : memref<128xf32, #tpu.memory_space<vmem>>, vector<16xf32>,
        %get3A_1840 = arith.constant 80 : index
        %get3A_1841 = tpu.vector_load %arg16[%get3A_1840] {strides = array<i32>} : memref<128xf32, #tpu.memory_space<vmem>>, vector<16xf32>,
        %get3A_1842 = arith.constant 96 : index
        %get3A_1843 = tpu.vector_load %arg16[%get3A_1842] {strides = array<i32>} : memref<128xf32, #tpu.memory_space<vmem>>, vector<16xf32>,
        %get3A_1844 = arith.constant 112 : index
        %get3A_1845 = tpu.vector_load %arg16[%get3A_1844] {strides = array<i32>} : memref<128xf32, #tpu.memory_space<vmem>>, vector<16xf32>,
        %broadcast_in_dim3A_1846 = vector.shape_cast %xor3A_174 : vector<16xi32> to vector<16x1xi32>
        %gather3A_1847 = vector.shape_cast %broadcast_in_dim3A_1846 : vector<16x1xi32> to vector<16xi32>
        %gather3A_1848 = tpu.dynamic_gather %get3A_1831[%gather3A_1847] in [0] : vector<16xf32>, vector<16xi32> -> vector<16xf32>
        %add3A_1849 = arith.addf %get3A_1831, %gather3A_1848 : vector<16xf32>
        %broadcast_in_dim3A_1850 = vector.shape_cast %xor3A_174 : vector<16xi32> to vector<16x1xi32>
        %gather3A_1851 = vector.shape_cast %broadcast_in_dim3A_1850 : vector<16x1xi32> to vector<16xi32>
        %gather3A_1852 = tpu.dynamic_gather %get3A_1833[%gather3A_1851] in [0] : vector<16xf32>, vector<16xi32> -> vector<16xf32>
        %add3A_1853 = arith.addf %get3A_1833, %gather3A_1852 : vector<16xf32>
        %select_n3A_1854 = arith.select %eq3A_192, %add3A_1849, %add3A_1853 : vector<16xi1>, vector<16xf32>
        %broadcast_in_dim3A_1855 = vector.shape_cast %xor3A_174 : vector<16xi32> to vector<16x1xi32>
        %gather3A_1856 = vector.shape_cast %broadcast_in_dim3A_1855 : vector<16x1xi32> to vector<16xi32>
        %gather3A_1857 = tpu.dynamic_gather %get3A_1835[%gather3A_1856] in [0] : vector<16xf32>, vector<16xi32> -> vector<16xf32>
        %add3A_1858 = arith.addf %get3A_1835, %gather3A_1857 : vector<16xf32>
        %broadcast_in_dim3A_1859 = vector.shape_cast %xor3A_174 : vector<16xi32> to vector<16x1xi32>
        %gather3A_1860 = vector.shape_cast %broadcast_in_dim3A_1859 : vector<16x1xi32> to vector<16xi32>
        %gather3A_1861 = tpu.dynamic_gather %get3A_1837[%gather3A_1860] in [0] : vector<16xf32>, vector<16xi32> -> vector<16xf32>
        %add3A_1862 = arith.addf %get3A_1837, %gather3A_1861 : vector<16xf32>
        %select_n3A_1863 = arith.select %eq3A_192, %add3A_1858, %add3A_1862 : vector<16xi1>, vector<16xf32>
        %broadcast_in_dim3A_1864 = vector.shape_cast %xor3A_174 : vector<16xi32> to vector<16x1xi32>
        %gather3A_1865 = vector.shape_cast %broadcast_in_dim3A_1864 : vector<16x1xi32> to vector<16xi32>
        %gather3A_1866 = tpu.dynamic_gather %get3A_1839[%gather3A_1865] in [0] : vector<16xf32>, vector<16xi32> -> vector<16xf32>
        %add3A_1867 = arith.addf %get3A_1839, %gather3A_1866 : vector<16xf32>
        %broadcast_in_dim3A_1868 = vector.shape_cast %xor3A_174 : vector<16xi32> to vector<16x1xi32>
        %gather3A_1869 = vector.shape_cast %broadcast_in_dim3A_1868 : vector<16x1xi32> to vector<16xi32>
        %gather3A_1870 = tpu.dynamic_gather %get3A_1841[%gather3A_1869] in [0] : vector<16xf32>, vector<16xi32> -> vector<16xf32>
        %add3A_1871 = arith.addf %get3A_1841, %gather3A_1870 : vector<16xf32>
        %select_n3A_1872 = arith.select %eq3A_192, %add3A_1867, %add3A_1871 : vector<16xi1>, vector<16xf32>
        %broadcast_in_dim3A_1873 = vector.shape_cast %xor3A_174 : vector<16xi32> to vector<16x1xi32>
        %gather3A_1874 = vector.shape_cast %broadcast_in_dim3A_1873 : vector<16x1xi32> to vector<16xi32>
        %gather3A_1875 = tpu.dynamic_gather %get3A_1843[%gather3A_1874] in [0] : vector<16xf32>, vector<16xi32> -> vector<16xf32>
        %add3A_1876 = arith.addf %get3A_1843, %gather3A_1875 : vector<16xf32>
        %broadcast_in_dim3A_1877 = vector.shape_cast %xor3A_174 : vector<16xi32> to vector<16x1xi32>
        %gather3A_1878 = vector.shape_cast %broadcast_in_dim3A_1877 : vector<16x1xi32> to vector<16xi32>
        %gather3A_1879 = tpu.dynamic_gather %get3A_1845[%gather3A_1878] in [0] : vector<16xf32>, vector<16xi32> -> vector<16xf32>
        %add3A_1880 = arith.addf %get3A_1845, %gather3A_1879 : vector<16xf32>
        %select_n3A_1881 = arith.select %eq3A_192, %add3A_1876, %add3A_1880 : vector<16xi1>, vector<16xf32>
        %broadcast_in_dim3A_1882 = vector.shape_cast %xor3A_177 : vector<16xi32> to vector<16x1xi32>
        %gather3A_1883 = vector.shape_cast %broadcast_in_dim3A_1882 : vector<16x1xi32> to vector<16xi32>
        %gather3A_1884 = tpu.dynamic_gather %select_n3A_1854[%gather3A_1883] in [0] : vector<16xf32>, vector<16xi32> -> vector<16xf32>
        %add3A_1885 = arith.addf %select_n3A_1854, %gather3A_1884 : vector<16xf32>
        %broadcast_in_dim3A_1886 = vector.shape_cast %xor3A_177 : vector<16xi32> to vector<16x1xi32>
        %gather3A_1887 = vector.shape_cast %broadcast_in_dim3A_1886 : vector<16x1xi32> to vector<16xi32>
        %gather3A_1888 = tpu.dynamic_gather %select_n3A_1863[%gather3A_1887] in [0] : vector<16xf32>, vector<16xi32> -> vector<16xf32>
        %add3A_1889 = arith.addf %select_n3A_1863, %gather3A_1888 : vector<16xf32>
        %select_n3A_1890 = arith.select %eq3A_198, %add3A_1885, %add3A_1889 : vector<16xi1>, vector<16xf32>
        %broadcast_in_dim3A_1891 = vector.shape_cast %xor3A_177 : vector<16xi32> to vector<16x1xi32>
        %gather3A_1892 = vector.shape_cast %broadcast_in_dim3A_1891 : vector<16x1xi32> to vector<16xi32>
        %gather3A_1893 = tpu.dynamic_gather %select_n3A_1872[%gather3A_1892] in [0] : vector<16xf32>, vector<16xi32> -> vector<16xf32>
        %add3A_1894 = arith.addf %select_n3A_1872, %gather3A_1893 : vector<16xf32>
        %broadcast_in_dim3A_1895 = vector.shape_cast %xor3A_177 : vector<16xi32> to vector<16x1xi32>
        %gather3A_1896 = vector.shape_cast %broadcast_in_dim3A_1895 : vector<16x1xi32> to vector<16xi32>
        %gather3A_1897 = tpu.dynamic_gather %select_n3A_1881[%gather3A_1896] in [0] : vector<16xf32>, vector<16xi32> -> vector<16xf32>
        %add3A_1898 = arith.addf %select_n3A_1881, %gather3A_1897 : vector<16xf32>
        %select_n3A_1899 = arith.select %eq3A_198, %add3A_1894, %add3A_1898 : vector<16xi1>, vector<16xf32>
        %broadcast_in_dim3A_1900 = vector.shape_cast %xor3A_180 : vector<16xi32> to vector<16x1xi32>
        %gather3A_1901 = vector.shape_cast %broadcast_in_dim3A_1900 : vector<16x1xi32> to vector<16xi32>
        %gather3A_1902 = tpu.dynamic_gather %select_n3A_1890[%gather3A_1901] in [0] : vector<16xf32>, vector<16xi32> -> vector<16xf32>
        %add3A_1903 = arith.addf %select_n3A_1890, %gather3A_1902 : vector<16xf32>
        %broadcast_in_dim3A_1904 = vector.shape_cast %xor3A_180 : vector<16xi32> to vector<16x1xi32>
        %gather3A_1905 = vector.shape_cast %broadcast_in_dim3A_1904 : vector<16x1xi32> to vector<16xi32>
        %gather3A_1906 = tpu.dynamic_gather %select_n3A_1899[%gather3A_1905] in [0] : vector<16xf32>, vector<16xi32> -> vector<16xf32>
        %add3A_1907 = arith.addf %select_n3A_1899, %gather3A_1906 : vector<16xf32>
        %select_n3A_1908 = arith.select %eq3A_204, %add3A_1903, %add3A_1907 : vector<16xi1>, vector<16xf32>
        %mul3A_1909 = arith.constant 128 : i32
        %mul3A_1910 = arith.muli %add3A_272, %mul3A_1909 : i32
        %mul3A_1911 = arith.constant 16 : i32
        %mul3A_1912 = arith.muli %scan3A_286, %mul3A_1911 : i32
        %add3A_1913 = arith.addi %mul3A_1910, %mul3A_1912 : i32
        %get3A_1914 = arith.index_cast %add3A_1913 : i32 to index
        %get3A_1915 = tpu.vector_load %arg12[%get3A_1914] {strides = array<i32>} : memref<1280xi32, #tpu.memory_space<vmem>>, vector<16xi32>,
        %broadcast_in_dim3A_1916 = vector.shape_cast %or3A_228 : vector<16xi32> to vector<16x1xi32>
        %gather3A_1917 = vector.shape_cast %broadcast_in_dim3A_1916 : vector<16x1xi32> to vector<16xi32>
        %gather3A_1918 = tpu.dynamic_gather %get3A_1915[%gather3A_1917] in [0] : vector<16xi32>, vector<16xi32> -> vector<16xi32>
        tpu.vector_store_idx %arg13[%gather3A_1918], %select_n3A_1908 {add = true} : memref<128xf32, #tpu.memory_space<vmem>>[vector<16xi32>], vector<16xf32>,
      }
      %scan3A_278 = arith.constant 8 : i32
      %add3A_279 = arith.constant 3 : i32
      %add3A_280 = arith.addi %mul3A_242, %add3A_279 : i32
      %lt3A_281 = arith.constant 10 : i32
      %lt3A_282 = arith.cmpi slt, %add3A_280, %lt3A_281 : i32
      %convert_element_type3A_283 = arith.extui %lt3A_282 : i1 to i32
      %cond3A_284 = arith.constant 0 : i32
      %cond3A_285 = arith.cmpi ne, %convert_element_type3A_283, %cond3A_284 : i32
      scf.if %cond3A_285 {
        %add3A_286 = arith.constant 3 : i32
        %add3A_287 = arith.addi %mul3A_242, %add3A_286 : i32
        %mul3A_288 = arith.constant 4096 : i32
        %mul3A_289 = arith.muli %select_n3A, %mul3A_288 : i32
        %add3A_290 = arith.addi %mul3A_289, %add3A_34 : i32
        %mul3A_291 = arith.constant 128 : i32
        %mul3A_292 = arith.muli %add3A_287, %mul3A_291 : i32
        %add3A_293 = arith.addi %add3A_290, %mul3A_292 : i32
        %mul3A_294 = arith.constant 128 : i32
        %mul3A_295 = arith.muli %add3A_293, %mul3A_294 : i32
        %dma_start3A_296 = tpu.memref_slice %arg2[%mul3A_295] : memref<8388608xf32, #tpu.memory_space<hbm>> -> memref<16384xf32, #tpu.memory_space<hbm>>
        %dma_start3A_297 = tpu.memref_slice %arg2[%mul3A_295] : memref<8388608xf32, #tpu.memory_space<hbm>> -> memref<16384xf32, #tpu.memory_space<hbm>>
        tpu.enqueue_dma source(%dma_start3A_297 : memref<16384xf32, #tpu.memory_space<hbm>>) target(%arg7 : memref<16384xf32, #tpu.memory_space<vmem>>) target_semaphore(%arg19 : memref<!tpu.dma_semaphore, #tpu.memory_space<semaphore_mem>>)
        %dma_start3A_298 = tpu.memref_slice %arg3[%mul3A_295] : memref<8388608xf32, #tpu.memory_space<hbm>> -> memref<16384xf32, #tpu.memory_space<hbm>>
        %dma_start3A_299 = tpu.memref_slice %arg3[%mul3A_295] : memref<8388608xf32, #tpu.memory_space<hbm>> -> memref<16384xf32, #tpu.memory_space<hbm>>
        tpu.enqueue_dma source(%dma_start3A_299 : memref<16384xf32, #tpu.memory_space<hbm>>) target(%arg9 : memref<16384xf32, #tpu.memory_space<vmem>>) target_semaphore(%arg21 : memref<!tpu.dma_semaphore, #tpu.memory_space<semaphore_mem>>)
      } else {
      }
    }
    %scan3A_234 = arith.constant 5 : i32
    %mul3A_235 = arith.constant 128 : i32
    %mul3A_236 = arith.muli %arg1, %mul3A_235 : i32
    "tpu.region"() ({
      %run_scoped3A = tpu.sem_alloc : memref<!tpu.dma_semaphore, #tpu.memory_space<semaphore_mem>>
      %dma_start3A_240 = tpu.memref_slice %arg17[%mul3A_236] : memref<2048xf32, #tpu.memory_space<vmem_shared>> -> memref<128xf32, #tpu.memory_space<vmem_shared>>
      %dma_start3A_241 = tpu.memref_slice %arg17[%mul3A_236] : memref<2048xf32, #tpu.memory_space<vmem_shared>> -> memref<128xf32, #tpu.memory_space<vmem_shared>>
      tpu.enqueue_dma source(%arg13 : memref<128xf32, #tpu.memory_space<vmem>>) target(%dma_start3A_241 : memref<128xf32, #tpu.memory_space<vmem_shared>>) target_semaphore(%run_scoped3A : memref<!tpu.dma_semaphore, #tpu.memory_space<semaphore_mem>>)
      %dma_wait3A = tpu.memref_slice %arg17[%mul3A_236] : memref<2048xf32, #tpu.memory_space<vmem_shared>> -> memref<128xf32, #tpu.memory_space<vmem_shared>>
      %dma_wait3A_242 = tpu.memref_slice %arg17[%mul3A_236] : memref<2048xf32, #tpu.memory_space<vmem_shared>> -> memref<128xf32, #tpu.memory_space<vmem_shared>>
      tpu.wait_dma2 semaphore(%run_scoped3A : memref<!tpu.dma_semaphore, #tpu.memory_space<semaphore_mem>>) src(%arg13 : memref<128xf32, #tpu.memory_space<vmem>>) dst(%dma_wait3A_242 : memref<128xf32, #tpu.memory_space<vmem_shared>>)
      tpu.yield
    }) : () -> ()
    %barrier3A = arith.constant 0 : index
    tpu.barrier barrier_id(%barrier3A)
    %lt3A_237 = arith.constant 8 : i32
    %lt3A_238 = arith.cmpi slt, %arg1, %lt3A_237 : i32
    %convert_element_type3A = arith.extui %lt3A_238 : i1 to i32
    %cond3A = arith.constant 0 : i32
    %cond3A_239 = arith.cmpi ne, %convert_element_type3A, %cond3A : i32
    scf.if %cond3A_239 {
      %mul3A_240 = arith.constant 8 : i32
      %mul3A_241 = arith.muli %arg0, %mul3A_240 : i32
      %add3A_242 = arith.addi %mul3A_241, %arg1 : i32
      %mul3A_243 = arith.constant 2 : i32
      %mul3A_244 = arith.muli %mul3A_243, %arg1 : i32
      %mul3A_245 = arith.constant 128 : i32
      %mul3A_246 = arith.muli %mul3A_244, %mul3A_245 : i32
      "tpu.region"() ({
        %run_scoped3A = tpu.sem_alloc : memref<!tpu.dma_semaphore, #tpu.memory_space<semaphore_mem>>
        %dma_start3A_275 = tpu.memref_slice %arg17[%mul3A_246] : memref<2048xf32, #tpu.memory_space<vmem_shared>> -> memref<256xf32, #tpu.memory_space<vmem_shared>>
        %dma_start3A_276 = tpu.memref_slice %arg17[%mul3A_246] : memref<2048xf32, #tpu.memory_space<vmem_shared>> -> memref<256xf32, #tpu.memory_space<vmem_shared>>
        tpu.enqueue_dma source(%dma_start3A_276 : memref<256xf32, #tpu.memory_space<vmem_shared>>) target(%arg14 : memref<256xf32, #tpu.memory_space<vmem>>) target_semaphore(%run_scoped3A : memref<!tpu.dma_semaphore, #tpu.memory_space<semaphore_mem>>)
        %dma_wait3A = tpu.memref_slice %arg17[%mul3A_246] : memref<2048xf32, #tpu.memory_space<vmem_shared>> -> memref<256xf32, #tpu.memory_space<vmem_shared>>
        %dma_wait3A_277 = tpu.memref_slice %arg17[%mul3A_246] : memref<2048xf32, #tpu.memory_space<vmem_shared>> -> memref<256xf32, #tpu.memory_space<vmem_shared>>
        tpu.wait_dma2 semaphore(%run_scoped3A : memref<!tpu.dma_semaphore, #tpu.memory_space<semaphore_mem>>) src(%dma_wait3A_277 : memref<256xf32, #tpu.memory_space<vmem_shared>>) dst(%arg14 : memref<256xf32, #tpu.memory_space<vmem>>)
        tpu.yield
      }) : () -> ()
      %get3A_247 = arith.constant 0 : index
      %get3A_248 = tpu.vector_load %arg14[%get3A_247] {strides = array<i32>} : memref<256xf32, #tpu.memory_space<vmem>>, vector<16xf32>,
      %get3A_249 = arith.constant 128 : index
      %get3A_250 = tpu.vector_load %arg14[%get3A_249] {strides = array<i32>} : memref<256xf32, #tpu.memory_space<vmem>>, vector<16xf32>,
      %add3A_251 = arith.addf %get3A_248, %get3A_250 : vector<16xf32>
      %swap3A_252 = arith.constant 0 : index
      %swap3A_253 = tpu.vector_load %arg15[%swap3A_252] {strides = array<i32>} : memref<64xf32, #tpu.memory_space<vmem>>, vector<16xf32>,
      tpu.vector_store %arg15[%swap3A_252], %add3A_251 {strides = array<i32>} : memref<64xf32, #tpu.memory_space<vmem>>, vector<16xf32>,
      %get3A_254 = arith.constant 16 : index
      %get3A_255 = tpu.vector_load %arg14[%get3A_254] {strides = array<i32>} : memref<256xf32, #tpu.memory_space<vmem>>, vector<16xf32>,
      %get3A_256 = arith.constant 144 : index
      %get3A_257 = tpu.vector_load %arg14[%get3A_256] {strides = array<i32>} : memref<256xf32, #tpu.memory_space<vmem>>, vector<16xf32>,
      %add3A_258 = arith.addf %get3A_255, %get3A_257 : vector<16xf32>
      %swap3A_259 = arith.constant 16 : index
      %swap3A_260 = tpu.vector_load %arg15[%swap3A_259] {strides = array<i32>} : memref<64xf32, #tpu.memory_space<vmem>>, vector<16xf32>,
      tpu.vector_store %arg15[%swap3A_259], %add3A_258 {strides = array<i32>} : memref<64xf32, #tpu.memory_space<vmem>>, vector<16xf32>,
      %get3A_261 = arith.constant 32 : index
      %get3A_262 = tpu.vector_load %arg14[%get3A_261] {strides = array<i32>} : memref<256xf32, #tpu.memory_space<vmem>>, vector<16xf32>,
      %get3A_263 = arith.constant 160 : index
      %get3A_264 = tpu.vector_load %arg14[%get3A_263] {strides = array<i32>} : memref<256xf32, #tpu.memory_space<vmem>>, vector<16xf32>,
      %add3A_265 = arith.addf %get3A_262, %get3A_264 : vector<16xf32>
      %swap3A_266 = arith.constant 32 : index
      %swap3A_267 = tpu.vector_load %arg15[%swap3A_266] {strides = array<i32>} : memref<64xf32, #tpu.memory_space<vmem>>, vector<16xf32>,
      tpu.vector_store %arg15[%swap3A_266], %add3A_265 {strides = array<i32>} : memref<64xf32, #tpu.memory_space<vmem>>, vector<16xf32>,
      %get3A_268 = arith.constant 48 : index
      %get3A_269 = tpu.vector_load %arg14[%get3A_268] {strides = array<i32>} : memref<256xf32, #tpu.memory_space<vmem>>, vector<16xf32>,
      %get3A_270 = arith.constant 176 : index
      %get3A_271 = tpu.vector_load %arg14[%get3A_270] {strides = array<i32>} : memref<256xf32, #tpu.memory_space<vmem>>, vector<16xf32>,
      %add3A_272 = arith.addf %get3A_269, %get3A_271 : vector<16xf32>
      %swap3A_273 = arith.constant 48 : index
      %swap3A_274 = tpu.vector_load %arg15[%swap3A_273] {strides = array<i32>} : memref<64xf32, #tpu.memory_space<vmem>>, vector<16xf32>,
      tpu.vector_store %arg15[%swap3A_273], %add3A_272 {strides = array<i32>} : memref<64xf32, #tpu.memory_space<vmem>>, vector<16xf32>,
      "tpu.region"() ({
        %run_scoped3A = tpu.sem_alloc : memref<!tpu.dma_semaphore, #tpu.memory_space<semaphore_mem>>
        %dma_start3A_275 = arith.constant 0 : i32
        %dma_start3A_276 = tpu.memref_slice %arg5[%add3A_242, %dma_start3A_275] : memref<16x64xf32, #tpu.memory_space<hbm>> -> memref<1x64xf32, #tpu.memory_space<hbm>>
        %dma_start3A_277 = tpu.memref_squeeze %dma_start3A_276 : memref<1x64xf32, #tpu.memory_space<hbm>> -> memref<64xf32, #tpu.memory_space<hbm>>
        %dma_start3A_278 = arith.constant 0 : i32
        %dma_start3A_279 = tpu.memref_slice %arg5[%add3A_242, %dma_start3A_278] : memref<16x64xf32, #tpu.memory_space<hbm>> -> memref<1x64xf32, #tpu.memory_space<hbm>>
        %dma_start3A_280 = tpu.memref_squeeze %dma_start3A_279 : memref<1x64xf32, #tpu.memory_space<hbm>> -> memref<64xf32, #tpu.memory_space<hbm>>
        tpu.enqueue_dma source(%arg15 : memref<64xf32, #tpu.memory_space<vmem>>) target(%dma_start3A_280 : memref<64xf32, #tpu.memory_space<hbm>>) target_semaphore(%run_scoped3A : memref<!tpu.dma_semaphore, #tpu.memory_space<semaphore_mem>>)
        %dma_wait3A = arith.constant 0 : i32
        %dma_wait3A_281 = tpu.memref_slice %arg5[%add3A_242, %dma_wait3A] : memref<16x64xf32, #tpu.memory_space<hbm>> -> memref<1x64xf32, #tpu.memory_space<hbm>>
        %dma_wait3A_282 = tpu.memref_squeeze %dma_wait3A_281 : memref<1x64xf32, #tpu.memory_space<hbm>> -> memref<64xf32, #tpu.memory_space<hbm>>
        %dma_wait3A_283 = arith.constant 0 : i32
        %dma_wait3A_284 = tpu.memref_slice %arg5[%add3A_242, %dma_wait3A_283] : memref<16x64xf32, #tpu.memory_space<hbm>> -> memref<1x64xf32, #tpu.memory_space<hbm>>
        %dma_wait3A_285 = tpu.memref_squeeze %dma_wait3A_284 : memref<1x64xf32, #tpu.memory_space<hbm>> -> memref<64xf32, #tpu.memory_space<hbm>>
        tpu.wait_dma2 semaphore(%run_scoped3A : memref<!tpu.dma_semaphore, #tpu.memory_space<semaphore_mem>>) src(%arg15 : memref<64xf32, #tpu.memory_space<vmem>>) dst(%dma_wait3A_285 : memref<64xf32, #tpu.memory_space<hbm>>)
        tpu.yield
      }) : () -> ()
    } else {
    }
    return
  }
}

module attributes {stable_mosaic.version = 14 : i64} {
  func.func @_tc_body(%arg0: i32, %arg1: memref<1x1536x128xf32, #tpu.memory_space<vmem>>, %arg2: memref<1x1536x128xf32, #tpu.memory_space<vmem>>, %arg3: memref<1x64x1xi32, #tpu.memory_space<vmem>>, %arg4: memref<1x64x1xi32, #tpu.memory_space<vmem>>, %arg5: memref<1x64x1xf32, #tpu.memory_space<vmem>>) attributes {dimension_semantics = [#tpu.dimension_semantics<arbitrary>], iteration_bounds = array<i64: 16>, scalar_prefetch = 0 : i64, scratch_operands = 0 : i64, tpu.core_type = #tpu.core_type<tc>, window_params = [{transform_indices = @transform_0, window_bounds = array<i64: 1, 1536, 128>}, {transform_indices = @transform_1, window_bounds = array<i64: 1, 1536, 128>}, {transform_indices = @transform_2, window_bounds = array<i64: 1, 64, 1>}, {transform_indices = @transform_3, window_bounds = array<i64: 1, 64, 1>}, {transform_indices = @transform_4, window_bounds = array<i64: 1, 64, 1>}]} {
    %get3A = arith.constant 0 : index
    %get3A_0 = arith.constant 0 : index
    %get3A_1 = arith.constant 0 : index
    %get3A_2 = vector.load %arg1[%get3A, %get3A_0, %get3A_1] : memref<1x1536x128xf32, #tpu.memory_space<vmem>>, vector<1x1536x128xf32>
    %get3A_3 = vector.shape_cast %get3A_2 : vector<1x1536x128xf32> to vector<1536x128xf32>
    %get3A_4 = arith.constant 0 : index
    %get3A_5 = arith.constant 0 : index
    %get3A_6 = arith.constant 0 : index
    %get3A_7 = vector.load %arg2[%get3A_4, %get3A_5, %get3A_6] : memref<1x1536x128xf32, #tpu.memory_space<vmem>>, vector<1x1536x128xf32>
    %get3A_8 = vector.shape_cast %get3A_7 : vector<1x1536x128xf32> to vector<1536x128xf32>
    %sub3A = arith.subf %get3A_3, %get3A_8 : vector<1536x128xf32>
    %mul3A = arith.mulf %sub3A, %sub3A : vector<1536x128xf32>
    %broadcast_in_dim3A = arith.constant 1.000000e+00 : f32
    %broadcast_in_dim3A_9 = vector.broadcast %broadcast_in_dim3A : f32 to vector<128x1xf32>
    %dot_general3A = arith.constant dense<0.000000e+00> : vector<1536x1xf32>
    %dot_general3A_10 = tpu.matmul %mul3A, %broadcast_in_dim3A_9, %dot_general3A {dimension_numbers = #tpu.dot_dimension_numbers<[1], [0], [0], [1], [0, 0, 1, 1], [], []>, precision = #tpu.contract_precision<fp32>, transpose_lhs_hint = false} : vector<1536x128xf32>, vector<128x1xf32>, vector<1536x1xf32> -> vector<1536x1xf32>
    %mul3A_11 = arith.constant 7.812500e-03 : f32
    %mul3A_12 = vector.broadcast %mul3A_11 : f32 to vector<1536x1xf32>
    %mul3A_13 = arith.mulf %dot_general3A_10, %mul3A_12 : vector<1536x1xf32>
    %get3A_14 = arith.constant 0 : index
    %get3A_15 = arith.constant 0 : index
    %get3A_16 = arith.constant 0 : index
    %get3A_17 = vector.load %arg3[%get3A_14, %get3A_15, %get3A_16] : memref<1x64x1xi32, #tpu.memory_space<vmem>>, vector<1x64x1xi32>
    %get3A_18 = vector.shape_cast %get3A_17 : vector<1x64x1xi32> to vector<64x1xi32>
    %get3A_19 = arith.constant 0 : index
    %get3A_20 = arith.constant 0 : index
    %get3A_21 = arith.constant 0 : index
    %get3A_22 = vector.load %arg4[%get3A_19, %get3A_20, %get3A_21] : memref<1x64x1xi32, #tpu.memory_space<vmem>>, vector<1x64x1xi32>
    %get3A_23 = vector.shape_cast %get3A_22 : vector<1x64x1xi32> to vector<64x1xi32>
    %iota3A = tpu.iota {dimensions = array<i32: 1>} : vector<64x1536xi32>
    %ge3A = vector.broadcast %get3A_18 : vector<64x1xi32> to vector<64x1536xi32>
    %ge3A_24 = arith.cmpi sge, %iota3A, %ge3A : vector<64x1536xi32>
    %lt3A = vector.broadcast %get3A_23 : vector<64x1xi32> to vector<64x1536xi32>
    %lt3A_25 = arith.cmpi slt, %iota3A, %lt3A : vector<64x1536xi32>
    %and3A = arith.andi %ge3A_24, %lt3A_25 : vector<64x1536xi1>
    %convert_element_type3A = arith.extui %and3A : vector<64x1536xi1> to vector<64x1536xi32>
    %convert_element_type3A_26 = arith.sitofp %convert_element_type3A : vector<64x1536xi32> to vector<64x1536xf32>
    %dot_general3A_27 = arith.constant dense<0.000000e+00> : vector<64x1xf32>
    %dot_general3A_28 = tpu.matmul %convert_element_type3A_26, %mul3A_13, %dot_general3A_27 {dimension_numbers = #tpu.dot_dimension_numbers<[1], [0], [0], [1], [0, 0, 1, 1], [], []>, precision = #tpu.contract_precision<fp32>, transpose_lhs_hint = false} : vector<64x1536xf32>, vector<1536x1xf32>, vector<64x1xf32> -> vector<64x1xf32>
    %swap3A = arith.constant 0 : index
    %swap3A_29 = arith.constant 0 : index
    %swap3A_30 = arith.constant 0 : index
    %swap3A_31 = vector.load %arg5[%swap3A, %swap3A_29, %swap3A_30] : memref<1x64x1xf32, #tpu.memory_space<vmem>>, vector<1x64x1xf32>
    %swap3A_32 = vector.shape_cast %swap3A_31 : vector<1x64x1xf32> to vector<64x1xf32>
    %swap3A_33 = vector.shape_cast %dot_general3A_28 : vector<64x1xf32> to vector<1x64x1xf32>
    tpu.vector_store %arg5[%swap3A, %swap3A_29, %swap3A_30], %swap3A_33 {strides = array<i32>} : memref<1x64x1xf32, #tpu.memory_space<vmem>>, vector<1x64x1xf32>,
    return
  }
  func.func @transform_0(%arg0: i32) -> (i32, i32, i32) {
    %c0_i32 = arith.constant 0 : i32
    %c0_i32_0 = arith.constant 0 : i32
    %c0_i32_1 = arith.constant 0 : i32
    return %arg0, %c0_i32, %c0_i32_0 : i32, i32, i32
  }
  func.func @transform_1(%arg0: i32) -> (i32, i32, i32) {
    %c0_i32 = arith.constant 0 : i32
    %c0_i32_0 = arith.constant 0 : i32
    %c0_i32_1 = arith.constant 0 : i32
    return %arg0, %c0_i32, %c0_i32_0 : i32, i32, i32
  }
  func.func @transform_2(%arg0: i32) -> (i32, i32, i32) {
    %c0_i32 = arith.constant 0 : i32
    %c0_i32_0 = arith.constant 0 : i32
    %c0_i32_1 = arith.constant 0 : i32
    return %arg0, %c0_i32, %c0_i32_0 : i32, i32, i32
  }
  func.func @transform_3(%arg0: i32) -> (i32, i32, i32) {
    %c0_i32 = arith.constant 0 : i32
    %c0_i32_0 = arith.constant 0 : i32
    %c0_i32_1 = arith.constant 0 : i32
    return %arg0, %c0_i32, %c0_i32_0 : i32, i32, i32
  }
  func.func @transform_4(%arg0: i32) -> (i32, i32, i32) {
    %c0_i32 = arith.constant 0 : i32
    %c0_i32_0 = arith.constant 0 : i32
    %c0_i32_1 = arith.constant 0 : i32
    return %arg0, %c0_i32, %c0_i32_0 : i32, i32, i32
  }
}

module attributes {stable_mosaic.version = 14 : i64} {
  func.func @_route_body(%arg0: memref<1024x1xf32, #tpu.memory_space<vmem>>, %arg1: memref<1024x1xf32, #tpu.memory_space<vmem>>, %arg2: memref<1024x1xi32, #tpu.memory_space<vmem>>, %arg3: memref<1024x1xi32, #tpu.memory_space<vmem>>, %arg4: memref<1024x16xf32, #tpu.memory_space<vmem>>, %arg5: memref<1x16xf32, #tpu.memory_space<vmem>>) attributes {dimension_semantics = [], scalar_prefetch = 0 : i64, scratch_operands = 0 : i64, tpu.core_type = #tpu.core_type<tc>} {
    %get3A = arith.constant 0 : index
    %get3A_0 = arith.constant 0 : index
    %get3A_1 = vector.load %arg0[%get3A, %get3A_0] : memref<1024x1xf32, #tpu.memory_space<vmem>>, vector<1024x1xf32>
    %get3A_2 = arith.constant 0 : index
    %get3A_3 = arith.constant 0 : index
    %get3A_4 = vector.load %arg1[%get3A_2, %get3A_3] : memref<1024x1xf32, #tpu.memory_space<vmem>>, vector<1024x1xf32>
    %get3A_5 = arith.constant 0 : index
    %get3A_6 = arith.constant 0 : index
    %get3A_7 = vector.load %arg2[%get3A_5, %get3A_6] : memref<1024x1xi32, #tpu.memory_space<vmem>>, vector<1024x1xi32>
    %get3A_8 = arith.constant 0 : index
    %get3A_9 = arith.constant 0 : index
    %get3A_10 = vector.load %arg3[%get3A_8, %get3A_9] : memref<1024x1xi32, #tpu.memory_space<vmem>>, vector<1024x1xi32>
    %sub3A = arith.subi %get3A_10, %get3A_7 : vector<1024x1xi32>
    %convert_element_type3A = arith.sitofp %sub3A : vector<1024x1xi32> to vector<1024x1xf32>
    %mul3A = arith.constant 7.812500e-03 : f32
    %mul3A_11 = vector.broadcast %mul3A : f32 to vector<1024x1xf32>
    %mul3A_12 = arith.mulf %get3A_4, %mul3A_11 : vector<1024x1xf32>
    %add3A = arith.addf %get3A_1, %mul3A_12 : vector<1024x1xf32>
    %max3A = arith.constant 1.000000e+00 : f32
    %max3A_13 = vector.broadcast %max3A : f32 to vector<1024x1xf32>
    %max3A_14 = arith.maximumf %convert_element_type3A, %max3A_13 : vector<1024x1xf32>
    %div3A = arith.divf %add3A, %max3A_14 : vector<1024x1xf32>
    %get3A_15 = arith.constant 0 : index
    %get3A_16 = arith.constant 0 : index
    %get3A_17 = vector.load %arg4[%get3A_15, %get3A_16] : memref<1024x16xf32, #tpu.memory_space<vmem>>, vector<1024x16xf32>
    %reduce_max3A = arith.constant dense<0xFF800000> : vector<1024xf32>
    %reduce_max3A_18 = vector.multi_reduction <maximumf>, %get3A_17, %reduce_max3A [1] : vector<1024x16xf32> to vector<1024xf32>
    %broadcast_in_dim3A = vector.shape_cast %reduce_max3A_18 : vector<1024xf32> to vector<1024x1xf32>
    %iota3A = tpu.iota {dimensions = array<i32: 1>} : vector<1024x16xi32>
    %eq3A = vector.broadcast %broadcast_in_dim3A : vector<1024x1xf32> to vector<1024x16xf32>
    %eq3A_19 = arith.cmpf oeq, %get3A_17, %eq3A : vector<1024x16xf32>
    %jit3A = arith.constant 16 : i32
    %broadcast_in_dim3A_20 = vector.broadcast %jit3A : i32 to vector<1024x16xi32>
    %select_n3A = arith.select %eq3A_19, %iota3A, %broadcast_in_dim3A_20 : vector<1024x16xi1>, vector<1024x16xi32>
    %reduce_min3A = arith.constant dense<2147483647> : vector<1024xi32>
    %reduce_min3A_21 = vector.multi_reduction <minsi>, %select_n3A, %reduce_min3A [1] : vector<1024x16xi32> to vector<1024xi32>
    %broadcast_in_dim3A_22 = vector.shape_cast %reduce_min3A_21 : vector<1024xi32> to vector<1024x1xi32>
    %eq3A_23 = vector.broadcast %broadcast_in_dim3A_22 : vector<1024x1xi32> to vector<1024x16xi32>
    %eq3A_24 = arith.cmpi eq, %iota3A, %eq3A_23 : vector<1024x16xi32>
    %convert_element_type3A_25 = arith.extui %eq3A_24 : vector<1024x16xi1> to vector<1024x16xi32>
    %convert_element_type3A_26 = arith.sitofp %convert_element_type3A_25 : vector<1024x16xi32> to vector<1024x16xf32>
    %mul3A_27 = vector.broadcast %div3A : vector<1024x1xf32> to vector<1024x16xf32>
    %mul3A_28 = arith.mulf %convert_element_type3A_26, %mul3A_27 : vector<1024x16xf32>
    %reduce_sum3A = arith.constant dense<0.000000e+00> : vector<16xf32>
    %reduce_sum3A_29 = vector.multi_reduction <add>, %mul3A_28, %reduce_sum3A [0] : vector<1024x16xf32> to vector<16xf32>
    %broadcast_in_dim3A_30 = vector.shape_cast %reduce_sum3A_29 : vector<16xf32> to vector<1x16xf32>
    %reduce_sum3A_31 = arith.constant dense<0.000000e+00> : vector<16xf32>
    %reduce_sum3A_32 = vector.multi_reduction <add>, %convert_element_type3A_26, %reduce_sum3A_31 [0] : vector<1024x16xf32> to vector<16xf32>
    %broadcast_in_dim3A_33 = vector.shape_cast %reduce_sum3A_32 : vector<16xf32> to vector<1x16xf32>
    %gt3A = arith.constant 0.000000e+00 : f32
    %gt3A_34 = vector.broadcast %gt3A : f32 to vector<1x16xf32>
    %gt3A_35 = arith.cmpf ogt, %broadcast_in_dim3A_33, %gt3A_34 : vector<1x16xf32>
    %max3A_36 = arith.constant 1.000000e+00 : f32
    %max3A_37 = vector.broadcast %max3A_36 : f32 to vector<1x16xf32>
    %max3A_38 = arith.maximumf %broadcast_in_dim3A_33, %max3A_37 : vector<1x16xf32>
    %div3A_39 = arith.divf %broadcast_in_dim3A_30, %max3A_38 : vector<1x16xf32>
    %jit3A_40 = arith.constant 0.000000e+00 : f32
    %broadcast_in_dim3A_41 = vector.broadcast %jit3A_40 : f32 to vector<1x16xf32>
    %select_n3A_42 = arith.select %gt3A_35, %div3A_39, %broadcast_in_dim3A_41 : vector<1x16xi1>, vector<1x16xf32>
    %swap3A = arith.constant 0 : index
    %swap3A_43 = arith.constant 0 : index
    %swap3A_44 = vector.load %arg5[%swap3A, %swap3A_43] : memref<1x16xf32, #tpu.memory_space<vmem>>, vector<1x16xf32>
    tpu.vector_store %arg5[%swap3A, %swap3A_43], %select_n3A_42 {strides = array<i32>} : memref<1x16xf32, #tpu.memory_space<vmem>>, vector<1x16xf32>,
    return
  }
}

</mosaic_0001>

<sc_bundles>
// kernel: kernel.5.cloned.1.call-start
scs
__scs_entry_jumppad:
0x0: {  	(pc) =	sbr.rel $0x88, $3  }
0x1: {  	(tag) =	ssettag $0x0;
	lr =	simm.s32 $0x1  }
0x2: {  	[smem:$0x3F9D] =	sst lr;
	_ =	strace $0xD0000000  }
0x3: {  	_ = 	snop  }
0x4: {  	_ = 	snop  }
0x5: {  	_ = 	snop  }
0x6: {  	_ = 	snop  }
0x7: {  	_ = 	snop  }
__scs_overlays_trampoline_lowered:
0x8: {  	[smem:$0x3FAC] =	sst s0  }
0x9: {  	[smem:$0x3FAD] =	sst s1  }
0xa: {  	[smem:$0x3FAE] =	sst s2  }
0xb: {  	[smem:$0x3FAF] =	sst s3  }
0xc: {  	[smem:$0x3FB0] =	sst s4  }
0xd: {  	[smem:$0x3FB1] =	sst s5  }
0xe: {  	[smem:$0x3FB2] =	sst s6  }
0xf: {  	[smem:$0x3FB3] =	sst s7  }
0x10: {  	[smem:$0x3FB4] =	sst s8  }
0x11: {  	[smem:$0x3FB5] =	sst s9;
	s0 =	simm.s32 @!p0 $0x0  }
0x12: {  	s1 =	sld [smem:$0x3F9B];
	s0 =	simm.s32 @p0 $0x1  }
0x13: {  	[smem:$0x3FB6] =	sst s0;
	s0 =	simm.s32 @!p1 $0x0  }
0x14: {  	s2 =	sld [smem:$0x3F9A];
	s0 =	simm.s32 @p1 $0x1  }
0x15: {  	[smem:$0x3FB7] =	sst s0;
	s0 =	simm.s32 @!p2 $0x0  }
0x16: {  	s3 =	sld [smem:$0x3FDB];
	s0 =	simm.s32 @p2 $0x1  }
0x17: {  	s4 =	simm.s32 $0x1BF5;
	[smem:$0x3FB9] =	sst s0  }
0x18: {  	s0 =	sld [smem:$0x3F9C];
	_ =	swait.ge [sflag:s4], $0x0  }
0x19: {  	s7 =	sld [smem:$0x3F9D]  }
0x1a: {  	s8 =	sadd.s32 $0xFFFFE003, lr  }
0x1b: {  	s9 =	sadd.s32 $0xFFFFFEF7, lr;
	s5 =	simm.s32 $0xFFFFFFFF;
	p2 =	slt.u32 s8, $0xFFFFF086  }
0x1c: {  	p1 =	slt.u32 s9, $0xF7A;
	s5 =	simm.s32 @!p2 $0x0  }
0x1d: {  	s5 =	simm.s32 @p1 $0x1;
	p0 =	seq.s32 s7, s2  }
0x1e: {  	s7 =	smul.u32 @!p0 $0xF7A, s2;
	p2 =	seq.s32 @!p0 s5, $0x0  }
0x1f: {  	s9 =	smul.u32 $0xF7A, s1;
	s8 =	simm.s32 @!p0 $0x1BF5;
	p2 =	por !p2, p0  }
0x20: {  	[sflag:s8] =	ssyncset.s32 @!p0 $0xFFFFF086;
	s6 =	sadd.s32 @!p0 s3, s7;
	s7 =	simm.s32 @!p0 $0x108  }
0x21: {  	s3 =	sadd.s32 s3, s9;
	s6 =	sadd.s32 @!p0 $0x88, s6;
	s7 =	simm.s32 @p2 $0x1082  }
0x22: {  	[simem:s7], [sflag:s8] =	dma.local @!p0 [hbm:s6], $0xF7A  }
0x23: {  	s9 =	sor.u32 $0xD0000000, s2;
	s6 =	simm.s32 $0x108;
	_ =	swait.ge @!p0 [sflag:s8], $0x0  }
0x24: {  	s3 =	sadd.s32 $0x88, s3;
	s6 =	simm.s32 @!p1 $0x1082;
	[sflag:s4] =	ssyncset.s32 $0xFFFFF086  }
0x25: {  	[simem:s6], [sflag:s4] =	dma.local [hbm:s3], $0xF7A  }
0x26: {  	[smem:$0x3F9D] =	sst s1;
	(tag) =	ssettag s2;
	_ =	strace s9  }
0x27: {  	s1 =	sld [smem:$0x3FAD]  }
0x28: {  	s2 =	sld [smem:$0x3FAE]  }
0x29: {  	s4 =	sld [smem:$0x3FB0]  }
0x2a: {  	p0 =	seq.s32 s5, $0x0;
	s5 =	sld [smem:$0x3FB1]  }
0x2b: {  	s6 =	sld [smem:$0x3FB2]  }
0x2c: {  	s7 =	sld [smem:$0x3FB3]  }
0x2d: {  	s3 =	simm.s32 $0x108;
	s8 =	sld [smem:$0x3FB4]  }
0x2e: {  	s3 =	simm.s32 @!p0 $0x1082;
	s9 =	sld [smem:$0x3FB5]  }
0x2f: {  	lr =	sadd.s32 s0, s3;
	s0 =	sld [smem:$0x3FAC]  }
0x30: {  	s3 =	sld [smem:$0x3FAF]  }
0x31: {  	[smem:$0x3FB8] =	sst s10  }
0x32: {  	s10 =	sld [smem:$0x3FB6];
	_ =	sdelay $0x3  }
0x33: {  	p0 =	seq.s32 s10, $0x1;
	s10 =	sld [smem:$0x3FB8];
	_ =	sdelay $0x3  }
0x34: {  	[smem:$0x3FB8] =	sst s10  }
0x35: {  	s10 =	sld [smem:$0x3FB7];
	_ =	sdelay $0x3  }
0x36: {  	p1 =	seq.s32 s10, $0x1;
	s10 =	sld [smem:$0x3FB8];
	_ =	sdelay $0x3  }
0x37: {  	[smem:$0x3FB8] =	sst s10  }
0x38: {  	s10 =	sld [smem:$0x3FB9]  }
0x39: {  	_ = 	snop;
	(pc) =	sbr.ind lr, $3  }
0x3a: {  	_ = 	snop  }
0x3b: {  	_ = 	snop  }
0x3c: {  	p2 =	seq.s32 s10, $0x1;
	s10 =	sld [smem:$0x3FB8]  }
0x3d: {  	_ =	shalt  }
0x3e: {  	_ =	shalt  }
0x3f: {  	_ =	shalt  }
0x40: {  	_ =	shalt  }
0x41: {  	_ =	shalt  }
0x42: {  	_ =	shalt  }
0x43: {  	_ =	shalt  }
0x44: {  	_ =	shalt  }
0x45: {  	_ =	shalt  }
0x46: {  	_ =	shalt  }
0x47: {  	_ =	shalt  }
0x48: {  	_ =	shalt  }
0x49: {  	_ =	shalt  }
0x4a: {  	_ =	shalt  }
0x4b: {  	_ =	shalt  }
0x4c: {  	_ =	shalt  }
0x4d: {  	_ =	shalt  }
0x4e: {  	_ =	shalt  }
0x4f: {  	_ =	shalt  }
0x50: {  	_ =	shalt  }
0x51: {  	_ =	shalt  }
0x52: {  	_ =	shalt  }
0x53: {  	_ =	shalt  }
0x54: {  	_ =	shalt  }
0x55: {  	_ =	shalt  }
0x56: {  	_ =	shalt  }
0x57: {  	_ =	shalt  }
0x58: {  	_ =	shalt  }
0x59: {  	_ =	shalt  }
0x5a: {  	_ =	shalt  }
0x5b: {  	_ =	shalt  }
0x5c: {  	_ =	shalt  }
0x5d: {  	_ =	shalt  }
0x5e: {  	_ =	shalt  }
0x5f: {  	_ =	shalt  }
0x60: {  	_ =	shalt  }
0x61: {  	_ =	shalt  }
0x62: {  	_ =	shalt  }
0x63: {  	_ =	shalt  }
0x64: {  	_ =	shalt  }
0x65: {  	_ =	shalt  }
0x66: {  	_ =	shalt  }
0x67: {  	_ =	shalt  }
0x68: {  	_ =	shalt  }
0x69: {  	_ =	shalt  }
0x6a: {  	_ =	shalt  }
0x6b: {  	_ =	shalt  }
0x6c: {  	_ =	shalt  }
0x6d: {  	_ =	shalt  }
0x6e: {  	_ =	shalt  }
0x6f: {  	_ =	shalt  }
0x70: {  	_ =	shalt  }
0x71: {  	_ =	shalt  }
0x72: {  	_ =	shalt  }
0x73: {  	_ =	shalt  }
0x74: {  	_ =	shalt  }
0x75: {  	_ =	shalt  }
0x76: {  	_ =	shalt  }
0x77: {  	_ =	shalt  }
0x78: {  	_ =	shalt  }
0x79: {  	_ =	shalt  }
0x7a: {  	_ =	shalt  }
0x7b: {  	_ =	shalt  }
0x7c: {  	_ =	shalt  }
0x7d: {  	_ =	shalt  }
0x7e: {  	_ =	shalt  }
0x7f: {  	_ =	shalt  }
0x80: {  	_ =	shalt  }
0x81: {  	_ =	shalt  }
0x82: {  	_ =	shalt  }
0x83: {  	_ =	shalt  }
0x84: {  	_ =	shalt  }
0x85: {  	_ =	shalt  }
0x86: {  	_ =	shalt  }
0x87: {  	_ =	shalt  }
.Lfunc_end0:
.L_simem_size_0:
called_computation_lowered:
.L_overlay_start_0:
0x88: {  	s2 =	sld [smem:$0x3FD9]  }
0x89: {  	s3 =	sld [smem:$0x3FFE];
	_ =	sdelay $0x1  }
0x8a: {  	s1 =	srdreg.scid  }
0x8b: {  	s0 =	sand.u32 $0x1, s1  }
0x8c: {  	s17 =	sshll.u32 s0, $0xA;
	s2 =	sadd.s32 s3, s2  }
0x8d: {  	s2 =	sadd.s32 s2, s17  }
0x8e: {  	[smem:$0x3FC4] =	sst s2  }
0x8f: {  	_ = 	snop  }
0x90: {  	s2 =	sld [smem:$0x3FC9]  }
0x91: {  	s18 =	sld [smem:$0x3FC8];
	(tm) =	ssettm $0x1  }
0x92: {  	s4 =	sld [smem:$0x3FFB];
	_ =	sdelay $0x3  }
0x93: {  	_ =	strace s4  }
0x94: {  	s4 =	sld [smem:$0x3FFC];
	_ =	sdelay $0x3  }
0x95: {  	_ =	strace s4  }
0x96: {  	s4 =	sld [smem:$0x3FFD];
	_ =	sdelay $0x3  }
0x97: {  	_ =	strace s4  }
0x98: {  	_ =	strace $0x8FFFFFFF  }
0x99: {  	s19 =	sld [smem:$0x3FDB];
	_ =	sdelay $0x1  }
0x9a: {  	s5 =	simm.s32 $_scs_section_size  }
0x9b: {  	s6 =	simm.s32 $_size__tile_overlayer_lowered;
	s7 =	simm.s32 $_tile_overlayer_lowered  }
0x9c: {  	s22 =	simm.s32 $0x1BFF;
	s21 =	sshll.u32 s7, $0x1;
	s4 =	sadd.s32 s5, s19  }
0x9d: {  	s8 =	simm.s32 $0x0;
	s20 =	sshll.u32 s6, $0x1;
	s6 =	sadd.s32 s21, s4  }
0x9e: {  	[timem:s8], [sflag:s22] =	dma.local [hbm:s6], s20  }
0x9f: {  	_ =	swait.ge [sflag:s22], s20  }
0xa0: {  	s5 =	ssub.s32 $0x0, s20;
	[sflag:s22] =	ssyncset.done $0x0  }
0xa1: {  	[sflag:s22] =	ssyncadd.s32 s5;
	_ =	sdelay $0x1  }
0xa2: {  	s23 =	simm.s32 $0x1B8B  }
0xa3: {  	_ =	swait.ge [sflag:s23], $0x1  }
0xa4: {  	[sflag:s23] =	ssyncset.done $0x0  }
0xa5: {  	s25 =	simm.s32 $0x1B8E;
	s24 =	sld [smem:$0x3FFE];
	[sflag:s23] =	ssyncadd.s32 $0xFFFFFFFF  }
0xa6: {  	s26 =	simm.s32 $execute0_lowered;
	[smem:$0x3FD2] =	sst s25  }
0xa7: {  	s6 =	sshll.u32 s26, $0x1;
	_ =	strace $0x80000046;
	[dreg:$0x1] =	wrdreg $0xFFFFFFFF  }
0xa8: {  	s28 =	simm.s32 $_size_execute0_lowered;
	s4 =	sadd.s32 s4, s6;
	[dreg:$0x0] =	wrdreg $0x0  }
0xa9: {  	s6 =	sshll.u32 s28, $0x1;
	[dreg:$0x2] =	wrdreg s4  }
0xaa: {  	[dreg:$0x3] =	wrdreg s6  }
0xab: {  	[dreg:$0x4] =	wrdreg $0xC0  }
0xac: {  	_ =	task [dreg:s8], $0x5FFFF  }
0xad: {  	[dreg:$0x1] =	wrdreg $0xFFFFFFFF  }
0xae: {  	[dreg:$0x0] =	wrdreg $0x60  }
0xaf: {  	[dreg:$0x2] =	wrdreg s2  }
0xb0: {  	[dreg:$0x3] =	wrdreg s18  }
0xb1: {  	[dreg:$0x4] =	wrdreg s24  }
0xb2: {  	[dreg:$0x5] =	wrdreg $0x10D000  }
0xb3: {  	[dreg:$0x6] =	wrdreg $0x9  }
0xb4: {  	_ =	task.clear_ibuf [dreg:s8], $0x7FFFF;
	_ =	strace $0x90000046  }
0xb5: {  	s29 =	simm.s32 $0x9;
	_ =	strace $0x80000048  }
0xb6: {  	_ =	swait.ge [sflag:s29], $0x1  }
0xb7: {  	[sflag:s29] =	ssyncadd.s32 $0xFFFFFFFF  }
0xb8: {  	_ =	strace $0x90000048  }
0xb9: {  	_ =	sfence  }
0xba: {  	s30 =	sld [smem:$0x0];
	_ =	sdelay $0x2  }
0xbb: {  	s31 =	sshll.u32 s1, $0xD;
	s1 =	sshrl.u32 s1, $0x2  }
0xbc: {  	s3 =	sand.u32 $0x4000, s31;
	s1 =	sadd.s32 s1, s30  }
0xbd: {  	s0 =	sor.u32 s3, s0;
	s1 =	sshll.u32 s1, $0x11  }
0xbe: {  	s0 =	sor.u32 s1, s0  }
0xbf: {  	s0 =	sadd.s32 $0x8F2B, s0  }
0xc0: {  	[sflag:s0] =	ssyncadd.remote.s32 $0x1  }
0xc1: {  	_ =	sfence.sel $0xFFFF  }
0xc2: {  	[dreg:$0x0] =	wrdreg $0xFFFFFFFF;
	(pc) =	sbr.abs _section_cstart, $3  }
0xc3: {  	[dreg:$0x1] =	wrdreg $0xFFFFFFFF  }
0xc4: {  	_ =	task.clear_ibuf [dreg:s8], $0x2FFFF;
	_ =	strace $0x9FFFFFFF  }
0xc5: {  	(tm) =	ssettm $0x7FFFFFFF  }
tec
execute0_lowered:
.L_overlay_start_1:
0x0: {  	(tag) =	ssettag $0x1  }
0x1: {  	v1 =	vimm.s32 $0xFEDCBA98  }
0x2: {  	v2 =	vimm.s32 $0x76543210;
	s1 =	rddreg [dreg:$0x0];
	v4 =	vimm.s32 $0x32107654;
	vm0 =	vmmov $0x1  }
0x3: {  	s2 =	rddreg [dreg:$0x1];
	vm1 =	vcmask $0x2F20;
	vm2 =	vcmask $0xF00;
	vm3 =	vcmask $0x1710  }
0x4: {  	s17 =	stileid.u32;
	s6 =	simm.s32 $0xB00;
	s7 =	rddreg [dreg:$0x2];
	vm4 =	vcmask $0x700;
	v8 =	vimm.s32 $0xF7B3D591;
	v9 =	vimm.s32 $0xE6A2C480  }
0x5: {  	s23 =	srdreg.scid;
	s24 =	rddreg [dreg:$0x3];
	s8 =	simm.s32 $0x1;
	v1 =	vunpack.c.l.s4.s8 v1;
	v3 =	vunpack.c.l.s4.s8 v2;
	v2 =	vimm.s32 $0xBA98FEDC  }
0x6: {  	s4 =	simm.s32 $0x0;
	s18 =	simm.s32 $0x4000;
	s19 =	simm.s32 $0xC000;
	v4 =	vunpack.c.l.s4.s8 v4;
	vm3 =	vmor vm4, vm3;
	vm4 =	vcmask $0x2720  }
0x7: {  	s21 =	simm.s32 $0x5;
	s22 =	simm.s32 $0x10080;
	s28 =	simm.s32 $0x0;
	vm1 =	vmor vm2, vm1;
	v8 =	vunpack.c.l.s4.s8 v8;
	v6 =	vunpack.c.l.s4.s8 v2  }
0x8: {  	s0 =	sand.u32 $0x1, s17;
	s3 =	sand.u32 $0x1, s23;
	[smem:$0x7FF] =	sst s4;
	vm2 =	vmor vm3, vm4;
	vm3 =	vcmask $0x3730;
	v5 =	vunpack.c.0.s8.s32 v1  }
0x9: {  	s25 =	sshll.u32 s17, $0x4;
	s13 =	sshll.u32 s17, $0x7;
	s15 =	sshll.u32 s17, $0x8;
	vm4 =	vcmask $0x300;
	v3 =	vunpack.c.0.s8.s32 v3;
	v4 =	vunpack.c.0.s8.s32 v4  }
0xa: {  	s23 =	simm.s32 $0x3;
	p0 =	seq.s32 s0, $0x1;
	s0 =	sshll.u32 s3, $0x4;
	vm2 =	vmor vm2, vm3;
	v6 =	vunpack.c.0.s8.s32 v6;
	v5 =	vand.u32 $0xF, v5  }
0xb: {  	_ =	strace $0x80000047;
	s26 =	ssub.s32 $0x2, s3;
	s14 =	sadd.s32 s25, s7;
	vm3 =	vcmask $0xB08;
	v3 =	vcombine.low v5, v3;
	v5 =	vimm.s32 $0xDCFE98BA  }
0xc: {  	s3 =	sshll.u32 s3, $0x7;
	s13 =	sadd.s32 s13, s24;
	s5 =	sor.u32 s17, s0;
	v6 =	vcombine.low v4, v6;
	v4 =	vunpack.c.l.s4.s8 v5;
	v5 =	vimm.s32 $0x54761032  }
0xd: {  	s25 =	simm.s32 $0x2;
	s6 =	simm.s32 @!p0 $0x600;
	p1 =	seq.s32 s5, $0x0;
	vm3 =	vmor vm4, vm3;
	vm4 =	vcmask $0x1310;
	v5 =	vunpack.c.l.s4.s8 v5  }
0xe: {  	v9 =	vunpack.c.l.s4.s8 v9;
	v2 =	vimm.s32 $0x1;
	s29 =	sshrl.u32 s26, $0x1;
	s3 =	sadd.s32 s3, s14;
	p0 =	por !p1, !p0;
	vm3 =	vmor vm3, vm4  }
0xf: {  	s14 =	sadd.s32 s15, s24;
	s24 =	simm.s32 $0x10A80;
	vm4 =	vcmask $0x1B18;
	p0 =	por !p0, !p0;
	v4 =	vunpack.c.0.s8.s32 v4;
	v5 =	vunpack.c.0.s8.s32 v5  }
0x10: {  	v1 =	vimm.s32 $0x0;
	v8 =	vunpack.c.0.s8.s32 v8;
	s5 =	sshrl.u32 s5, $0x1;
	s16 =	ssub.s32 s26, s29;
	vm3 =	vmor vm3, vm4;
	s8 =	simm.s32 @!p0 $0x0  }
0x11: {  	s15 =	sadd.s32 $0xC00, s3;
	s26 =	simm.s32 $0x4;
	s5 =	ssub.s32 s5, s8;
	v7 =	vcombine.low v5, v4;
	v4 =	vimm.s32 $0xEFCDAB89;
	v5 =	vimm.s32 $0x67452301  }
0x12: {  	s16 =	smax.u32 s16, $0x1;
	vm4 =	vcmask $0x2320;
	p0 =	sgt.u32 s17, $0x7;
	s9 =	sshll.u32 s5, $0xC;
	v4 =	vunpack.c.l.s4.s8 v4;
	v5 =	vunpack.c.l.s4.s8 v5  }
0x13: {  	v9 =	vunpack.c.0.s8.s32 v9;
	v0 =	vmov s6;
	vm3 =	vmor vm3, vm4;
	s8 =	sshll.u32 s5, $0x4;
	s5 =	simm.s32 $0x1;
	s9 =	sor.u32 s6, s9  }
.Ltmp0:
0x14: {  	vm4 =	vcmask $0x2B28;
	s8 =	sand.u32 $0x1FFFFFF0, s8;
	s11 =	sshll.u32 s9, $0x4;
	v4 =	vunpack.c.0.s8.s32 v4;
	v5 =	vunpack.c.0.s8.s32 v5;
	(pc) =	sbr.rel .LBB2_1-.Ltmp0, $4  }
0x15: {  	v8 =	vcombine.low v9, v8;
	vm3 =	vmor vm3, vm4;
	vm4 =	vcmask $0x3330;
	s10 =	sadd.s32 s8, s7;
	s12 =	sshll.u32 s9, $0x7;
	s30 =	sand.u32 $0x1FFFF000, s11  }
0x16: {  	vm3 =	vmor vm3, vm4;
	vm4 =	vcmask $0x3B38;
	s10 =	sadd.s32 $0xA00, s10;
	s31 =	sadd.s32 s1, s30;
	s11 =	sor.u32 $0x800, s30;
	v10 =	vcombine.low v5, v4  }
0x17: {  	vm3 =	vmor vm3, vm4;
	vm4 =	vmmov $0xff;
	s7 =	sadd.s32 s2, s30;
	[dreg:$0x5] =	wrdreg s31;
	s8 =	sadd.s32 s1, s11;
	v4 =	vimm.f32 $0.0e+00  }
0x18: {  	s9 =	sadd.s32 s2, s11;
	s11 =	sadd.s32 $0x8000, s12;
	s12 =	sadd.s32 $0xC000, s12;
	v5 =	vand.u32 $0xF, v6;
	v6 =	vand.u32 $0xF, v7;
	v7 =	vand.u32 $0xF, v10  }
.LBB2_12:
0x19: {  	[spmem:s13] =	stream.linear.scatter [tilespmem:s24], [sflag:$0x5], $0x80, $0x38;
	[tilespmem:$0x10D80] =	vst v63  }
0x1a: {  	_ =	swait.ge [sflag:s21], $0x80  }
0x1b: {  	[sflag:s21] =	ssyncset.done $0x0  }
0x1c: {  	[sflag:s21] =	ssyncadd.s32 $0xFFFFFF80  }
0x1d: {  	s0 =	simm.s32 @!p0 $0x10B00;
	[bflag:$0x0] =	sbarrier.arrive $0xFFFF  }
0x1e: {  	[tilespmem:s0], [sflag:$0x5] =	stream.linear.gather @!p0 [spmem:s14], $0x100, $0x38;
	[tilespmem:$0x10D80] =	vst v63  }
0x1f: {  	s0 =	simm.s32 @!p0 $0x5  }
0x20: {  	_ =	swait.ge @!p0 [sflag:s0], $0x100  }
0x21: {  	[sflag:s0] =	ssyncset.done @!p0 $0x0  }
0x22: {  	[sflag:s0] =	ssyncadd.s32 @!p0 $0xFFFFFF00  }
0x23: {  	v9 =	vld @!p0 [tilespmem:$0x10B00]  }
0x24: {  	v10 =	vld @!p0 [tilespmem:$0x10B80]  }
0x25: {  	v11 =	vld @!p0 [tilespmem:$0x10B10]  }
0x26: {  	v12 =	vld @!p0 [tilespmem:$0x10B90]  }
0x27: {  	v13 =	vld @!p0 [tilespmem:$0x10B20]  }
0x28: {  	v14 =	vld @!p0 [tilespmem:$0x10BA0]  }
0x29: {  	v15 =	vld @!p0 [tilespmem:$0x10B30]  }
0x2a: {  	v16 =	vld @!p0 [tilespmem:$0x10BB0];
	_ =	sdelay $0x1  }
0x2b: {  	v9 =	vadd.f32 @!p0 v10, v9  }
0x2c: {  	v10 =	vadd.f32 @!p0 v12, v11  }
0x2d: {  	[tilespmem:$0x10C00] =	vst @!p0 v9;
	v9 =	vadd.f32 @!p0 v14, v13  }
0x2e: {  	s28 =	sadd.s32 $0x1, s28;
	[tilespmem:$0x10C10] =	vst @!p0 v10;
	v10 =	vadd.f32 @!p0 v16, v15  }
0x2f: {  	p1 =	sne.s32 s28, s16;
	[tilespmem:$0x10C20] =	vst @!p0 v9  }
.Ltmp1:
0x30: {  	s3 =	simm.s32 @!p0 $0x0;
	s6 =	simm.s32 @!p0 $0x10C00;
	[tilespmem:$0x10C30] =	vst @!p0 v10;
	(pc) =	sbr.rel @!p1 .LBB2_13-.Ltmp1, $4  }
0x31: {  	[hbm4b:s15+s3] =	stream.linear.scatter @!p0 [tilespmem:s6], [sflag:$0x5], $0x80, $0x38;
	[tilespmem:$0x10D80] =	vst v63  }
0x32: {  	_ =	swait.ge @!p0 [sflag:s0], $0x80  }
0x33: {  	[sflag:s0] =	ssyncset.done @!p0 $0x0  }
0x34: {  	[sflag:s0] =	ssyncadd.s32 @!p0 $0xFFFFFF80  }
.LBB2_1:
0x35: {  	s0 =	rddreg [dreg:$0x5]  }
0x36: {  	[tilespmem:s4], [sflag:$0x1] =	stream.linear.gather [hbm4b:s0+s4], $0x4000, $0x38;
	[tilespmem:$0x10D80] =	vst v63  }
0x37: {  	s30 =	simm.s32 $0x8000  }
0x38: {  	[tilespmem:s30], [sflag:$0x3] =	stream.linear.gather [hbm4b:s7+s4], $0x4000, $0x38;
	[tilespmem:$0x10D80] =	vst v63  }
0x39: {  	_ = 	snop  }
0x3a: {  	[tilespmem:s18], [sflag:$0x2] =	stream.linear.gather [hbm4b:s8+s4], $0x4000, $0x38;
	[tilespmem:$0x10D80] =	vst v63  }
0x3b: {  	_ = 	snop  }
0x3c: {  	[tilespmem:s19], [sflag:$0x4] =	stream.linear.gather [hbm4b:s9+s4], $0x4000, $0x38;
	[tilespmem:$0x10D80] =	vst v63  }
0x3d: {  	s31 =	simm.s32 $0x10000  }
0x3e: {  	[tilespmem:s31], [sflag:$0x5] =	stream.linear.gather [hbm4b:s10+s4], $0x80, $0x38;
	[tilespmem:$0x10D80] =	vst v63  }
0x3f: {  	_ =	swait.ge [sflag:s21], $0x80  }
0x40: {  	[sflag:s21] =	ssyncset.done $0x0  }
0x41: {  	s3 =	simm.s32 $0x0;
	s0 =	simm.s32 $0x40;
	[sflag:s21] =	ssyncadd.s32 $0xFFFFFF80  }
.LBB2_2:
0x42: {  	p1 =	sne.s32 s0, $0x13C0;
	[tilespmem:s3+$0x10080] =	vst v1;
	s3 =	smov.u32 s0;
	s0 =	sadd.s32 $0x40, s0  }
.Ltmp2:
0x43: {  	(pc) =	sbr.rel @p1 .LBB2_2-.Ltmp2, $2  }
0x44: {  	_ =	sdelay $0x2  }
0x45: {  	s3 =	sshra.s32 s3, $0x2  }
0x46: {  	[tilespmem:s3+$0x10080] =	vst v1  }
0x47: {  	v9 =	vld [tilespmem:$0x10000];
	_ =	sdelay $0x4  }
0x48: {  	v9 =	vsub.s32 v9, v0  }
0x49: {  	vm5 =	vlt.s32 v9, $0x500;
	vm6 =	vgt.s32 v9, $0x0  }
0x4a: {  	v9 =	vnsel vm6, $0x0, v9;
	_ =	sdelay $0x4  }
0x4b: {  	[tilespmem:v9+s22+$0x0] =	vst.idx.add.s32.msk vm5, v2  }
0x4c: {  	v9 =	vld [tilespmem:$0x10010];
	_ =	sdelay $0x4  }
0x4d: {  	v9 =	vsub.s32 v9, v0  }
0x4e: {  	vm5 =	vlt.s32 v9, $0x500;
	vm6 =	vgt.s32 v9, $0x0  }
0x4f: {  	v9 =	vnsel vm6, $0x0, v9;
	_ =	sdelay $0x4  }
0x50: {  	[tilespmem:v9+s22+$0x0] =	vst.idx.add.s32.msk vm5, v2  }
0x51: {  	v9 =	vld [tilespmem:$0x10020];
	_ =	sdelay $0x4  }
0x52: {  	v9 =	vsub.s32 v9, v0  }
0x53: {  	vm5 =	vlt.s32 v9, $0x500;
	vm6 =	vgt.s32 v9, $0x0  }
0x54: {  	v9 =	vnsel vm6, $0x0, v9;
	_ =	sdelay $0x4  }
0x55: {  	[tilespmem:v9+s22+$0x0] =	vst.idx.add.s32.msk vm5, v2  }
0x56: {  	v9 =	vld [tilespmem:$0x10030];
	_ =	sdelay $0x4  }
0x57: {  	v9 =	vsub.s32 v9, v0  }
0x58: {  	vm5 =	vlt.s32 v9, $0x500;
	vm6 =	vgt.s32 v9, $0x0  }
0x59: {  	v9 =	vnsel vm6, $0x0, v9;
	_ =	sdelay $0x4  }
0x5a: {  	[tilespmem:v9+s22+$0x0] =	vst.idx.add.s32.msk vm5, v2  }
0x5b: {  	v9 =	vld [tilespmem:$0x10040];
	_ =	sdelay $0x4  }
0x5c: {  	v9 =	vsub.s32 v9, v0  }
0x5d: {  	vm5 =	vlt.s32 v9, $0x500  }
0x5e: {  	vm6 =	vgt.s32 v9, $0x0;
	vm5 =	vmand vm5, vm0  }
0x5f: {  	v9 =	vnsel vm6, $0x0, v9;
	_ =	sdelay $0x4  }
0x60: {  	s3 =	simm.s32 $0x0;
	[tilespmem:v9+s22+$0x0] =	vst.idx.add.s32.msk vm5, v2  }
0x61: {  	v9 =	vld [tilespmem:s3+$0x10080];
	_ =	sdelay $0x4  }
0x62: {  	(xrf0) =	vadd.scan.msk.s32 $0xffff, v9;
	_ =	sdelay $0x5  }
0x63: {  	v11, _, _ =	vpop (xrf0)  }
0x64: {  	(v2sf) =	vpush v11, $0xF  }
0x65: {  	s29 =	simm.s32 $0x10  }
0x66: {  	s30 =	simm.s32 $0x20;
	v9 =	vld [tilespmem:s29+$0x10080]  }
0x67: {  	v10 =	vld [tilespmem:s30+$0x10080];
	_ =	sdelay $0x3  }
0x68: {  	(xrf0) =	vadd.scan.msk.s32 $0xffff, v9  }
0x69: {  	(xrf0) =	vadd.scan.msk.s32 $0xffff, v10  }
0x6a: {  	s0 =	simm.s32 $0x0  }
0x6b: {  	v9 =	vmov s0  }
0x6c: {  	v9 =	vadd.s32 $0xFFFFFFFF, v9;
	_ =	sdelay $0x1  }
0x6d: {  	s31 =	simm.s32 $0x30;
	v10, _, _ =	vpop (xrf0)  }
0x6e: {  	v12 =	vld [tilespmem:s31+$0x10080];
	v13 =	vbroadcast v9, $0x0;
	(v2sf) =	vpush v10, $0xF;
	v9, _, _ =	vpop (xrf0)  }
0x6f: {  	s17 =	spop (v2sf);
	(v2sf) =	vpush v9, $0xF;
	_ =	sdelay $0x3  }
0x70: {  	s0 =	simm.s32 $0x40;
	(xrf0) =	vadd.scan.msk.s32 $0xffff, v12  }
0x71: {  	v12 =	vld [tilespmem:s0+$0x10080];
	_ =	sdelay $0x2  }
0x72: {  	v11 =	vadd.s32 v11, v13  }
0x73: {  	s20 =	simm.s32 $0x140;
	vm5 =	vlt.u32 v11, $0x40;
	s17 =	sadd.s32 $0x0, s17  }
.LBB2_4:
0x74: {  	s6 =	sshra.s32 s20, $0x2;
	p1 =	sne.s32 s20, $0x13C0;
	s20 =	sadd.s32 $0x40, s20;
	(xrf0) =	vadd.scan.msk.s32 $0xffff, v12;
	v13, _, _ =	vpop (xrf0);
	v14 =	vmov s17;
	v11 =	vnsel vm5, $0x7F, v11  }
.Ltmp3:
0x75: {  	v12 =	vld [tilespmem:s6+$0x10080];
	(v2sf) =	vpush v13, $0xF;
	v14 =	vadd.s32 $0xFFFFFFFF, v14;
	[tilespmem:s3+$0x10580] =	vst v11;
	s3 =	smov.u32 s29;
	s29 =	smov.u32 s30;
	(pc) =	sbr.rel @p1 .LBB2_4-.Ltmp3, $4  }
0x76: {  	s30 =	smov.u32 s31;
	s31 =	smov.u32 s0;
	s0 =	smov.u32 s6;
	v11 =	vbroadcast v14, $0x0  }
0x77: {  	_ = 	snop  }
0x78: {  	v11 =	vadd.s32 v10, v11;
	s6 =	spop (v2sf);
	v10 =	vmov v9;
	v9 =	vmov v13  }
0x79: {  	vm5 =	vlt.u32 v11, $0x40;
	s17 =	sadd.s32 s17, s6  }
0x7a: {  	v13, _, _ =	vpop (xrf0)  }
0x7b: {  	(v2sf) =	vpush v13, $0xF;
	_ =	sdelay $0x9  }
0x7c: {  	(xrf0) =	vadd.scan.msk.s32 $0xffff, v12;
	_ =	sdelay $0x1  }
0x7d: {  	s6 =	spop (v2sf)  }
0x7e: {  	s6 =	sadd.s32 s17, s6  }
0x7f: {  	v60 =	vmov s17;
	v14 =	vmov s6;
	s20 =	spop (v2sf)  }
0x80: {  	v11 =	vnsel vm5, $0x7F, v11;
	v12 =	vadd.s32 $0xFFFFFFFF, v60;
	v14 =	vadd.s32 $0xFFFFFFFF, v14;
	s6 =	sadd.s32 s6, s20;
	s20 =	spop (v2sf)  }
0x81: {  	v12 =	vbroadcast v12, $0x0;
	v14 =	vbroadcast v14, $0x0;
	v61, _, _ =	vpop (xrf0);
	v15 =	vmov s6;
	s6 =	sadd.s32 s6, s20  }
0x82: {  	(v2sf) =	vpush v61, $0xF;
	v15 =	vadd.s32 $0xFFFFFFFF, v15;
	v16 =	vmov s6  }
0x83: {  	v10 =	vadd.s32 v10, v12;
	v62 =	vbroadcast v15, $0x0;
	v63 =	vadd.s32 $0xFFFFFFFF, v16  }
0x84: {  	vm5 =	vlt.u32 v10, $0x40;
	v9 =	vadd.s32 v9, v14;
	v15 =	vbroadcast v63, $0x0  }
0x85: {  	[tilespmem:s3+$0x10580] =	vst v11;
	v10 =	vnsel vm5, $0x7F, v10;
	vm5 =	vlt.u32 v9, $0x40;
	v11 =	vadd.s32 v13, v62  }
0x86: {  	[tilespmem:s29+$0x10580] =	vst v10;
	v9 =	vnsel vm5, $0x7F, v9;
	vm5 =	vlt.u32 v11, $0x40;
	v10 =	vadd.s32 v61, v15  }
0x87: {  	[tilespmem:s30+$0x10580] =	vst v9;
	v9 =	vnsel vm5, $0x7F, v11;
	vm5 =	vlt.u32 v10, $0x40  }
0x88: {  	[tilespmem:s31+$0x10580] =	vst v9;
	v9 =	vnsel vm5, $0x7F, v10  }
0x89: {  	[tilespmem:s0+$0x10580] =	vst v9  }
0x8a: {  	[tilespmem:$0x10A80] =	vst v4  }
0x8b: {  	[tilespmem:$0x10A90] =	vst v4  }
0x8c: {  	[tilespmem:$0x10AA0] =	vst v4  }
0x8d: {  	[tilespmem:$0x10AB0] =	vst v4  }
0x8e: {  	[tilespmem:$0x10AC0] =	vst v4  }
0x8f: {  	[tilespmem:$0x10AD0] =	vst v4  }
0x90: {  	[tilespmem:$0x10AE0] =	vst v4  }
0x91: {  	s29 =	simm.s32 $0x0;
	s31 =	spop (v2sf);
	[tilespmem:$0x10AF0] =	vst v4  }
.LBB2_6:
0x92: {  	_ =	swait.ge [sflag:s5], $0x4000  }
0x93: {  	[sflag:s5] =	ssyncset.done $0x0  }
0x94: {  	s0 =	sshll.u32 s29, $0x8;
	[sflag:s5] =	ssyncadd.s32 $0xFFFFC000  }
0x95: {  	s31 =	sand.u32 $0x3FFFFF00, s0;
	_ =	swait.ge [sflag:s23], $0x4000  }
0x96: {  	s0 =	sadd.s32 $0x10580, s31;
	[sflag:s23] =	ssyncset.done $0x0  }
0x97: {  	s30 =	simm.s32 $0x0;
	v9 =	vmov s0;
	[sflag:s23] =	ssyncadd.s32 $0xFFFFC000  }
.LBB2_7:
0x98: {  	s3 =	sshll.u32 s30, $0xB  }
0x99: {  	v10 =	vld [tilespmem:s3+$0x0]  }
0x9a: {  	v11 =	vld [tilespmem:s3+$0x8000]  }
0x9b: {  	v12 =	vld [tilespmem:s3+$0x10]  }
0x9c: {  	v13 =	vld [tilespmem:s3+$0x8010]  }
0x9d: {  	v14 =	vld [tilespmem:s3+$0x20]  }
0x9e: {  	v15 =	vld [tilespmem:s3+$0x8020]  }
0x9f: {  	v16 =	vld [tilespmem:s3+$0x30]  }
0xa0: {  	v17 =	vld [tilespmem:s3+$0x8030]  }
0xa1: {  	v18 =	vld [tilespmem:s3+$0x40]  }
0xa2: {  	v19 =	vld [tilespmem:s3+$0x8040]  }
0xa3: {  	v20 =	vld [tilespmem:s3+$0x50]  }
0xa4: {  	v21 =	vld [tilespmem:s3+$0x8050]  }
0xa5: {  	v22 =	vld [tilespmem:s3+$0x60]  }
0xa6: {  	v23 =	vld [tilespmem:s3+$0x8060]  }
0xa7: {  	v24 =	vld [tilespmem:s3+$0x70]  }
0xa8: {  	v25 =	vld [tilespmem:s3+$0x8070]  }
0xa9: {  	v26 =	vld [tilespmem:s3+$0x80]  }
0xaa: {  	v27 =	vld [tilespmem:s3+$0x8080]  }
0xab: {  	v28 =	vld [tilespmem:s3+$0x90]  }
0xac: {  	v29 =	vld [tilespmem:s3+$0x8090]  }
0xad: {  	v30 =	vld [tilespmem:s3+$0xA0]  }
0xae: {  	v31 =	vld [tilespmem:s3+$0x80A0]  }
0xaf: {  	v32 =	vld [tilespmem:s3+$0xB0]  }
0xb0: {  	v33 =	vld [tilespmem:s3+$0x80B0]  }
0xb1: {  	v34 =	vld [tilespmem:s3+$0xC0]  }
0xb2: {  	v35 =	vld [tilespmem:s3+$0x80C0];
	v10 =	vsub.f32 v10, v11  }
0xb3: {  	v36 =	vld [tilespmem:s3+$0x80D0];
	v12 =	vsub.f32 v12, v13;
	v63 =	vsub.f32 v14, v15  }
0xb4: {  	v39 =	vld [tilespmem:s3+$0xE0];
	v37 =	vsub.f32 v16, v17;
	v38 =	vsub.f32 v18, v19  }
0xb5: {  	v41 =	vld [tilespmem:s3+$0x80E0];
	v40 =	vsub.f32 v20, v21;
	v42 =	vsub.f32 v22, v23  }
0xb6: {  	v43 =	vld [tilespmem:s3+$0xF0];
	v44 =	vsub.f32 v24, v25;
	v46 =	vsub.f32 v26, v27  }
0xb7: {  	v45 =	vld [tilespmem:s3+$0x80F0];
	v47 =	vsub.f32 v28, v29;
	v10 =	vmul.f32 v10, v10;
	v12 =	vmul.f32 v12, v12  }
0xb8: {  	v11 =	vld [tilespmem:s3+$0xD0];
	v48 =	vsub.f32 v30, v31;
	v13 =	vmul.f32 v63, v63;
	v15 =	vmul.f32 v37, v37  }
0xb9: {  	v49 =	vsub.f32 v32, v33;
	v16 =	vmul.f32 v38, v38;
	v18 =	vmul.f32 v40, v40  }
0xba: {  	v50 =	vsub.f32 v34, v35;
	v20 =	vmul.f32 v42, v42;
	v22 =	vmul.f32 v44, v44  }
0xbb: {  	v17 =	vsub.f32 v39, v41;
	v23 =	vmul.f32 v46, v46;
	v24 =	vmul.f32 v47, v47  }
0xbc: {  	v51 =	vmul.f32 v49, v49;
	v52 =	vmul.f32 v50, v50;
	v10 =	vadd.f32 v12, v10  }
0xbd: {  	v17 =	vmul.f32 v17, v17;
	v12 =	vsub.f32 v43, v45;
	v11 =	vsub.f32 v11, v36  }
0xbe: {  	v13 =	vadd.f32 v15, v13;
	v15 =	vmul.f32 v48, v48;
	v16 =	vadd.f32 v18, v16  }
0xbf: {  	v53 =	vadd.f32 v22, v20;
	v12 =	vmul.f32 v12, v12;
	v11 =	vmul.f32 v11, v11  }
0xc0: {  	v54 =	vadd.f32 v24, v23;
	v14 =	vadd.f32 v51, v15  }
0xc1: {  	v12 =	vadd.f32 v12, v17;
	v11 =	vadd.f32 v11, v52  }
0xc2: {  	v10 =	vadd.f32 v13, v10;
	v55 =	vadd.f32 v53, v16  }
0xc3: {  	v14 =	vadd.f32 v14, v54;
	v11 =	vadd.f32 v12, v11;
	_ =	sdelay $0x1  }
0xc4: {  	v10 =	vadd.f32 v55, v10;
	v11 =	vadd.f32 v11, v14;
	_ =	sdelay $0x1  }
0xc5: {  	v56 =	vperm.xlane v10, v3;
	v57 =	vperm.xlane v11, v3;
	_ =	sdelay $0x1  }
0xc6: {  	v10 =	vadd.f32 v56, v10;
	v11 =	vadd.f32 v11, v57;
	_ =	sdelay $0x1  }
0xc7: {  	v10 =	vsel vm4, v10, v11  }
0xc8: {  	[tilespmem:$0x10C80] =	vst v10  }
0xc9: {  	v11 =	vld [tilespmem:s3+$0x100]  }
0xca: {  	v58 =	vld [tilespmem:s3+$0x8100]  }
0xcb: {  	v59 =	vld [tilespmem:s3+$0x110]  }
0xcc: {  	v60 =	vld [tilespmem:s3+$0x8110]  }
0xcd: {  	v61 =	vld [tilespmem:s3+$0x120]  }
0xce: {  	v62 =	vld [tilespmem:s3+$0x8120]  }
0xcf: {  	v63 =	vld [tilespmem:s3+$0x130]  }
0xd0: {  	v40 =	vld [tilespmem:s3+$0x8130]  }
0xd1: {  	v41 =	vld [tilespmem:s3+$0x140]  }
0xd2: {  	v42 =	vld [tilespmem:s3+$0x8140]  }
0xd3: {  	v43 =	vld [tilespmem:s3+$0x150]  }
0xd4: {  	v44 =	vld [tilespmem:s3+$0x8150]  }
0xd5: {  	v45 =	vld [tilespmem:s3+$0x160]  }
0xd6: {  	v46 =	vld [tilespmem:s3+$0x8160]  }
0xd7: {  	v47 =	vld [tilespmem:s3+$0x170]  }
0xd8: {  	v48 =	vld [tilespmem:s3+$0x8170]  }
0xd9: {  	v49 =	vld [tilespmem:s3+$0x180]  }
0xda: {  	v50 =	vld [tilespmem:s3+$0x8180]  }
0xdb: {  	v51 =	vld [tilespmem:s3+$0x190]  }
0xdc: {  	v52 =	vld [tilespmem:s3+$0x8190]  }
0xdd: {  	v53 =	vld [tilespmem:s3+$0x1A0]  }
0xde: {  	v54 =	vld [tilespmem:s3+$0x81A0]  }
0xdf: {  	v55 =	vld [tilespmem:s3+$0x1B0]  }
0xe0: {  	v56 =	vld [tilespmem:s3+$0x81B0]  }
0xe1: {  	v57 =	vld [tilespmem:s3+$0x1C0]  }
0xe2: {  	v36 =	vld [tilespmem:s3+$0x81C0];
	v11 =	vsub.f32 v11, v58  }
0xe3: {  	v38 =	vld [tilespmem:s3+$0x81E0];
	v13 =	vsub.f32 v59, v60;
	v59 =	vsub.f32 v61, v62  }
0xe4: {  	v58 =	vld [tilespmem:s3+$0x1D0];
	v61 =	vsub.f32 v63, v40;
	v62 =	vsub.f32 v41, v42  }
0xe5: {  	v60 =	vld [tilespmem:s3+$0x81D0];
	v37 =	vsub.f32 v43, v44;
	v39 =	vsub.f32 v45, v46  }
0xe6: {  	v63 =	vld [tilespmem:s3+$0x1E0];
	v41 =	vsub.f32 v47, v48;
	v43 =	vsub.f32 v49, v50  }
0xe7: {  	v40 =	vld [tilespmem:s3+$0x1F0];
	v44 =	vsub.f32 v51, v52;
	v11 =	vmul.f32 v11, v11;
	v13 =	vmul.f32 v13, v13  }
0xe8: {  	v42 =	vld [tilespmem:s3+$0x81F0];
	v45 =	vsub.f32 v53, v54;
	v14 =	vmul.f32 v59, v59;
	v16 =	vmul.f32 v61, v61  }
0xe9: {  	v46 =	vsub.f32 v55, v56;
	v17 =	vmul.f32 v62, v62;
	v19 =	vmul.f32 v37, v37  }
0xea: {  	v47 =	vsub.f32 v57, v36;
	v21 =	vmul.f32 v39, v39;
	v23 =	vmul.f32 v41, v41  }
0xeb: {  	v24 =	vmul.f32 v43, v43;
	v25 =	vmul.f32 v44, v44;
	v11 =	vadd.f32 v13, v11  }
0xec: {  	v48 =	vmul.f32 v46, v46;
	v14 =	vadd.f32 v16, v14;
	v12 =	vsub.f32 v58, v60  }
0xed: {  	v49 =	vmul.f32 v47, v47;
	v18 =	vsub.f32 v63, v38;
	v13 =	vsub.f32 v40, v42  }
0xee: {  	v16 =	vmul.f32 v45, v45;
	v17 =	vadd.f32 v19, v17;
	v12 =	vmul.f32 v12, v12  }
0xef: {  	v50 =	vadd.f32 v23, v21;
	v18 =	vmul.f32 v18, v18;
	v13 =	vmul.f32 v13, v13  }
0xf0: {  	v51 =	vadd.f32 v25, v24;
	v15 =	vadd.f32 v48, v16  }
0xf1: {  	v12 =	vadd.f32 v12, v49;
	v13 =	vadd.f32 v13, v18  }
0xf2: {  	v11 =	vadd.f32 v14, v11;
	v52 =	vadd.f32 v50, v17  }
0xf3: {  	v15 =	vadd.f32 v15, v51;
	v12 =	vadd.f32 v13, v12;
	_ =	sdelay $0x1  }
0xf4: {  	v11 =	vadd.f32 v52, v11;
	v12 =	vadd.f32 v12, v15;
	_ =	sdelay $0x1  }
0xf5: {  	v53 =	vperm.xlane v11, v3;
	v54 =	vperm.xlane v12, v3;
	_ =	sdelay $0x1  }
0xf6: {  	v11 =	vadd.f32 v53, v11;
	v12 =	vadd.f32 v12, v54;
	_ =	sdelay $0x1  }
0xf7: {  	v11 =	vsel vm4, v11, v12  }
0xf8: {  	[tilespmem:$0x10C90] =	vst v11  }
0xf9: {  	v12 =	vld [tilespmem:s3+$0x200]  }
0xfa: {  	v55 =	vld [tilespmem:s3+$0x8200]  }
0xfb: {  	v56 =	vld [tilespmem:s3+$0x210]  }
0xfc: {  	v57 =	vld [tilespmem:s3+$0x8210]  }
0xfd: {  	v58 =	vld [tilespmem:s3+$0x220]  }
0xfe: {  	v59 =	vld [tilespmem:s3+$0x8220]  }
0xff: {  	v60 =	vld [tilespmem:s3+$0x230]  }
0x100: {  	v61 =	vld [tilespmem:s3+$0x8230]  }
0x101: {  	v62 =	vld [tilespmem:s3+$0x240]  }
0x102: {  	v63 =	vld [tilespmem:s3+$0x8240]  }
0x103: {  	v40 =	vld [tilespmem:s3+$0x250]  }
0x104: {  	v41 =	vld [tilespmem:s3+$0x8250]  }
0x105: {  	v42 =	vld [tilespmem:s3+$0x260]  }
0x106: {  	v43 =	vld [tilespmem:s3+$0x8260]  }
0x107: {  	v44 =	vld [tilespmem:s3+$0x270]  }
0x108: {  	v45 =	vld [tilespmem:s3+$0x8270]  }
0x109: {  	v46 =	vld [tilespmem:s3+$0x280]  }
0x10a: {  	v47 =	vld [tilespmem:s3+$0x8280]  }
0x10b: {  	v48 =	vld [tilespmem:s3+$0x290]  }
0x10c: {  	v49 =	vld [tilespmem:s3+$0x8290]  }
0x10d: {  	v50 =	vld [tilespmem:s3+$0x2A0]  }
0x10e: {  	v51 =	vld [tilespmem:s3+$0x82A0]  }
0x10f: {  	v52 =	vld [tilespmem:s3+$0x2B0]  }
0x110: {  	v53 =	vld [tilespmem:s3+$0x82B0]  }
0x111: {  	v54 =	vld [tilespmem:s3+$0x2C0]  }
0x112: {  	v37 =	vld [tilespmem:s3+$0x82C0];
	v12 =	vsub.f32 v12, v55  }
0x113: {  	v38 =	vld [tilespmem:s3+$0x2F0];
	v14 =	vsub.f32 v56, v57;
	v56 =	vsub.f32 v58, v59  }
0x114: {  	v55 =	vld [tilespmem:s3+$0x2D0];
	v58 =	vsub.f32 v60, v61;
	v59 =	vsub.f32 v62, v63  }
0x115: {  	v57 =	vld [tilespmem:s3+$0x82D0];
	v61 =	vsub.f32 v40, v41;
	v63 =	vsub.f32 v42, v43  }
0x116: {  	v60 =	vld [tilespmem:s3+$0x2E0];
	v39 =	vsub.f32 v44, v45;
	v41 =	vsub.f32 v46, v47  }
0x117: {  	v62 =	vld [tilespmem:s3+$0x82E0];
	v42 =	vsub.f32 v48, v49;
	v12 =	vmul.f32 v12, v12;
	v14 =	vmul.f32 v14, v14  }
0x118: {  	v40 =	vld [tilespmem:s3+$0x82F0];
	v43 =	vsub.f32 v50, v51;
	v15 =	vmul.f32 v56, v56;
	v17 =	vmul.f32 v58, v58  }
0x119: {  	v44 =	vsub.f32 v52, v53;
	v18 =	vmul.f32 v59, v59;
	v20 =	vmul.f32 v61, v61  }
0x11a: {  	v45 =	vsub.f32 v54, v37;
	v22 =	vmul.f32 v63, v63;
	v24 =	vmul.f32 v39, v39  }
0x11b: {  	v25 =	vmul.f32 v41, v41;
	v26 =	vmul.f32 v42, v42;
	v12 =	vadd.f32 v14, v12  }
0x11c: {  	v46 =	vmul.f32 v44, v44;
	v15 =	vadd.f32 v17, v15;
	v13 =	vsub.f32 v55, v57  }
0x11d: {  	v47 =	vmul.f32 v45, v45;
	v19 =	vsub.f32 v60, v62;
	v14 =	vsub.f32 v38, v40  }
0x11e: {  	v17 =	vmul.f32 v43, v43;
	v18 =	vadd.f32 v20, v18;
	v13 =	vmul.f32 v13, v13  }
0x11f: {  	v48 =	vadd.f32 v24, v22;
	v19 =	vmul.f32 v19, v19;
	v14 =	vmul.f32 v14, v14  }
0x120: {  	v49 =	vadd.f32 v26, v25;
	v16 =	vadd.f32 v46, v17  }
0x121: {  	v13 =	vadd.f32 v13, v47;
	v14 =	vadd.f32 v14, v19  }
0x122: {  	v12 =	vadd.f32 v15, v12;
	v50 =	vadd.f32 v48, v18  }
0x123: {  	v16 =	vadd.f32 v16, v49;
	v13 =	vadd.f32 v14, v13;
	_ =	sdelay $0x1  }
0x124: {  	v12 =	vadd.f32 v50, v12;
	v13 =	vadd.f32 v13, v16;
	_ =	sdelay $0x1  }
0x125: {  	v51 =	vperm.xlane v12, v3;
	v52 =	vperm.xlane v13, v3;
	_ =	sdelay $0x1  }
0x126: {  	v12 =	vadd.f32 v51, v12;
	v13 =	vadd.f32 v13, v52;
	_ =	sdelay $0x1  }
0x127: {  	v12 =	vsel vm4, v12, v13  }
0x128: {  	[tilespmem:$0x10CA0] =	vst v12  }
0x129: {  	v13 =	vld [tilespmem:s3+$0x300]  }
0x12a: {  	v53 =	vld [tilespmem:s3+$0x8300]  }
0x12b: {  	v54 =	vld [tilespmem:s3+$0x310]  }
0x12c: {  	v55 =	vld [tilespmem:s3+$0x8310]  }
0x12d: {  	v56 =	vld [tilespmem:s3+$0x320]  }
0x12e: {  	v57 =	vld [tilespmem:s3+$0x8320]  }
0x12f: {  	v58 =	vld [tilespmem:s3+$0x330]  }
0x130: {  	v59 =	vld [tilespmem:s3+$0x8330]  }
0x131: {  	v60 =	vld [tilespmem:s3+$0x340]  }
0x132: {  	v61 =	vld [tilespmem:s3+$0x8340]  }
0x133: {  	v62 =	vld [tilespmem:s3+$0x350]  }
0x134: {  	v63 =	vld [tilespmem:s3+$0x8350]  }
0x135: {  	v40 =	vld [tilespmem:s3+$0x360]  }
0x136: {  	v41 =	vld [tilespmem:s3+$0x8360]  }
0x137: {  	v42 =	vld [tilespmem:s3+$0x370]  }
0x138: {  	v43 =	vld [tilespmem:s3+$0x8370]  }
0x139: {  	v44 =	vld [tilespmem:s3+$0x380]  }
0x13a: {  	v45 =	vld [tilespmem:s3+$0x8380]  }
0x13b: {  	v46 =	vld [tilespmem:s3+$0x390]  }
0x13c: {  	v47 =	vld [tilespmem:s3+$0x8390]  }
0x13d: {  	v48 =	vld [tilespmem:s3+$0x3A0]  }
0x13e: {  	v49 =	vld [tilespmem:s3+$0x83A0]  }
0x13f: {  	v50 =	vld [tilespmem:s3+$0x3B0]  }
0x140: {  	v51 =	vld [tilespmem:s3+$0x83B0]  }
0x141: {  	v52 =	vld [tilespmem:s3+$0x3C0]  }
0x142: {  	v38 =	vld [tilespmem:s3+$0x83C0];
	v13 =	vsub.f32 v13, v53  }
0x143: {  	v39 =	vld [tilespmem:s3+$0x83F0];
	v15 =	vsub.f32 v54, v55;
	v54 =	vsub.f32 v56, v57  }
0x144: {  	v53 =	vld [tilespmem:s3+$0x3D0];
	v56 =	vsub.f32 v58, v59;
	v57 =	vsub.f32 v60, v61  }
0x145: {  	v55 =	vld [tilespmem:s3+$0x83D0];
	v59 =	vsub.f32 v62, v63;
	v61 =	vsub.f32 v40, v41  }
0x146: {  	v58 =	vld [tilespmem:s3+$0x3E0];
	v63 =	vsub.f32 v42, v43;
	v40 =	vsub.f32 v44, v45  }
0x147: {  	v60 =	vld [tilespmem:s3+$0x83E0];
	v41 =	vsub.f32 v46, v47;
	v13 =	vmul.f32 v13, v13;
	v15 =	vmul.f32 v15, v15  }
0x148: {  	v62 =	vld [tilespmem:s3+$0x3F0];
	v42 =	vsub.f32 v48, v49;
	v16 =	vmul.f32 v54, v54;
	v18 =	vmul.f32 v56, v56  }
0x149: {  	v43 =	vsub.f32 v50, v51;
	v19 =	vmul.f32 v57, v57;
	v21 =	vmul.f32 v59, v59  }
0x14a: {  	v44 =	vsub.f32 v52, v38;
	v23 =	vmul.f32 v61, v61;
	v25 =	vmul.f32 v63, v63  }
0x14b: {  	v26 =	vmul.f32 v40, v40;
	v27 =	vmul.f32 v41, v41;
	v13 =	vadd.f32 v15, v13  }
0x14c: {  	v45 =	vmul.f32 v43, v43;
	v16 =	vadd.f32 v18, v16;
	v14 =	vsub.f32 v53, v55  }
0x14d: {  	v46 =	vmul.f32 v44, v44;
	v20 =	vsub.f32 v58, v60;
	v15 =	vsub.f32 v62, v39  }
0x14e: {  	v18 =	vmul.f32 v42, v42;
	v19 =	vadd.f32 v21, v19;
	v14 =	vmul.f32 v14, v14  }
0x14f: {  	v47 =	vadd.f32 v25, v23;
	v20 =	vmul.f32 v20, v20;
	v15 =	vmul.f32 v15, v15  }
0x150: {  	v48 =	vadd.f32 v27, v26;
	v17 =	vadd.f32 v45, v18  }
0x151: {  	v14 =	vadd.f32 v14, v46;
	v15 =	vadd.f32 v15, v20  }
0x152: {  	v13 =	vadd.f32 v16, v13;
	v49 =	vadd.f32 v47, v19  }
0x153: {  	v17 =	vadd.f32 v17, v48;
	v14 =	vadd.f32 v15, v14;
	_ =	sdelay $0x1  }
0x154: {  	v13 =	vadd.f32 v49, v13;
	v14 =	vadd.f32 v14, v17;
	_ =	sdelay $0x1  }
0x155: {  	v50 =	vperm.xlane v13, v3;
	v51 =	vperm.xlane v14, v3;
	_ =	sdelay $0x1  }
0x156: {  	v13 =	vadd.f32 v50, v13;
	v14 =	vadd.f32 v14, v51;
	_ =	sdelay $0x1  }
0x157: {  	v13 =	vsel vm4, v13, v14  }
0x158: {  	[tilespmem:$0x10CB0] =	vst v13  }
0x159: {  	v14 =	vld [tilespmem:s3+$0x400]  }
0x15a: {  	v52 =	vld [tilespmem:s3+$0x8400]  }
0x15b: {  	v16 =	vld [tilespmem:s3+$0x410]  }
0x15c: {  	v17 =	vld [tilespmem:s3+$0x8410]  }
0x15d: {  	v53 =	vld [tilespmem:s3+$0x420]  }
0x15e: {  	v54 =	vld [tilespmem:s3+$0x8420]  }
0x15f: {  	v55 =	vld [tilespmem:s3+$0x430]  }
0x160: {  	v56 =	vld [tilespmem:s3+$0x8430]  }
0x161: {  	v57 =	vld [tilespmem:s3+$0x440]  }
0x162: {  	v58 =	vld [tilespmem:s3+$0x8440]  }
0x163: {  	v59 =	vld [tilespmem:s3+$0x450]  }
0x164: {  	v60 =	vld [tilespmem:s3+$0x8450]  }
0x165: {  	v61 =	vld [tilespmem:s3+$0x460]  }
0x166: {  	v62 =	vld [tilespmem:s3+$0x8460]  }
0x167: {  	v63 =	vld [tilespmem:s3+$0x470]  }
0x168: {  	v42 =	vld [tilespmem:s3+$0x8470]  }
0x169: {  	v43 =	vld [tilespmem:s3+$0x480]  }
0x16a: {  	v44 =	vld [tilespmem:s3+$0x8480]  }
0x16b: {  	v45 =	vld [tilespmem:s3+$0x490]  }
0x16c: {  	v46 =	vld [tilespmem:s3+$0x8490]  }
0x16d: {  	v47 =	vld [tilespmem:s3+$0x4A0]  }
0x16e: {  	v48 =	vld [tilespmem:s3+$0x84A0]  }
0x16f: {  	v49 =	vld [tilespmem:s3+$0x4B0]  }
0x170: {  	v50 =	vld [tilespmem:s3+$0x84B0]  }
0x171: {  	v51 =	vld [tilespmem:s3+$0x4C0]  }
0x172: {  	v39 =	vld [tilespmem:s3+$0x84C0];
	v14 =	vsub.f32 v14, v52  }
0x173: {  	v52 =	vld [tilespmem:s3+$0x4D0];
	v16 =	vsub.f32 v16, v17;
	v53 =	vsub.f32 v53, v54  }
0x174: {  	v54 =	vld [tilespmem:s3+$0x84D0];
	v55 =	vsub.f32 v55, v56;
	v56 =	vsub.f32 v57, v58  }
0x175: {  	v57 =	vld [tilespmem:s3+$0x4E0];
	v58 =	vsub.f32 v59, v60;
	v60 =	vsub.f32 v61, v62  }
0x176: {  	v59 =	vld [tilespmem:s3+$0x84E0];
	v62 =	vsub.f32 v63, v42;
	v40 =	vsub.f32 v43, v44  }
0x177: {  	v61 =	vld [tilespmem:s3+$0x4F0];
	v41 =	vsub.f32 v45, v46;
	v14 =	vmul.f32 v14, v14;
	v16 =	vmul.f32 v16, v16  }
0x178: {  	v63 =	vld [tilespmem:s3+$0x84F0];
	v42 =	vsub.f32 v47, v48;
	v17 =	vmul.f32 v53, v53;
	v19 =	vmul.f32 v55, v55  }
0x179: {  	v43 =	vsub.f32 v49, v50;
	v20 =	vmul.f32 v56, v56;
	v22 =	vmul.f32 v58, v58  }
0x17a: {  	v44 =	vsub.f32 v51, v39;
	v24 =	vmul.f32 v60, v60;
	v26 =	vmul.f32 v62, v62  }
0x17b: {  	v27 =	vmul.f32 v40, v40;
	v28 =	vmul.f32 v41, v41;
	v14 =	vadd.f32 v16, v14  }
0x17c: {  	v45 =	vmul.f32 v43, v43;
	v17 =	vadd.f32 v19, v17;
	v15 =	vsub.f32 v52, v54  }
0x17d: {  	v46 =	vmul.f32 v44, v44;
	v21 =	vsub.f32 v57, v59;
	v16 =	vsub.f32 v61, v63  }
0x17e: {  	v19 =	vmul.f32 v42, v42;
	v20 =	vadd.f32 v22, v20;
	v15 =	vmul.f32 v15, v15  }
0x17f: {  	v47 =	vadd.f32 v26, v24;
	v21 =	vmul.f32 v21, v21;
	v16 =	vmul.f32 v16, v16  }
0x180: {  	v48 =	vadd.f32 v28, v27;
	v18 =	vadd.f32 v45, v19  }
0x181: {  	v15 =	vadd.f32 v15, v46;
	v16 =	vadd.f32 v16, v21  }
0x182: {  	v14 =	vadd.f32 v17, v14;
	v49 =	vadd.f32 v47, v20  }
0x183: {  	v18 =	vadd.f32 v18, v48;
	v15 =	vadd.f32 v16, v15;
	_ =	sdelay $0x1  }
0x184: {  	v14 =	vadd.f32 v49, v14;
	v15 =	vadd.f32 v15, v18;
	_ =	sdelay $0x1  }
0x185: {  	v50 =	vperm.xlane v14, v3;
	v51 =	vperm.xlane v15, v3;
	_ =	sdelay $0x1  }
0x186: {  	v14 =	vadd.f32 v50, v14;
	v15 =	vadd.f32 v15, v51;
	_ =	sdelay $0x1  }
0x187: {  	v14 =	vsel vm4, v14, v15  }
0x188: {  	[tilespmem:$0x10CC0] =	vst v14  }
0x189: {  	v15 =	vld [tilespmem:s3+$0x500]  }
0x18a: {  	v52 =	vld [tilespmem:s3+$0x8500]  }
0x18b: {  	v17 =	vld [tilespmem:s3+$0x510]  }
0x18c: {  	v18 =	vld [tilespmem:s3+$0x8510]  }
0x18d: {  	v53 =	vld [tilespmem:s3+$0x520]  }
0x18e: {  	v54 =	vld [tilespmem:s3+$0x8520]  }
0x18f: {  	v21 =	vld [tilespmem:s3+$0x530]  }
0x190: {  	v55 =	vld [tilespmem:s3+$0x8530]  }
0x191: {  	v56 =	vld [tilespmem:s3+$0x540]  }
0x192: {  	v57 =	vld [tilespmem:s3+$0x8540]  }
0x193: {  	v58 =	vld [tilespmem:s3+$0x550]  }
0x194: {  	v59 =	vld [tilespmem:s3+$0x8550]  }
0x195: {  	v60 =	vld [tilespmem:s3+$0x560]  }
0x196: {  	v61 =	vld [tilespmem:s3+$0x8560]  }
0x197: {  	v62 =	vld [tilespmem:s3+$0x570]  }
0x198: {  	v63 =	vld [tilespmem:s3+$0x8570]  }
0x199: {  	v31 =	vld [tilespmem:s3+$0x580]  }
0x19a: {  	v44 =	vld [tilespmem:s3+$0x8580]  }
0x19b: {  	v45 =	vld [tilespmem:s3+$0x590]  }
0x19c: {  	v46 =	vld [tilespmem:s3+$0x8590]  }
0x19d: {  	v47 =	vld [tilespmem:s3+$0x5A0]  }
0x19e: {  	v48 =	vld [tilespmem:s3+$0x85A0]  }
0x19f: {  	v49 =	vld [tilespmem:s3+$0x5B0]  }
0x1a0: {  	v50 =	vld [tilespmem:s3+$0x85B0]  }
0x1a1: {  	v51 =	vld [tilespmem:s3+$0x5C0]  }
0x1a2: {  	v40 =	vld [tilespmem:s3+$0x85C0];
	v15 =	vsub.f32 v15, v52  }
0x1a3: {  	v52 =	vld [tilespmem:s3+$0x5D0];
	v17 =	vsub.f32 v17, v18;
	v53 =	vsub.f32 v53, v54  }
0x1a4: {  	v54 =	vld [tilespmem:s3+$0x85D0];
	v55 =	vsub.f32 v21, v55;
	v56 =	vsub.f32 v56, v57  }
0x1a5: {  	v57 =	vld [tilespmem:s3+$0x5E0];
	v58 =	vsub.f32 v58, v59;
	v60 =	vsub.f32 v60, v61  }
0x1a6: {  	v59 =	vld [tilespmem:s3+$0x85E0];
	v62 =	vsub.f32 v62, v63;
	v32 =	vsub.f32 v31, v44  }
0x1a7: {  	v61 =	vld [tilespmem:s3+$0x5F0];
	v41 =	vsub.f32 v45, v46;
	v15 =	vmul.f32 v15, v15;
	v17 =	vmul.f32 v17, v17  }
0x1a8: {  	v63 =	vld [tilespmem:s3+$0x85F0];
	v42 =	vsub.f32 v47, v48;
	v18 =	vmul.f32 v53, v53;
	v20 =	vmul.f32 v55, v55  }
0x1a9: {  	v43 =	vsub.f32 v49, v50;
	v21 =	vmul.f32 v56, v56;
	v23 =	vmul.f32 v58, v58  }
0x1aa: {  	v44 =	vsub.f32 v51, v40;
	v25 =	vmul.f32 v60, v60;
	v27 =	vmul.f32 v62, v62  }
0x1ab: {  	v28 =	vmul.f32 v32, v32;
	v29 =	vmul.f32 v41, v41;
	v15 =	vadd.f32 v17, v15  }
0x1ac: {  	v45 =	vmul.f32 v43, v43;
	v18 =	vadd.f32 v20, v18;
	v16 =	vsub.f32 v52, v54  }
0x1ad: {  	v46 =	vmul.f32 v44, v44;
	v22 =	vsub.f32 v57, v59;
	v17 =	vsub.f32 v61, v63  }
0x1ae: {  	v20 =	vmul.f32 v42, v42;
	v21 =	vadd.f32 v23, v21;
	v16 =	vmul.f32 v16, v16  }
0x1af: {  	v47 =	vadd.f32 v27, v25;
	v22 =	vmul.f32 v22, v22;
	v17 =	vmul.f32 v17, v17  }
0x1b0: {  	v48 =	vadd.f32 v29, v28;
	v19 =	vadd.f32 v45, v20  }
0x1b1: {  	v16 =	vadd.f32 v16, v46;
	v17 =	vadd.f32 v17, v22  }
0x1b2: {  	v15 =	vadd.f32 v18, v15;
	v49 =	vadd.f32 v47, v21  }
0x1b3: {  	v19 =	vadd.f32 v19, v48;
	v16 =	vadd.f32 v17, v16;
	_ =	sdelay $0x1  }
0x1b4: {  	v15 =	vadd.f32 v49, v15;
	v16 =	vadd.f32 v16, v19;
	_ =	sdelay $0x1  }
0x1b5: {  	v50 =	vperm.xlane v15, v3;
	v51 =	vperm.xlane v16, v3;
	_ =	sdelay $0x1  }
0x1b6: {  	v15 =	vadd.f32 v50, v15;
	v16 =	vadd.f32 v16, v51;
	_ =	sdelay $0x1  }
0x1b7: {  	v15 =	vsel vm4, v15, v16  }
0x1b8: {  	[tilespmem:$0x10CD0] =	vst v15  }
0x1b9: {  	v16 =	vld [tilespmem:s3+$0x600]  }
0x1ba: {  	v52 =	vld [tilespmem:s3+$0x8600]  }
0x1bb: {  	v18 =	vld [tilespmem:s3+$0x610]  }
0x1bc: {  	v19 =	vld [tilespmem:s3+$0x8610]  }
0x1bd: {  	v53 =	vld [tilespmem:s3+$0x620]  }
0x1be: {  	v54 =	vld [tilespmem:s3+$0x8620]  }
0x1bf: {  	v22 =	vld [tilespmem:s3+$0x630]  }
0x1c0: {  	v55 =	vld [tilespmem:s3+$0x8630]  }
0x1c1: {  	v56 =	vld [tilespmem:s3+$0x640]  }
0x1c2: {  	v57 =	vld [tilespmem:s3+$0x8640]  }
0x1c3: {  	v58 =	vld [tilespmem:s3+$0x650]  }
0x1c4: {  	v59 =	vld [tilespmem:s3+$0x8650]  }
0x1c5: {  	v60 =	vld [tilespmem:s3+$0x660]  }
0x1c6: {  	v61 =	vld [tilespmem:s3+$0x8660]  }
0x1c7: {  	v62 =	vld [tilespmem:s3+$0x670]  }
0x1c8: {  	v63 =	vld [tilespmem:s3+$0x8670]  }
0x1c9: {  	v32 =	vld [tilespmem:s3+$0x680]  }
0x1ca: {  	v44 =	vld [tilespmem:s3+$0x8680]  }
0x1cb: {  	v45 =	vld [tilespmem:s3+$0x690]  }
0x1cc: {  	v46 =	vld [tilespmem:s3+$0x8690]  }
0x1cd: {  	v47 =	vld [tilespmem:s3+$0x6A0]  }
0x1ce: {  	v48 =	vld [tilespmem:s3+$0x86A0]  }
0x1cf: {  	v49 =	vld [tilespmem:s3+$0x6B0]  }
0x1d0: {  	v50 =	vld [tilespmem:s3+$0x86B0]  }
0x1d1: {  	v51 =	vld [tilespmem:s3+$0x6C0]  }
0x1d2: {  	v41 =	vld [tilespmem:s3+$0x86C0];
	v16 =	vsub.f32 v16, v52  }
0x1d3: {  	v52 =	vld [tilespmem:s3+$0x6D0];
	v18 =	vsub.f32 v18, v19;
	v53 =	vsub.f32 v53, v54  }
0x1d4: {  	v54 =	vld [tilespmem:s3+$0x86D0];
	v55 =	vsub.f32 v22, v55;
	v56 =	vsub.f32 v56, v57  }
0x1d5: {  	v57 =	vld [tilespmem:s3+$0x6E0];
	v58 =	vsub.f32 v58, v59;
	v60 =	vsub.f32 v60, v61  }
0x1d6: {  	v59 =	vld [tilespmem:s3+$0x86E0];
	v62 =	vsub.f32 v62, v63;
	v33 =	vsub.f32 v32, v44  }
0x1d7: {  	v61 =	vld [tilespmem:s3+$0x6F0];
	v34 =	vsub.f32 v45, v46;
	v16 =	vmul.f32 v16, v16;
	v18 =	vmul.f32 v18, v18  }
0x1d8: {  	v63 =	vld [tilespmem:s3+$0x86F0];
	v35 =	vsub.f32 v47, v48;
	v19 =	vmul.f32 v53, v53;
	v21 =	vmul.f32 v55, v55  }
0x1d9: {  	v36 =	vsub.f32 v49, v50;
	v22 =	vmul.f32 v56, v56;
	v24 =	vmul.f32 v58, v58  }
0x1da: {  	v37 =	vsub.f32 v51, v41;
	v26 =	vmul.f32 v60, v60;
	v28 =	vmul.f32 v62, v62  }
0x1db: {  	v29 =	vmul.f32 v33, v33;
	v30 =	vmul.f32 v34, v34;
	v16 =	vadd.f32 v18, v16  }
0x1dc: {  	v38 =	vmul.f32 v36, v36;
	v19 =	vadd.f32 v21, v19;
	v17 =	vsub.f32 v52, v54  }
0x1dd: {  	v39 =	vmul.f32 v37, v37;
	v23 =	vsub.f32 v57, v59;
	v18 =	vsub.f32 v61, v63  }
0x1de: {  	v21 =	vmul.f32 v35, v35;
	v22 =	vadd.f32 v24, v22;
	v17 =	vmul.f32 v17, v17  }
0x1df: {  	v40 =	vadd.f32 v28, v26;
	v23 =	vmul.f32 v23, v23;
	v18 =	vmul.f32 v18, v18  }
0x1e0: {  	v41 =	vadd.f32 v30, v29;
	v20 =	vadd.f32 v38, v21  }
0x1e1: {  	v17 =	vadd.f32 v17, v39;
	v18 =	vadd.f32 v18, v23  }
0x1e2: {  	v16 =	vadd.f32 v19, v16;
	v42 =	vadd.f32 v40, v22  }
0x1e3: {  	v20 =	vadd.f32 v20, v41;
	v17 =	vadd.f32 v18, v17;
	_ =	sdelay $0x1  }
0x1e4: {  	v16 =	vadd.f32 v42, v16;
	v17 =	vadd.f32 v17, v20;
	_ =	sdelay $0x1  }
0x1e5: {  	v43 =	vperm.xlane v16, v3;
	v44 =	vperm.xlane v17, v3;
	_ =	sdelay $0x1  }
0x1e6: {  	v16 =	vadd.f32 v43, v16;
	v17 =	vadd.f32 v17, v44;
	_ =	sdelay $0x1  }
0x1e7: {  	v16 =	vsel vm4, v16, v17  }
0x1e8: {  	[tilespmem:$0x10CE0] =	vst v16  }
0x1e9: {  	v17 =	vld [tilespmem:s3+$0x700]  }
0x1ea: {  	v18 =	vld [tilespmem:s3+$0x8700]  }
0x1eb: {  	v45 =	vld [tilespmem:s3+$0x710]  }
0x1ec: {  	v46 =	vld [tilespmem:s3+$0x8710]  }
0x1ed: {  	v47 =	vld [tilespmem:s3+$0x720]  }
0x1ee: {  	v48 =	vld [tilespmem:s3+$0x8720]  }
0x1ef: {  	v49 =	vld [tilespmem:s3+$0x730]  }
0x1f0: {  	v50 =	vld [tilespmem:s3+$0x8730]  }
0x1f1: {  	v51 =	vld [tilespmem:s3+$0x740]  }
0x1f2: {  	v52 =	vld [tilespmem:s3+$0x8740]  }
0x1f3: {  	v53 =	vld [tilespmem:s3+$0x750]  }
0x1f4: {  	v54 =	vld [tilespmem:s3+$0x8750]  }
0x1f5: {  	v55 =	vld [tilespmem:s3+$0x760]  }
0x1f6: {  	v56 =	vld [tilespmem:s3+$0x8760]  }
0x1f7: {  	v57 =	vld [tilespmem:s3+$0x770]  }
0x1f8: {  	v58 =	vld [tilespmem:s3+$0x8770]  }
0x1f9: {  	v33 =	vld [tilespmem:s3+$0x780]  }
0x1fa: {  	v59 =	vld [tilespmem:s3+$0x8780]  }
0x1fb: {  	v60 =	vld [tilespmem:s3+$0x790]  }
0x1fc: {  	v61 =	vld [tilespmem:s3+$0x8790]  }
0x1fd: {  	v37 =	vld [tilespmem:s3+$0x7A0]  }
0x1fe: {  	v62 =	vld [tilespmem:s3+$0x87A0]  }
0x1ff: {  	v39 =	vld [tilespmem:s3+$0x7B0]  }
0x200: {  	v63 =	vld [tilespmem:s3+$0x87B0]  }
0x201: {  	v44 =	vld [tilespmem:s3+$0x7C0]  }
0x202: {  	v45 =	vsub.f32 v45, v46;
	v46 =	vld [tilespmem:s3+$0x87C0]  }
0x203: {  	v47 =	vsub.f32 v47, v48;
	v48 =	vsub.f32 v49, v50;
	v49 =	vld [tilespmem:s3+$0x7D0]  }
0x204: {  	v17 =	vsub.f32 v17, v18;
	v50 =	vsub.f32 v51, v52;
	v51 =	vld [tilespmem:s3+$0x87D0]  }
0x205: {  	v52 =	vsub.f32 v53, v54;
	v53 =	vld [tilespmem:s3+$0x7E0]  }
0x206: {  	v54 =	vsub.f32 v55, v56;
	v55 =	vsub.f32 v57, v58;
	v56 =	vld [tilespmem:s3+$0x87E0];
	v17 =	vmul.f32 v17, v17  }
0x207: {  	v58 =	vld [tilespmem:s3+$0x7F0];
	v59 =	vsub.f32 v33, v59;
	v18 =	vmul.f32 v45, v45;
	v20 =	vmul.f32 v47, v47  }
0x208: {  	v60 =	vsub.f32 v60, v61;
	v61 =	vld [tilespmem:s3+$0x87F0];
	v21 =	vmul.f32 v48, v48;
	v23 =	vmul.f32 v50, v50  }
0x209: {  	v62 =	vsub.f32 v37, v62;
	v25 =	vmul.f32 v52, v52;
	v35 =	vmul.f32 v54, v54  }
0x20a: {  	v63 =	vsub.f32 v39, v63;
	v36 =	vmul.f32 v55, v55;
	v37 =	vmul.f32 v60, v60  }
0x20b: {  	v38 =	vmul.f32 v62, v62;
	v17 =	vadd.f32 v18, v17;
	v57 =	vadd.f32 v21, v20  }
0x20c: {  	v39 =	vmul.f32 v63, v63;
	v19 =	vsub.f32 v44, v46;
	v22 =	vsub.f32 v49, v51  }
0x20d: {  	v21 =	vmul.f32 v59, v59;
	v26 =	vsub.f32 v53, v56;
	v20 =	vsub.f32 v58, v61  }
0x20e: {  	v23 =	vadd.f32 v25, v23;
	v19 =	vmul.f32 v19, v19;
	v22 =	vmul.f32 v22, v22  }
0x20f: {  	v24 =	vadd.f32 v36, v35;
	v40 =	vmul.f32 v26, v26;
	v20 =	vmul.f32 v20, v20  }
0x210: {  	v41 =	vadd.f32 v39, v38;
	v21 =	vadd.f32 v37, v21  }
0x211: {  	v19 =	vadd.f32 v22, v19;
	v20 =	vadd.f32 v20, v40  }
0x212: {  	v17 =	vadd.f32 v57, v17;
	v42 =	vadd.f32 v24, v23  }
0x213: {  	v21 =	vadd.f32 v41, v21;
	v19 =	vadd.f32 v20, v19;
	_ =	sdelay $0x1  }
0x214: {  	v17 =	vadd.f32 v42, v17;
	v43 =	vadd.f32 v19, v21  }
0x215: {  	v47 =	vperm.xlane v11, v5  }
0x216: {  	v44 =	vperm.xlane v17, v3;
	v45 =	vperm.xlane v43, v3  }
0x217: {  	v48 =	vperm.xlane v12, v5;
	v50 =	vperm.xlane v14, v5  }
0x218: {  	v52 =	vperm.xlane v16, v5;
	v17 =	vadd.f32 v44, v17;
	v18 =	vadd.f32 v43, v45  }
0x219: {  	v11 =	vadd.f32 v47, v11;
	v12 =	vadd.f32 v48, v12;
	v46 =	vperm.xlane v10, v5  }
0x21a: {  	v49 =	vperm.xlane v13, v5;
	v51 =	vperm.xlane v15, v5;
	v17 =	vsel vm4, v17, v18  }
0x21b: {  	v14 =	vadd.f32 v50, v14;
	v10 =	vadd.f32 v46, v10;
	v53 =	vperm.xlane v17, v5  }
0x21c: {  	v13 =	vadd.f32 v49, v13;
	v15 =	vadd.f32 v51, v15  }
0x21d: {  	s0 =	sshll.u32 s30, $0x4;
	v16 =	vadd.f32 v52, v16;
	v54 =	vadd.f32 v53, v17  }
0x21e: {  	s0 =	sand.u32 $0x3FFFFFF0, s0;
	v10 =	vsel vm1, v10, v11;
	v11 =	vsel vm1, v12, v13;
	v55 =	vsel vm1, v14, v15;
	[tilespmem:$0x10CF0] =	vst v17  }
0x21f: {  	v57 =	vperm.xlane v10, v6;
	v58 =	vperm.xlane v11, v6;
	v59 =	vld.idx.msk [tilespmem:v9+s0+$0x0 ss:$0x1], $0xffff;
	v56 =	vsel vm1, v16, v54  }
0x220: {  	v60 =	vperm.xlane v55, v6;
	v18 =	vperm.xlane v56, v6  }
0x221: {  	v10 =	vadd.f32 v57, v10;
	v11 =	vadd.f32 v58, v11  }
0x222: {  	v12 =	vadd.f32 v60, v55;
	v13 =	vadd.f32 v18, v56;
	_ =	sdelay $0x1  }
0x223: {  	v10 =	vsel vm2, v10, v11;
	v61 =	vperm.xlane v59, v8;
	v11 =	vsel vm2, v12, v13  }
0x224: {  	p1 =	sne.s32 s30, $0x7;
	v62 =	vperm.xlane v10, v7;
	v63 =	vperm.xlane v11, v7  }
.Ltmp4:
0x225: {  	_ = 	snop;
	(pc) =	sbr.rel @p1 .LBB2_7-.Ltmp4, $3  }
0x226: {  	v10 =	vadd.f32 v62, v10;
	v11 =	vadd.f32 v63, v11;
	_ =	sdelay $0x1  }
0x227: {  	v10 =	vsel vm3, v10, v11  }
0x228: {  	s30 =	sadd.s32 $0x1, s30;
	[tilespmem:v61+s24+$0x0] =	vst.idx.add.f32.msk $0xffff, v10  }
0x229: {  	s30 =	sshll.u32 s29, $0xF;
	p1 =	seq.s32 s29, $0x4  }
0x22a: {  	s0 =	sadd.s32 @!p1 s30, s11  }
0x22b: {  	s0 =	sshrl.u32 @!p1 s0, $0x3  }
0x22c: {  	s6 =	simm.s32 @!p1 $0x0;
	s3 =	sadd.s32 @!p1 s1, s0  }
0x22d: {  	[tilespmem:s6], [sflag:$0x1] =	stream.linear.gather @!p1 [hbm4b:s3+s6], $0x4000, $0x38;
	[tilespmem:$0x10D80] =	vst v63  }
0x22e: {  	s0 =	sadd.s32 @!p1 s2, s0;
	s3 =	simm.s32 @!p1 $0x8000  }
0x22f: {  	[tilespmem:s3], [sflag:$0x3] =	stream.linear.gather @!p1 [hbm4b:s0+s6], $0x4000, $0x38;
	[tilespmem:$0x10D80] =	vst v63  }
0x230: {  	_ =	swait.ge [sflag:s25], $0x4000  }
0x231: {  	[sflag:s25] =	ssyncset.done $0x0  }
0x232: {  	[sflag:s25] =	ssyncadd.s32 $0xFFFFC000  }
0x233: {  	_ =	swait.ge [sflag:s26], $0x4000  }
0x234: {  	s20 =	sadd.s32 $0x10600, s31;
	[sflag:s26] =	ssyncset.done $0x0  }
0x235: {  	s31 =	simm.s32 $0x0;
	v9 =	vmov s20;
	[sflag:s26] =	ssyncadd.s32 $0xFFFFC000  }
.LBB2_9:
0x236: {  	s3 =	sshll.u32 s31, $0xB  }
0x237: {  	v10 =	vld [tilespmem:s3+$0x4000]  }
0x238: {  	v11 =	vld [tilespmem:s3+$0xC000]  }
0x239: {  	v12 =	vld [tilespmem:s3+$0x4010]  }
0x23a: {  	v13 =	vld [tilespmem:s3+$0xC010]  }
0x23b: {  	v14 =	vld [tilespmem:s3+$0x4020]  }
0x23c: {  	v15 =	vld [tilespmem:s3+$0xC020]  }
0x23d: {  	v16 =	vld [tilespmem:s3+$0x4030]  }
0x23e: {  	v17 =	vld [tilespmem:s3+$0xC030]  }
0x23f: {  	v18 =	vld [tilespmem:s3+$0x4040]  }
0x240: {  	v19 =	vld [tilespmem:s3+$0xC040]  }
0x241: {  	v20 =	vld [tilespmem:s3+$0x4050]  }
0x242: {  	v21 =	vld [tilespmem:s3+$0xC050]  }
0x243: {  	v22 =	vld [tilespmem:s3+$0x4060]  }
0x244: {  	v23 =	vld [tilespmem:s3+$0xC060]  }
0x245: {  	v24 =	vld [tilespmem:s3+$0x4070]  }
0x246: {  	v25 =	vld [tilespmem:s3+$0xC070]  }
0x247: {  	v26 =	vld [tilespmem:s3+$0x4080]  }
0x248: {  	v27 =	vld [tilespmem:s3+$0xC080]  }
0x249: {  	v28 =	vld [tilespmem:s3+$0x4090]  }
0x24a: {  	v29 =	vld [tilespmem:s3+$0xC090]  }
0x24b: {  	v30 =	vld [tilespmem:s3+$0x40A0]  }
0x24c: {  	v31 =	vld [tilespmem:s3+$0xC0A0]  }
0x24d: {  	v32 =	vld [tilespmem:s3+$0x40B0]  }
0x24e: {  	v33 =	vld [tilespmem:s3+$0xC0B0]  }
0x24f: {  	v34 =	vld [tilespmem:s3+$0x40C0]  }
0x250: {  	v35 =	vld [tilespmem:s3+$0xC0C0];
	v10 =	vsub.f32 v10, v11  }
0x251: {  	v36 =	vld [tilespmem:s3+$0xC0D0];
	v12 =	vsub.f32 v12, v13;
	v63 =	vsub.f32 v14, v15  }
0x252: {  	v39 =	vld [tilespmem:s3+$0x40E0];
	v37 =	vsub.f32 v16, v17;
	v38 =	vsub.f32 v18, v19  }
0x253: {  	v41 =	vld [tilespmem:s3+$0xC0E0];
	v40 =	vsub.f32 v20, v21;
	v42 =	vsub.f32 v22, v23  }
0x254: {  	v43 =	vld [tilespmem:s3+$0x40F0];
	v44 =	vsub.f32 v24, v25;
	v46 =	vsub.f32 v26, v27  }
0x255: {  	v45 =	vld [tilespmem:s3+$0xC0F0];
	v47 =	vsub.f32 v28, v29;
	v10 =	vmul.f32 v10, v10;
	v12 =	vmul.f32 v12, v12  }
0x256: {  	v11 =	vld [tilespmem:s3+$0x40D0];
	v48 =	vsub.f32 v30, v31;
	v13 =	vmul.f32 v63, v63;
	v15 =	vmul.f32 v37, v37  }
0x257: {  	v49 =	vsub.f32 v32, v33;
	v16 =	vmul.f32 v38, v38;
	v18 =	vmul.f32 v40, v40  }
0x258: {  	v50 =	vsub.f32 v34, v35;
	v20 =	vmul.f32 v42, v42;
	v22 =	vmul.f32 v44, v44  }
0x259: {  	v17 =	vsub.f32 v39, v41;
	v23 =	vmul.f32 v46, v46;
	v24 =	vmul.f32 v47, v47  }
0x25a: {  	v51 =	vmul.f32 v49, v49;
	v52 =	vmul.f32 v50, v50;
	v10 =	vadd.f32 v12, v10  }
0x25b: {  	v17 =	vmul.f32 v17, v17;
	v12 =	vsub.f32 v43, v45;
	v11 =	vsub.f32 v11, v36  }
0x25c: {  	v13 =	vadd.f32 v15, v13;
	v15 =	vmul.f32 v48, v48;
	v16 =	vadd.f32 v18, v16  }
0x25d: {  	v53 =	vadd.f32 v22, v20;
	v12 =	vmul.f32 v12, v12;
	v11 =	vmul.f32 v11, v11  }
0x25e: {  	v54 =	vadd.f32 v24, v23;
	v14 =	vadd.f32 v51, v15  }
0x25f: {  	v12 =	vadd.f32 v12, v17;
	v11 =	vadd.f32 v11, v52  }
0x260: {  	v10 =	vadd.f32 v13, v10;
	v55 =	vadd.f32 v53, v16  }
0x261: {  	v14 =	vadd.f32 v14, v54;
	v11 =	vadd.f32 v12, v11;
	_ =	sdelay $0x1  }
0x262: {  	v10 =	vadd.f32 v55, v10;
	v11 =	vadd.f32 v11, v14;
	_ =	sdelay $0x1  }
0x263: {  	v56 =	vperm.xlane v10, v3;
	v57 =	vperm.xlane v11, v3;
	_ =	sdelay $0x1  }
0x264: {  	v10 =	vadd.f32 v56, v10;
	v11 =	vadd.f32 v11, v57;
	_ =	sdelay $0x1  }
0x265: {  	v10 =	vsel vm4, v10, v11  }
0x266: {  	[tilespmem:$0x10C80] =	vst v10  }
0x267: {  	v11 =	vld [tilespmem:s3+$0x4100]  }
0x268: {  	v58 =	vld [tilespmem:s3+$0xC100]  }
0x269: {  	v59 =	vld [tilespmem:s3+$0x4110]  }
0x26a: {  	v60 =	vld [tilespmem:s3+$0xC110]  }
0x26b: {  	v61 =	vld [tilespmem:s3+$0x4120]  }
0x26c: {  	v62 =	vld [tilespmem:s3+$0xC120]  }
0x26d: {  	v63 =	vld [tilespmem:s3+$0x4130]  }
0x26e: {  	v40 =	vld [tilespmem:s3+$0xC130]  }
0x26f: {  	v41 =	vld [tilespmem:s3+$0x4140]  }
0x270: {  	v42 =	vld [tilespmem:s3+$0xC140]  }
0x271: {  	v43 =	vld [tilespmem:s3+$0x4150]  }
0x272: {  	v44 =	vld [tilespmem:s3+$0xC150]  }
0x273: {  	v45 =	vld [tilespmem:s3+$0x4160]  }
0x274: {  	v46 =	vld [tilespmem:s3+$0xC160]  }
0x275: {  	v47 =	vld [tilespmem:s3+$0x4170]  }
0x276: {  	v48 =	vld [tilespmem:s3+$0xC170]  }
0x277: {  	v49 =	vld [tilespmem:s3+$0x4180]  }
0x278: {  	v50 =	vld [tilespmem:s3+$0xC180]  }
0x279: {  	v51 =	vld [tilespmem:s3+$0x4190]  }
0x27a: {  	v52 =	vld [tilespmem:s3+$0xC190]  }
0x27b: {  	v53 =	vld [tilespmem:s3+$0x41A0]  }
0x27c: {  	v54 =	vld [tilespmem:s3+$0xC1A0]  }
0x27d: {  	v55 =	vld [tilespmem:s3+$0x41B0]  }
0x27e: {  	v56 =	vld [tilespmem:s3+$0xC1B0]  }
0x27f: {  	v57 =	vld [tilespmem:s3+$0x41C0]  }
0x280: {  	v36 =	vld [tilespmem:s3+$0xC1C0];
	v11 =	vsub.f32 v11, v58  }
0x281: {  	v38 =	vld [tilespmem:s3+$0xC1E0];
	v13 =	vsub.f32 v59, v60;
	v59 =	vsub.f32 v61, v62  }
0x282: {  	v58 =	vld [tilespmem:s3+$0x41D0];
	v61 =	vsub.f32 v63, v40;
	v62 =	vsub.f32 v41, v42  }
0x283: {  	v60 =	vld [tilespmem:s3+$0xC1D0];
	v37 =	vsub.f32 v43, v44;
	v39 =	vsub.f32 v45, v46  }
0x284: {  	v63 =	vld [tilespmem:s3+$0x41E0];
	v41 =	vsub.f32 v47, v48;
	v43 =	vsub.f32 v49, v50  }
0x285: {  	v40 =	vld [tilespmem:s3+$0x41F0];
	v44 =	vsub.f32 v51, v52;
	v11 =	vmul.f32 v11, v11;
	v13 =	vmul.f32 v13, v13  }
0x286: {  	v42 =	vld [tilespmem:s3+$0xC1F0];
	v45 =	vsub.f32 v53, v54;
	v14 =	vmul.f32 v59, v59;
	v16 =	vmul.f32 v61, v61  }
0x287: {  	v46 =	vsub.f32 v55, v56;
	v17 =	vmul.f32 v62, v62;
	v19 =	vmul.f32 v37, v37  }
0x288: {  	v47 =	vsub.f32 v57, v36;
	v21 =	vmul.f32 v39, v39;
	v23 =	vmul.f32 v41, v41  }
0x289: {  	v24 =	vmul.f32 v43, v43;
	v25 =	vmul.f32 v44, v44;
	v11 =	vadd.f32 v13, v11  }
0x28a: {  	v48 =	vmul.f32 v46, v46;
	v14 =	vadd.f32 v16, v14;
	v12 =	vsub.f32 v58, v60  }
0x28b: {  	v49 =	vmul.f32 v47, v47;
	v18 =	vsub.f32 v63, v38;
	v13 =	vsub.f32 v40, v42  }
0x28c: {  	v16 =	vmul.f32 v45, v45;
	v17 =	vadd.f32 v19, v17;
	v12 =	vmul.f32 v12, v12  }
0x28d: {  	v50 =	vadd.f32 v23, v21;
	v18 =	vmul.f32 v18, v18;
	v13 =	vmul.f32 v13, v13  }
0x28e: {  	v51 =	vadd.f32 v25, v24;
	v15 =	vadd.f32 v48, v16  }
0x28f: {  	v12 =	vadd.f32 v12, v49;
	v13 =	vadd.f32 v13, v18  }
0x290: {  	v11 =	vadd.f32 v14, v11;
	v52 =	vadd.f32 v50, v17  }
0x291: {  	v15 =	vadd.f32 v15, v51;
	v12 =	vadd.f32 v13, v12;
	_ =	sdelay $0x1  }
0x292: {  	v11 =	vadd.f32 v52, v11;
	v12 =	vadd.f32 v12, v15;
	_ =	sdelay $0x1  }
0x293: {  	v53 =	vperm.xlane v11, v3;
	v54 =	vperm.xlane v12, v3;
	_ =	sdelay $0x1  }
0x294: {  	v11 =	vadd.f32 v53, v11;
	v12 =	vadd.f32 v12, v54;
	_ =	sdelay $0x1  }
0x295: {  	v11 =	vsel vm4, v11, v12  }
0x296: {  	[tilespmem:$0x10C90] =	vst v11  }
0x297: {  	v12 =	vld [tilespmem:s3+$0x4200]  }
0x298: {  	v55 =	vld [tilespmem:s3+$0xC200]  }
0x299: {  	v56 =	vld [tilespmem:s3+$0x4210]  }
0x29a: {  	v57 =	vld [tilespmem:s3+$0xC210]  }
0x29b: {  	v58 =	vld [tilespmem:s3+$0x4220]  }
0x29c: {  	v59 =	vld [tilespmem:s3+$0xC220]  }
0x29d: {  	v60 =	vld [tilespmem:s3+$0x4230]  }
0x29e: {  	v61 =	vld [tilespmem:s3+$0xC230]  }
0x29f: {  	v62 =	vld [tilespmem:s3+$0x4240]  }
0x2a0: {  	v63 =	vld [tilespmem:s3+$0xC240]  }
0x2a1: {  	v40 =	vld [tilespmem:s3+$0x4250]  }
0x2a2: {  	v41 =	vld [tilespmem:s3+$0xC250]  }
0x2a3: {  	v42 =	vld [tilespmem:s3+$0x4260]  }
0x2a4: {  	v43 =	vld [tilespmem:s3+$0xC260]  }
0x2a5: {  	v44 =	vld [tilespmem:s3+$0x4270]  }
0x2a6: {  	v45 =	vld [tilespmem:s3+$0xC270]  }
0x2a7: {  	v46 =	vld [tilespmem:s3+$0x4280]  }
0x2a8: {  	v47 =	vld [tilespmem:s3+$0xC280]  }
0x2a9: {  	v48 =	vld [tilespmem:s3+$0x4290]  }
0x2aa: {  	v49 =	vld [tilespmem:s3+$0xC290]  }
0x2ab: {  	v50 =	vld [tilespmem:s3+$0x42A0]  }
0x2ac: {  	v51 =	vld [tilespmem:s3+$0xC2A0]  }
0x2ad: {  	v52 =	vld [tilespmem:s3+$0x42B0]  }
0x2ae: {  	v53 =	vld [tilespmem:s3+$0xC2B0]  }
0x2af: {  	v54 =	vld [tilespmem:s3+$0x42C0]  }
0x2b0: {  	v37 =	vld [tilespmem:s3+$0xC2C0];
	v12 =	vsub.f32 v12, v55  }
0x2b1: {  	v38 =	vld [tilespmem:s3+$0x42F0];
	v14 =	vsub.f32 v56, v57;
	v56 =	vsub.f32 v58, v59  }
0x2b2: {  	v55 =	vld [tilespmem:s3+$0x42D0];
	v58 =	vsub.f32 v60, v61;
	v59 =	vsub.f32 v62, v63  }
0x2b3: {  	v57 =	vld [tilespmem:s3+$0xC2D0];
	v61 =	vsub.f32 v40, v41;
	v63 =	vsub.f32 v42, v43  }
0x2b4: {  	v60 =	vld [tilespmem:s3+$0x42E0];
	v39 =	vsub.f32 v44, v45;
	v41 =	vsub.f32 v46, v47  }
0x2b5: {  	v62 =	vld [tilespmem:s3+$0xC2E0];
	v42 =	vsub.f32 v48, v49;
	v12 =	vmul.f32 v12, v12;
	v14 =	vmul.f32 v14, v14  }
0x2b6: {  	v40 =	vld [tilespmem:s3+$0xC2F0];
	v43 =	vsub.f32 v50, v51;
	v15 =	vmul.f32 v56, v56;
	v17 =	vmul.f32 v58, v58  }
0x2b7: {  	v44 =	vsub.f32 v52, v53;
	v18 =	vmul.f32 v59, v59;
	v20 =	vmul.f32 v61, v61  }
0x2b8: {  	v45 =	vsub.f32 v54, v37;
	v22 =	vmul.f32 v63, v63;
	v24 =	vmul.f32 v39, v39  }
0x2b9: {  	v25 =	vmul.f32 v41, v41;
	v26 =	vmul.f32 v42, v42;
	v12 =	vadd.f32 v14, v12  }
0x2ba: {  	v46 =	vmul.f32 v44, v44;
	v15 =	vadd.f32 v17, v15;
	v13 =	vsub.f32 v55, v57  }
0x2bb: {  	v47 =	vmul.f32 v45, v45;
	v19 =	vsub.f32 v60, v62;
	v14 =	vsub.f32 v38, v40  }
0x2bc: {  	v17 =	vmul.f32 v43, v43;
	v18 =	vadd.f32 v20, v18;
	v13 =	vmul.f32 v13, v13  }
0x2bd: {  	v48 =	vadd.f32 v24, v22;
	v19 =	vmul.f32 v19, v19;
	v14 =	vmul.f32 v14, v14  }
0x2be: {  	v49 =	vadd.f32 v26, v25;
	v16 =	vadd.f32 v46, v17  }
0x2bf: {  	v13 =	vadd.f32 v13, v47;
	v14 =	vadd.f32 v14, v19  }
0x2c0: {  	v12 =	vadd.f32 v15, v12;
	v50 =	vadd.f32 v48, v18  }
0x2c1: {  	v16 =	vadd.f32 v16, v49;
	v13 =	vadd.f32 v14, v13;
	_ =	sdelay $0x1  }
0x2c2: {  	v12 =	vadd.f32 v50, v12;
	v13 =	vadd.f32 v13, v16;
	_ =	sdelay $0x1  }
0x2c3: {  	v51 =	vperm.xlane v12, v3;
	v52 =	vperm.xlane v13, v3;
	_ =	sdelay $0x1  }
0x2c4: {  	v12 =	vadd.f32 v51, v12;
	v13 =	vadd.f32 v13, v52;
	_ =	sdelay $0x1  }
0x2c5: {  	v12 =	vsel vm4, v12, v13  }
0x2c6: {  	[tilespmem:$0x10CA0] =	vst v12  }
0x2c7: {  	v13 =	vld [tilespmem:s3+$0x4300]  }
0x2c8: {  	v53 =	vld [tilespmem:s3+$0xC300]  }
0x2c9: {  	v54 =	vld [tilespmem:s3+$0x4310]  }
0x2ca: {  	v55 =	vld [tilespmem:s3+$0xC310]  }
0x2cb: {  	v56 =	vld [tilespmem:s3+$0x4320]  }
0x2cc: {  	v57 =	vld [tilespmem:s3+$0xC320]  }
0x2cd: {  	v58 =	vld [tilespmem:s3+$0x4330]  }
0x2ce: {  	v59 =	vld [tilespmem:s3+$0xC330]  }
0x2cf: {  	v60 =	vld [tilespmem:s3+$0x4340]  }
0x2d0: {  	v61 =	vld [tilespmem:s3+$0xC340]  }
0x2d1: {  	v62 =	vld [tilespmem:s3+$0x4350]  }
0x2d2: {  	v63 =	vld [tilespmem:s3+$0xC350]  }
0x2d3: {  	v40 =	vld [tilespmem:s3+$0x4360]  }
0x2d4: {  	v41 =	vld [tilespmem:s3+$0xC360]  }
0x2d5: {  	v42 =	vld [tilespmem:s3+$0x4370]  }
0x2d6: {  	v43 =	vld [tilespmem:s3+$0xC370]  }
0x2d7: {  	v44 =	vld [tilespmem:s3+$0x4380]  }
0x2d8: {  	v45 =	vld [tilespmem:s3+$0xC380]  }
0x2d9: {  	v46 =	vld [tilespmem:s3+$0x4390]  }
0x2da: {  	v47 =	vld [tilespmem:s3+$0xC390]  }
0x2db: {  	v48 =	vld [tilespmem:s3+$0x43A0]  }
0x2dc: {  	v49 =	vld [tilespmem:s3+$0xC3A0]  }
0x2dd: {  	v50 =	vld [tilespmem:s3+$0x43B0]  }
0x2de: {  	v51 =	vld [tilespmem:s3+$0xC3B0]  }
0x2df: {  	v52 =	vld [tilespmem:s3+$0x43C0]  }
0x2e0: {  	v38 =	vld [tilespmem:s3+$0xC3C0];
	v13 =	vsub.f32 v13, v53  }
0x2e1: {  	v39 =	vld [tilespmem:s3+$0xC3F0];
	v15 =	vsub.f32 v54, v55;
	v54 =	vsub.f32 v56, v57  }
0x2e2: {  	v53 =	vld [tilespmem:s3+$0x43D0];
	v56 =	vsub.f32 v58, v59;
	v57 =	vsub.f32 v60, v61  }
0x2e3: {  	v55 =	vld [tilespmem:s3+$0xC3D0];
	v59 =	vsub.f32 v62, v63;
	v61 =	vsub.f32 v40, v41  }
0x2e4: {  	v58 =	vld [tilespmem:s3+$0x43E0];
	v63 =	vsub.f32 v42, v43;
	v40 =	vsub.f32 v44, v45  }
0x2e5: {  	v60 =	vld [tilespmem:s3+$0xC3E0];
	v41 =	vsub.f32 v46, v47;
	v13 =	vmul.f32 v13, v13;
	v15 =	vmul.f32 v15, v15  }
0x2e6: {  	v62 =	vld [tilespmem:s3+$0x43F0];
	v42 =	vsub.f32 v48, v49;
	v16 =	vmul.f32 v54, v54;
	v18 =	vmul.f32 v56, v56  }
0x2e7: {  	v43 =	vsub.f32 v50, v51;
	v19 =	vmul.f32 v57, v57;
	v21 =	vmul.f32 v59, v59  }
0x2e8: {  	v44 =	vsub.f32 v52, v38;
	v23 =	vmul.f32 v61, v61;
	v25 =	vmul.f32 v63, v63  }
0x2e9: {  	v26 =	vmul.f32 v40, v40;
	v27 =	vmul.f32 v41, v41;
	v13 =	vadd.f32 v15, v13  }
0x2ea: {  	v45 =	vmul.f32 v43, v43;
	v16 =	vadd.f32 v18, v16;
	v14 =	vsub.f32 v53, v55  }
0x2eb: {  	v46 =	vmul.f32 v44, v44;
	v20 =	vsub.f32 v58, v60;
	v15 =	vsub.f32 v62, v39  }
0x2ec: {  	v18 =	vmul.f32 v42, v42;
	v19 =	vadd.f32 v21, v19;
	v14 =	vmul.f32 v14, v14  }
0x2ed: {  	v47 =	vadd.f32 v25, v23;
	v20 =	vmul.f32 v20, v20;
	v15 =	vmul.f32 v15, v15  }
0x2ee: {  	v48 =	vadd.f32 v27, v26;
	v17 =	vadd.f32 v45, v18  }
0x2ef: {  	v14 =	vadd.f32 v14, v46;
	v15 =	vadd.f32 v15, v20  }
0x2f0: {  	v13 =	vadd.f32 v16, v13;
	v49 =	vadd.f32 v47, v19  }
0x2f1: {  	v17 =	vadd.f32 v17, v48;
	v14 =	vadd.f32 v15, v14;
	_ =	sdelay $0x1  }
0x2f2: {  	v13 =	vadd.f32 v49, v13;
	v14 =	vadd.f32 v14, v17;
	_ =	sdelay $0x1  }
0x2f3: {  	v50 =	vperm.xlane v13, v3;
	v51 =	vperm.xlane v14, v3;
	_ =	sdelay $0x1  }
0x2f4: {  	v13 =	vadd.f32 v50, v13;
	v14 =	vadd.f32 v14, v51;
	_ =	sdelay $0x1  }
0x2f5: {  	v13 =	vsel vm4, v13, v14  }
0x2f6: {  	[tilespmem:$0x10CB0] =	vst v13  }
0x2f7: {  	v14 =	vld [tilespmem:s3+$0x4400]  }
0x2f8: {  	v52 =	vld [tilespmem:s3+$0xC400]  }
0x2f9: {  	v16 =	vld [tilespmem:s3+$0x4410]  }
0x2fa: {  	v17 =	vld [tilespmem:s3+$0xC410]  }
0x2fb: {  	v53 =	vld [tilespmem:s3+$0x4420]  }
0x2fc: {  	v54 =	vld [tilespmem:s3+$0xC420]  }
0x2fd: {  	v55 =	vld [tilespmem:s3+$0x4430]  }
0x2fe: {  	v56 =	vld [tilespmem:s3+$0xC430]  }
0x2ff: {  	v57 =	vld [tilespmem:s3+$0x4440]  }
0x300: {  	v58 =	vld [tilespmem:s3+$0xC440]  }
0x301: {  	v59 =	vld [tilespmem:s3+$0x4450]  }
0x302: {  	v60 =	vld [tilespmem:s3+$0xC450]  }
0x303: {  	v61 =	vld [tilespmem:s3+$0x4460]  }
0x304: {  	v62 =	vld [tilespmem:s3+$0xC460]  }
0x305: {  	v63 =	vld [tilespmem:s3+$0x4470]  }
0x306: {  	v42 =	vld [tilespmem:s3+$0xC470]  }
0x307: {  	v43 =	vld [tilespmem:s3+$0x4480]  }
0x308: {  	v44 =	vld [tilespmem:s3+$0xC480]  }
0x309: {  	v45 =	vld [tilespmem:s3+$0x4490]  }
0x30a: {  	v46 =	vld [tilespmem:s3+$0xC490]  }
0x30b: {  	v47 =	vld [tilespmem:s3+$0x44A0]  }
0x30c: {  	v48 =	vld [tilespmem:s3+$0xC4A0]  }
0x30d: {  	v49 =	vld [tilespmem:s3+$0x44B0]  }
0x30e: {  	v50 =	vld [tilespmem:s3+$0xC4B0]  }
0x30f: {  	v51 =	vld [tilespmem:s3+$0x44C0]  }
0x310: {  	v39 =	vld [tilespmem:s3+$0xC4C0];
	v14 =	vsub.f32 v14, v52  }
0x311: {  	v52 =	vld [tilespmem:s3+$0x44D0];
	v16 =	vsub.f32 v16, v17;
	v53 =	vsub.f32 v53, v54  }
0x312: {  	v54 =	vld [tilespmem:s3+$0xC4D0];
	v55 =	vsub.f32 v55, v56;
	v56 =	vsub.f32 v57, v58  }
0x313: {  	v57 =	vld [tilespmem:s3+$0x44E0];
	v58 =	vsub.f32 v59, v60;
	v60 =	vsub.f32 v61, v62  }
0x314: {  	v59 =	vld [tilespmem:s3+$0xC4E0];
	v62 =	vsub.f32 v63, v42;
	v40 =	vsub.f32 v43, v44  }
0x315: {  	v61 =	vld [tilespmem:s3+$0x44F0];
	v41 =	vsub.f32 v45, v46;
	v14 =	vmul.f32 v14, v14;
	v16 =	vmul.f32 v16, v16  }
0x316: {  	v63 =	vld [tilespmem:s3+$0xC4F0];
	v42 =	vsub.f32 v47, v48;
	v17 =	vmul.f32 v53, v53;
	v19 =	vmul.f32 v55, v55  }
0x317: {  	v43 =	vsub.f32 v49, v50;
	v20 =	vmul.f32 v56, v56;
	v22 =	vmul.f32 v58, v58  }
0x318: {  	v44 =	vsub.f32 v51, v39;
	v24 =	vmul.f32 v60, v60;
	v26 =	vmul.f32 v62, v62  }
0x319: {  	v27 =	vmul.f32 v40, v40;
	v28 =	vmul.f32 v41, v41;
	v14 =	vadd.f32 v16, v14  }
0x31a: {  	v45 =	vmul.f32 v43, v43;
	v17 =	vadd.f32 v19, v17;
	v15 =	vsub.f32 v52, v54  }
0x31b: {  	v46 =	vmul.f32 v44, v44;
	v21 =	vsub.f32 v57, v59;
	v16 =	vsub.f32 v61, v63  }
0x31c: {  	v19 =	vmul.f32 v42, v42;
	v20 =	vadd.f32 v22, v20;
	v15 =	vmul.f32 v15, v15  }
0x31d: {  	v47 =	vadd.f32 v26, v24;
	v21 =	vmul.f32 v21, v21;
	v16 =	vmul.f32 v16, v16  }
0x31e: {  	v48 =	vadd.f32 v28, v27;
	v18 =	vadd.f32 v45, v19  }
0x31f: {  	v15 =	vadd.f32 v15, v46;
	v16 =	vadd.f32 v16, v21  }
0x320: {  	v14 =	vadd.f32 v17, v14;
	v49 =	vadd.f32 v47, v20  }
0x321: {  	v18 =	vadd.f32 v18, v48;
	v15 =	vadd.f32 v16, v15;
	_ =	sdelay $0x1  }
0x322: {  	v14 =	vadd.f32 v49, v14;
	v15 =	vadd.f32 v15, v18;
	_ =	sdelay $0x1  }
0x323: {  	v50 =	vperm.xlane v14, v3;
	v51 =	vperm.xlane v15, v3;
	_ =	sdelay $0x1  }
0x324: {  	v14 =	vadd.f32 v50, v14;
	v15 =	vadd.f32 v15, v51;
	_ =	sdelay $0x1  }
0x325: {  	v14 =	vsel vm4, v14, v15  }
0x326: {  	[tilespmem:$0x10CC0] =	vst v14  }
0x327: {  	v15 =	vld [tilespmem:s3+$0x4500]  }
0x328: {  	v52 =	vld [tilespmem:s3+$0xC500]  }
0x329: {  	v17 =	vld [tilespmem:s3+$0x4510]  }
0x32a: {  	v18 =	vld [tilespmem:s3+$0xC510]  }
0x32b: {  	v53 =	vld [tilespmem:s3+$0x4520]  }
0x32c: {  	v54 =	vld [tilespmem:s3+$0xC520]  }
0x32d: {  	v21 =	vld [tilespmem:s3+$0x4530]  }
0x32e: {  	v55 =	vld [tilespmem:s3+$0xC530]  }
0x32f: {  	v56 =	vld [tilespmem:s3+$0x4540]  }
0x330: {  	v57 =	vld [tilespmem:s3+$0xC540]  }
0x331: {  	v58 =	vld [tilespmem:s3+$0x4550]  }
0x332: {  	v59 =	vld [tilespmem:s3+$0xC550]  }
0x333: {  	v60 =	vld [tilespmem:s3+$0x4560]  }
0x334: {  	v61 =	vld [tilespmem:s3+$0xC560]  }
0x335: {  	v62 =	vld [tilespmem:s3+$0x4570]  }
0x336: {  	v63 =	vld [tilespmem:s3+$0xC570]  }
0x337: {  	v31 =	vld [tilespmem:s3+$0x4580]  }
0x338: {  	v44 =	vld [tilespmem:s3+$0xC580]  }
0x339: {  	v45 =	vld [tilespmem:s3+$0x4590]  }
0x33a: {  	v46 =	vld [tilespmem:s3+$0xC590]  }
0x33b: {  	v47 =	vld [tilespmem:s3+$0x45A0]  }
0x33c: {  	v48 =	vld [tilespmem:s3+$0xC5A0]  }
0x33d: {  	v49 =	vld [tilespmem:s3+$0x45B0]  }
0x33e: {  	v50 =	vld [tilespmem:s3+$0xC5B0]  }
0x33f: {  	v51 =	vld [tilespmem:s3+$0x45C0]  }
0x340: {  	v40 =	vld [tilespmem:s3+$0xC5C0];
	v15 =	vsub.f32 v15, v52  }
0x341: {  	v52 =	vld [tilespmem:s3+$0x45D0];
	v17 =	vsub.f32 v17, v18;
	v53 =	vsub.f32 v53, v54  }
0x342: {  	v54 =	vld [tilespmem:s3+$0xC5D0];
	v55 =	vsub.f32 v21, v55;
	v56 =	vsub.f32 v56, v57  }
0x343: {  	v57 =	vld [tilespmem:s3+$0x45E0];
	v58 =	vsub.f32 v58, v59;
	v60 =	vsub.f32 v60, v61  }
0x344: {  	v59 =	vld [tilespmem:s3+$0xC5E0];
	v62 =	vsub.f32 v62, v63;
	v32 =	vsub.f32 v31, v44  }
0x345: {  	v61 =	vld [tilespmem:s3+$0x45F0];
	v41 =	vsub.f32 v45, v46;
	v15 =	vmul.f32 v15, v15;
	v17 =	vmul.f32 v17, v17  }
0x346: {  	v63 =	vld [tilespmem:s3+$0xC5F0];
	v42 =	vsub.f32 v47, v48;
	v18 =	vmul.f32 v53, v53;
	v20 =	vmul.f32 v55, v55  }
0x347: {  	v43 =	vsub.f32 v49, v50;
	v21 =	vmul.f32 v56, v56;
	v23 =	vmul.f32 v58, v58  }
0x348: {  	v44 =	vsub.f32 v51, v40;
	v25 =	vmul.f32 v60, v60;
	v27 =	vmul.f32 v62, v62  }
0x349: {  	v28 =	vmul.f32 v32, v32;
	v29 =	vmul.f32 v41, v41;
	v15 =	vadd.f32 v17, v15  }
0x34a: {  	v45 =	vmul.f32 v43, v43;
	v18 =	vadd.f32 v20, v18;
	v16 =	vsub.f32 v52, v54  }
0x34b: {  	v46 =	vmul.f32 v44, v44;
	v22 =	vsub.f32 v57, v59;
	v17 =	vsub.f32 v61, v63  }
0x34c: {  	v20 =	vmul.f32 v42, v42;
	v21 =	vadd.f32 v23, v21;
	v16 =	vmul.f32 v16, v16  }
0x34d: {  	v47 =	vadd.f32 v27, v25;
	v22 =	vmul.f32 v22, v22;
	v17 =	vmul.f32 v17, v17  }
0x34e: {  	v48 =	vadd.f32 v29, v28;
	v19 =	vadd.f32 v45, v20  }
0x34f: {  	v16 =	vadd.f32 v16, v46;
	v17 =	vadd.f32 v17, v22  }
0x350: {  	v15 =	vadd.f32 v18, v15;
	v49 =	vadd.f32 v47, v21  }
0x351: {  	v19 =	vadd.f32 v19, v48;
	v16 =	vadd.f32 v17, v16;
	_ =	sdelay $0x1  }
0x352: {  	v15 =	vadd.f32 v49, v15;
	v16 =	vadd.f32 v16, v19;
	_ =	sdelay $0x1  }
0x353: {  	v50 =	vperm.xlane v15, v3;
	v51 =	vperm.xlane v16, v3;
	_ =	sdelay $0x1  }
0x354: {  	v15 =	vadd.f32 v50, v15;
	v16 =	vadd.f32 v16, v51;
	_ =	sdelay $0x1  }
0x355: {  	v15 =	vsel vm4, v15, v16  }
0x356: {  	[tilespmem:$0x10CD0] =	vst v15  }
0x357: {  	v16 =	vld [tilespmem:s3+$0x4600]  }
0x358: {  	v52 =	vld [tilespmem:s3+$0xC600]  }
0x359: {  	v18 =	vld [tilespmem:s3+$0x4610]  }
0x35a: {  	v19 =	vld [tilespmem:s3+$0xC610]  }
0x35b: {  	v53 =	vld [tilespmem:s3+$0x4620]  }
0x35c: {  	v54 =	vld [tilespmem:s3+$0xC620]  }
0x35d: {  	v22 =	vld [tilespmem:s3+$0x4630]  }
0x35e: {  	v55 =	vld [tilespmem:s3+$0xC630]  }
0x35f: {  	v56 =	vld [tilespmem:s3+$0x4640]  }
0x360: {  	v57 =	vld [tilespmem:s3+$0xC640]  }
0x361: {  	v58 =	vld [tilespmem:s3+$0x4650]  }
0x362: {  	v59 =	vld [tilespmem:s3+$0xC650]  }
0x363: {  	v60 =	vld [tilespmem:s3+$0x4660]  }
0x364: {  	v61 =	vld [tilespmem:s3+$0xC660]  }
0x365: {  	v62 =	vld [tilespmem:s3+$0x4670]  }
0x366: {  	v63 =	vld [tilespmem:s3+$0xC670]  }
0x367: {  	v32 =	vld [tilespmem:s3+$0x4680]  }
0x368: {  	v44 =	vld [tilespmem:s3+$0xC680]  }
0x369: {  	v45 =	vld [tilespmem:s3+$0x4690]  }
0x36a: {  	v46 =	vld [tilespmem:s3+$0xC690]  }
0x36b: {  	v47 =	vld [tilespmem:s3+$0x46A0]  }
0x36c: {  	v48 =	vld [tilespmem:s3+$0xC6A0]  }
0x36d: {  	v49 =	vld [tilespmem:s3+$0x46B0]  }
0x36e: {  	v50 =	vld [tilespmem:s3+$0xC6B0]  }
0x36f: {  	v51 =	vld [tilespmem:s3+$0x46C0]  }
0x370: {  	v41 =	vld [tilespmem:s3+$0xC6C0];
	v16 =	vsub.f32 v16, v52  }
0x371: {  	v52 =	vld [tilespmem:s3+$0x46D0];
	v18 =	vsub.f32 v18, v19;
	v53 =	vsub.f32 v53, v54  }
0x372: {  	v54 =	vld [tilespmem:s3+$0xC6D0];
	v55 =	vsub.f32 v22, v55;
	v56 =	vsub.f32 v56, v57  }
0x373: {  	v57 =	vld [tilespmem:s3+$0x46E0];
	v58 =	vsub.f32 v58, v59;
	v60 =	vsub.f32 v60, v61  }
0x374: {  	v59 =	vld [tilespmem:s3+$0xC6E0];
	v62 =	vsub.f32 v62, v63;
	v33 =	vsub.f32 v32, v44  }
0x375: {  	v61 =	vld [tilespmem:s3+$0x46F0];
	v34 =	vsub.f32 v45, v46;
	v16 =	vmul.f32 v16, v16;
	v18 =	vmul.f32 v18, v18  }
0x376: {  	v63 =	vld [tilespmem:s3+$0xC6F0];
	v35 =	vsub.f32 v47, v48;
	v19 =	vmul.f32 v53, v53;
	v21 =	vmul.f32 v55, v55  }
0x377: {  	v36 =	vsub.f32 v49, v50;
	v22 =	vmul.f32 v56, v56;
	v24 =	vmul.f32 v58, v58  }
0x378: {  	v37 =	vsub.f32 v51, v41;
	v26 =	vmul.f32 v60, v60;
	v28 =	vmul.f32 v62, v62  }
0x379: {  	v29 =	vmul.f32 v33, v33;
	v30 =	vmul.f32 v34, v34;
	v16 =	vadd.f32 v18, v16  }
0x37a: {  	v38 =	vmul.f32 v36, v36;
	v19 =	vadd.f32 v21, v19;
	v17 =	vsub.f32 v52, v54  }
0x37b: {  	v39 =	vmul.f32 v37, v37;
	v23 =	vsub.f32 v57, v59;
	v18 =	vsub.f32 v61, v63  }
0x37c: {  	v21 =	vmul.f32 v35, v35;
	v22 =	vadd.f32 v24, v22;
	v17 =	vmul.f32 v17, v17  }
0x37d: {  	v40 =	vadd.f32 v28, v26;
	v23 =	vmul.f32 v23, v23;
	v18 =	vmul.f32 v18, v18  }
0x37e: {  	v41 =	vadd.f32 v30, v29;
	v20 =	vadd.f32 v38, v21  }
0x37f: {  	v17 =	vadd.f32 v17, v39;
	v18 =	vadd.f32 v18, v23  }
0x380: {  	v16 =	vadd.f32 v19, v16;
	v42 =	vadd.f32 v40, v22  }
0x381: {  	v20 =	vadd.f32 v20, v41;
	v17 =	vadd.f32 v18, v17;
	_ =	sdelay $0x1  }
0x382: {  	v16 =	vadd.f32 v42, v16;
	v17 =	vadd.f32 v17, v20;
	_ =	sdelay $0x1  }
0x383: {  	v43 =	vperm.xlane v16, v3;
	v44 =	vperm.xlane v17, v3;
	_ =	sdelay $0x1  }
0x384: {  	v16 =	vadd.f32 v43, v16;
	v17 =	vadd.f32 v17, v44;
	_ =	sdelay $0x1  }
0x385: {  	v16 =	vsel vm4, v16, v17  }
0x386: {  	[tilespmem:$0x10CE0] =	vst v16  }
0x387: {  	v17 =	vld [tilespmem:s3+$0x4700]  }
0x388: {  	v18 =	vld [tilespmem:s3+$0xC700]  }
0x389: {  	v45 =	vld [tilespmem:s3+$0x4710]  }
0x38a: {  	v46 =	vld [tilespmem:s3+$0xC710]  }
0x38b: {  	v47 =	vld [tilespmem:s3+$0x4720]  }
0x38c: {  	v48 =	vld [tilespmem:s3+$0xC720]  }
0x38d: {  	v49 =	vld [tilespmem:s3+$0x4730]  }
0x38e: {  	v50 =	vld [tilespmem:s3+$0xC730]  }
0x38f: {  	v51 =	vld [tilespmem:s3+$0x4740]  }
0x390: {  	v52 =	vld [tilespmem:s3+$0xC740]  }
0x391: {  	v53 =	vld [tilespmem:s3+$0x4750]  }
0x392: {  	v54 =	vld [tilespmem:s3+$0xC750]  }
0x393: {  	v55 =	vld [tilespmem:s3+$0x4760]  }
0x394: {  	v56 =	vld [tilespmem:s3+$0xC760]  }
0x395: {  	v57 =	vld [tilespmem:s3+$0x4770]  }
0x396: {  	v58 =	vld [tilespmem:s3+$0xC770]  }
0x397: {  	v33 =	vld [tilespmem:s3+$0x4780]  }
0x398: {  	v59 =	vld [tilespmem:s3+$0xC780]  }
0x399: {  	v60 =	vld [tilespmem:s3+$0x4790]  }
0x39a: {  	v61 =	vld [tilespmem:s3+$0xC790]  }
0x39b: {  	v37 =	vld [tilespmem:s3+$0x47A0]  }
0x39c: {  	v62 =	vld [tilespmem:s3+$0xC7A0]  }
0x39d: {  	v39 =	vld [tilespmem:s3+$0x47B0]  }
0x39e: {  	v63 =	vld [tilespmem:s3+$0xC7B0]  }
0x39f: {  	v44 =	vld [tilespmem:s3+$0x47C0]  }
0x3a0: {  	v45 =	vsub.f32 v45, v46;
	v46 =	vld [tilespmem:s3+$0xC7C0]  }
0x3a1: {  	v47 =	vsub.f32 v47, v48;
	v48 =	vsub.f32 v49, v50;
	v49 =	vld [tilespmem:s3+$0x47D0]  }
0x3a2: {  	v17 =	vsub.f32 v17, v18;
	v50 =	vsub.f32 v51, v52;
	v51 =	vld [tilespmem:s3+$0xC7D0]  }
0x3a3: {  	v52 =	vsub.f32 v53, v54;
	v53 =	vld [tilespmem:s3+$0x47E0]  }
0x3a4: {  	v54 =	vsub.f32 v55, v56;
	v55 =	vsub.f32 v57, v58;
	v56 =	vld [tilespmem:s3+$0xC7E0];
	v17 =	vmul.f32 v17, v17  }
0x3a5: {  	v58 =	vld [tilespmem:s3+$0x47F0];
	v59 =	vsub.f32 v33, v59;
	v18 =	vmul.f32 v45, v45;
	v20 =	vmul.f32 v47, v47  }
0x3a6: {  	v60 =	vsub.f32 v60, v61;
	v61 =	vld [tilespmem:s3+$0xC7F0];
	v21 =	vmul.f32 v48, v48;
	v23 =	vmul.f32 v50, v50  }
0x3a7: {  	v62 =	vsub.f32 v37, v62;
	v25 =	vmul.f32 v52, v52;
	v35 =	vmul.f32 v54, v54  }
0x3a8: {  	v63 =	vsub.f32 v39, v63;
	v36 =	vmul.f32 v55, v55;
	v37 =	vmul.f32 v60, v60  }
0x3a9: {  	v38 =	vmul.f32 v62, v62;
	v17 =	vadd.f32 v18, v17;
	v57 =	vadd.f32 v21, v20  }
0x3aa: {  	v39 =	vmul.f32 v63, v63;
	v19 =	vsub.f32 v44, v46;
	v22 =	vsub.f32 v49, v51  }
0x3ab: {  	v21 =	vmul.f32 v59, v59;
	v26 =	vsub.f32 v53, v56;
	v20 =	vsub.f32 v58, v61  }
0x3ac: {  	v23 =	vadd.f32 v25, v23;
	v19 =	vmul.f32 v19, v19;
	v22 =	vmul.f32 v22, v22  }
0x3ad: {  	v24 =	vadd.f32 v36, v35;
	v40 =	vmul.f32 v26, v26;
	v20 =	vmul.f32 v20, v20  }
0x3ae: {  	v41 =	vadd.f32 v39, v38;
	v21 =	vadd.f32 v37, v21  }
0x3af: {  	v19 =	vadd.f32 v22, v19;
	v20 =	vadd.f32 v20, v40  }
0x3b0: {  	v17 =	vadd.f32 v57, v17;
	v42 =	vadd.f32 v24, v23  }
0x3b1: {  	v21 =	vadd.f32 v41, v21;
	v19 =	vadd.f32 v20, v19;
	_ =	sdelay $0x1  }
0x3b2: {  	v17 =	vadd.f32 v42, v17;
	v43 =	vadd.f32 v19, v21  }
0x3b3: {  	v47 =	vperm.xlane v11, v5  }
0x3b4: {  	v44 =	vperm.xlane v17, v3;
	v45 =	vperm.xlane v43, v3  }
0x3b5: {  	v48 =	vperm.xlane v12, v5;
	v50 =	vperm.xlane v14, v5  }
0x3b6: {  	v52 =	vperm.xlane v16, v5;
	v17 =	vadd.f32 v44, v17;
	v18 =	vadd.f32 v43, v45  }
0x3b7: {  	v11 =	vadd.f32 v47, v11;
	v12 =	vadd.f32 v48, v12;
	v46 =	vperm.xlane v10, v5  }
0x3b8: {  	v49 =	vperm.xlane v13, v5;
	v51 =	vperm.xlane v15, v5;
	v17 =	vsel vm4, v17, v18  }
0x3b9: {  	v14 =	vadd.f32 v50, v14;
	v10 =	vadd.f32 v46, v10;
	v53 =	vperm.xlane v17, v5  }
0x3ba: {  	v13 =	vadd.f32 v49, v13;
	v15 =	vadd.f32 v51, v15  }
0x3bb: {  	s0 =	sshll.u32 s31, $0x4;
	v16 =	vadd.f32 v52, v16;
	v54 =	vadd.f32 v53, v17  }
0x3bc: {  	s0 =	sand.u32 $0x3FFFFFF0, s0;
	v10 =	vsel vm1, v10, v11;
	v11 =	vsel vm1, v12, v13;
	v55 =	vsel vm1, v14, v15;
	[tilespmem:$0x10CF0] =	vst v17  }
0x3bd: {  	v57 =	vperm.xlane v10, v6;
	v58 =	vperm.xlane v11, v6;
	v59 =	vld.idx.msk [tilespmem:v9+s0+$0x0 ss:$0x1], $0xffff;
	v56 =	vsel vm1, v16, v54  }
0x3be: {  	v60 =	vperm.xlane v55, v6;
	v18 =	vperm.xlane v56, v6  }
0x3bf: {  	v10 =	vadd.f32 v57, v10;
	v11 =	vadd.f32 v58, v11  }
0x3c0: {  	v12 =	vadd.f32 v60, v55;
	v13 =	vadd.f32 v18, v56;
	_ =	sdelay $0x1  }
0x3c1: {  	v10 =	vsel vm2, v10, v11;
	v61 =	vperm.xlane v59, v8;
	v11 =	vsel vm2, v12, v13  }
0x3c2: {  	p2 =	sne.s32 s31, $0x7;
	v62 =	vperm.xlane v10, v7;
	v63 =	vperm.xlane v11, v7  }
.Ltmp5:
0x3c3: {  	_ = 	snop;
	(pc) =	sbr.rel @p2 .LBB2_9-.Ltmp5, $3  }
0x3c4: {  	v10 =	vadd.f32 v62, v10;
	v11 =	vadd.f32 v63, v11;
	_ =	sdelay $0x1  }
0x3c5: {  	v10 =	vsel vm3, v10, v11  }
0x3c6: {  	s31 =	sadd.s32 $0x1, s31;
	[tilespmem:v61+s24+$0x0] =	vst.idx.add.f32.msk $0xffff, v10  }
.Ltmp6:
0x3c7: {  	(pc) =	sbr.rel @p1 .LBB2_12-.Ltmp6, $1  }
0x3c8: {  	_ =	sdelay $0x3  }
0x3c9: {  	s0 =	sadd.s32 s30, s12  }
.Ltmp7:
0x3ca: {  	s0 =	sshrl.u32 s0, $0x3;
	(pc) =	sbr.rel .LBB2_6-.Ltmp7, $4  }
0x3cb: {  	s3 =	sadd.s32 s1, s0  }
0x3cc: {  	[tilespmem:s18], [sflag:$0x2] =	stream.linear.gather [hbm4b:s3+s4], $0x4000, $0x38;
	[tilespmem:$0x10D80] =	vst v63  }
0x3cd: {  	s29 =	sadd.s32 $0x1, s29;
	s0 =	sadd.s32 s2, s0  }
0x3ce: {  	[tilespmem:s19], [sflag:$0x4] =	stream.linear.gather [hbm4b:s0+s4], $0x4000, $0x38;
	[tilespmem:$0x10D80] =	vst v63  }
.LBB2_13:
0x3cf: {  	_ =	sfence.sel $0x180000  }
0x3d0: {  	[bflag:$0x0] =	sbarrier.arrive $0xFFFF  }
0x3d1: {  	_ =	strace $0x90000047  }
0x3d2: {  	s0 =	stileid.u32;
	[bflag:$0x2] =	sbarrier.arrive $0xFFFF  }
0x3d3: {  	p0 =	sne.s32 s0, $0x0;
	s0 =	rddreg [dreg:$0x4]  }
0x3d4: {  	s0 =	sadd.s32 @!p0 $0x100000, s0  }
0x3d5: {  	[sflag:s0] =	ssyncadd.tile.s32 @!p0 $0x1;
	_ =	shalt  }
.Lfunc_end2:
_tile_overlayer_lowered:
.L_overlay_start_2:
0x3d6: {  	(tag) =	ssettag $0x2  }
0x3d7: {  	s0 =	rddreg [dreg:$0x0];
	s2 =	stileid.u32  }
0x3d8: {  	s1 =	rddreg [dreg:$0x1];
	p0 =	sne.s32 s2, $0x0  }
0x3d9: {  	s3 =	rddreg [dreg:$0x2];
	[bflag:$0x3] =	sbarrier.arrive $0xFFFF;
	s2 =	simm.s32 @!p0 $0x1C05  }
0x3da: {  	[timem:s3], [sflag:s2] =	dma.local @!p0 [hbm:s0], s1  }
0x3db: {  	s0 =	simm.s32 @!p0 $0x5  }
0x3dc: {  	_ =	swait.ge @!p0 [sflag:s0], s1  }
0x3dd: {  	s1 =	ssub.s32 @!p0 $0x0, s1;
	[sflag:s0] =	ssyncset.done @!p0 $0x0  }
0x3de: {  	[sflag:s0] =	ssyncadd.s32 @!p0 s1  }
0x3df: {  	[bflag:$0x3] =	sbarrier.arrive $0xFFFF  }
0x3e0: {  	_ =	shalt  }

</sc_bundles>
